<compile_context>
chip_gen: v7x
topology: tpu7x:2x2x1
jax: 0.10.2.dev20260603
libtpu: 0.0.44.dev20260713+nightly
codegen_flags: <defaults>
</compile_context>

<pallas_src>
import functools

import jax
import jax.numpy as jnp
from jax import lax
from jax.experimental import pallas as pl
from jax.experimental.pallas import tpu as pltpu
from jax.experimental.pallas import tpu_sc as plsc

_LANES = 16
_NCH = 8


def kernel(node_ids, u, indptr, indices):
    B, S = u.shape
    E = indices.shape[0]
    info = plsc.get_sparse_core_info()
    n_workers = info.num_cores * info.num_subcores
    QW = B // n_workers
    SW = QW * S
    CQ = QW // _NCH
    CS = CQ * S
    NG = CQ // _LANES
    assert B % n_workers == 0 and QW % (_NCH * _LANES) == 0

    mesh = plsc.VectorSubcoreMesh(core_axis_name="c", subcore_axis_name="s")

    @functools.partial(
        pl.kernel,
        mesh=mesh,
        compiler_params=pltpu.CompilerParams(needs_layout_passes=False),
        out_type=[
            jax.ShapeDtypeStruct((B, S), jnp.int32),
            jax.ShapeDtypeStruct((B, S), jnp.int32),
            jax.ShapeDtypeStruct((B, S), jnp.int32),
        ],
        scratch_types=[
            pltpu.VMEM((QW,), jnp.int32),
            pltpu.VMEM((QW,), jnp.int32),
            pltpu.VMEM((QW,), jnp.int32),
            pltpu.VMEM((QW,), jnp.int32),
            pltpu.VMEM((QW,), jnp.float32),
            pltpu.VMEM((QW,), jnp.int32),
            pltpu.VMEM((QW,), jnp.int32),
            pltpu.VMEM((QW,), jnp.int32),
            pltpu.VMEM((QW, S), jnp.float32),
            pltpu.VMEM((SW,), jnp.int32),
            pltpu.VMEM((SW,), jnp.int32),
            pltpu.VMEM((2, CQ, S), jnp.int32),
            pltpu.VMEM((2, CQ, S), jnp.int32),
            pltpu.VMEM((2, CQ, S), jnp.int32),
            pltpu.SemaphoreType.DMA,
            pltpu.SemaphoreType.DMA,
            pltpu.SemaphoreType.DMA,
            pltpu.SemaphoreType.DMA,
            pltpu.SemaphoreType.DMA,
        ],
    )
    def _run(node_hbm, u_hbm, indptr_hbm, indices_hbm,
             src_hbm, tgt_hbm, msk_hbm,
             ids_v, idsp1_v, start_v, end_v, sdegf_v, sdegm1_v,
             srcval_v, vldq_v, u2_v, gidx_v, tgtf_v,
             src2_v, tgt2_v, msk2_v, gsemA, gsemB, usem, osemA, osemB):
        gsem2 = (gsemA, gsemB)
        osem2 = (osemA, osemB)
        wid = lax.axis_index("s") * info.num_cores + lax.axis_index("c")
        qbase = wid * QW

        pltpu.sync_copy(node_hbm.at[pl.ds(qbase, QW)], ids_v)

        iota = lax.iota(jnp.int32, _LANES)

        def fire_u(c):
            sl = pl.ds(c * CQ, CQ)
            return pltpu.async_copy(u_hbm.at[pl.ds(qbase + c * CQ, CQ)],
                                    u2_v.at[sl], usem)

        uh = [None] * _NCH
        uh[0] = fire_u(0)

        def mk_idsp1(g, carry):
            sl = pl.ds(g * _LANES, _LANES)
            idsp1_v[sl] = ids_v[sl] + 1
            return carry

        lax.fori_loop(0, QW // _LANES, mk_idsp1, 0, unroll=2)

        h1 = pltpu.async_copy(indptr_hbm.at[ids_v], start_v, gsemA)
        h2 = pltpu.async_copy(indptr_hbm.at[idsp1_v], end_v, gsemB)
        h1.wait()
        h2.wait()

        def precompute(g, carry):
            sl = pl.ds(g * _LANES, _LANES)
            deg = end_v[sl] - start_v[sl]
            sdeg = jnp.maximum(deg, 1)
            sdegf_v[sl] = sdeg.astype(jnp.float32)
            sdegm1_v[sl] = sdeg - 1
            valid = deg > 0
            srcval_v[sl] = jnp.where(valid, ids_v[sl], -1)
            vldq_v[sl] = valid.astype(jnp.int32)
            return carry

        lax.fori_loop(0, QW // _LANES, precompute, 0, unroll=2)

        def ph1(c):
            buf = c % 2
            s0 = c * CS

            def body(i, carry):
                t0 = s0 + i * _LANES
                tvec = t0 + iota
                qv = lax.div(tvec, S)
                sv = tvec - qv * S
                qloc = qv - (c * CQ)
                st = plsc.load_gather(start_v, [qv])
                sdf = plsc.load_gather(sdegf_v, [qv])
                sdm1 = plsc.load_gather(sdegm1_v, [qv])
                sval = plsc.load_gather(srcval_v, [qv])
                vq = plsc.load_gather(vldq_v, [qv])
                uv = plsc.load_gather(u2_v, [qv, sv])
                off = (uv * sdf).astype(jnp.int32)
                off = jnp.minimum(off, sdm1)
                gidx_v[pl.ds(t0, _LANES)] = jnp.minimum(st + off, E - 1)
                plsc.store_scatter(src2_v.at[buf], [qloc, sv], sval)
                plsc.store_scatter(msk2_v.at[buf], [qloc, sv], vq)
                return carry

            lax.fori_loop(0, CS // _LANES, body, 0, unroll=2)

        def ph2(c):
            buf = c % 2
            s0 = c * CS

            def body(i, carry):
                t0 = s0 + i * _LANES
                tsl = pl.ds(t0, _LANES)
                tvec = t0 + iota
                qv = lax.div(tvec, S)
                sv = tvec - qv * S
                qloc = qv - (c * CQ)
                vq = plsc.load_gather(vldq_v, [qv])
                tv = jnp.where(vq > 0, tgtf_v[tsl], -1)
                plsc.store_scatter(tgt2_v.at[buf], [qloc, sv], tv)
                return carry

            lax.fori_loop(0, CS // _LANES, body, 0, unroll=2)

        def fire_gather(c):
            sl = pl.ds(c * CS, CS)
            return pltpu.async_copy(indices_hbm.at[gidx_v.at[sl]],
                                    tgtf_v.at[sl], gsem2[c % 2])

        def fire_out(c):
            buf = c % 2
            rsl = pl.ds(qbase + c * CQ, CQ)
            return [
                pltpu.async_copy(src2_v.at[buf], src_hbm.at[rsl], osem2[buf]),
                pltpu.async_copy(tgt2_v.at[buf], tgt_hbm.at[rsl], osem2[buf]),
                pltpu.async_copy(msk2_v.at[buf], msk_hbm.at[rsl], osem2[buf]),
            ]

        gh = [None] * _NCH
        oh = [None] * _NCH
        for c in range(_NCH):
            if c >= 2:
                for h in oh[c - 2]:
                    h.wait()
            uh[c].wait()
            if c + 1 < _NCH:
                uh[c + 1] = fire_u(c + 1)
            ph1(c)
            gh[c] = fire_gather(c)
            if c >= 1:
                gh[c - 1].wait()
                ph2(c - 1)
                oh[c - 1] = fire_out(c - 1)
        gh[_NCH - 1].wait()
        ph2(_NCH - 1)
        oh[_NCH - 1] = fire_out(_NCH - 1)
        for c in (_NCH - 2, _NCH - 1):
            for h in oh[c]:
                h.wait()

    src, tgt, msk = _run(node_ids, u, indptr, indices)
    return (src, tgt, msk.astype(bool))

# --- scband reference (transcript-rebuilt; emitter-appended) ---
"""Pipeline reference for scband-edge-sampler-62947040690666 (READ-ONLY COPY).

The authoritative reference and input builder live on the scoring server;
editing this copy changes nothing except your own understanding.
"""

import jax, jax.numpy as jnp
import numpy as np

N_NODES = 100000
AVG_DEGREE = 16
SAMPLE_SIZE = 10
BATCH = 8192


def setup_inputs(seed: int = 0) -> dict:
    key = jax.random.key(seed)
    k1, k2, k3 = jax.random.split(key, 3)
    # query source node ids (the single forward arg of EdgeSampler.call, flattened)
    node_ids = jax.random.randint(k1, (BATCH,), 0, N_NODES, dtype=jnp.int32)
    # graph structure held by GraphSampler: CSR adjacency with uniform degree
    indptr = jnp.arange(N_NODES + 1, dtype=jnp.int32) * AVG_DEGREE
    indices = jax.random.randint(k2, (N_NODES * AVG_DEGREE,), 0, N_NODES, dtype=jnp.int32)
    # uniform randomness for with-replacement neighbor sampling (one per sampled slot)
    u = jax.random.uniform(k3, (BATCH, SAMPLE_SIZE), dtype=jnp.float32)
    return {"node_ids": node_ids, "u": u, "indptr": indptr, "indices": indices}


def reference(node_ids, u, indptr, indices):
    # sample_one_hop_with_valid_mask, sampling WITH_REPLACEMENT:
    # for each source node draw SAMPLE_SIZE uniform neighbor slots from its
    # adjacency row; rows with degree 0 are marked invalid.
    start = jnp.take(indptr, node_ids)                      # [B]
    deg = jnp.take(indptr, node_ids + 1) - start            # [B]
    safe_deg = jnp.maximum(deg, 1)
    off = jnp.floor(u * safe_deg[:, None].astype(jnp.float32)).astype(jnp.int32)
    off = jnp.minimum(off, safe_deg[:, None] - 1)           # [B, S]
    gather_idx = start[:, None] + off                       # [B, S]
    tgt = jnp.take(indices, gather_idx)                     # [B, S]
    # src = expand_dims(src, -1) + zeros_like(tgt)  (broadcast src over samples)
    src = jnp.broadcast_to(node_ids[:, None], tgt.shape)
    valid_mask = jnp.broadcast_to((deg > 0)[:, None], tgt.shape)
    # boolean_mask produces ragged output in TF; here we keep fixed shape and
    # mark invalid edge endpoints with -1 (equivalent information content).
    valid_src = jnp.where(valid_mask, src, -1)
    valid_tgt = jnp.where(valid_mask, tgt, -1)
    return valid_src, valid_tgt, valid_mask

if __name__ == "__main__":
    import jax
    _d = setup_inputs()
    print(jax.jit(kernel)(*tuple(_d.values())))

</pallas_src>

<mosaic_0001>
#map = affine_map<(d0, d1) -> (0)>
#map1 = affine_map<(d0, d1) -> (0, 0)>
module attributes {stable_mosaic.version = 14 : i64} {
  func.func @_run(%arg0: i32, %arg1: i32, %arg2: memref<8192xi32, #tpu.memory_space<hbm>>, %arg3: memref<8192x10xf32, #tpu.memory_space<hbm>>, %arg4: memref<100001xi32, #tpu.memory_space<hbm>>, %arg5: memref<1600000xi32, #tpu.memory_space<hbm>>, %arg6: memref<8192x10xi32, #tpu.memory_space<hbm>>, %arg7: memref<8192x10xi32, #tpu.memory_space<hbm>>, %arg8: memref<8192x10xi32, #tpu.memory_space<hbm>>, %arg9: memref<256xi32, #tpu.memory_space<vmem>>, %arg10: memref<256xi32, #tpu.memory_space<vmem>>, %arg11: memref<256xi32, #tpu.memory_space<vmem>>, %arg12: memref<256xi32, #tpu.memory_space<vmem>>, %arg13: memref<256xf32, #tpu.memory_space<vmem>>, %arg14: memref<256xi32, #tpu.memory_space<vmem>>, %arg15: memref<256xi32, #tpu.memory_space<vmem>>, %arg16: memref<256xi32, #tpu.memory_space<vmem>>, %arg17: memref<256x10xf32, #tpu.memory_space<vmem>>, %arg18: memref<2560xi32, #tpu.memory_space<vmem>>, %arg19: memref<2560xi32, #tpu.memory_space<vmem>>, %arg20: memref<2x32x10xi32, #tpu.memory_space<vmem>>, %arg21: memref<2x32x10xi32, #tpu.memory_space<vmem>>, %arg22: memref<2x32x10xi32, #tpu.memory_space<vmem>>, %arg23: memref<!tpu.dma_semaphore, #tpu.memory_space<semaphore_mem>>, %arg24: memref<!tpu.dma_semaphore, #tpu.memory_space<semaphore_mem>>, %arg25: memref<!tpu.dma_semaphore, #tpu.memory_space<semaphore_mem>>, %arg26: memref<!tpu.dma_semaphore, #tpu.memory_space<semaphore_mem>>, %arg27: memref<!tpu.dma_semaphore, #tpu.memory_space<semaphore_mem>>) attributes {dimension_semantics = [#tpu.dimension_semantics<core_parallel>, #tpu.dimension_semantics<subcore_parallel>], iteration_bounds = array<i64: 2, 16>, scalar_prefetch = 0 : i64, scratch_operands = 19 : i64, tpu.core_type = #tpu.core_type<sc_vector_subcore>, window_params = [{transform_indices = #map}, {transform_indices = #map1}, {transform_indices = #map}, {transform_indices = #map}, {transform_indices = #map1}, {transform_indices = #map1}, {transform_indices = #map1}]} {
    %mul3A = arith.constant 2 : i32
    %mul3A_0 = arith.muli %arg1, %mul3A : i32
    %add3A = arith.addi %mul3A_0, %arg0 : i32
    %mul3A_1 = arith.constant 256 : i32
    %mul3A_2 = arith.muli %add3A, %mul3A_1 : i32
    "tpu.region"() ({
      %run_scoped3A = tpu.sem_alloc : memref<!tpu.dma_semaphore, #tpu.memory_space<semaphore_mem>>
      %dma_start3A_1028 = tpu.memref_slice %arg2[%mul3A_2] : memref<8192xi32, #tpu.memory_space<hbm>> -> memref<256xi32, #tpu.memory_space<hbm>>
      %dma_start3A_1029 = tpu.memref_slice %arg2[%mul3A_2] : memref<8192xi32, #tpu.memory_space<hbm>> -> memref<256xi32, #tpu.memory_space<hbm>>
      tpu.enqueue_dma source(%dma_start3A_1029 : memref<256xi32, #tpu.memory_space<hbm>>) target(%arg9 : memref<256xi32, #tpu.memory_space<vmem>>) target_semaphore(%run_scoped3A : memref<!tpu.dma_semaphore, #tpu.memory_space<semaphore_mem>>)
      %dma_wait3A_1030 = tpu.memref_slice %arg2[%mul3A_2] : memref<8192xi32, #tpu.memory_space<hbm>> -> memref<256xi32, #tpu.memory_space<hbm>>
      %dma_wait3A_1031 = tpu.memref_slice %arg2[%mul3A_2] : memref<8192xi32, #tpu.memory_space<hbm>> -> memref<256xi32, #tpu.memory_space<hbm>>
      tpu.wait_dma2 semaphore(%run_scoped3A : memref<!tpu.dma_semaphore, #tpu.memory_space<semaphore_mem>>) src(%dma_wait3A_1031 : memref<256xi32, #tpu.memory_space<hbm>>) dst(%arg9 : memref<256xi32, #tpu.memory_space<vmem>>)
      tpu.yield
    }) : () -> ()
    %iota3A = tpu.iota {dimensions = array<i32: 0>} : vector<16xi32>
    %add3A_3 = arith.constant 0 : i32
    %add3A_4 = arith.addi %mul3A_2, %add3A_3 : i32
    %dma_start3A = arith.constant 0 : i32
    %dma_start3A_5 = arith.constant 0 : i32
    %dma_start3A_6 = tpu.memref_slice %arg17[%dma_start3A, %dma_start3A_5] : memref<256x10xf32, #tpu.memory_space<vmem>> -> memref<32x10xf32, #tpu.memory_space<vmem>>
    %dma_start3A_7 = arith.constant 0 : i32
    %dma_start3A_8 = tpu.memref_slice %arg3[%add3A_4, %dma_start3A_7] : memref<8192x10xf32, #tpu.memory_space<hbm>> -> memref<32x10xf32, #tpu.memory_space<hbm>>
    %dma_start3A_9 = arith.constant 0 : i32
    %dma_start3A_10 = arith.constant 0 : i32
    %dma_start3A_11 = tpu.memref_slice %arg17[%dma_start3A_9, %dma_start3A_10] : memref<256x10xf32, #tpu.memory_space<vmem>> -> memref<32x10xf32, #tpu.memory_space<vmem>>
    %dma_start3A_12 = arith.constant 0 : i32
    %dma_start3A_13 = tpu.memref_slice %arg3[%add3A_4, %dma_start3A_12] : memref<8192x10xf32, #tpu.memory_space<hbm>> -> memref<32x10xf32, #tpu.memory_space<hbm>>
    tpu.enqueue_dma source(%dma_start3A_13 : memref<32x10xf32, #tpu.memory_space<hbm>>) target(%dma_start3A_11 : memref<32x10xf32, #tpu.memory_space<vmem>>) target_semaphore(%arg25 : memref<!tpu.dma_semaphore, #tpu.memory_space<semaphore_mem>>)
    %scan3A = arith.constant 0 : i32
    %scan3A_14 = arith.constant 0 : i32
    %scan3A_15 = arith.constant 16 : i32
    %scan3A_16 = arith.addi %scan3A_14, %scan3A_15 : i32
    %scan3A_17 = arith.constant 2 : i32
    scf.for %scan3A_1028 = %scan3A_14 to %scan3A_16 step %scan3A_17  : i32 {
      %mul3A_1029 = arith.constant 16 : i32
      %mul3A_1030 = arith.muli %scan3A_1028, %mul3A_1029 : i32
      %get3A = arith.index_cast %mul3A_1030 : i32 to index
      %get3A_1031 = tpu.vector_load %arg9[%get3A] {strides = array<i32>} : memref<256xi32, #tpu.memory_space<vmem>>, vector<16xi32>,
      %add3A_1032 = arith.constant 1 : i32
      %add3A_1033 = vector.broadcast %add3A_1032 : i32 to vector<16xi32>
      %add3A_1034 = arith.addi %get3A_1031, %add3A_1033 : vector<16xi32>
      %swap3A = arith.index_cast %mul3A_1030 : i32 to index
      %swap3A_1035 = tpu.vector_load %arg10[%swap3A] {strides = array<i32>} : memref<256xi32, #tpu.memory_space<vmem>>, vector<16xi32>,
      tpu.vector_store %arg10[%swap3A], %add3A_1034 {strides = array<i32>} : memref<256xi32, #tpu.memory_space<vmem>>, vector<16xi32>,
      %scan3A_1036 = arith.constant 1 : i32
      %scan3A_1037 = arith.addi %scan3A_1028, %scan3A_1036 : i32
      %mul3A_1038 = arith.constant 16 : i32
      %mul3A_1039 = arith.muli %scan3A_1037, %mul3A_1038 : i32
      %get3A_1040 = arith.index_cast %mul3A_1039 : i32 to index
      %get3A_1041 = tpu.vector_load %arg9[%get3A_1040] {strides = array<i32>} : memref<256xi32, #tpu.memory_space<vmem>>, vector<16xi32>,
      %add3A_1042 = arith.constant 1 : i32
      %add3A_1043 = vector.broadcast %add3A_1042 : i32 to vector<16xi32>
      %add3A_1044 = arith.addi %get3A_1041, %add3A_1043 : vector<16xi32>
      %swap3A_1045 = arith.index_cast %mul3A_1039 : i32 to index
      %swap3A_1046 = tpu.vector_load %arg10[%swap3A_1045] {strides = array<i32>} : memref<256xi32, #tpu.memory_space<vmem>>, vector<16xi32>,
      tpu.vector_store %arg10[%swap3A_1045], %add3A_1044 {strides = array<i32>} : memref<256xi32, #tpu.memory_space<vmem>>, vector<16xi32>,
    }
    %scan3A_18 = arith.constant 16 : i32
    %dma_start3A_19 = arith.constant 0 : i32
    %dma_start3A_20 = tpu.memref_slice %arg4[%dma_start3A_19] : memref<100001xi32, #tpu.memory_space<hbm>> -> memref<100001xi32, #tpu.memory_space<hbm>>
    tpu.enqueue_indirect_dma source(%dma_start3A_20 : memref<100001xi32, #tpu.memory_space<hbm>>) target(%arg11 : memref<256xi32, #tpu.memory_space<vmem>>) offsets(%arg9 : memref<256xi32, #tpu.memory_space<vmem>>) semaphore(%arg23 : memref<!tpu.dma_semaphore, #tpu.memory_space<semaphore_mem>>)
    %dma_start3A_21 = arith.constant 0 : i32
    %dma_start3A_22 = tpu.memref_slice %arg4[%dma_start3A_21] : memref<100001xi32, #tpu.memory_space<hbm>> -> memref<100001xi32, #tpu.memory_space<hbm>>
    tpu.enqueue_indirect_dma source(%dma_start3A_22 : memref<100001xi32, #tpu.memory_space<hbm>>) target(%arg12 : memref<256xi32, #tpu.memory_space<vmem>>) offsets(%arg10 : memref<256xi32, #tpu.memory_space<vmem>>) semaphore(%arg24 : memref<!tpu.dma_semaphore, #tpu.memory_space<semaphore_mem>>)
    %dma_wait3A = arith.constant 0 : i32
    %dma_wait3A_23 = tpu.memref_slice %arg4[%dma_wait3A] : memref<100001xi32, #tpu.memory_space<hbm>> -> memref<100001xi32, #tpu.memory_space<hbm>>
    tpu.wait_indirect_dma semaphore(%arg23 : memref<!tpu.dma_semaphore, #tpu.memory_space<semaphore_mem>>) src(%dma_wait3A_23 : memref<100001xi32, #tpu.memory_space<hbm>>) dst(%arg11 : memref<256xi32, #tpu.memory_space<vmem>>)
    %dma_wait3A_24 = arith.constant 0 : i32
    %dma_wait3A_25 = tpu.memref_slice %arg4[%dma_wait3A_24] : memref<100001xi32, #tpu.memory_space<hbm>> -> memref<100001xi32, #tpu.memory_space<hbm>>
    tpu.wait_indirect_dma semaphore(%arg24 : memref<!tpu.dma_semaphore, #tpu.memory_space<semaphore_mem>>) src(%dma_wait3A_25 : memref<100001xi32, #tpu.memory_space<hbm>>) dst(%arg12 : memref<256xi32, #tpu.memory_space<vmem>>)
    %scan3A_26 = arith.constant 0 : i32
    %scan3A_27 = arith.constant 0 : i32
    %scan3A_28 = arith.constant 16 : i32
    %scan3A_29 = arith.addi %scan3A_27, %scan3A_28 : i32
    %scan3A_30 = arith.constant 2 : i32
    scf.for %scan3A_1028 = %scan3A_27 to %scan3A_29 step %scan3A_30  : i32 {
      %mul3A_1029 = arith.constant 16 : i32
      %mul3A_1030 = arith.muli %scan3A_1028, %mul3A_1029 : i32
      %get3A = arith.index_cast %mul3A_1030 : i32 to index
      %get3A_1031 = tpu.vector_load %arg12[%get3A] {strides = array<i32>} : memref<256xi32, #tpu.memory_space<vmem>>, vector<16xi32>,
      %get3A_1032 = arith.index_cast %mul3A_1030 : i32 to index
      %get3A_1033 = tpu.vector_load %arg11[%get3A_1032] {strides = array<i32>} : memref<256xi32, #tpu.memory_space<vmem>>, vector<16xi32>,
      %sub3A = arith.subi %get3A_1031, %get3A_1033 : vector<16xi32>
      %max3A = arith.constant 1 : i32
      %max3A_1034 = vector.broadcast %max3A : i32 to vector<16xi32>
      %max3A_1035 = arith.maxsi %sub3A, %max3A_1034 : vector<16xi32>
      %convert_element_type3A = arith.sitofp %max3A_1035 : vector<16xi32> to vector<16xf32>
      %swap3A = arith.index_cast %mul3A_1030 : i32 to index
      %swap3A_1036 = tpu.vector_load %arg13[%swap3A] {strides = array<i32>} : memref<256xf32, #tpu.memory_space<vmem>>, vector<16xf32>,
      tpu.vector_store %arg13[%swap3A], %convert_element_type3A {strides = array<i32>} : memref<256xf32, #tpu.memory_space<vmem>>, vector<16xf32>,
      %sub3A_1037 = arith.constant 1 : i32
      %sub3A_1038 = vector.broadcast %sub3A_1037 : i32 to vector<16xi32>
      %sub3A_1039 = arith.subi %max3A_1035, %sub3A_1038 : vector<16xi32>
      %swap3A_1040 = arith.index_cast %mul3A_1030 : i32 to index
      %swap3A_1041 = tpu.vector_load %arg14[%swap3A_1040] {strides = array<i32>} : memref<256xi32, #tpu.memory_space<vmem>>, vector<16xi32>,
      tpu.vector_store %arg14[%swap3A_1040], %sub3A_1039 {strides = array<i32>} : memref<256xi32, #tpu.memory_space<vmem>>, vector<16xi32>,
      %gt3A = arith.constant 0 : i32
      %gt3A_1042 = vector.broadcast %gt3A : i32 to vector<16xi32>
      %gt3A_1043 = arith.cmpi sgt, %sub3A, %gt3A_1042 : vector<16xi32>
      %get3A_1044 = arith.index_cast %mul3A_1030 : i32 to index
      %get3A_1045 = tpu.vector_load %arg9[%get3A_1044] {strides = array<i32>} : memref<256xi32, #tpu.memory_space<vmem>>, vector<16xi32>,
      %jit3A = arith.constant -1 : i32
      %broadcast_in_dim3A = vector.broadcast %jit3A : i32 to vector<16xi32>
      %select_n3A = arith.select %gt3A_1043, %get3A_1045, %broadcast_in_dim3A : vector<16xi1>, vector<16xi32>
      %swap3A_1046 = arith.index_cast %mul3A_1030 : i32 to index
      %swap3A_1047 = tpu.vector_load %arg15[%swap3A_1046] {strides = array<i32>} : memref<256xi32, #tpu.memory_space<vmem>>, vector<16xi32>,
      tpu.vector_store %arg15[%swap3A_1046], %select_n3A {strides = array<i32>} : memref<256xi32, #tpu.memory_space<vmem>>, vector<16xi32>,
      %convert_element_type3A_1048 = arith.extui %gt3A_1043 : vector<16xi1> to vector<16xi32>
      %swap3A_1049 = arith.index_cast %mul3A_1030 : i32 to index
      %swap3A_1050 = tpu.vector_load %arg16[%swap3A_1049] {strides = array<i32>} : memref<256xi32, #tpu.memory_space<vmem>>, vector<16xi32>,
      tpu.vector_store %arg16[%swap3A_1049], %convert_element_type3A_1048 {strides = array<i32>} : memref<256xi32, #tpu.memory_space<vmem>>, vector<16xi32>,
      %scan3A_1051 = arith.constant 1 : i32
      %scan3A_1052 = arith.addi %scan3A_1028, %scan3A_1051 : i32
      %mul3A_1053 = arith.constant 16 : i32
      %mul3A_1054 = arith.muli %scan3A_1052, %mul3A_1053 : i32
      %get3A_1055 = arith.index_cast %mul3A_1054 : i32 to index
      %get3A_1056 = tpu.vector_load %arg12[%get3A_1055] {strides = array<i32>} : memref<256xi32, #tpu.memory_space<vmem>>, vector<16xi32>,
      %get3A_1057 = arith.index_cast %mul3A_1054 : i32 to index
      %get3A_1058 = tpu.vector_load %arg11[%get3A_1057] {strides = array<i32>} : memref<256xi32, #tpu.memory_space<vmem>>, vector<16xi32>,
      %sub3A_1059 = arith.subi %get3A_1056, %get3A_1058 : vector<16xi32>
      %max3A_1060 = arith.constant 1 : i32
      %max3A_1061 = vector.broadcast %max3A_1060 : i32 to vector<16xi32>
      %max3A_1062 = arith.maxsi %sub3A_1059, %max3A_1061 : vector<16xi32>
      %convert_element_type3A_1063 = arith.sitofp %max3A_1062 : vector<16xi32> to vector<16xf32>
      %swap3A_1064 = arith.index_cast %mul3A_1054 : i32 to index
      %swap3A_1065 = tpu.vector_load %arg13[%swap3A_1064] {strides = array<i32>} : memref<256xf32, #tpu.memory_space<vmem>>, vector<16xf32>,
      tpu.vector_store %arg13[%swap3A_1064], %convert_element_type3A_1063 {strides = array<i32>} : memref<256xf32, #tpu.memory_space<vmem>>, vector<16xf32>,
      %sub3A_1066 = arith.constant 1 : i32
      %sub3A_1067 = vector.broadcast %sub3A_1066 : i32 to vector<16xi32>
      %sub3A_1068 = arith.subi %max3A_1062, %sub3A_1067 : vector<16xi32>
      %swap3A_1069 = arith.index_cast %mul3A_1054 : i32 to index
      %swap3A_1070 = tpu.vector_load %arg14[%swap3A_1069] {strides = array<i32>} : memref<256xi32, #tpu.memory_space<vmem>>, vector<16xi32>,
      tpu.vector_store %arg14[%swap3A_1069], %sub3A_1068 {strides = array<i32>} : memref<256xi32, #tpu.memory_space<vmem>>, vector<16xi32>,
      %gt3A_1071 = arith.constant 0 : i32
      %gt3A_1072 = vector.broadcast %gt3A_1071 : i32 to vector<16xi32>
      %gt3A_1073 = arith.cmpi sgt, %sub3A_1059, %gt3A_1072 : vector<16xi32>
      %get3A_1074 = arith.index_cast %mul3A_1054 : i32 to index
      %get3A_1075 = tpu.vector_load %arg9[%get3A_1074] {strides = array<i32>} : memref<256xi32, #tpu.memory_space<vmem>>, vector<16xi32>,
      %jit3A_1076 = arith.constant -1 : i32
      %broadcast_in_dim3A_1077 = vector.broadcast %jit3A_1076 : i32 to vector<16xi32>
      %select_n3A_1078 = arith.select %gt3A_1073, %get3A_1075, %broadcast_in_dim3A_1077 : vector<16xi1>, vector<16xi32>
      %swap3A_1079 = arith.index_cast %mul3A_1054 : i32 to index
      %swap3A_1080 = tpu.vector_load %arg15[%swap3A_1079] {strides = array<i32>} : memref<256xi32, #tpu.memory_space<vmem>>, vector<16xi32>,
      tpu.vector_store %arg15[%swap3A_1079], %select_n3A_1078 {strides = array<i32>} : memref<256xi32, #tpu.memory_space<vmem>>, vector<16xi32>,
      %convert_element_type3A_1081 = arith.extui %gt3A_1073 : vector<16xi1> to vector<16xi32>
      %swap3A_1082 = arith.index_cast %mul3A_1054 : i32 to index
      %swap3A_1083 = tpu.vector_load %arg16[%swap3A_1082] {strides = array<i32>} : memref<256xi32, #tpu.memory_space<vmem>>, vector<16xi32>,
      tpu.vector_store %arg16[%swap3A_1082], %convert_element_type3A_1081 {strides = array<i32>} : memref<256xi32, #tpu.memory_space<vmem>>, vector<16xi32>,
    }
    %scan3A_31 = arith.constant 16 : i32
    %dma_wait3A_32 = arith.constant 0 : i32
    %dma_wait3A_33 = arith.constant 0 : i32
    %dma_wait3A_34 = tpu.memref_slice %arg17[%dma_wait3A_32, %dma_wait3A_33] : memref<256x10xf32, #tpu.memory_space<vmem>> -> memref<32x10xf32, #tpu.memory_space<vmem>>
    %dma_wait3A_35 = arith.constant 0 : i32
    %dma_wait3A_36 = tpu.memref_slice %arg3[%add3A_4, %dma_wait3A_35] : memref<8192x10xf32, #tpu.memory_space<hbm>> -> memref<32x10xf32, #tpu.memory_space<hbm>>
    %dma_wait3A_37 = arith.constant 0 : i32
    %dma_wait3A_38 = arith.constant 0 : i32
    %dma_wait3A_39 = tpu.memref_slice %arg17[%dma_wait3A_37, %dma_wait3A_38] : memref<256x10xf32, #tpu.memory_space<vmem>> -> memref<32x10xf32, #tpu.memory_space<vmem>>
    %dma_wait3A_40 = arith.constant 0 : i32
    %dma_wait3A_41 = tpu.memref_slice %arg3[%add3A_4, %dma_wait3A_40] : memref<8192x10xf32, #tpu.memory_space<hbm>> -> memref<32x10xf32, #tpu.memory_space<hbm>>
    tpu.wait_dma2 semaphore(%arg25 : memref<!tpu.dma_semaphore, #tpu.memory_space<semaphore_mem>>) src(%dma_wait3A_41 : memref<32x10xf32, #tpu.memory_space<hbm>>) dst(%dma_wait3A_39 : memref<32x10xf32, #tpu.memory_space<vmem>>)
    %add3A_42 = arith.constant 32 : i32
    %add3A_43 = arith.addi %mul3A_2, %add3A_42 : i32
    %dma_start3A_44 = arith.constant 32 : i32
    %dma_start3A_45 = arith.constant 0 : i32
    %dma_start3A_46 = tpu.memref_slice %arg17[%dma_start3A_44, %dma_start3A_45] : memref<256x10xf32, #tpu.memory_space<vmem>> -> memref<32x10xf32, #tpu.memory_space<vmem>>
    %dma_start3A_47 = arith.constant 0 : i32
    %dma_start3A_48 = tpu.memref_slice %arg3[%add3A_43, %dma_start3A_47] : memref<8192x10xf32, #tpu.memory_space<hbm>> -> memref<32x10xf32, #tpu.memory_space<hbm>>
    %dma_start3A_49 = arith.constant 32 : i32
    %dma_start3A_50 = arith.constant 0 : i32
    %dma_start3A_51 = tpu.memref_slice %arg17[%dma_start3A_49, %dma_start3A_50] : memref<256x10xf32, #tpu.memory_space<vmem>> -> memref<32x10xf32, #tpu.memory_space<vmem>>
    %dma_start3A_52 = arith.constant 0 : i32
    %dma_start3A_53 = tpu.memref_slice %arg3[%add3A_43, %dma_start3A_52] : memref<8192x10xf32, #tpu.memory_space<hbm>> -> memref<32x10xf32, #tpu.memory_space<hbm>>
    tpu.enqueue_dma source(%dma_start3A_53 : memref<32x10xf32, #tpu.memory_space<hbm>>) target(%dma_start3A_51 : memref<32x10xf32, #tpu.memory_space<vmem>>) target_semaphore(%arg25 : memref<!tpu.dma_semaphore, #tpu.memory_space<semaphore_mem>>)
    %scan3A_54 = arith.constant 0 : i32
    %scan3A_55 = arith.constant 0 : i32
    %scan3A_56 = arith.constant 20 : i32
    %scan3A_57 = arith.addi %scan3A_55, %scan3A_56 : i32
    %scan3A_58 = arith.constant 2 : i32
    scf.for %scan3A_1028 = %scan3A_55 to %scan3A_57 step %scan3A_58  : i32 {
      %mul3A_1029 = arith.constant 16 : i32
      %mul3A_1030 = arith.muli %scan3A_1028, %mul3A_1029 : i32
      %add3A_1031 = arith.constant 0 : i32
      %add3A_1032 = arith.addi %add3A_1031, %mul3A_1030 : i32
      %add3A_1033 = vector.broadcast %add3A_1032 : i32 to vector<16xi32>
      %add3A_1034 = arith.addi %add3A_1033, %iota3A : vector<16xi32>
      %div3A = arith.constant 10 : i32
      %div3A_1035 = vector.broadcast %div3A : i32 to vector<16xi32>
      %div3A_1036 = arith.divsi %add3A_1034, %div3A_1035 : vector<16xi32>
      %mul3A_1037 = arith.constant 10 : i32
      %mul3A_1038 = vector.broadcast %mul3A_1037 : i32 to vector<16xi32>
      %mul3A_1039 = arith.muli %div3A_1036, %mul3A_1038 : vector<16xi32>
      %sub3A = arith.subi %add3A_1034, %mul3A_1039 : vector<16xi32>
      %sub3A_1040 = arith.constant 0 : i32
      %sub3A_1041 = vector.broadcast %sub3A_1040 : i32 to vector<16xi32>
      %sub3A_1042 = arith.subi %div3A_1036, %sub3A_1041 : vector<16xi32>
      %gather3A = tpu.vector_load_idx %arg11[%div3A_1036] : memref<256xi32, #tpu.memory_space<vmem>>[vector<16xi32>], vector<16xi32>,
      %gather3A_1043 = tpu.vector_load_idx %arg13[%div3A_1036] : memref<256xf32, #tpu.memory_space<vmem>>[vector<16xi32>], vector<16xf32>,
      %gather3A_1044 = tpu.vector_load_idx %arg14[%div3A_1036] : memref<256xi32, #tpu.memory_space<vmem>>[vector<16xi32>], vector<16xi32>,
      %gather3A_1045 = tpu.vector_load_idx %arg15[%div3A_1036] : memref<256xi32, #tpu.memory_space<vmem>>[vector<16xi32>], vector<16xi32>,
      %gather3A_1046 = tpu.vector_load_idx %arg16[%div3A_1036] : memref<256xi32, #tpu.memory_space<vmem>>[vector<16xi32>], vector<16xi32>,
      %gather3A_1047 = tpu.vector_load_idx %arg17[%div3A_1036, %sub3A] : memref<256x10xf32, #tpu.memory_space<vmem>>[vector<16xi32>, vector<16xi32>], vector<16xf32>,
      %mul3A_1048 = arith.mulf %gather3A_1047, %gather3A_1043 : vector<16xf32>
      %convert_element_type3A = arith.fptosi %mul3A_1048 : vector<16xf32> to vector<16xi32>
      %min3A = arith.minsi %convert_element_type3A, %gather3A_1044 : vector<16xi32>
      %add3A_1049 = arith.addi %gather3A, %min3A : vector<16xi32>
      %min3A_1050 = arith.constant 1599999 : i32
      %min3A_1051 = vector.broadcast %min3A_1050 : i32 to vector<16xi32>
      %min3A_1052 = arith.minsi %add3A_1049, %min3A_1051 : vector<16xi32>
      %swap3A = arith.index_cast %add3A_1032 : i32 to index
      %swap3A_1053 = tpu.vector_load %arg18[%swap3A] {strides = array<i32>} : memref<2560xi32, #tpu.memory_space<vmem>>, vector<16xi32>,
      tpu.vector_store %arg18[%swap3A], %min3A_1052 {strides = array<i32>} : memref<2560xi32, #tpu.memory_space<vmem>>, vector<16xi32>,
      %scatter3A = arith.constant 0 : i32
      %scatter3A_1054 = arith.constant 0 : i32
      %scatter3A_1055 = arith.constant 0 : i32
      %scatter3A_1056 = tpu.memref_slice %arg20[%scatter3A, %scatter3A_1054, %scatter3A_1055] : memref<2x32x10xi32, #tpu.memory_space<vmem>> -> memref<1x32x10xi32, #tpu.memory_space<vmem>>
      %scatter3A_1057 = tpu.memref_squeeze %scatter3A_1056 : memref<1x32x10xi32, #tpu.memory_space<vmem>> -> memref<32x10xi32, #tpu.memory_space<vmem>>
      tpu.vector_store_idx %scatter3A_1057[%sub3A_1042, %sub3A], %gather3A_1045 : memref<32x10xi32, #tpu.memory_space<vmem>>[vector<16xi32>, vector<16xi32>], vector<16xi32>,
      %scatter3A_1058 = arith.constant 0 : i32
      %scatter3A_1059 = arith.constant 0 : i32
      %scatter3A_1060 = arith.constant 0 : i32
      %scatter3A_1061 = tpu.memref_slice %arg22[%scatter3A_1058, %scatter3A_1059, %scatter3A_1060] : memref<2x32x10xi32, #tpu.memory_space<vmem>> -> memref<1x32x10xi32, #tpu.memory_space<vmem>>
      %scatter3A_1062 = tpu.memref_squeeze %scatter3A_1061 : memref<1x32x10xi32, #tpu.memory_space<vmem>> -> memref<32x10xi32, #tpu.memory_space<vmem>>
      tpu.vector_store_idx %scatter3A_1062[%sub3A_1042, %sub3A], %gather3A_1046 : memref<32x10xi32, #tpu.memory_space<vmem>>[vector<16xi32>, vector<16xi32>], vector<16xi32>,
      %scan3A_1063 = arith.constant 1 : i32
      %scan3A_1064 = arith.addi %scan3A_1028, %scan3A_1063 : i32
      %mul3A_1065 = arith.constant 16 : i32
      %mul3A_1066 = arith.muli %scan3A_1064, %mul3A_1065 : i32
      %add3A_1067 = arith.constant 0 : i32
      %add3A_1068 = arith.addi %add3A_1067, %mul3A_1066 : i32
      %add3A_1069 = vector.broadcast %add3A_1068 : i32 to vector<16xi32>
      %add3A_1070 = arith.addi %add3A_1069, %iota3A : vector<16xi32>
      %div3A_1071 = arith.constant 10 : i32
      %div3A_1072 = vector.broadcast %div3A_1071 : i32 to vector<16xi32>
      %div3A_1073 = arith.divsi %add3A_1070, %div3A_1072 : vector<16xi32>
      %mul3A_1074 = arith.constant 10 : i32
      %mul3A_1075 = vector.broadcast %mul3A_1074 : i32 to vector<16xi32>
      %mul3A_1076 = arith.muli %div3A_1073, %mul3A_1075 : vector<16xi32>
      %sub3A_1077 = arith.subi %add3A_1070, %mul3A_1076 : vector<16xi32>
      %sub3A_1078 = arith.constant 0 : i32
      %sub3A_1079 = vector.broadcast %sub3A_1078 : i32 to vector<16xi32>
      %sub3A_1080 = arith.subi %div3A_1073, %sub3A_1079 : vector<16xi32>
      %gather3A_1081 = tpu.vector_load_idx %arg11[%div3A_1073] : memref<256xi32, #tpu.memory_space<vmem>>[vector<16xi32>], vector<16xi32>,
      %gather3A_1082 = tpu.vector_load_idx %arg13[%div3A_1073] : memref<256xf32, #tpu.memory_space<vmem>>[vector<16xi32>], vector<16xf32>,
      %gather3A_1083 = tpu.vector_load_idx %arg14[%div3A_1073] : memref<256xi32, #tpu.memory_space<vmem>>[vector<16xi32>], vector<16xi32>,
      %gather3A_1084 = tpu.vector_load_idx %arg15[%div3A_1073] : memref<256xi32, #tpu.memory_space<vmem>>[vector<16xi32>], vector<16xi32>,
      %gather3A_1085 = tpu.vector_load_idx %arg16[%div3A_1073] : memref<256xi32, #tpu.memory_space<vmem>>[vector<16xi32>], vector<16xi32>,
      %gather3A_1086 = tpu.vector_load_idx %arg17[%div3A_1073, %sub3A_1077] : memref<256x10xf32, #tpu.memory_space<vmem>>[vector<16xi32>, vector<16xi32>], vector<16xf32>,
      %mul3A_1087 = arith.mulf %gather3A_1086, %gather3A_1082 : vector<16xf32>
      %convert_element_type3A_1088 = arith.fptosi %mul3A_1087 : vector<16xf32> to vector<16xi32>
      %min3A_1089 = arith.minsi %convert_element_type3A_1088, %gather3A_1083 : vector<16xi32>
      %add3A_1090 = arith.addi %gather3A_1081, %min3A_1089 : vector<16xi32>
      %min3A_1091 = arith.constant 1599999 : i32
      %min3A_1092 = vector.broadcast %min3A_1091 : i32 to vector<16xi32>
      %min3A_1093 = arith.minsi %add3A_1090, %min3A_1092 : vector<16xi32>
      %swap3A_1094 = arith.index_cast %add3A_1068 : i32 to index
      %swap3A_1095 = tpu.vector_load %arg18[%swap3A_1094] {strides = array<i32>} : memref<2560xi32, #tpu.memory_space<vmem>>, vector<16xi32>,
      tpu.vector_store %arg18[%swap3A_1094], %min3A_1093 {strides = array<i32>} : memref<2560xi32, #tpu.memory_space<vmem>>, vector<16xi32>,
      %scatter3A_1096 = arith.constant 0 : i32
      %scatter3A_1097 = arith.constant 0 : i32
      %scatter3A_1098 = arith.constant 0 : i32
      %scatter3A_1099 = tpu.memref_slice %arg20[%scatter3A_1096, %scatter3A_1097, %scatter3A_1098] : memref<2x32x10xi32, #tpu.memory_space<vmem>> -> memref<1x32x10xi32, #tpu.memory_space<vmem>>
      %scatter3A_1100 = tpu.memref_squeeze %scatter3A_1099 : memref<1x32x10xi32, #tpu.memory_space<vmem>> -> memref<32x10xi32, #tpu.memory_space<vmem>>
      tpu.vector_store_idx %scatter3A_1100[%sub3A_1080, %sub3A_1077], %gather3A_1084 : memref<32x10xi32, #tpu.memory_space<vmem>>[vector<16xi32>, vector<16xi32>], vector<16xi32>,
      %scatter3A_1101 = arith.constant 0 : i32
      %scatter3A_1102 = arith.constant 0 : i32
      %scatter3A_1103 = arith.constant 0 : i32
      %scatter3A_1104 = tpu.memref_slice %arg22[%scatter3A_1101, %scatter3A_1102, %scatter3A_1103] : memref<2x32x10xi32, #tpu.memory_space<vmem>> -> memref<1x32x10xi32, #tpu.memory_space<vmem>>
      %scatter3A_1105 = tpu.memref_squeeze %scatter3A_1104 : memref<1x32x10xi32, #tpu.memory_space<vmem>> -> memref<32x10xi32, #tpu.memory_space<vmem>>
      tpu.vector_store_idx %scatter3A_1105[%sub3A_1080, %sub3A_1077], %gather3A_1085 : memref<32x10xi32, #tpu.memory_space<vmem>>[vector<16xi32>, vector<16xi32>], vector<16xi32>,
    }
    %scan3A_59 = arith.constant 20 : i32
    %dma_start3A_60 = arith.constant 0 : i32
    %dma_start3A_61 = tpu.memref_slice %arg19[%dma_start3A_60] : memref<2560xi32, #tpu.memory_space<vmem>> -> memref<320xi32, #tpu.memory_space<vmem>>
    %dma_start3A_62 = arith.constant 0 : i32
    %dma_start3A_63 = tpu.memref_slice %arg18[%dma_start3A_62] : memref<2560xi32, #tpu.memory_space<vmem>> -> memref<320xi32, #tpu.memory_space<vmem>>
    %dma_start3A_64 = arith.constant 0 : i32
    %dma_start3A_65 = tpu.memref_slice %arg5[%dma_start3A_64] : memref<1600000xi32, #tpu.memory_space<hbm>> -> memref<1600000xi32, #tpu.memory_space<hbm>>
    tpu.enqueue_indirect_dma source(%dma_start3A_65 : memref<1600000xi32, #tpu.memory_space<hbm>>) target(%dma_start3A_61 : memref<320xi32, #tpu.memory_space<vmem>>) offsets(%dma_start3A_63 : memref<320xi32, #tpu.memory_space<vmem>>) semaphore(%arg23 : memref<!tpu.dma_semaphore, #tpu.memory_space<semaphore_mem>>)
    %dma_wait3A_66 = arith.constant 32 : i32
    %dma_wait3A_67 = arith.constant 0 : i32
    %dma_wait3A_68 = tpu.memref_slice %arg17[%dma_wait3A_66, %dma_wait3A_67] : memref<256x10xf32, #tpu.memory_space<vmem>> -> memref<32x10xf32, #tpu.memory_space<vmem>>
    %dma_wait3A_69 = arith.constant 0 : i32
    %dma_wait3A_70 = tpu.memref_slice %arg3[%add3A_43, %dma_wait3A_69] : memref<8192x10xf32, #tpu.memory_space<hbm>> -> memref<32x10xf32, #tpu.memory_space<hbm>>
    %dma_wait3A_71 = arith.constant 32 : i32
    %dma_wait3A_72 = arith.constant 0 : i32
    %dma_wait3A_73 = tpu.memref_slice %arg17[%dma_wait3A_71, %dma_wait3A_72] : memref<256x10xf32, #tpu.memory_space<vmem>> -> memref<32x10xf32, #tpu.memory_space<vmem>>
    %dma_wait3A_74 = arith.constant 0 : i32
    %dma_wait3A_75 = tpu.memref_slice %arg3[%add3A_43, %dma_wait3A_74] : memref<8192x10xf32, #tpu.memory_space<hbm>> -> memref<32x10xf32, #tpu.memory_space<hbm>>
    tpu.wait_dma2 semaphore(%arg25 : memref<!tpu.dma_semaphore, #tpu.memory_space<semaphore_mem>>) src(%dma_wait3A_75 : memref<32x10xf32, #tpu.memory_space<hbm>>) dst(%dma_wait3A_73 : memref<32x10xf32, #tpu.memory_space<vmem>>)
    %add3A_76 = arith.constant 64 : i32
    %add3A_77 = arith.addi %mul3A_2, %add3A_76 : i32
    %dma_start3A_78 = arith.constant 64 : i32
    %dma_start3A_79 = arith.constant 0 : i32
    %dma_start3A_80 = tpu.memref_slice %arg17[%dma_start3A_78, %dma_start3A_79] : memref<256x10xf32, #tpu.memory_space<vmem>> -> memref<32x10xf32, #tpu.memory_space<vmem>>
    %dma_start3A_81 = arith.constant 0 : i32
    %dma_start3A_82 = tpu.memref_slice %arg3[%add3A_77, %dma_start3A_81] : memref<8192x10xf32, #tpu.memory_space<hbm>> -> memref<32x10xf32, #tpu.memory_space<hbm>>
    %dma_start3A_83 = arith.constant 64 : i32
    %dma_start3A_84 = arith.constant 0 : i32
    %dma_start3A_85 = tpu.memref_slice %arg17[%dma_start3A_83, %dma_start3A_84] : memref<256x10xf32, #tpu.memory_space<vmem>> -> memref<32x10xf32, #tpu.memory_space<vmem>>
    %dma_start3A_86 = arith.constant 0 : i32
    %dma_start3A_87 = tpu.memref_slice %arg3[%add3A_77, %dma_start3A_86] : memref<8192x10xf32, #tpu.memory_space<hbm>> -> memref<32x10xf32, #tpu.memory_space<hbm>>
    tpu.enqueue_dma source(%dma_start3A_87 : memref<32x10xf32, #tpu.memory_space<hbm>>) target(%dma_start3A_85 : memref<32x10xf32, #tpu.memory_space<vmem>>) target_semaphore(%arg25 : memref<!tpu.dma_semaphore, #tpu.memory_space<semaphore_mem>>)
    %scan3A_88 = arith.constant 0 : i32
    %scan3A_89 = arith.constant 0 : i32
    %scan3A_90 = arith.constant 20 : i32
    %scan3A_91 = arith.addi %scan3A_89, %scan3A_90 : i32
    %scan3A_92 = arith.constant 2 : i32
    scf.for %scan3A_1028 = %scan3A_89 to %scan3A_91 step %scan3A_92  : i32 {
      %mul3A_1029 = arith.constant 16 : i32
      %mul3A_1030 = arith.muli %scan3A_1028, %mul3A_1029 : i32
      %add3A_1031 = arith.constant 320 : i32
      %add3A_1032 = arith.addi %add3A_1031, %mul3A_1030 : i32
      %add3A_1033 = vector.broadcast %add3A_1032 : i32 to vector<16xi32>
      %add3A_1034 = arith.addi %add3A_1033, %iota3A : vector<16xi32>
      %div3A = arith.constant 10 : i32
      %div3A_1035 = vector.broadcast %div3A : i32 to vector<16xi32>
      %div3A_1036 = arith.divsi %add3A_1034, %div3A_1035 : vector<16xi32>
      %mul3A_1037 = arith.constant 10 : i32
      %mul3A_1038 = vector.broadcast %mul3A_1037 : i32 to vector<16xi32>
      %mul3A_1039 = arith.muli %div3A_1036, %mul3A_1038 : vector<16xi32>
      %sub3A = arith.subi %add3A_1034, %mul3A_1039 : vector<16xi32>
      %sub3A_1040 = arith.constant 32 : i32
      %sub3A_1041 = vector.broadcast %sub3A_1040 : i32 to vector<16xi32>
      %sub3A_1042 = arith.subi %div3A_1036, %sub3A_1041 : vector<16xi32>
      %gather3A = tpu.vector_load_idx %arg11[%div3A_1036] : memref<256xi32, #tpu.memory_space<vmem>>[vector<16xi32>], vector<16xi32>,
      %gather3A_1043 = tpu.vector_load_idx %arg13[%div3A_1036] : memref<256xf32, #tpu.memory_space<vmem>>[vector<16xi32>], vector<16xf32>,
      %gather3A_1044 = tpu.vector_load_idx %arg14[%div3A_1036] : memref<256xi32, #tpu.memory_space<vmem>>[vector<16xi32>], vector<16xi32>,
      %gather3A_1045 = tpu.vector_load_idx %arg15[%div3A_1036] : memref<256xi32, #tpu.memory_space<vmem>>[vector<16xi32>], vector<16xi32>,
      %gather3A_1046 = tpu.vector_load_idx %arg16[%div3A_1036] : memref<256xi32, #tpu.memory_space<vmem>>[vector<16xi32>], vector<16xi32>,
      %gather3A_1047 = tpu.vector_load_idx %arg17[%div3A_1036, %sub3A] : memref<256x10xf32, #tpu.memory_space<vmem>>[vector<16xi32>, vector<16xi32>], vector<16xf32>,
      %mul3A_1048 = arith.mulf %gather3A_1047, %gather3A_1043 : vector<16xf32>
      %convert_element_type3A = arith.fptosi %mul3A_1048 : vector<16xf32> to vector<16xi32>
      %min3A = arith.minsi %convert_element_type3A, %gather3A_1044 : vector<16xi32>
      %add3A_1049 = arith.addi %gather3A, %min3A : vector<16xi32>
      %min3A_1050 = arith.constant 1599999 : i32
      %min3A_1051 = vector.broadcast %min3A_1050 : i32 to vector<16xi32>
      %min3A_1052 = arith.minsi %add3A_1049, %min3A_1051 : vector<16xi32>
      %swap3A = arith.index_cast %add3A_1032 : i32 to index
      %swap3A_1053 = tpu.vector_load %arg18[%swap3A] {strides = array<i32>} : memref<2560xi32, #tpu.memory_space<vmem>>, vector<16xi32>,
      tpu.vector_store %arg18[%swap3A], %min3A_1052 {strides = array<i32>} : memref<2560xi32, #tpu.memory_space<vmem>>, vector<16xi32>,
      %scatter3A = arith.constant 1 : i32
      %scatter3A_1054 = arith.constant 0 : i32
      %scatter3A_1055 = arith.constant 0 : i32
      %scatter3A_1056 = tpu.memref_slice %arg20[%scatter3A, %scatter3A_1054, %scatter3A_1055] : memref<2x32x10xi32, #tpu.memory_space<vmem>> -> memref<1x32x10xi32, #tpu.memory_space<vmem>>
      %scatter3A_1057 = tpu.memref_squeeze %scatter3A_1056 : memref<1x32x10xi32, #tpu.memory_space<vmem>> -> memref<32x10xi32, #tpu.memory_space<vmem>>
      tpu.vector_store_idx %scatter3A_1057[%sub3A_1042, %sub3A], %gather3A_1045 : memref<32x10xi32, #tpu.memory_space<vmem>>[vector<16xi32>, vector<16xi32>], vector<16xi32>,
      %scatter3A_1058 = arith.constant 1 : i32
      %scatter3A_1059 = arith.constant 0 : i32
      %scatter3A_1060 = arith.constant 0 : i32
      %scatter3A_1061 = tpu.memref_slice %arg22[%scatter3A_1058, %scatter3A_1059, %scatter3A_1060] : memref<2x32x10xi32, #tpu.memory_space<vmem>> -> memref<1x32x10xi32, #tpu.memory_space<vmem>>
      %scatter3A_1062 = tpu.memref_squeeze %scatter3A_1061 : memref<1x32x10xi32, #tpu.memory_space<vmem>> -> memref<32x10xi32, #tpu.memory_space<vmem>>
      tpu.vector_store_idx %scatter3A_1062[%sub3A_1042, %sub3A], %gather3A_1046 : memref<32x10xi32, #tpu.memory_space<vmem>>[vector<16xi32>, vector<16xi32>], vector<16xi32>,
      %scan3A_1063 = arith.constant 1 : i32
      %scan3A_1064 = arith.addi %scan3A_1028, %scan3A_1063 : i32
      %mul3A_1065 = arith.constant 16 : i32
      %mul3A_1066 = arith.muli %scan3A_1064, %mul3A_1065 : i32
      %add3A_1067 = arith.constant 320 : i32
      %add3A_1068 = arith.addi %add3A_1067, %mul3A_1066 : i32
      %add3A_1069 = vector.broadcast %add3A_1068 : i32 to vector<16xi32>
      %add3A_1070 = arith.addi %add3A_1069, %iota3A : vector<16xi32>
      %div3A_1071 = arith.constant 10 : i32
      %div3A_1072 = vector.broadcast %div3A_1071 : i32 to vector<16xi32>
      %div3A_1073 = arith.divsi %add3A_1070, %div3A_1072 : vector<16xi32>
      %mul3A_1074 = arith.constant 10 : i32
      %mul3A_1075 = vector.broadcast %mul3A_1074 : i32 to vector<16xi32>
      %mul3A_1076 = arith.muli %div3A_1073, %mul3A_1075 : vector<16xi32>
      %sub3A_1077 = arith.subi %add3A_1070, %mul3A_1076 : vector<16xi32>
      %sub3A_1078 = arith.constant 32 : i32
      %sub3A_1079 = vector.broadcast %sub3A_1078 : i32 to vector<16xi32>
      %sub3A_1080 = arith.subi %div3A_1073, %sub3A_1079 : vector<16xi32>
      %gather3A_1081 = tpu.vector_load_idx %arg11[%div3A_1073] : memref<256xi32, #tpu.memory_space<vmem>>[vector<16xi32>], vector<16xi32>,
      %gather3A_1082 = tpu.vector_load_idx %arg13[%div3A_1073] : memref<256xf32, #tpu.memory_space<vmem>>[vector<16xi32>], vector<16xf32>,
      %gather3A_1083 = tpu.vector_load_idx %arg14[%div3A_1073] : memref<256xi32, #tpu.memory_space<vmem>>[vector<16xi32>], vector<16xi32>,
      %gather3A_1084 = tpu.vector_load_idx %arg15[%div3A_1073] : memref<256xi32, #tpu.memory_space<vmem>>[vector<16xi32>], vector<16xi32>,
      %gather3A_1085 = tpu.vector_load_idx %arg16[%div3A_1073] : memref<256xi32, #tpu.memory_space<vmem>>[vector<16xi32>], vector<16xi32>,
      %gather3A_1086 = tpu.vector_load_idx %arg17[%div3A_1073, %sub3A_1077] : memref<256x10xf32, #tpu.memory_space<vmem>>[vector<16xi32>, vector<16xi32>], vector<16xf32>,
      %mul3A_1087 = arith.mulf %gather3A_1086, %gather3A_1082 : vector<16xf32>
      %convert_element_type3A_1088 = arith.fptosi %mul3A_1087 : vector<16xf32> to vector<16xi32>
      %min3A_1089 = arith.minsi %convert_element_type3A_1088, %gather3A_1083 : vector<16xi32>
      %add3A_1090 = arith.addi %gather3A_1081, %min3A_1089 : vector<16xi32>
      %min3A_1091 = arith.constant 1599999 : i32
      %min3A_1092 = vector.broadcast %min3A_1091 : i32 to vector<16xi32>
      %min3A_1093 = arith.minsi %add3A_1090, %min3A_1092 : vector<16xi32>
      %swap3A_1094 = arith.index_cast %add3A_1068 : i32 to index
      %swap3A_1095 = tpu.vector_load %arg18[%swap3A_1094] {strides = array<i32>} : memref<2560xi32, #tpu.memory_space<vmem>>, vector<16xi32>,
      tpu.vector_store %arg18[%swap3A_1094], %min3A_1093 {strides = array<i32>} : memref<2560xi32, #tpu.memory_space<vmem>>, vector<16xi32>,
      %scatter3A_1096 = arith.constant 1 : i32
      %scatter3A_1097 = arith.constant 0 : i32
      %scatter3A_1098 = arith.constant 0 : i32
      %scatter3A_1099 = tpu.memref_slice %arg20[%scatter3A_1096, %scatter3A_1097, %scatter3A_1098] : memref<2x32x10xi32, #tpu.memory_space<vmem>> -> memref<1x32x10xi32, #tpu.memory_space<vmem>>
      %scatter3A_1100 = tpu.memref_squeeze %scatter3A_1099 : memref<1x32x10xi32, #tpu.memory_space<vmem>> -> memref<32x10xi32, #tpu.memory_space<vmem>>
      tpu.vector_store_idx %scatter3A_1100[%sub3A_1080, %sub3A_1077], %gather3A_1084 : memref<32x10xi32, #tpu.memory_space<vmem>>[vector<16xi32>, vector<16xi32>], vector<16xi32>,
      %scatter3A_1101 = arith.constant 1 : i32
      %scatter3A_1102 = arith.constant 0 : i32
      %scatter3A_1103 = arith.constant 0 : i32
      %scatter3A_1104 = tpu.memref_slice %arg22[%scatter3A_1101, %scatter3A_1102, %scatter3A_1103] : memref<2x32x10xi32, #tpu.memory_space<vmem>> -> memref<1x32x10xi32, #tpu.memory_space<vmem>>
      %scatter3A_1105 = tpu.memref_squeeze %scatter3A_1104 : memref<1x32x10xi32, #tpu.memory_space<vmem>> -> memref<32x10xi32, #tpu.memory_space<vmem>>
      tpu.vector_store_idx %scatter3A_1105[%sub3A_1080, %sub3A_1077], %gather3A_1085 : memref<32x10xi32, #tpu.memory_space<vmem>>[vector<16xi32>, vector<16xi32>], vector<16xi32>,
    }
    %scan3A_93 = arith.constant 20 : i32
    %dma_start3A_94 = arith.constant 320 : i32
    %dma_start3A_95 = tpu.memref_slice %arg19[%dma_start3A_94] : memref<2560xi32, #tpu.memory_space<vmem>> -> memref<320xi32, #tpu.memory_space<vmem>>
    %dma_start3A_96 = arith.constant 320 : i32
    %dma_start3A_97 = tpu.memref_slice %arg18[%dma_start3A_96] : memref<2560xi32, #tpu.memory_space<vmem>> -> memref<320xi32, #tpu.memory_space<vmem>>
    %dma_start3A_98 = arith.constant 0 : i32
    %dma_start3A_99 = tpu.memref_slice %arg5[%dma_start3A_98] : memref<1600000xi32, #tpu.memory_space<hbm>> -> memref<1600000xi32, #tpu.memory_space<hbm>>
    tpu.enqueue_indirect_dma source(%dma_start3A_99 : memref<1600000xi32, #tpu.memory_space<hbm>>) target(%dma_start3A_95 : memref<320xi32, #tpu.memory_space<vmem>>) offsets(%dma_start3A_97 : memref<320xi32, #tpu.memory_space<vmem>>) semaphore(%arg24 : memref<!tpu.dma_semaphore, #tpu.memory_space<semaphore_mem>>)
    %dma_wait3A_100 = arith.constant 0 : i32
    %dma_wait3A_101 = tpu.memref_slice %arg19[%dma_wait3A_100] : memref<2560xi32, #tpu.memory_space<vmem>> -> memref<320xi32, #tpu.memory_space<vmem>>
    %dma_wait3A_102 = arith.constant 0 : i32
    %dma_wait3A_103 = tpu.memref_slice %arg18[%dma_wait3A_102] : memref<2560xi32, #tpu.memory_space<vmem>> -> memref<320xi32, #tpu.memory_space<vmem>>
    %dma_wait3A_104 = arith.constant 0 : i32
    %dma_wait3A_105 = tpu.memref_slice %arg5[%dma_wait3A_104] : memref<1600000xi32, #tpu.memory_space<hbm>> -> memref<1600000xi32, #tpu.memory_space<hbm>>
    tpu.wait_indirect_dma semaphore(%arg23 : memref<!tpu.dma_semaphore, #tpu.memory_space<semaphore_mem>>) src(%dma_wait3A_105 : memref<1600000xi32, #tpu.memory_space<hbm>>) dst(%dma_wait3A_101 : memref<320xi32, #tpu.memory_space<vmem>>)
    %scan3A_106 = arith.constant 0 : i32
    %scan3A_107 = arith.constant 0 : i32
    %scan3A_108 = arith.constant 20 : i32
    %scan3A_109 = arith.addi %scan3A_107, %scan3A_108 : i32
    %scan3A_110 = arith.constant 2 : i32
    scf.for %scan3A_1028 = %scan3A_107 to %scan3A_109 step %scan3A_110  : i32 {
      %mul3A_1029 = arith.constant 16 : i32
      %mul3A_1030 = arith.muli %scan3A_1028, %mul3A_1029 : i32
      %add3A_1031 = arith.constant 0 : i32
      %add3A_1032 = arith.addi %add3A_1031, %mul3A_1030 : i32
      %add3A_1033 = vector.broadcast %add3A_1032 : i32 to vector<16xi32>
      %add3A_1034 = arith.addi %add3A_1033, %iota3A : vector<16xi32>
      %div3A = arith.constant 10 : i32
      %div3A_1035 = vector.broadcast %div3A : i32 to vector<16xi32>
      %div3A_1036 = arith.divsi %add3A_1034, %div3A_1035 : vector<16xi32>
      %mul3A_1037 = arith.constant 10 : i32
      %mul3A_1038 = vector.broadcast %mul3A_1037 : i32 to vector<16xi32>
      %mul3A_1039 = arith.muli %div3A_1036, %mul3A_1038 : vector<16xi32>
      %sub3A = arith.subi %add3A_1034, %mul3A_1039 : vector<16xi32>
      %sub3A_1040 = arith.constant 0 : i32
      %sub3A_1041 = vector.broadcast %sub3A_1040 : i32 to vector<16xi32>
      %sub3A_1042 = arith.subi %div3A_1036, %sub3A_1041 : vector<16xi32>
      %gather3A = tpu.vector_load_idx %arg16[%div3A_1036] : memref<256xi32, #tpu.memory_space<vmem>>[vector<16xi32>], vector<16xi32>,
      %gt3A = arith.constant 0 : i32
      %gt3A_1043 = vector.broadcast %gt3A : i32 to vector<16xi32>
      %gt3A_1044 = arith.cmpi sgt, %gather3A, %gt3A_1043 : vector<16xi32>
      %get3A = arith.index_cast %add3A_1032 : i32 to index
      %get3A_1045 = tpu.vector_load %arg19[%get3A] {strides = array<i32>} : memref<2560xi32, #tpu.memory_space<vmem>>, vector<16xi32>,
      %jit3A = arith.constant -1 : i32
      %broadcast_in_dim3A = vector.broadcast %jit3A : i32 to vector<16xi32>
      %select_n3A = arith.select %gt3A_1044, %get3A_1045, %broadcast_in_dim3A : vector<16xi1>, vector<16xi32>
      %scatter3A = arith.constant 0 : i32
      %scatter3A_1046 = arith.constant 0 : i32
      %scatter3A_1047 = arith.constant 0 : i32
      %scatter3A_1048 = tpu.memref_slice %arg21[%scatter3A, %scatter3A_1046, %scatter3A_1047] : memref<2x32x10xi32, #tpu.memory_space<vmem>> -> memref<1x32x10xi32, #tpu.memory_space<vmem>>
      %scatter3A_1049 = tpu.memref_squeeze %scatter3A_1048 : memref<1x32x10xi32, #tpu.memory_space<vmem>> -> memref<32x10xi32, #tpu.memory_space<vmem>>
      tpu.vector_store_idx %scatter3A_1049[%sub3A_1042, %sub3A], %select_n3A : memref<32x10xi32, #tpu.memory_space<vmem>>[vector<16xi32>, vector<16xi32>], vector<16xi32>,
      %scan3A_1050 = arith.constant 1 : i32
      %scan3A_1051 = arith.addi %scan3A_1028, %scan3A_1050 : i32
      %mul3A_1052 = arith.constant 16 : i32
      %mul3A_1053 = arith.muli %scan3A_1051, %mul3A_1052 : i32
      %add3A_1054 = arith.constant 0 : i32
      %add3A_1055 = arith.addi %add3A_1054, %mul3A_1053 : i32
      %add3A_1056 = vector.broadcast %add3A_1055 : i32 to vector<16xi32>
      %add3A_1057 = arith.addi %add3A_1056, %iota3A : vector<16xi32>
      %div3A_1058 = arith.constant 10 : i32
      %div3A_1059 = vector.broadcast %div3A_1058 : i32 to vector<16xi32>
      %div3A_1060 = arith.divsi %add3A_1057, %div3A_1059 : vector<16xi32>
      %mul3A_1061 = arith.constant 10 : i32
      %mul3A_1062 = vector.broadcast %mul3A_1061 : i32 to vector<16xi32>
      %mul3A_1063 = arith.muli %div3A_1060, %mul3A_1062 : vector<16xi32>
      %sub3A_1064 = arith.subi %add3A_1057, %mul3A_1063 : vector<16xi32>
      %sub3A_1065 = arith.constant 0 : i32
      %sub3A_1066 = vector.broadcast %sub3A_1065 : i32 to vector<16xi32>
      %sub3A_1067 = arith.subi %div3A_1060, %sub3A_1066 : vector<16xi32>
      %gather3A_1068 = tpu.vector_load_idx %arg16[%div3A_1060] : memref<256xi32, #tpu.memory_space<vmem>>[vector<16xi32>], vector<16xi32>,
      %gt3A_1069 = arith.constant 0 : i32
      %gt3A_1070 = vector.broadcast %gt3A_1069 : i32 to vector<16xi32>
      %gt3A_1071 = arith.cmpi sgt, %gather3A_1068, %gt3A_1070 : vector<16xi32>
      %get3A_1072 = arith.index_cast %add3A_1055 : i32 to index
      %get3A_1073 = tpu.vector_load %arg19[%get3A_1072] {strides = array<i32>} : memref<2560xi32, #tpu.memory_space<vmem>>, vector<16xi32>,
      %jit3A_1074 = arith.constant -1 : i32
      %broadcast_in_dim3A_1075 = vector.broadcast %jit3A_1074 : i32 to vector<16xi32>
      %select_n3A_1076 = arith.select %gt3A_1071, %get3A_1073, %broadcast_in_dim3A_1075 : vector<16xi1>, vector<16xi32>
      %scatter3A_1077 = arith.constant 0 : i32
      %scatter3A_1078 = arith.constant 0 : i32
      %scatter3A_1079 = arith.constant 0 : i32
      %scatter3A_1080 = tpu.memref_slice %arg21[%scatter3A_1077, %scatter3A_1078, %scatter3A_1079] : memref<2x32x10xi32, #tpu.memory_space<vmem>> -> memref<1x32x10xi32, #tpu.memory_space<vmem>>
      %scatter3A_1081 = tpu.memref_squeeze %scatter3A_1080 : memref<1x32x10xi32, #tpu.memory_space<vmem>> -> memref<32x10xi32, #tpu.memory_space<vmem>>
      tpu.vector_store_idx %scatter3A_1081[%sub3A_1067, %sub3A_1064], %select_n3A_1076 : memref<32x10xi32, #tpu.memory_space<vmem>>[vector<16xi32>, vector<16xi32>], vector<16xi32>,
    }
    %scan3A_111 = arith.constant 20 : i32
    %add3A_112 = arith.constant 0 : i32
    %add3A_113 = arith.addi %mul3A_2, %add3A_112 : i32
    %dma_start3A_114 = arith.constant 0 : i32
    %dma_start3A_115 = arith.constant 0 : i32
    %dma_start3A_116 = arith.constant 0 : i32
    %dma_start3A_117 = tpu.memref_slice %arg20[%dma_start3A_114, %dma_start3A_115, %dma_start3A_116] : memref<2x32x10xi32, #tpu.memory_space<vmem>> -> memref<1x32x10xi32, #tpu.memory_space<vmem>>
    %dma_start3A_118 = tpu.memref_squeeze %dma_start3A_117 : memref<1x32x10xi32, #tpu.memory_space<vmem>> -> memref<32x10xi32, #tpu.memory_space<vmem>>
    %dma_start3A_119 = arith.constant 0 : i32
    %dma_start3A_120 = tpu.memref_slice %arg6[%add3A_113, %dma_start3A_119] : memref<8192x10xi32, #tpu.memory_space<hbm>> -> memref<32x10xi32, #tpu.memory_space<hbm>>
    %dma_start3A_121 = arith.constant 0 : i32
    %dma_start3A_122 = tpu.memref_slice %arg6[%add3A_113, %dma_start3A_121] : memref<8192x10xi32, #tpu.memory_space<hbm>> -> memref<32x10xi32, #tpu.memory_space<hbm>>
    %dma_start3A_123 = arith.constant 0 : i32
    %dma_start3A_124 = arith.constant 0 : i32
    %dma_start3A_125 = tpu.memref_slice %arg20[%dma_start3A_114, %dma_start3A_123, %dma_start3A_124] : memref<2x32x10xi32, #tpu.memory_space<vmem>> -> memref<1x32x10xi32, #tpu.memory_space<vmem>>
    %dma_start3A_126 = tpu.memref_squeeze %dma_start3A_125 : memref<1x32x10xi32, #tpu.memory_space<vmem>> -> memref<32x10xi32, #tpu.memory_space<vmem>>
    tpu.enqueue_dma source(%dma_start3A_126 : memref<32x10xi32, #tpu.memory_space<vmem>>) target(%dma_start3A_122 : memref<32x10xi32, #tpu.memory_space<hbm>>) target_semaphore(%arg26 : memref<!tpu.dma_semaphore, #tpu.memory_space<semaphore_mem>>)
    %dma_start3A_127 = arith.constant 0 : i32
    %dma_start3A_128 = arith.constant 0 : i32
    %dma_start3A_129 = arith.constant 0 : i32
    %dma_start3A_130 = tpu.memref_slice %arg21[%dma_start3A_127, %dma_start3A_128, %dma_start3A_129] : memref<2x32x10xi32, #tpu.memory_space<vmem>> -> memref<1x32x10xi32, #tpu.memory_space<vmem>>
    %dma_start3A_131 = tpu.memref_squeeze %dma_start3A_130 : memref<1x32x10xi32, #tpu.memory_space<vmem>> -> memref<32x10xi32, #tpu.memory_space<vmem>>
    %dma_start3A_132 = arith.constant 0 : i32
    %dma_start3A_133 = tpu.memref_slice %arg7[%add3A_113, %dma_start3A_132] : memref<8192x10xi32, #tpu.memory_space<hbm>> -> memref<32x10xi32, #tpu.memory_space<hbm>>
    %dma_start3A_134 = arith.constant 0 : i32
    %dma_start3A_135 = tpu.memref_slice %arg7[%add3A_113, %dma_start3A_134] : memref<8192x10xi32, #tpu.memory_space<hbm>> -> memref<32x10xi32, #tpu.memory_space<hbm>>
    %dma_start3A_136 = arith.constant 0 : i32
    %dma_start3A_137 = arith.constant 0 : i32
    %dma_start3A_138 = tpu.memref_slice %arg21[%dma_start3A_127, %dma_start3A_136, %dma_start3A_137] : memref<2x32x10xi32, #tpu.memory_space<vmem>> -> memref<1x32x10xi32, #tpu.memory_space<vmem>>
    %dma_start3A_139 = tpu.memref_squeeze %dma_start3A_138 : memref<1x32x10xi32, #tpu.memory_space<vmem>> -> memref<32x10xi32, #tpu.memory_space<vmem>>
    tpu.enqueue_dma source(%dma_start3A_139 : memref<32x10xi32, #tpu.memory_space<vmem>>) target(%dma_start3A_135 : memref<32x10xi32, #tpu.memory_space<hbm>>) target_semaphore(%arg26 : memref<!tpu.dma_semaphore, #tpu.memory_space<semaphore_mem>>)
    %dma_start3A_140 = arith.constant 0 : i32
    %dma_start3A_141 = arith.constant 0 : i32
    %dma_start3A_142 = arith.constant 0 : i32
    %dma_start3A_143 = tpu.memref_slice %arg22[%dma_start3A_140, %dma_start3A_141, %dma_start3A_142] : memref<2x32x10xi32, #tpu.memory_space<vmem>> -> memref<1x32x10xi32, #tpu.memory_space<vmem>>
    %dma_start3A_144 = tpu.memref_squeeze %dma_start3A_143 : memref<1x32x10xi32, #tpu.memory_space<vmem>> -> memref<32x10xi32, #tpu.memory_space<vmem>>
    %dma_start3A_145 = arith.constant 0 : i32
    %dma_start3A_146 = tpu.memref_slice %arg8[%add3A_113, %dma_start3A_145] : memref<8192x10xi32, #tpu.memory_space<hbm>> -> memref<32x10xi32, #tpu.memory_space<hbm>>
    %dma_start3A_147 = arith.constant 0 : i32
    %dma_start3A_148 = tpu.memref_slice %arg8[%add3A_113, %dma_start3A_147] : memref<8192x10xi32, #tpu.memory_space<hbm>> -> memref<32x10xi32, #tpu.memory_space<hbm>>
    %dma_start3A_149 = arith.constant 0 : i32
    %dma_start3A_150 = arith.constant 0 : i32
    %dma_start3A_151 = tpu.memref_slice %arg22[%dma_start3A_140, %dma_start3A_149, %dma_start3A_150] : memref<2x32x10xi32, #tpu.memory_space<vmem>> -> memref<1x32x10xi32, #tpu.memory_space<vmem>>
    %dma_start3A_152 = tpu.memref_squeeze %dma_start3A_151 : memref<1x32x10xi32, #tpu.memory_space<vmem>> -> memref<32x10xi32, #tpu.memory_space<vmem>>
    tpu.enqueue_dma source(%dma_start3A_152 : memref<32x10xi32, #tpu.memory_space<vmem>>) target(%dma_start3A_148 : memref<32x10xi32, #tpu.memory_space<hbm>>) target_semaphore(%arg26 : memref<!tpu.dma_semaphore, #tpu.memory_space<semaphore_mem>>)
    %dma_wait3A_153 = arith.constant 0 : i32
    %dma_wait3A_154 = arith.constant 0 : i32
    %dma_wait3A_155 = arith.constant 0 : i32
    %dma_wait3A_156 = tpu.memref_slice %arg20[%dma_wait3A_153, %dma_wait3A_154, %dma_wait3A_155] : memref<2x32x10xi32, #tpu.memory_space<vmem>> -> memref<1x32x10xi32, #tpu.memory_space<vmem>>
    %dma_wait3A_157 = tpu.memref_squeeze %dma_wait3A_156 : memref<1x32x10xi32, #tpu.memory_space<vmem>> -> memref<32x10xi32, #tpu.memory_space<vmem>>
    %dma_wait3A_158 = arith.constant 0 : i32
    %dma_wait3A_159 = tpu.memref_slice %arg6[%add3A_113, %dma_wait3A_158] : memref<8192x10xi32, #tpu.memory_space<hbm>> -> memref<32x10xi32, #tpu.memory_space<hbm>>
    %dma_wait3A_160 = arith.constant 0 : i32
    %dma_wait3A_161 = tpu.memref_slice %arg6[%add3A_113, %dma_wait3A_160] : memref<8192x10xi32, #tpu.memory_space<hbm>> -> memref<32x10xi32, #tpu.memory_space<hbm>>
    %dma_wait3A_162 = arith.constant 0 : i32
    %dma_wait3A_163 = arith.constant 0 : i32
    %dma_wait3A_164 = tpu.memref_slice %arg20[%dma_wait3A_153, %dma_wait3A_162, %dma_wait3A_163] : memref<2x32x10xi32, #tpu.memory_space<vmem>> -> memref<1x32x10xi32, #tpu.memory_space<vmem>>
    %dma_wait3A_165 = tpu.memref_squeeze %dma_wait3A_164 : memref<1x32x10xi32, #tpu.memory_space<vmem>> -> memref<32x10xi32, #tpu.memory_space<vmem>>
    tpu.wait_dma2 semaphore(%arg26 : memref<!tpu.dma_semaphore, #tpu.memory_space<semaphore_mem>>) src(%dma_wait3A_165 : memref<32x10xi32, #tpu.memory_space<vmem>>) dst(%dma_wait3A_161 : memref<32x10xi32, #tpu.memory_space<hbm>>)
    %dma_wait3A_166 = arith.constant 0 : i32
    %dma_wait3A_167 = arith.constant 0 : i32
    %dma_wait3A_168 = arith.constant 0 : i32
    %dma_wait3A_169 = tpu.memref_slice %arg21[%dma_wait3A_166, %dma_wait3A_167, %dma_wait3A_168] : memref<2x32x10xi32, #tpu.memory_space<vmem>> -> memref<1x32x10xi32, #tpu.memory_space<vmem>>
    %dma_wait3A_170 = tpu.memref_squeeze %dma_wait3A_169 : memref<1x32x10xi32, #tpu.memory_space<vmem>> -> memref<32x10xi32, #tpu.memory_space<vmem>>
    %dma_wait3A_171 = arith.constant 0 : i32
    %dma_wait3A_172 = tpu.memref_slice %arg7[%add3A_113, %dma_wait3A_171] : memref<8192x10xi32, #tpu.memory_space<hbm>> -> memref<32x10xi32, #tpu.memory_space<hbm>>
    %dma_wait3A_173 = arith.constant 0 : i32
    %dma_wait3A_174 = tpu.memref_slice %arg7[%add3A_113, %dma_wait3A_173] : memref<8192x10xi32, #tpu.memory_space<hbm>> -> memref<32x10xi32, #tpu.memory_space<hbm>>
    %dma_wait3A_175 = arith.constant 0 : i32
    %dma_wait3A_176 = arith.constant 0 : i32
    %dma_wait3A_177 = tpu.memref_slice %arg21[%dma_wait3A_166, %dma_wait3A_175, %dma_wait3A_176] : memref<2x32x10xi32, #tpu.memory_space<vmem>> -> memref<1x32x10xi32, #tpu.memory_space<vmem>>
    %dma_wait3A_178 = tpu.memref_squeeze %dma_wait3A_177 : memref<1x32x10xi32, #tpu.memory_space<vmem>> -> memref<32x10xi32, #tpu.memory_space<vmem>>
    tpu.wait_dma2 semaphore(%arg26 : memref<!tpu.dma_semaphore, #tpu.memory_space<semaphore_mem>>) src(%dma_wait3A_178 : memref<32x10xi32, #tpu.memory_space<vmem>>) dst(%dma_wait3A_174 : memref<32x10xi32, #tpu.memory_space<hbm>>)
    %dma_wait3A_179 = arith.constant 0 : i32
    %dma_wait3A_180 = arith.constant 0 : i32
    %dma_wait3A_181 = arith.constant 0 : i32
    %dma_wait3A_182 = tpu.memref_slice %arg22[%dma_wait3A_179, %dma_wait3A_180, %dma_wait3A_181] : memref<2x32x10xi32, #tpu.memory_space<vmem>> -> memref<1x32x10xi32, #tpu.memory_space<vmem>>
    %dma_wait3A_183 = tpu.memref_squeeze %dma_wait3A_182 : memref<1x32x10xi32, #tpu.memory_space<vmem>> -> memref<32x10xi32, #tpu.memory_space<vmem>>
    %dma_wait3A_184 = arith.constant 0 : i32
    %dma_wait3A_185 = tpu.memref_slice %arg8[%add3A_113, %dma_wait3A_184] : memref<8192x10xi32, #tpu.memory_space<hbm>> -> memref<32x10xi32, #tpu.memory_space<hbm>>
    %dma_wait3A_186 = arith.constant 0 : i32
    %dma_wait3A_187 = tpu.memref_slice %arg8[%add3A_113, %dma_wait3A_186] : memref<8192x10xi32, #tpu.memory_space<hbm>> -> memref<32x10xi32, #tpu.memory_space<hbm>>
    %dma_wait3A_188 = arith.constant 0 : i32
    %dma_wait3A_189 = arith.constant 0 : i32
    %dma_wait3A_190 = tpu.memref_slice %arg22[%dma_wait3A_179, %dma_wait3A_188, %dma_wait3A_189] : memref<2x32x10xi32, #tpu.memory_space<vmem>> -> memref<1x32x10xi32, #tpu.memory_space<vmem>>
    %dma_wait3A_191 = tpu.memref_squeeze %dma_wait3A_190 : memref<1x32x10xi32, #tpu.memory_space<vmem>> -> memref<32x10xi32, #tpu.memory_space<vmem>>
    tpu.wait_dma2 semaphore(%arg26 : memref<!tpu.dma_semaphore, #tpu.memory_space<semaphore_mem>>) src(%dma_wait3A_191 : memref<32x10xi32, #tpu.memory_space<vmem>>) dst(%dma_wait3A_187 : memref<32x10xi32, #tpu.memory_space<hbm>>)
    %dma_wait3A_192 = arith.constant 64 : i32
    %dma_wait3A_193 = arith.constant 0 : i32
    %dma_wait3A_194 = tpu.memref_slice %arg17[%dma_wait3A_192, %dma_wait3A_193] : memref<256x10xf32, #tpu.memory_space<vmem>> -> memref<32x10xf32, #tpu.memory_space<vmem>>
    %dma_wait3A_195 = arith.constant 0 : i32
    %dma_wait3A_196 = tpu.memref_slice %arg3[%add3A_77, %dma_wait3A_195] : memref<8192x10xf32, #tpu.memory_space<hbm>> -> memref<32x10xf32, #tpu.memory_space<hbm>>
    %dma_wait3A_197 = arith.constant 64 : i32
    %dma_wait3A_198 = arith.constant 0 : i32
    %dma_wait3A_199 = tpu.memref_slice %arg17[%dma_wait3A_197, %dma_wait3A_198] : memref<256x10xf32, #tpu.memory_space<vmem>> -> memref<32x10xf32, #tpu.memory_space<vmem>>
    %dma_wait3A_200 = arith.constant 0 : i32
    %dma_wait3A_201 = tpu.memref_slice %arg3[%add3A_77, %dma_wait3A_200] : memref<8192x10xf32, #tpu.memory_space<hbm>> -> memref<32x10xf32, #tpu.memory_space<hbm>>
    tpu.wait_dma2 semaphore(%arg25 : memref<!tpu.dma_semaphore, #tpu.memory_space<semaphore_mem>>) src(%dma_wait3A_201 : memref<32x10xf32, #tpu.memory_space<hbm>>) dst(%dma_wait3A_199 : memref<32x10xf32, #tpu.memory_space<vmem>>)
    %add3A_202 = arith.constant 96 : i32
    %add3A_203 = arith.addi %mul3A_2, %add3A_202 : i32
    %dma_start3A_204 = arith.constant 96 : i32
    %dma_start3A_205 = arith.constant 0 : i32
    %dma_start3A_206 = tpu.memref_slice %arg17[%dma_start3A_204, %dma_start3A_205] : memref<256x10xf32, #tpu.memory_space<vmem>> -> memref<32x10xf32, #tpu.memory_space<vmem>>
    %dma_start3A_207 = arith.constant 0 : i32
    %dma_start3A_208 = tpu.memref_slice %arg3[%add3A_203, %dma_start3A_207] : memref<8192x10xf32, #tpu.memory_space<hbm>> -> memref<32x10xf32, #tpu.memory_space<hbm>>
    %dma_start3A_209 = arith.constant 96 : i32
    %dma_start3A_210 = arith.constant 0 : i32
    %dma_start3A_211 = tpu.memref_slice %arg17[%dma_start3A_209, %dma_start3A_210] : memref<256x10xf32, #tpu.memory_space<vmem>> -> memref<32x10xf32, #tpu.memory_space<vmem>>
    %dma_start3A_212 = arith.constant 0 : i32
    %dma_start3A_213 = tpu.memref_slice %arg3[%add3A_203, %dma_start3A_212] : memref<8192x10xf32, #tpu.memory_space<hbm>> -> memref<32x10xf32, #tpu.memory_space<hbm>>
    tpu.enqueue_dma source(%dma_start3A_213 : memref<32x10xf32, #tpu.memory_space<hbm>>) target(%dma_start3A_211 : memref<32x10xf32, #tpu.memory_space<vmem>>) target_semaphore(%arg25 : memref<!tpu.dma_semaphore, #tpu.memory_space<semaphore_mem>>)
    %scan3A_214 = arith.constant 0 : i32
    %scan3A_215 = arith.constant 0 : i32
    %scan3A_216 = arith.constant 20 : i32
    %scan3A_217 = arith.addi %scan3A_215, %scan3A_216 : i32
    %scan3A_218 = arith.constant 2 : i32
    scf.for %scan3A_1028 = %scan3A_215 to %scan3A_217 step %scan3A_218  : i32 {
      %mul3A_1029 = arith.constant 16 : i32
      %mul3A_1030 = arith.muli %scan3A_1028, %mul3A_1029 : i32
      %add3A_1031 = arith.constant 640 : i32
      %add3A_1032 = arith.addi %add3A_1031, %mul3A_1030 : i32
      %add3A_1033 = vector.broadcast %add3A_1032 : i32 to vector<16xi32>
      %add3A_1034 = arith.addi %add3A_1033, %iota3A : vector<16xi32>
      %div3A = arith.constant 10 : i32
      %div3A_1035 = vector.broadcast %div3A : i32 to vector<16xi32>
      %div3A_1036 = arith.divsi %add3A_1034, %div3A_1035 : vector<16xi32>
      %mul3A_1037 = arith.constant 10 : i32
      %mul3A_1038 = vector.broadcast %mul3A_1037 : i32 to vector<16xi32>
      %mul3A_1039 = arith.muli %div3A_1036, %mul3A_1038 : vector<16xi32>
      %sub3A = arith.subi %add3A_1034, %mul3A_1039 : vector<16xi32>
      %sub3A_1040 = arith.constant 64 : i32
      %sub3A_1041 = vector.broadcast %sub3A_1040 : i32 to vector<16xi32>
      %sub3A_1042 = arith.subi %div3A_1036, %sub3A_1041 : vector<16xi32>
      %gather3A = tpu.vector_load_idx %arg11[%div3A_1036] : memref<256xi32, #tpu.memory_space<vmem>>[vector<16xi32>], vector<16xi32>,
      %gather3A_1043 = tpu.vector_load_idx %arg13[%div3A_1036] : memref<256xf32, #tpu.memory_space<vmem>>[vector<16xi32>], vector<16xf32>,
      %gather3A_1044 = tpu.vector_load_idx %arg14[%div3A_1036] : memref<256xi32, #tpu.memory_space<vmem>>[vector<16xi32>], vector<16xi32>,
      %gather3A_1045 = tpu.vector_load_idx %arg15[%div3A_1036] : memref<256xi32, #tpu.memory_space<vmem>>[vector<16xi32>], vector<16xi32>,
      %gather3A_1046 = tpu.vector_load_idx %arg16[%div3A_1036] : memref<256xi32, #tpu.memory_space<vmem>>[vector<16xi32>], vector<16xi32>,
      %gather3A_1047 = tpu.vector_load_idx %arg17[%div3A_1036, %sub3A] : memref<256x10xf32, #tpu.memory_space<vmem>>[vector<16xi32>, vector<16xi32>], vector<16xf32>,
      %mul3A_1048 = arith.mulf %gather3A_1047, %gather3A_1043 : vector<16xf32>
      %convert_element_type3A = arith.fptosi %mul3A_1048 : vector<16xf32> to vector<16xi32>
      %min3A = arith.minsi %convert_element_type3A, %gather3A_1044 : vector<16xi32>
      %add3A_1049 = arith.addi %gather3A, %min3A : vector<16xi32>
      %min3A_1050 = arith.constant 1599999 : i32
      %min3A_1051 = vector.broadcast %min3A_1050 : i32 to vector<16xi32>
      %min3A_1052 = arith.minsi %add3A_1049, %min3A_1051 : vector<16xi32>
      %swap3A = arith.index_cast %add3A_1032 : i32 to index
      %swap3A_1053 = tpu.vector_load %arg18[%swap3A] {strides = array<i32>} : memref<2560xi32, #tpu.memory_space<vmem>>, vector<16xi32>,
      tpu.vector_store %arg18[%swap3A], %min3A_1052 {strides = array<i32>} : memref<2560xi32, #tpu.memory_space<vmem>>, vector<16xi32>,
      %scatter3A = arith.constant 0 : i32
      %scatter3A_1054 = arith.constant 0 : i32
      %scatter3A_1055 = arith.constant 0 : i32
      %scatter3A_1056 = tpu.memref_slice %arg20[%scatter3A, %scatter3A_1054, %scatter3A_1055] : memref<2x32x10xi32, #tpu.memory_space<vmem>> -> memref<1x32x10xi32, #tpu.memory_space<vmem>>
      %scatter3A_1057 = tpu.memref_squeeze %scatter3A_1056 : memref<1x32x10xi32, #tpu.memory_space<vmem>> -> memref<32x10xi32, #tpu.memory_space<vmem>>
      tpu.vector_store_idx %scatter3A_1057[%sub3A_1042, %sub3A], %gather3A_1045 : memref<32x10xi32, #tpu.memory_space<vmem>>[vector<16xi32>, vector<16xi32>], vector<16xi32>,
      %scatter3A_1058 = arith.constant 0 : i32
      %scatter3A_1059 = arith.constant 0 : i32
      %scatter3A_1060 = arith.constant 0 : i32
      %scatter3A_1061 = tpu.memref_slice %arg22[%scatter3A_1058, %scatter3A_1059, %scatter3A_1060] : memref<2x32x10xi32, #tpu.memory_space<vmem>> -> memref<1x32x10xi32, #tpu.memory_space<vmem>>
      %scatter3A_1062 = tpu.memref_squeeze %scatter3A_1061 : memref<1x32x10xi32, #tpu.memory_space<vmem>> -> memref<32x10xi32, #tpu.memory_space<vmem>>
      tpu.vector_store_idx %scatter3A_1062[%sub3A_1042, %sub3A], %gather3A_1046 : memref<32x10xi32, #tpu.memory_space<vmem>>[vector<16xi32>, vector<16xi32>], vector<16xi32>,
      %scan3A_1063 = arith.constant 1 : i32
      %scan3A_1064 = arith.addi %scan3A_1028, %scan3A_1063 : i32
      %mul3A_1065 = arith.constant 16 : i32
      %mul3A_1066 = arith.muli %scan3A_1064, %mul3A_1065 : i32
      %add3A_1067 = arith.constant 640 : i32
      %add3A_1068 = arith.addi %add3A_1067, %mul3A_1066 : i32
      %add3A_1069 = vector.broadcast %add3A_1068 : i32 to vector<16xi32>
      %add3A_1070 = arith.addi %add3A_1069, %iota3A : vector<16xi32>
      %div3A_1071 = arith.constant 10 : i32
      %div3A_1072 = vector.broadcast %div3A_1071 : i32 to vector<16xi32>
      %div3A_1073 = arith.divsi %add3A_1070, %div3A_1072 : vector<16xi32>
      %mul3A_1074 = arith.constant 10 : i32
      %mul3A_1075 = vector.broadcast %mul3A_1074 : i32 to vector<16xi32>
      %mul3A_1076 = arith.muli %div3A_1073, %mul3A_1075 : vector<16xi32>
      %sub3A_1077 = arith.subi %add3A_1070, %mul3A_1076 : vector<16xi32>
      %sub3A_1078 = arith.constant 64 : i32
      %sub3A_1079 = vector.broadcast %sub3A_1078 : i32 to vector<16xi32>
      %sub3A_1080 = arith.subi %div3A_1073, %sub3A_1079 : vector<16xi32>
      %gather3A_1081 = tpu.vector_load_idx %arg11[%div3A_1073] : memref<256xi32, #tpu.memory_space<vmem>>[vector<16xi32>], vector<16xi32>,
      %gather3A_1082 = tpu.vector_load_idx %arg13[%div3A_1073] : memref<256xf32, #tpu.memory_space<vmem>>[vector<16xi32>], vector<16xf32>,
      %gather3A_1083 = tpu.vector_load_idx %arg14[%div3A_1073] : memref<256xi32, #tpu.memory_space<vmem>>[vector<16xi32>], vector<16xi32>,
      %gather3A_1084 = tpu.vector_load_idx %arg15[%div3A_1073] : memref<256xi32, #tpu.memory_space<vmem>>[vector<16xi32>], vector<16xi32>,
      %gather3A_1085 = tpu.vector_load_idx %arg16[%div3A_1073] : memref<256xi32, #tpu.memory_space<vmem>>[vector<16xi32>], vector<16xi32>,
      %gather3A_1086 = tpu.vector_load_idx %arg17[%div3A_1073, %sub3A_1077] : memref<256x10xf32, #tpu.memory_space<vmem>>[vector<16xi32>, vector<16xi32>], vector<16xf32>,
      %mul3A_1087 = arith.mulf %gather3A_1086, %gather3A_1082 : vector<16xf32>
      %convert_element_type3A_1088 = arith.fptosi %mul3A_1087 : vector<16xf32> to vector<16xi32>
      %min3A_1089 = arith.minsi %convert_element_type3A_1088, %gather3A_1083 : vector<16xi32>
      %add3A_1090 = arith.addi %gather3A_1081, %min3A_1089 : vector<16xi32>
      %min3A_1091 = arith.constant 1599999 : i32
      %min3A_1092 = vector.broadcast %min3A_1091 : i32 to vector<16xi32>
      %min3A_1093 = arith.minsi %add3A_1090, %min3A_1092 : vector<16xi32>
      %swap3A_1094 = arith.index_cast %add3A_1068 : i32 to index
      %swap3A_1095 = tpu.vector_load %arg18[%swap3A_1094] {strides = array<i32>} : memref<2560xi32, #tpu.memory_space<vmem>>, vector<16xi32>,
      tpu.vector_store %arg18[%swap3A_1094], %min3A_1093 {strides = array<i32>} : memref<2560xi32, #tpu.memory_space<vmem>>, vector<16xi32>,
      %scatter3A_1096 = arith.constant 0 : i32
      %scatter3A_1097 = arith.constant 0 : i32
      %scatter3A_1098 = arith.constant 0 : i32
      %scatter3A_1099 = tpu.memref_slice %arg20[%scatter3A_1096, %scatter3A_1097, %scatter3A_1098] : memref<2x32x10xi32, #tpu.memory_space<vmem>> -> memref<1x32x10xi32, #tpu.memory_space<vmem>>
      %scatter3A_1100 = tpu.memref_squeeze %scatter3A_1099 : memref<1x32x10xi32, #tpu.memory_space<vmem>> -> memref<32x10xi32, #tpu.memory_space<vmem>>
      tpu.vector_store_idx %scatter3A_1100[%sub3A_1080, %sub3A_1077], %gather3A_1084 : memref<32x10xi32, #tpu.memory_space<vmem>>[vector<16xi32>, vector<16xi32>], vector<16xi32>,
      %scatter3A_1101 = arith.constant 0 : i32
      %scatter3A_1102 = arith.constant 0 : i32
      %scatter3A_1103 = arith.constant 0 : i32
      %scatter3A_1104 = tpu.memref_slice %arg22[%scatter3A_1101, %scatter3A_1102, %scatter3A_1103] : memref<2x32x10xi32, #tpu.memory_space<vmem>> -> memref<1x32x10xi32, #tpu.memory_space<vmem>>
      %scatter3A_1105 = tpu.memref_squeeze %scatter3A_1104 : memref<1x32x10xi32, #tpu.memory_space<vmem>> -> memref<32x10xi32, #tpu.memory_space<vmem>>
      tpu.vector_store_idx %scatter3A_1105[%sub3A_1080, %sub3A_1077], %gather3A_1085 : memref<32x10xi32, #tpu.memory_space<vmem>>[vector<16xi32>, vector<16xi32>], vector<16xi32>,
    }
    %scan3A_219 = arith.constant 20 : i32
    %dma_start3A_220 = arith.constant 640 : i32
    %dma_start3A_221 = tpu.memref_slice %arg19[%dma_start3A_220] : memref<2560xi32, #tpu.memory_space<vmem>> -> memref<320xi32, #tpu.memory_space<vmem>>
    %dma_start3A_222 = arith.constant 640 : i32
    %dma_start3A_223 = tpu.memref_slice %arg18[%dma_start3A_222] : memref<2560xi32, #tpu.memory_space<vmem>> -> memref<320xi32, #tpu.memory_space<vmem>>
    %dma_start3A_224 = arith.constant 0 : i32
    %dma_start3A_225 = tpu.memref_slice %arg5[%dma_start3A_224] : memref<1600000xi32, #tpu.memory_space<hbm>> -> memref<1600000xi32, #tpu.memory_space<hbm>>
    tpu.enqueue_indirect_dma source(%dma_start3A_225 : memref<1600000xi32, #tpu.memory_space<hbm>>) target(%dma_start3A_221 : memref<320xi32, #tpu.memory_space<vmem>>) offsets(%dma_start3A_223 : memref<320xi32, #tpu.memory_space<vmem>>) semaphore(%arg23 : memref<!tpu.dma_semaphore, #tpu.memory_space<semaphore_mem>>)
    %dma_wait3A_226 = arith.constant 320 : i32
    %dma_wait3A_227 = tpu.memref_slice %arg19[%dma_wait3A_226] : memref<2560xi32, #tpu.memory_space<vmem>> -> memref<320xi32, #tpu.memory_space<vmem>>
    %dma_wait3A_228 = arith.constant 320 : i32
    %dma_wait3A_229 = tpu.memref_slice %arg18[%dma_wait3A_228] : memref<2560xi32, #tpu.memory_space<vmem>> -> memref<320xi32, #tpu.memory_space<vmem>>
    %dma_wait3A_230 = arith.constant 0 : i32
    %dma_wait3A_231 = tpu.memref_slice %arg5[%dma_wait3A_230] : memref<1600000xi32, #tpu.memory_space<hbm>> -> memref<1600000xi32, #tpu.memory_space<hbm>>
    tpu.wait_indirect_dma semaphore(%arg24 : memref<!tpu.dma_semaphore, #tpu.memory_space<semaphore_mem>>) src(%dma_wait3A_231 : memref<1600000xi32, #tpu.memory_space<hbm>>) dst(%dma_wait3A_227 : memref<320xi32, #tpu.memory_space<vmem>>)
    %scan3A_232 = arith.constant 0 : i32
    %scan3A_233 = arith.constant 0 : i32
    %scan3A_234 = arith.constant 20 : i32
    %scan3A_235 = arith.addi %scan3A_233, %scan3A_234 : i32
    %scan3A_236 = arith.constant 2 : i32
    scf.for %scan3A_1028 = %scan3A_233 to %scan3A_235 step %scan3A_236  : i32 {
      %mul3A_1029 = arith.constant 16 : i32
      %mul3A_1030 = arith.muli %scan3A_1028, %mul3A_1029 : i32
      %add3A_1031 = arith.constant 320 : i32
      %add3A_1032 = arith.addi %add3A_1031, %mul3A_1030 : i32
      %add3A_1033 = vector.broadcast %add3A_1032 : i32 to vector<16xi32>
      %add3A_1034 = arith.addi %add3A_1033, %iota3A : vector<16xi32>
      %div3A = arith.constant 10 : i32
      %div3A_1035 = vector.broadcast %div3A : i32 to vector<16xi32>
      %div3A_1036 = arith.divsi %add3A_1034, %div3A_1035 : vector<16xi32>
      %mul3A_1037 = arith.constant 10 : i32
      %mul3A_1038 = vector.broadcast %mul3A_1037 : i32 to vector<16xi32>
      %mul3A_1039 = arith.muli %div3A_1036, %mul3A_1038 : vector<16xi32>
      %sub3A = arith.subi %add3A_1034, %mul3A_1039 : vector<16xi32>
      %sub3A_1040 = arith.constant 32 : i32
      %sub3A_1041 = vector.broadcast %sub3A_1040 : i32 to vector<16xi32>
      %sub3A_1042 = arith.subi %div3A_1036, %sub3A_1041 : vector<16xi32>
      %gather3A = tpu.vector_load_idx %arg16[%div3A_1036] : memref<256xi32, #tpu.memory_space<vmem>>[vector<16xi32>], vector<16xi32>,
      %gt3A = arith.constant 0 : i32
      %gt3A_1043 = vector.broadcast %gt3A : i32 to vector<16xi32>
      %gt3A_1044 = arith.cmpi sgt, %gather3A, %gt3A_1043 : vector<16xi32>
      %get3A = arith.index_cast %add3A_1032 : i32 to index
      %get3A_1045 = tpu.vector_load %arg19[%get3A] {strides = array<i32>} : memref<2560xi32, #tpu.memory_space<vmem>>, vector<16xi32>,
      %jit3A = arith.constant -1 : i32
      %broadcast_in_dim3A = vector.broadcast %jit3A : i32 to vector<16xi32>
      %select_n3A = arith.select %gt3A_1044, %get3A_1045, %broadcast_in_dim3A : vector<16xi1>, vector<16xi32>
      %scatter3A = arith.constant 1 : i32
      %scatter3A_1046 = arith.constant 0 : i32
      %scatter3A_1047 = arith.constant 0 : i32
      %scatter3A_1048 = tpu.memref_slice %arg21[%scatter3A, %scatter3A_1046, %scatter3A_1047] : memref<2x32x10xi32, #tpu.memory_space<vmem>> -> memref<1x32x10xi32, #tpu.memory_space<vmem>>
      %scatter3A_1049 = tpu.memref_squeeze %scatter3A_1048 : memref<1x32x10xi32, #tpu.memory_space<vmem>> -> memref<32x10xi32, #tpu.memory_space<vmem>>
      tpu.vector_store_idx %scatter3A_1049[%sub3A_1042, %sub3A], %select_n3A : memref<32x10xi32, #tpu.memory_space<vmem>>[vector<16xi32>, vector<16xi32>], vector<16xi32>,
      %scan3A_1050 = arith.constant 1 : i32
      %scan3A_1051 = arith.addi %scan3A_1028, %scan3A_1050 : i32
      %mul3A_1052 = arith.constant 16 : i32
      %mul3A_1053 = arith.muli %scan3A_1051, %mul3A_1052 : i32
      %add3A_1054 = arith.constant 320 : i32
      %add3A_1055 = arith.addi %add3A_1054, %mul3A_1053 : i32
      %add3A_1056 = vector.broadcast %add3A_1055 : i32 to vector<16xi32>
      %add3A_1057 = arith.addi %add3A_1056, %iota3A : vector<16xi32>
      %div3A_1058 = arith.constant 10 : i32
      %div3A_1059 = vector.broadcast %div3A_1058 : i32 to vector<16xi32>
      %div3A_1060 = arith.divsi %add3A_1057, %div3A_1059 : vector<16xi32>
      %mul3A_1061 = arith.constant 10 : i32
      %mul3A_1062 = vector.broadcast %mul3A_1061 : i32 to vector<16xi32>
      %mul3A_1063 = arith.muli %div3A_1060, %mul3A_1062 : vector<16xi32>
      %sub3A_1064 = arith.subi %add3A_1057, %mul3A_1063 : vector<16xi32>
      %sub3A_1065 = arith.constant 32 : i32
      %sub3A_1066 = vector.broadcast %sub3A_1065 : i32 to vector<16xi32>
      %sub3A_1067 = arith.subi %div3A_1060, %sub3A_1066 : vector<16xi32>
      %gather3A_1068 = tpu.vector_load_idx %arg16[%div3A_1060] : memref<256xi32, #tpu.memory_space<vmem>>[vector<16xi32>], vector<16xi32>,
      %gt3A_1069 = arith.constant 0 : i32
      %gt3A_1070 = vector.broadcast %gt3A_1069 : i32 to vector<16xi32>
      %gt3A_1071 = arith.cmpi sgt, %gather3A_1068, %gt3A_1070 : vector<16xi32>
      %get3A_1072 = arith.index_cast %add3A_1055 : i32 to index
      %get3A_1073 = tpu.vector_load %arg19[%get3A_1072] {strides = array<i32>} : memref<2560xi32, #tpu.memory_space<vmem>>, vector<16xi32>,
      %jit3A_1074 = arith.constant -1 : i32
      %broadcast_in_dim3A_1075 = vector.broadcast %jit3A_1074 : i32 to vector<16xi32>
      %select_n3A_1076 = arith.select %gt3A_1071, %get3A_1073, %broadcast_in_dim3A_1075 : vector<16xi1>, vector<16xi32>
      %scatter3A_1077 = arith.constant 1 : i32
      %scatter3A_1078 = arith.constant 0 : i32
      %scatter3A_1079 = arith.constant 0 : i32
      %scatter3A_1080 = tpu.memref_slice %arg21[%scatter3A_1077, %scatter3A_1078, %scatter3A_1079] : memref<2x32x10xi32, #tpu.memory_space<vmem>> -> memref<1x32x10xi32, #tpu.memory_space<vmem>>
      %scatter3A_1081 = tpu.memref_squeeze %scatter3A_1080 : memref<1x32x10xi32, #tpu.memory_space<vmem>> -> memref<32x10xi32, #tpu.memory_space<vmem>>
      tpu.vector_store_idx %scatter3A_1081[%sub3A_1067, %sub3A_1064], %select_n3A_1076 : memref<32x10xi32, #tpu.memory_space<vmem>>[vector<16xi32>, vector<16xi32>], vector<16xi32>,
    }
    %scan3A_237 = arith.constant 20 : i32
    %add3A_238 = arith.constant 32 : i32
    %add3A_239 = arith.addi %mul3A_2, %add3A_238 : i32
    %dma_start3A_240 = arith.constant 1 : i32
    %dma_start3A_241 = arith.constant 0 : i32
    %dma_start3A_242 = arith.constant 0 : i32
    %dma_start3A_243 = tpu.memref_slice %arg20[%dma_start3A_240, %dma_start3A_241, %dma_start3A_242] : memref<2x32x10xi32, #tpu.memory_space<vmem>> -> memref<1x32x10xi32, #tpu.memory_space<vmem>>
    %dma_start3A_244 = tpu.memref_squeeze %dma_start3A_243 : memref<1x32x10xi32, #tpu.memory_space<vmem>> -> memref<32x10xi32, #tpu.memory_space<vmem>>
    %dma_start3A_245 = arith.constant 0 : i32
    %dma_start3A_246 = tpu.memref_slice %arg6[%add3A_239, %dma_start3A_245] : memref<8192x10xi32, #tpu.memory_space<hbm>> -> memref<32x10xi32, #tpu.memory_space<hbm>>
    %dma_start3A_247 = arith.constant 0 : i32
    %dma_start3A_248 = tpu.memref_slice %arg6[%add3A_239, %dma_start3A_247] : memref<8192x10xi32, #tpu.memory_space<hbm>> -> memref<32x10xi32, #tpu.memory_space<hbm>>
    %dma_start3A_249 = arith.constant 0 : i32
    %dma_start3A_250 = arith.constant 0 : i32
    %dma_start3A_251 = tpu.memref_slice %arg20[%dma_start3A_240, %dma_start3A_249, %dma_start3A_250] : memref<2x32x10xi32, #tpu.memory_space<vmem>> -> memref<1x32x10xi32, #tpu.memory_space<vmem>>
    %dma_start3A_252 = tpu.memref_squeeze %dma_start3A_251 : memref<1x32x10xi32, #tpu.memory_space<vmem>> -> memref<32x10xi32, #tpu.memory_space<vmem>>
    tpu.enqueue_dma source(%dma_start3A_252 : memref<32x10xi32, #tpu.memory_space<vmem>>) target(%dma_start3A_248 : memref<32x10xi32, #tpu.memory_space<hbm>>) target_semaphore(%arg27 : memref<!tpu.dma_semaphore, #tpu.memory_space<semaphore_mem>>)
    %dma_start3A_253 = arith.constant 1 : i32
    %dma_start3A_254 = arith.constant 0 : i32
    %dma_start3A_255 = arith.constant 0 : i32
    %dma_start3A_256 = tpu.memref_slice %arg21[%dma_start3A_253, %dma_start3A_254, %dma_start3A_255] : memref<2x32x10xi32, #tpu.memory_space<vmem>> -> memref<1x32x10xi32, #tpu.memory_space<vmem>>
    %dma_start3A_257 = tpu.memref_squeeze %dma_start3A_256 : memref<1x32x10xi32, #tpu.memory_space<vmem>> -> memref<32x10xi32, #tpu.memory_space<vmem>>
    %dma_start3A_258 = arith.constant 0 : i32
    %dma_start3A_259 = tpu.memref_slice %arg7[%add3A_239, %dma_start3A_258] : memref<8192x10xi32, #tpu.memory_space<hbm>> -> memref<32x10xi32, #tpu.memory_space<hbm>>
    %dma_start3A_260 = arith.constant 0 : i32
    %dma_start3A_261 = tpu.memref_slice %arg7[%add3A_239, %dma_start3A_260] : memref<8192x10xi32, #tpu.memory_space<hbm>> -> memref<32x10xi32, #tpu.memory_space<hbm>>
    %dma_start3A_262 = arith.constant 0 : i32
    %dma_start3A_263 = arith.constant 0 : i32
    %dma_start3A_264 = tpu.memref_slice %arg21[%dma_start3A_253, %dma_start3A_262, %dma_start3A_263] : memref<2x32x10xi32, #tpu.memory_space<vmem>> -> memref<1x32x10xi32, #tpu.memory_space<vmem>>
    %dma_start3A_265 = tpu.memref_squeeze %dma_start3A_264 : memref<1x32x10xi32, #tpu.memory_space<vmem>> -> memref<32x10xi32, #tpu.memory_space<vmem>>
    tpu.enqueue_dma source(%dma_start3A_265 : memref<32x10xi32, #tpu.memory_space<vmem>>) target(%dma_start3A_261 : memref<32x10xi32, #tpu.memory_space<hbm>>) target_semaphore(%arg27 : memref<!tpu.dma_semaphore, #tpu.memory_space<semaphore_mem>>)
    %dma_start3A_266 = arith.constant 1 : i32
    %dma_start3A_267 = arith.constant 0 : i32
    %dma_start3A_268 = arith.constant 0 : i32
    %dma_start3A_269 = tpu.memref_slice %arg22[%dma_start3A_266, %dma_start3A_267, %dma_start3A_268] : memref<2x32x10xi32, #tpu.memory_space<vmem>> -> memref<1x32x10xi32, #tpu.memory_space<vmem>>
    %dma_start3A_270 = tpu.memref_squeeze %dma_start3A_269 : memref<1x32x10xi32, #tpu.memory_space<vmem>> -> memref<32x10xi32, #tpu.memory_space<vmem>>
    %dma_start3A_271 = arith.constant 0 : i32
    %dma_start3A_272 = tpu.memref_slice %arg8[%add3A_239, %dma_start3A_271] : memref<8192x10xi32, #tpu.memory_space<hbm>> -> memref<32x10xi32, #tpu.memory_space<hbm>>
    %dma_start3A_273 = arith.constant 0 : i32
    %dma_start3A_274 = tpu.memref_slice %arg8[%add3A_239, %dma_start3A_273] : memref<8192x10xi32, #tpu.memory_space<hbm>> -> memref<32x10xi32, #tpu.memory_space<hbm>>
    %dma_start3A_275 = arith.constant 0 : i32
    %dma_start3A_276 = arith.constant 0 : i32
    %dma_start3A_277 = tpu.memref_slice %arg22[%dma_start3A_266, %dma_start3A_275, %dma_start3A_276] : memref<2x32x10xi32, #tpu.memory_space<vmem>> -> memref<1x32x10xi32, #tpu.memory_space<vmem>>
    %dma_start3A_278 = tpu.memref_squeeze %dma_start3A_277 : memref<1x32x10xi32, #tpu.memory_space<vmem>> -> memref<32x10xi32, #tpu.memory_space<vmem>>
    tpu.enqueue_dma source(%dma_start3A_278 : memref<32x10xi32, #tpu.memory_space<vmem>>) target(%dma_start3A_274 : memref<32x10xi32, #tpu.memory_space<hbm>>) target_semaphore(%arg27 : memref<!tpu.dma_semaphore, #tpu.memory_space<semaphore_mem>>)
    %dma_wait3A_279 = arith.constant 1 : i32
    %dma_wait3A_280 = arith.constant 0 : i32
    %dma_wait3A_281 = arith.constant 0 : i32
    %dma_wait3A_282 = tpu.memref_slice %arg20[%dma_wait3A_279, %dma_wait3A_280, %dma_wait3A_281] : memref<2x32x10xi32, #tpu.memory_space<vmem>> -> memref<1x32x10xi32, #tpu.memory_space<vmem>>
    %dma_wait3A_283 = tpu.memref_squeeze %dma_wait3A_282 : memref<1x32x10xi32, #tpu.memory_space<vmem>> -> memref<32x10xi32, #tpu.memory_space<vmem>>
    %dma_wait3A_284 = arith.constant 0 : i32
    %dma_wait3A_285 = tpu.memref_slice %arg6[%add3A_239, %dma_wait3A_284] : memref<8192x10xi32, #tpu.memory_space<hbm>> -> memref<32x10xi32, #tpu.memory_space<hbm>>
    %dma_wait3A_286 = arith.constant 0 : i32
    %dma_wait3A_287 = tpu.memref_slice %arg6[%add3A_239, %dma_wait3A_286] : memref<8192x10xi32, #tpu.memory_space<hbm>> -> memref<32x10xi32, #tpu.memory_space<hbm>>
    %dma_wait3A_288 = arith.constant 0 : i32
    %dma_wait3A_289 = arith.constant 0 : i32
    %dma_wait3A_290 = tpu.memref_slice %arg20[%dma_wait3A_279, %dma_wait3A_288, %dma_wait3A_289] : memref<2x32x10xi32, #tpu.memory_space<vmem>> -> memref<1x32x10xi32, #tpu.memory_space<vmem>>
    %dma_wait3A_291 = tpu.memref_squeeze %dma_wait3A_290 : memref<1x32x10xi32, #tpu.memory_space<vmem>> -> memref<32x10xi32, #tpu.memory_space<vmem>>
    tpu.wait_dma2 semaphore(%arg27 : memref<!tpu.dma_semaphore, #tpu.memory_space<semaphore_mem>>) src(%dma_wait3A_291 : memref<32x10xi32, #tpu.memory_space<vmem>>) dst(%dma_wait3A_287 : memref<32x10xi32, #tpu.memory_space<hbm>>)
    %dma_wait3A_292 = arith.constant 1 : i32
    %dma_wait3A_293 = arith.constant 0 : i32
    %dma_wait3A_294 = arith.constant 0 : i32
    %dma_wait3A_295 = tpu.memref_slice %arg21[%dma_wait3A_292, %dma_wait3A_293, %dma_wait3A_294] : memref<2x32x10xi32, #tpu.memory_space<vmem>> -> memref<1x32x10xi32, #tpu.memory_space<vmem>>
    %dma_wait3A_296 = tpu.memref_squeeze %dma_wait3A_295 : memref<1x32x10xi32, #tpu.memory_space<vmem>> -> memref<32x10xi32, #tpu.memory_space<vmem>>
    %dma_wait3A_297 = arith.constant 0 : i32
    %dma_wait3A_298 = tpu.memref_slice %arg7[%add3A_239, %dma_wait3A_297] : memref<8192x10xi32, #tpu.memory_space<hbm>> -> memref<32x10xi32, #tpu.memory_space<hbm>>
    %dma_wait3A_299 = arith.constant 0 : i32
    %dma_wait3A_300 = tpu.memref_slice %arg7[%add3A_239, %dma_wait3A_299] : memref<8192x10xi32, #tpu.memory_space<hbm>> -> memref<32x10xi32, #tpu.memory_space<hbm>>
    %dma_wait3A_301 = arith.constant 0 : i32
    %dma_wait3A_302 = arith.constant 0 : i32
    %dma_wait3A_303 = tpu.memref_slice %arg21[%dma_wait3A_292, %dma_wait3A_301, %dma_wait3A_302] : memref<2x32x10xi32, #tpu.memory_space<vmem>> -> memref<1x32x10xi32, #tpu.memory_space<vmem>>
    %dma_wait3A_304 = tpu.memref_squeeze %dma_wait3A_303 : memref<1x32x10xi32, #tpu.memory_space<vmem>> -> memref<32x10xi32, #tpu.memory_space<vmem>>
    tpu.wait_dma2 semaphore(%arg27 : memref<!tpu.dma_semaphore, #tpu.memory_space<semaphore_mem>>) src(%dma_wait3A_304 : memref<32x10xi32, #tpu.memory_space<vmem>>) dst(%dma_wait3A_300 : memref<32x10xi32, #tpu.memory_space<hbm>>)
    %dma_wait3A_305 = arith.constant 1 : i32
    %dma_wait3A_306 = arith.constant 0 : i32
    %dma_wait3A_307 = arith.constant 0 : i32
    %dma_wait3A_308 = tpu.memref_slice %arg22[%dma_wait3A_305, %dma_wait3A_306, %dma_wait3A_307] : memref<2x32x10xi32, #tpu.memory_space<vmem>> -> memref<1x32x10xi32, #tpu.memory_space<vmem>>
    %dma_wait3A_309 = tpu.memref_squeeze %dma_wait3A_308 : memref<1x32x10xi32, #tpu.memory_space<vmem>> -> memref<32x10xi32, #tpu.memory_space<vmem>>
    %dma_wait3A_310 = arith.constant 0 : i32
    %dma_wait3A_311 = tpu.memref_slice %arg8[%add3A_239, %dma_wait3A_310] : memref<8192x10xi32, #tpu.memory_space<hbm>> -> memref<32x10xi32, #tpu.memory_space<hbm>>
    %dma_wait3A_312 = arith.constant 0 : i32
    %dma_wait3A_313 = tpu.memref_slice %arg8[%add3A_239, %dma_wait3A_312] : memref<8192x10xi32, #tpu.memory_space<hbm>> -> memref<32x10xi32, #tpu.memory_space<hbm>>
    %dma_wait3A_314 = arith.constant 0 : i32
    %dma_wait3A_315 = arith.constant 0 : i32
    %dma_wait3A_316 = tpu.memref_slice %arg22[%dma_wait3A_305, %dma_wait3A_314, %dma_wait3A_315] : memref<2x32x10xi32, #tpu.memory_space<vmem>> -> memref<1x32x10xi32, #tpu.memory_space<vmem>>
    %dma_wait3A_317 = tpu.memref_squeeze %dma_wait3A_316 : memref<1x32x10xi32, #tpu.memory_space<vmem>> -> memref<32x10xi32, #tpu.memory_space<vmem>>
    tpu.wait_dma2 semaphore(%arg27 : memref<!tpu.dma_semaphore, #tpu.memory_space<semaphore_mem>>) src(%dma_wait3A_317 : memref<32x10xi32, #tpu.memory_space<vmem>>) dst(%dma_wait3A_313 : memref<32x10xi32, #tpu.memory_space<hbm>>)
    %dma_wait3A_318 = arith.constant 96 : i32
    %dma_wait3A_319 = arith.constant 0 : i32
    %dma_wait3A_320 = tpu.memref_slice %arg17[%dma_wait3A_318, %dma_wait3A_319] : memref<256x10xf32, #tpu.memory_space<vmem>> -> memref<32x10xf32, #tpu.memory_space<vmem>>
    %dma_wait3A_321 = arith.constant 0 : i32
    %dma_wait3A_322 = tpu.memref_slice %arg3[%add3A_203, %dma_wait3A_321] : memref<8192x10xf32, #tpu.memory_space<hbm>> -> memref<32x10xf32, #tpu.memory_space<hbm>>
    %dma_wait3A_323 = arith.constant 96 : i32
    %dma_wait3A_324 = arith.constant 0 : i32
    %dma_wait3A_325 = tpu.memref_slice %arg17[%dma_wait3A_323, %dma_wait3A_324] : memref<256x10xf32, #tpu.memory_space<vmem>> -> memref<32x10xf32, #tpu.memory_space<vmem>>
    %dma_wait3A_326 = arith.constant 0 : i32
    %dma_wait3A_327 = tpu.memref_slice %arg3[%add3A_203, %dma_wait3A_326] : memref<8192x10xf32, #tpu.memory_space<hbm>> -> memref<32x10xf32, #tpu.memory_space<hbm>>
    tpu.wait_dma2 semaphore(%arg25 : memref<!tpu.dma_semaphore, #tpu.memory_space<semaphore_mem>>) src(%dma_wait3A_327 : memref<32x10xf32, #tpu.memory_space<hbm>>) dst(%dma_wait3A_325 : memref<32x10xf32, #tpu.memory_space<vmem>>)
    %add3A_328 = arith.constant 128 : i32
    %add3A_329 = arith.addi %mul3A_2, %add3A_328 : i32
    %dma_start3A_330 = arith.constant 128 : i32
    %dma_start3A_331 = arith.constant 0 : i32
    %dma_start3A_332 = tpu.memref_slice %arg17[%dma_start3A_330, %dma_start3A_331] : memref<256x10xf32, #tpu.memory_space<vmem>> -> memref<32x10xf32, #tpu.memory_space<vmem>>
    %dma_start3A_333 = arith.constant 0 : i32
    %dma_start3A_334 = tpu.memref_slice %arg3[%add3A_329, %dma_start3A_333] : memref<8192x10xf32, #tpu.memory_space<hbm>> -> memref<32x10xf32, #tpu.memory_space<hbm>>
    %dma_start3A_335 = arith.constant 128 : i32
    %dma_start3A_336 = arith.constant 0 : i32
    %dma_start3A_337 = tpu.memref_slice %arg17[%dma_start3A_335, %dma_start3A_336] : memref<256x10xf32, #tpu.memory_space<vmem>> -> memref<32x10xf32, #tpu.memory_space<vmem>>
    %dma_start3A_338 = arith.constant 0 : i32
    %dma_start3A_339 = tpu.memref_slice %arg3[%add3A_329, %dma_start3A_338] : memref<8192x10xf32, #tpu.memory_space<hbm>> -> memref<32x10xf32, #tpu.memory_space<hbm>>
    tpu.enqueue_dma source(%dma_start3A_339 : memref<32x10xf32, #tpu.memory_space<hbm>>) target(%dma_start3A_337 : memref<32x10xf32, #tpu.memory_space<vmem>>) target_semaphore(%arg25 : memref<!tpu.dma_semaphore, #tpu.memory_space<semaphore_mem>>)
    %scan3A_340 = arith.constant 0 : i32
    %scan3A_341 = arith.constant 0 : i32
    %scan3A_342 = arith.constant 20 : i32
    %scan3A_343 = arith.addi %scan3A_341, %scan3A_342 : i32
    %scan3A_344 = arith.constant 2 : i32
    scf.for %scan3A_1028 = %scan3A_341 to %scan3A_343 step %scan3A_344  : i32 {
      %mul3A_1029 = arith.constant 16 : i32
      %mul3A_1030 = arith.muli %scan3A_1028, %mul3A_1029 : i32
      %add3A_1031 = arith.constant 960 : i32
      %add3A_1032 = arith.addi %add3A_1031, %mul3A_1030 : i32
      %add3A_1033 = vector.broadcast %add3A_1032 : i32 to vector<16xi32>
      %add3A_1034 = arith.addi %add3A_1033, %iota3A : vector<16xi32>
      %div3A = arith.constant 10 : i32
      %div3A_1035 = vector.broadcast %div3A : i32 to vector<16xi32>
      %div3A_1036 = arith.divsi %add3A_1034, %div3A_1035 : vector<16xi32>
      %mul3A_1037 = arith.constant 10 : i32
      %mul3A_1038 = vector.broadcast %mul3A_1037 : i32 to vector<16xi32>
      %mul3A_1039 = arith.muli %div3A_1036, %mul3A_1038 : vector<16xi32>
      %sub3A = arith.subi %add3A_1034, %mul3A_1039 : vector<16xi32>
      %sub3A_1040 = arith.constant 96 : i32
      %sub3A_1041 = vector.broadcast %sub3A_1040 : i32 to vector<16xi32>
      %sub3A_1042 = arith.subi %div3A_1036, %sub3A_1041 : vector<16xi32>
      %gather3A = tpu.vector_load_idx %arg11[%div3A_1036] : memref<256xi32, #tpu.memory_space<vmem>>[vector<16xi32>], vector<16xi32>,
      %gather3A_1043 = tpu.vector_load_idx %arg13[%div3A_1036] : memref<256xf32, #tpu.memory_space<vmem>>[vector<16xi32>], vector<16xf32>,
      %gather3A_1044 = tpu.vector_load_idx %arg14[%div3A_1036] : memref<256xi32, #tpu.memory_space<vmem>>[vector<16xi32>], vector<16xi32>,
      %gather3A_1045 = tpu.vector_load_idx %arg15[%div3A_1036] : memref<256xi32, #tpu.memory_space<vmem>>[vector<16xi32>], vector<16xi32>,
      %gather3A_1046 = tpu.vector_load_idx %arg16[%div3A_1036] : memref<256xi32, #tpu.memory_space<vmem>>[vector<16xi32>], vector<16xi32>,
      %gather3A_1047 = tpu.vector_load_idx %arg17[%div3A_1036, %sub3A] : memref<256x10xf32, #tpu.memory_space<vmem>>[vector<16xi32>, vector<16xi32>], vector<16xf32>,
      %mul3A_1048 = arith.mulf %gather3A_1047, %gather3A_1043 : vector<16xf32>
      %convert_element_type3A = arith.fptosi %mul3A_1048 : vector<16xf32> to vector<16xi32>
      %min3A = arith.minsi %convert_element_type3A, %gather3A_1044 : vector<16xi32>
      %add3A_1049 = arith.addi %gather3A, %min3A : vector<16xi32>
      %min3A_1050 = arith.constant 1599999 : i32
      %min3A_1051 = vector.broadcast %min3A_1050 : i32 to vector<16xi32>
      %min3A_1052 = arith.minsi %add3A_1049, %min3A_1051 : vector<16xi32>
      %swap3A = arith.index_cast %add3A_1032 : i32 to index
      %swap3A_1053 = tpu.vector_load %arg18[%swap3A] {strides = array<i32>} : memref<2560xi32, #tpu.memory_space<vmem>>, vector<16xi32>,
      tpu.vector_store %arg18[%swap3A], %min3A_1052 {strides = array<i32>} : memref<2560xi32, #tpu.memory_space<vmem>>, vector<16xi32>,
      %scatter3A = arith.constant 1 : i32
      %scatter3A_1054 = arith.constant 0 : i32
      %scatter3A_1055 = arith.constant 0 : i32
      %scatter3A_1056 = tpu.memref_slice %arg20[%scatter3A, %scatter3A_1054, %scatter3A_1055] : memref<2x32x10xi32, #tpu.memory_space<vmem>> -> memref<1x32x10xi32, #tpu.memory_space<vmem>>
      %scatter3A_1057 = tpu.memref_squeeze %scatter3A_1056 : memref<1x32x10xi32, #tpu.memory_space<vmem>> -> memref<32x10xi32, #tpu.memory_space<vmem>>
      tpu.vector_store_idx %scatter3A_1057[%sub3A_1042, %sub3A], %gather3A_1045 : memref<32x10xi32, #tpu.memory_space<vmem>>[vector<16xi32>, vector<16xi32>], vector<16xi32>,
      %scatter3A_1058 = arith.constant 1 : i32
      %scatter3A_1059 = arith.constant 0 : i32
      %scatter3A_1060 = arith.constant 0 : i32
      %scatter3A_1061 = tpu.memref_slice %arg22[%scatter3A_1058, %scatter3A_1059, %scatter3A_1060] : memref<2x32x10xi32, #tpu.memory_space<vmem>> -> memref<1x32x10xi32, #tpu.memory_space<vmem>>
      %scatter3A_1062 = tpu.memref_squeeze %scatter3A_1061 : memref<1x32x10xi32, #tpu.memory_space<vmem>> -> memref<32x10xi32, #tpu.memory_space<vmem>>
      tpu.vector_store_idx %scatter3A_1062[%sub3A_1042, %sub3A], %gather3A_1046 : memref<32x10xi32, #tpu.memory_space<vmem>>[vector<16xi32>, vector<16xi32>], vector<16xi32>,
      %scan3A_1063 = arith.constant 1 : i32
      %scan3A_1064 = arith.addi %scan3A_1028, %scan3A_1063 : i32
      %mul3A_1065 = arith.constant 16 : i32
      %mul3A_1066 = arith.muli %scan3A_1064, %mul3A_1065 : i32
      %add3A_1067 = arith.constant 960 : i32
      %add3A_1068 = arith.addi %add3A_1067, %mul3A_1066 : i32
      %add3A_1069 = vector.broadcast %add3A_1068 : i32 to vector<16xi32>
      %add3A_1070 = arith.addi %add3A_1069, %iota3A : vector<16xi32>
      %div3A_1071 = arith.constant 10 : i32
      %div3A_1072 = vector.broadcast %div3A_1071 : i32 to vector<16xi32>
      %div3A_1073 = arith.divsi %add3A_1070, %div3A_1072 : vector<16xi32>
      %mul3A_1074 = arith.constant 10 : i32
      %mul3A_1075 = vector.broadcast %mul3A_1074 : i32 to vector<16xi32>
      %mul3A_1076 = arith.muli %div3A_1073, %mul3A_1075 : vector<16xi32>
      %sub3A_1077 = arith.subi %add3A_1070, %mul3A_1076 : vector<16xi32>
      %sub3A_1078 = arith.constant 96 : i32
      %sub3A_1079 = vector.broadcast %sub3A_1078 : i32 to vector<16xi32>
      %sub3A_1080 = arith.subi %div3A_1073, %sub3A_1079 : vector<16xi32>
      %gather3A_1081 = tpu.vector_load_idx %arg11[%div3A_1073] : memref<256xi32, #tpu.memory_space<vmem>>[vector<16xi32>], vector<16xi32>,
      %gather3A_1082 = tpu.vector_load_idx %arg13[%div3A_1073] : memref<256xf32, #tpu.memory_space<vmem>>[vector<16xi32>], vector<16xf32>,
      %gather3A_1083 = tpu.vector_load_idx %arg14[%div3A_1073] : memref<256xi32, #tpu.memory_space<vmem>>[vector<16xi32>], vector<16xi32>,
      %gather3A_1084 = tpu.vector_load_idx %arg15[%div3A_1073] : memref<256xi32, #tpu.memory_space<vmem>>[vector<16xi32>], vector<16xi32>,
      %gather3A_1085 = tpu.vector_load_idx %arg16[%div3A_1073] : memref<256xi32, #tpu.memory_space<vmem>>[vector<16xi32>], vector<16xi32>,
      %gather3A_1086 = tpu.vector_load_idx %arg17[%div3A_1073, %sub3A_1077] : memref<256x10xf32, #tpu.memory_space<vmem>>[vector<16xi32>, vector<16xi32>], vector<16xf32>,
      %mul3A_1087 = arith.mulf %gather3A_1086, %gather3A_1082 : vector<16xf32>
      %convert_element_type3A_1088 = arith.fptosi %mul3A_1087 : vector<16xf32> to vector<16xi32>
      %min3A_1089 = arith.minsi %convert_element_type3A_1088, %gather3A_1083 : vector<16xi32>
      %add3A_1090 = arith.addi %gather3A_1081, %min3A_1089 : vector<16xi32>
      %min3A_1091 = arith.constant 1599999 : i32
      %min3A_1092 = vector.broadcast %min3A_1091 : i32 to vector<16xi32>
      %min3A_1093 = arith.minsi %add3A_1090, %min3A_1092 : vector<16xi32>
      %swap3A_1094 = arith.index_cast %add3A_1068 : i32 to index
      %swap3A_1095 = tpu.vector_load %arg18[%swap3A_1094] {strides = array<i32>} : memref<2560xi32, #tpu.memory_space<vmem>>, vector<16xi32>,
      tpu.vector_store %arg18[%swap3A_1094], %min3A_1093 {strides = array<i32>} : memref<2560xi32, #tpu.memory_space<vmem>>, vector<16xi32>,
      %scatter3A_1096 = arith.constant 1 : i32
      %scatter3A_1097 = arith.constant 0 : i32
      %scatter3A_1098 = arith.constant 0 : i32
      %scatter3A_1099 = tpu.memref_slice %arg20[%scatter3A_1096, %scatter3A_1097, %scatter3A_1098] : memref<2x32x10xi32, #tpu.memory_space<vmem>> -> memref<1x32x10xi32, #tpu.memory_space<vmem>>
      %scatter3A_1100 = tpu.memref_squeeze %scatter3A_1099 : memref<1x32x10xi32, #tpu.memory_space<vmem>> -> memref<32x10xi32, #tpu.memory_space<vmem>>
      tpu.vector_store_idx %scatter3A_1100[%sub3A_1080, %sub3A_1077], %gather3A_1084 : memref<32x10xi32, #tpu.memory_space<vmem>>[vector<16xi32>, vector<16xi32>], vector<16xi32>,
      %scatter3A_1101 = arith.constant 1 : i32
      %scatter3A_1102 = arith.constant 0 : i32
      %scatter3A_1103 = arith.constant 0 : i32
      %scatter3A_1104 = tpu.memref_slice %arg22[%scatter3A_1101, %scatter3A_1102, %scatter3A_1103] : memref<2x32x10xi32, #tpu.memory_space<vmem>> -> memref<1x32x10xi32, #tpu.memory_space<vmem>>
      %scatter3A_1105 = tpu.memref_squeeze %scatter3A_1104 : memref<1x32x10xi32, #tpu.memory_space<vmem>> -> memref<32x10xi32, #tpu.memory_space<vmem>>
      tpu.vector_store_idx %scatter3A_1105[%sub3A_1080, %sub3A_1077], %gather3A_1085 : memref<32x10xi32, #tpu.memory_space<vmem>>[vector<16xi32>, vector<16xi32>], vector<16xi32>,
    }
    %scan3A_345 = arith.constant 20 : i32
    %dma_start3A_346 = arith.constant 960 : i32
    %dma_start3A_347 = tpu.memref_slice %arg19[%dma_start3A_346] : memref<2560xi32, #tpu.memory_space<vmem>> -> memref<320xi32, #tpu.memory_space<vmem>>
    %dma_start3A_348 = arith.constant 960 : i32
    %dma_start3A_349 = tpu.memref_slice %arg18[%dma_start3A_348] : memref<2560xi32, #tpu.memory_space<vmem>> -> memref<320xi32, #tpu.memory_space<vmem>>
    %dma_start3A_350 = arith.constant 0 : i32
    %dma_start3A_351 = tpu.memref_slice %arg5[%dma_start3A_350] : memref<1600000xi32, #tpu.memory_space<hbm>> -> memref<1600000xi32, #tpu.memory_space<hbm>>
    tpu.enqueue_indirect_dma source(%dma_start3A_351 : memref<1600000xi32, #tpu.memory_space<hbm>>) target(%dma_start3A_347 : memref<320xi32, #tpu.memory_space<vmem>>) offsets(%dma_start3A_349 : memref<320xi32, #tpu.memory_space<vmem>>) semaphore(%arg24 : memref<!tpu.dma_semaphore, #tpu.memory_space<semaphore_mem>>)
    %dma_wait3A_352 = arith.constant 640 : i32
    %dma_wait3A_353 = tpu.memref_slice %arg19[%dma_wait3A_352] : memref<2560xi32, #tpu.memory_space<vmem>> -> memref<320xi32, #tpu.memory_space<vmem>>
    %dma_wait3A_354 = arith.constant 640 : i32
    %dma_wait3A_355 = tpu.memref_slice %arg18[%dma_wait3A_354] : memref<2560xi32, #tpu.memory_space<vmem>> -> memref<320xi32, #tpu.memory_space<vmem>>
    %dma_wait3A_356 = arith.constant 0 : i32
    %dma_wait3A_357 = tpu.memref_slice %arg5[%dma_wait3A_356] : memref<1600000xi32, #tpu.memory_space<hbm>> -> memref<1600000xi32, #tpu.memory_space<hbm>>
    tpu.wait_indirect_dma semaphore(%arg23 : memref<!tpu.dma_semaphore, #tpu.memory_space<semaphore_mem>>) src(%dma_wait3A_357 : memref<1600000xi32, #tpu.memory_space<hbm>>) dst(%dma_wait3A_353 : memref<320xi32, #tpu.memory_space<vmem>>)
    %scan3A_358 = arith.constant 0 : i32
    %scan3A_359 = arith.constant 0 : i32
    %scan3A_360 = arith.constant 20 : i32
    %scan3A_361 = arith.addi %scan3A_359, %scan3A_360 : i32
    %scan3A_362 = arith.constant 2 : i32
    scf.for %scan3A_1028 = %scan3A_359 to %scan3A_361 step %scan3A_362  : i32 {
      %mul3A_1029 = arith.constant 16 : i32
      %mul3A_1030 = arith.muli %scan3A_1028, %mul3A_1029 : i32
      %add3A_1031 = arith.constant 640 : i32
      %add3A_1032 = arith.addi %add3A_1031, %mul3A_1030 : i32
      %add3A_1033 = vector.broadcast %add3A_1032 : i32 to vector<16xi32>
      %add3A_1034 = arith.addi %add3A_1033, %iota3A : vector<16xi32>
      %div3A = arith.constant 10 : i32
      %div3A_1035 = vector.broadcast %div3A : i32 to vector<16xi32>
      %div3A_1036 = arith.divsi %add3A_1034, %div3A_1035 : vector<16xi32>
      %mul3A_1037 = arith.constant 10 : i32
      %mul3A_1038 = vector.broadcast %mul3A_1037 : i32 to vector<16xi32>
      %mul3A_1039 = arith.muli %div3A_1036, %mul3A_1038 : vector<16xi32>
      %sub3A = arith.subi %add3A_1034, %mul3A_1039 : vector<16xi32>
      %sub3A_1040 = arith.constant 64 : i32
      %sub3A_1041 = vector.broadcast %sub3A_1040 : i32 to vector<16xi32>
      %sub3A_1042 = arith.subi %div3A_1036, %sub3A_1041 : vector<16xi32>
      %gather3A = tpu.vector_load_idx %arg16[%div3A_1036] : memref<256xi32, #tpu.memory_space<vmem>>[vector<16xi32>], vector<16xi32>,
      %gt3A = arith.constant 0 : i32
      %gt3A_1043 = vector.broadcast %gt3A : i32 to vector<16xi32>
      %gt3A_1044 = arith.cmpi sgt, %gather3A, %gt3A_1043 : vector<16xi32>
      %get3A = arith.index_cast %add3A_1032 : i32 to index
      %get3A_1045 = tpu.vector_load %arg19[%get3A] {strides = array<i32>} : memref<2560xi32, #tpu.memory_space<vmem>>, vector<16xi32>,
      %jit3A = arith.constant -1 : i32
      %broadcast_in_dim3A = vector.broadcast %jit3A : i32 to vector<16xi32>
      %select_n3A = arith.select %gt3A_1044, %get3A_1045, %broadcast_in_dim3A : vector<16xi1>, vector<16xi32>
      %scatter3A = arith.constant 0 : i32
      %scatter3A_1046 = arith.constant 0 : i32
      %scatter3A_1047 = arith.constant 0 : i32
      %scatter3A_1048 = tpu.memref_slice %arg21[%scatter3A, %scatter3A_1046, %scatter3A_1047] : memref<2x32x10xi32, #tpu.memory_space<vmem>> -> memref<1x32x10xi32, #tpu.memory_space<vmem>>
      %scatter3A_1049 = tpu.memref_squeeze %scatter3A_1048 : memref<1x32x10xi32, #tpu.memory_space<vmem>> -> memref<32x10xi32, #tpu.memory_space<vmem>>
      tpu.vector_store_idx %scatter3A_1049[%sub3A_1042, %sub3A], %select_n3A : memref<32x10xi32, #tpu.memory_space<vmem>>[vector<16xi32>, vector<16xi32>], vector<16xi32>,
      %scan3A_1050 = arith.constant 1 : i32
      %scan3A_1051 = arith.addi %scan3A_1028, %scan3A_1050 : i32
      %mul3A_1052 = arith.constant 16 : i32
      %mul3A_1053 = arith.muli %scan3A_1051, %mul3A_1052 : i32
      %add3A_1054 = arith.constant 640 : i32
      %add3A_1055 = arith.addi %add3A_1054, %mul3A_1053 : i32
      %add3A_1056 = vector.broadcast %add3A_1055 : i32 to vector<16xi32>
      %add3A_1057 = arith.addi %add3A_1056, %iota3A : vector<16xi32>
      %div3A_1058 = arith.constant 10 : i32
      %div3A_1059 = vector.broadcast %div3A_1058 : i32 to vector<16xi32>
      %div3A_1060 = arith.divsi %add3A_1057, %div3A_1059 : vector<16xi32>
      %mul3A_1061 = arith.constant 10 : i32
      %mul3A_1062 = vector.broadcast %mul3A_1061 : i32 to vector<16xi32>
      %mul3A_1063 = arith.muli %div3A_1060, %mul3A_1062 : vector<16xi32>
      %sub3A_1064 = arith.subi %add3A_1057, %mul3A_1063 : vector<16xi32>
      %sub3A_1065 = arith.constant 64 : i32
      %sub3A_1066 = vector.broadcast %sub3A_1065 : i32 to vector<16xi32>
      %sub3A_1067 = arith.subi %div3A_1060, %sub3A_1066 : vector<16xi32>
      %gather3A_1068 = tpu.vector_load_idx %arg16[%div3A_1060] : memref<256xi32, #tpu.memory_space<vmem>>[vector<16xi32>], vector<16xi32>,
      %gt3A_1069 = arith.constant 0 : i32
      %gt3A_1070 = vector.broadcast %gt3A_1069 : i32 to vector<16xi32>
      %gt3A_1071 = arith.cmpi sgt, %gather3A_1068, %gt3A_1070 : vector<16xi32>
      %get3A_1072 = arith.index_cast %add3A_1055 : i32 to index
      %get3A_1073 = tpu.vector_load %arg19[%get3A_1072] {strides = array<i32>} : memref<2560xi32, #tpu.memory_space<vmem>>, vector<16xi32>,
      %jit3A_1074 = arith.constant -1 : i32
      %broadcast_in_dim3A_1075 = vector.broadcast %jit3A_1074 : i32 to vector<16xi32>
      %select_n3A_1076 = arith.select %gt3A_1071, %get3A_1073, %broadcast_in_dim3A_1075 : vector<16xi1>, vector<16xi32>
      %scatter3A_1077 = arith.constant 0 : i32
      %scatter3A_1078 = arith.constant 0 : i32
      %scatter3A_1079 = arith.constant 0 : i32
      %scatter3A_1080 = tpu.memref_slice %arg21[%scatter3A_1077, %scatter3A_1078, %scatter3A_1079] : memref<2x32x10xi32, #tpu.memory_space<vmem>> -> memref<1x32x10xi32, #tpu.memory_space<vmem>>
      %scatter3A_1081 = tpu.memref_squeeze %scatter3A_1080 : memref<1x32x10xi32, #tpu.memory_space<vmem>> -> memref<32x10xi32, #tpu.memory_space<vmem>>
      tpu.vector_store_idx %scatter3A_1081[%sub3A_1067, %sub3A_1064], %select_n3A_1076 : memref<32x10xi32, #tpu.memory_space<vmem>>[vector<16xi32>, vector<16xi32>], vector<16xi32>,
    }
    %scan3A_363 = arith.constant 20 : i32
    %add3A_364 = arith.constant 64 : i32
    %add3A_365 = arith.addi %mul3A_2, %add3A_364 : i32
    %dma_start3A_366 = arith.constant 0 : i32
    %dma_start3A_367 = arith.constant 0 : i32
    %dma_start3A_368 = arith.constant 0 : i32
    %dma_start3A_369 = tpu.memref_slice %arg20[%dma_start3A_366, %dma_start3A_367, %dma_start3A_368] : memref<2x32x10xi32, #tpu.memory_space<vmem>> -> memref<1x32x10xi32, #tpu.memory_space<vmem>>
    %dma_start3A_370 = tpu.memref_squeeze %dma_start3A_369 : memref<1x32x10xi32, #tpu.memory_space<vmem>> -> memref<32x10xi32, #tpu.memory_space<vmem>>
    %dma_start3A_371 = arith.constant 0 : i32
    %dma_start3A_372 = tpu.memref_slice %arg6[%add3A_365, %dma_start3A_371] : memref<8192x10xi32, #tpu.memory_space<hbm>> -> memref<32x10xi32, #tpu.memory_space<hbm>>
    %dma_start3A_373 = arith.constant 0 : i32
    %dma_start3A_374 = tpu.memref_slice %arg6[%add3A_365, %dma_start3A_373] : memref<8192x10xi32, #tpu.memory_space<hbm>> -> memref<32x10xi32, #tpu.memory_space<hbm>>
    %dma_start3A_375 = arith.constant 0 : i32
    %dma_start3A_376 = arith.constant 0 : i32
    %dma_start3A_377 = tpu.memref_slice %arg20[%dma_start3A_366, %dma_start3A_375, %dma_start3A_376] : memref<2x32x10xi32, #tpu.memory_space<vmem>> -> memref<1x32x10xi32, #tpu.memory_space<vmem>>
    %dma_start3A_378 = tpu.memref_squeeze %dma_start3A_377 : memref<1x32x10xi32, #tpu.memory_space<vmem>> -> memref<32x10xi32, #tpu.memory_space<vmem>>
    tpu.enqueue_dma source(%dma_start3A_378 : memref<32x10xi32, #tpu.memory_space<vmem>>) target(%dma_start3A_374 : memref<32x10xi32, #tpu.memory_space<hbm>>) target_semaphore(%arg26 : memref<!tpu.dma_semaphore, #tpu.memory_space<semaphore_mem>>)
    %dma_start3A_379 = arith.constant 0 : i32
    %dma_start3A_380 = arith.constant 0 : i32
    %dma_start3A_381 = arith.constant 0 : i32
    %dma_start3A_382 = tpu.memref_slice %arg21[%dma_start3A_379, %dma_start3A_380, %dma_start3A_381] : memref<2x32x10xi32, #tpu.memory_space<vmem>> -> memref<1x32x10xi32, #tpu.memory_space<vmem>>
    %dma_start3A_383 = tpu.memref_squeeze %dma_start3A_382 : memref<1x32x10xi32, #tpu.memory_space<vmem>> -> memref<32x10xi32, #tpu.memory_space<vmem>>
    %dma_start3A_384 = arith.constant 0 : i32
    %dma_start3A_385 = tpu.memref_slice %arg7[%add3A_365, %dma_start3A_384] : memref<8192x10xi32, #tpu.memory_space<hbm>> -> memref<32x10xi32, #tpu.memory_space<hbm>>
    %dma_start3A_386 = arith.constant 0 : i32
    %dma_start3A_387 = tpu.memref_slice %arg7[%add3A_365, %dma_start3A_386] : memref<8192x10xi32, #tpu.memory_space<hbm>> -> memref<32x10xi32, #tpu.memory_space<hbm>>
    %dma_start3A_388 = arith.constant 0 : i32
    %dma_start3A_389 = arith.constant 0 : i32
    %dma_start3A_390 = tpu.memref_slice %arg21[%dma_start3A_379, %dma_start3A_388, %dma_start3A_389] : memref<2x32x10xi32, #tpu.memory_space<vmem>> -> memref<1x32x10xi32, #tpu.memory_space<vmem>>
    %dma_start3A_391 = tpu.memref_squeeze %dma_start3A_390 : memref<1x32x10xi32, #tpu.memory_space<vmem>> -> memref<32x10xi32, #tpu.memory_space<vmem>>
    tpu.enqueue_dma source(%dma_start3A_391 : memref<32x10xi32, #tpu.memory_space<vmem>>) target(%dma_start3A_387 : memref<32x10xi32, #tpu.memory_space<hbm>>) target_semaphore(%arg26 : memref<!tpu.dma_semaphore, #tpu.memory_space<semaphore_mem>>)
    %dma_start3A_392 = arith.constant 0 : i32
    %dma_start3A_393 = arith.constant 0 : i32
    %dma_start3A_394 = arith.constant 0 : i32
    %dma_start3A_395 = tpu.memref_slice %arg22[%dma_start3A_392, %dma_start3A_393, %dma_start3A_394] : memref<2x32x10xi32, #tpu.memory_space<vmem>> -> memref<1x32x10xi32, #tpu.memory_space<vmem>>
    %dma_start3A_396 = tpu.memref_squeeze %dma_start3A_395 : memref<1x32x10xi32, #tpu.memory_space<vmem>> -> memref<32x10xi32, #tpu.memory_space<vmem>>
    %dma_start3A_397 = arith.constant 0 : i32
    %dma_start3A_398 = tpu.memref_slice %arg8[%add3A_365, %dma_start3A_397] : memref<8192x10xi32, #tpu.memory_space<hbm>> -> memref<32x10xi32, #tpu.memory_space<hbm>>
    %dma_start3A_399 = arith.constant 0 : i32
    %dma_start3A_400 = tpu.memref_slice %arg8[%add3A_365, %dma_start3A_399] : memref<8192x10xi32, #tpu.memory_space<hbm>> -> memref<32x10xi32, #tpu.memory_space<hbm>>
    %dma_start3A_401 = arith.constant 0 : i32
    %dma_start3A_402 = arith.constant 0 : i32
    %dma_start3A_403 = tpu.memref_slice %arg22[%dma_start3A_392, %dma_start3A_401, %dma_start3A_402] : memref<2x32x10xi32, #tpu.memory_space<vmem>> -> memref<1x32x10xi32, #tpu.memory_space<vmem>>
    %dma_start3A_404 = tpu.memref_squeeze %dma_start3A_403 : memref<1x32x10xi32, #tpu.memory_space<vmem>> -> memref<32x10xi32, #tpu.memory_space<vmem>>
    tpu.enqueue_dma source(%dma_start3A_404 : memref<32x10xi32, #tpu.memory_space<vmem>>) target(%dma_start3A_400 : memref<32x10xi32, #tpu.memory_space<hbm>>) target_semaphore(%arg26 : memref<!tpu.dma_semaphore, #tpu.memory_space<semaphore_mem>>)
    %dma_wait3A_405 = arith.constant 0 : i32
    %dma_wait3A_406 = arith.constant 0 : i32
    %dma_wait3A_407 = arith.constant 0 : i32
    %dma_wait3A_408 = tpu.memref_slice %arg20[%dma_wait3A_405, %dma_wait3A_406, %dma_wait3A_407] : memref<2x32x10xi32, #tpu.memory_space<vmem>> -> memref<1x32x10xi32, #tpu.memory_space<vmem>>
    %dma_wait3A_409 = tpu.memref_squeeze %dma_wait3A_408 : memref<1x32x10xi32, #tpu.memory_space<vmem>> -> memref<32x10xi32, #tpu.memory_space<vmem>>
    %dma_wait3A_410 = arith.constant 0 : i32
    %dma_wait3A_411 = tpu.memref_slice %arg6[%add3A_365, %dma_wait3A_410] : memref<8192x10xi32, #tpu.memory_space<hbm>> -> memref<32x10xi32, #tpu.memory_space<hbm>>
    %dma_wait3A_412 = arith.constant 0 : i32
    %dma_wait3A_413 = tpu.memref_slice %arg6[%add3A_365, %dma_wait3A_412] : memref<8192x10xi32, #tpu.memory_space<hbm>> -> memref<32x10xi32, #tpu.memory_space<hbm>>
    %dma_wait3A_414 = arith.constant 0 : i32
    %dma_wait3A_415 = arith.constant 0 : i32
    %dma_wait3A_416 = tpu.memref_slice %arg20[%dma_wait3A_405, %dma_wait3A_414, %dma_wait3A_415] : memref<2x32x10xi32, #tpu.memory_space<vmem>> -> memref<1x32x10xi32, #tpu.memory_space<vmem>>
    %dma_wait3A_417 = tpu.memref_squeeze %dma_wait3A_416 : memref<1x32x10xi32, #tpu.memory_space<vmem>> -> memref<32x10xi32, #tpu.memory_space<vmem>>
    tpu.wait_dma2 semaphore(%arg26 : memref<!tpu.dma_semaphore, #tpu.memory_space<semaphore_mem>>) src(%dma_wait3A_417 : memref<32x10xi32, #tpu.memory_space<vmem>>) dst(%dma_wait3A_413 : memref<32x10xi32, #tpu.memory_space<hbm>>)
    %dma_wait3A_418 = arith.constant 0 : i32
    %dma_wait3A_419 = arith.constant 0 : i32
    %dma_wait3A_420 = arith.constant 0 : i32
    %dma_wait3A_421 = tpu.memref_slice %arg21[%dma_wait3A_418, %dma_wait3A_419, %dma_wait3A_420] : memref<2x32x10xi32, #tpu.memory_space<vmem>> -> memref<1x32x10xi32, #tpu.memory_space<vmem>>
    %dma_wait3A_422 = tpu.memref_squeeze %dma_wait3A_421 : memref<1x32x10xi32, #tpu.memory_space<vmem>> -> memref<32x10xi32, #tpu.memory_space<vmem>>
    %dma_wait3A_423 = arith.constant 0 : i32
    %dma_wait3A_424 = tpu.memref_slice %arg7[%add3A_365, %dma_wait3A_423] : memref<8192x10xi32, #tpu.memory_space<hbm>> -> memref<32x10xi32, #tpu.memory_space<hbm>>
    %dma_wait3A_425 = arith.constant 0 : i32
    %dma_wait3A_426 = tpu.memref_slice %arg7[%add3A_365, %dma_wait3A_425] : memref<8192x10xi32, #tpu.memory_space<hbm>> -> memref<32x10xi32, #tpu.memory_space<hbm>>
    %dma_wait3A_427 = arith.constant 0 : i32
    %dma_wait3A_428 = arith.constant 0 : i32
    %dma_wait3A_429 = tpu.memref_slice %arg21[%dma_wait3A_418, %dma_wait3A_427, %dma_wait3A_428] : memref<2x32x10xi32, #tpu.memory_space<vmem>> -> memref<1x32x10xi32, #tpu.memory_space<vmem>>
    %dma_wait3A_430 = tpu.memref_squeeze %dma_wait3A_429 : memref<1x32x10xi32, #tpu.memory_space<vmem>> -> memref<32x10xi32, #tpu.memory_space<vmem>>
    tpu.wait_dma2 semaphore(%arg26 : memref<!tpu.dma_semaphore, #tpu.memory_space<semaphore_mem>>) src(%dma_wait3A_430 : memref<32x10xi32, #tpu.memory_space<vmem>>) dst(%dma_wait3A_426 : memref<32x10xi32, #tpu.memory_space<hbm>>)
    %dma_wait3A_431 = arith.constant 0 : i32
    %dma_wait3A_432 = arith.constant 0 : i32
    %dma_wait3A_433 = arith.constant 0 : i32
    %dma_wait3A_434 = tpu.memref_slice %arg22[%dma_wait3A_431, %dma_wait3A_432, %dma_wait3A_433] : memref<2x32x10xi32, #tpu.memory_space<vmem>> -> memref<1x32x10xi32, #tpu.memory_space<vmem>>
    %dma_wait3A_435 = tpu.memref_squeeze %dma_wait3A_434 : memref<1x32x10xi32, #tpu.memory_space<vmem>> -> memref<32x10xi32, #tpu.memory_space<vmem>>
    %dma_wait3A_436 = arith.constant 0 : i32
    %dma_wait3A_437 = tpu.memref_slice %arg8[%add3A_365, %dma_wait3A_436] : memref<8192x10xi32, #tpu.memory_space<hbm>> -> memref<32x10xi32, #tpu.memory_space<hbm>>
    %dma_wait3A_438 = arith.constant 0 : i32
    %dma_wait3A_439 = tpu.memref_slice %arg8[%add3A_365, %dma_wait3A_438] : memref<8192x10xi32, #tpu.memory_space<hbm>> -> memref<32x10xi32, #tpu.memory_space<hbm>>
    %dma_wait3A_440 = arith.constant 0 : i32
    %dma_wait3A_441 = arith.constant 0 : i32
    %dma_wait3A_442 = tpu.memref_slice %arg22[%dma_wait3A_431, %dma_wait3A_440, %dma_wait3A_441] : memref<2x32x10xi32, #tpu.memory_space<vmem>> -> memref<1x32x10xi32, #tpu.memory_space<vmem>>
    %dma_wait3A_443 = tpu.memref_squeeze %dma_wait3A_442 : memref<1x32x10xi32, #tpu.memory_space<vmem>> -> memref<32x10xi32, #tpu.memory_space<vmem>>
    tpu.wait_dma2 semaphore(%arg26 : memref<!tpu.dma_semaphore, #tpu.memory_space<semaphore_mem>>) src(%dma_wait3A_443 : memref<32x10xi32, #tpu.memory_space<vmem>>) dst(%dma_wait3A_439 : memref<32x10xi32, #tpu.memory_space<hbm>>)
    %dma_wait3A_444 = arith.constant 128 : i32
    %dma_wait3A_445 = arith.constant 0 : i32
    %dma_wait3A_446 = tpu.memref_slice %arg17[%dma_wait3A_444, %dma_wait3A_445] : memref<256x10xf32, #tpu.memory_space<vmem>> -> memref<32x10xf32, #tpu.memory_space<vmem>>
    %dma_wait3A_447 = arith.constant 0 : i32
    %dma_wait3A_448 = tpu.memref_slice %arg3[%add3A_329, %dma_wait3A_447] : memref<8192x10xf32, #tpu.memory_space<hbm>> -> memref<32x10xf32, #tpu.memory_space<hbm>>
    %dma_wait3A_449 = arith.constant 128 : i32
    %dma_wait3A_450 = arith.constant 0 : i32
    %dma_wait3A_451 = tpu.memref_slice %arg17[%dma_wait3A_449, %dma_wait3A_450] : memref<256x10xf32, #tpu.memory_space<vmem>> -> memref<32x10xf32, #tpu.memory_space<vmem>>
    %dma_wait3A_452 = arith.constant 0 : i32
    %dma_wait3A_453 = tpu.memref_slice %arg3[%add3A_329, %dma_wait3A_452] : memref<8192x10xf32, #tpu.memory_space<hbm>> -> memref<32x10xf32, #tpu.memory_space<hbm>>
    tpu.wait_dma2 semaphore(%arg25 : memref<!tpu.dma_semaphore, #tpu.memory_space<semaphore_mem>>) src(%dma_wait3A_453 : memref<32x10xf32, #tpu.memory_space<hbm>>) dst(%dma_wait3A_451 : memref<32x10xf32, #tpu.memory_space<vmem>>)
    %add3A_454 = arith.constant 160 : i32
    %add3A_455 = arith.addi %mul3A_2, %add3A_454 : i32
    %dma_start3A_456 = arith.constant 160 : i32
    %dma_start3A_457 = arith.constant 0 : i32
    %dma_start3A_458 = tpu.memref_slice %arg17[%dma_start3A_456, %dma_start3A_457] : memref<256x10xf32, #tpu.memory_space<vmem>> -> memref<32x10xf32, #tpu.memory_space<vmem>>
    %dma_start3A_459 = arith.constant 0 : i32
    %dma_start3A_460 = tpu.memref_slice %arg3[%add3A_455, %dma_start3A_459] : memref<8192x10xf32, #tpu.memory_space<hbm>> -> memref<32x10xf32, #tpu.memory_space<hbm>>
    %dma_start3A_461 = arith.constant 160 : i32
    %dma_start3A_462 = arith.constant 0 : i32
    %dma_start3A_463 = tpu.memref_slice %arg17[%dma_start3A_461, %dma_start3A_462] : memref<256x10xf32, #tpu.memory_space<vmem>> -> memref<32x10xf32, #tpu.memory_space<vmem>>
    %dma_start3A_464 = arith.constant 0 : i32
    %dma_start3A_465 = tpu.memref_slice %arg3[%add3A_455, %dma_start3A_464] : memref<8192x10xf32, #tpu.memory_space<hbm>> -> memref<32x10xf32, #tpu.memory_space<hbm>>
    tpu.enqueue_dma source(%dma_start3A_465 : memref<32x10xf32, #tpu.memory_space<hbm>>) target(%dma_start3A_463 : memref<32x10xf32, #tpu.memory_space<vmem>>) target_semaphore(%arg25 : memref<!tpu.dma_semaphore, #tpu.memory_space<semaphore_mem>>)
    %scan3A_466 = arith.constant 0 : i32
    %scan3A_467 = arith.constant 0 : i32
    %scan3A_468 = arith.constant 20 : i32
    %scan3A_469 = arith.addi %scan3A_467, %scan3A_468 : i32
    %scan3A_470 = arith.constant 2 : i32
    scf.for %scan3A_1028 = %scan3A_467 to %scan3A_469 step %scan3A_470  : i32 {
      %mul3A_1029 = arith.constant 16 : i32
      %mul3A_1030 = arith.muli %scan3A_1028, %mul3A_1029 : i32
      %add3A_1031 = arith.constant 1280 : i32
      %add3A_1032 = arith.addi %add3A_1031, %mul3A_1030 : i32
      %add3A_1033 = vector.broadcast %add3A_1032 : i32 to vector<16xi32>
      %add3A_1034 = arith.addi %add3A_1033, %iota3A : vector<16xi32>
      %div3A = arith.constant 10 : i32
      %div3A_1035 = vector.broadcast %div3A : i32 to vector<16xi32>
      %div3A_1036 = arith.divsi %add3A_1034, %div3A_1035 : vector<16xi32>
      %mul3A_1037 = arith.constant 10 : i32
      %mul3A_1038 = vector.broadcast %mul3A_1037 : i32 to vector<16xi32>
      %mul3A_1039 = arith.muli %div3A_1036, %mul3A_1038 : vector<16xi32>
      %sub3A = arith.subi %add3A_1034, %mul3A_1039 : vector<16xi32>
      %sub3A_1040 = arith.constant 128 : i32
      %sub3A_1041 = vector.broadcast %sub3A_1040 : i32 to vector<16xi32>
      %sub3A_1042 = arith.subi %div3A_1036, %sub3A_1041 : vector<16xi32>
      %gather3A = tpu.vector_load_idx %arg11[%div3A_1036] : memref<256xi32, #tpu.memory_space<vmem>>[vector<16xi32>], vector<16xi32>,
      %gather3A_1043 = tpu.vector_load_idx %arg13[%div3A_1036] : memref<256xf32, #tpu.memory_space<vmem>>[vector<16xi32>], vector<16xf32>,
      %gather3A_1044 = tpu.vector_load_idx %arg14[%div3A_1036] : memref<256xi32, #tpu.memory_space<vmem>>[vector<16xi32>], vector<16xi32>,
      %gather3A_1045 = tpu.vector_load_idx %arg15[%div3A_1036] : memref<256xi32, #tpu.memory_space<vmem>>[vector<16xi32>], vector<16xi32>,
      %gather3A_1046 = tpu.vector_load_idx %arg16[%div3A_1036] : memref<256xi32, #tpu.memory_space<vmem>>[vector<16xi32>], vector<16xi32>,
      %gather3A_1047 = tpu.vector_load_idx %arg17[%div3A_1036, %sub3A] : memref<256x10xf32, #tpu.memory_space<vmem>>[vector<16xi32>, vector<16xi32>], vector<16xf32>,
      %mul3A_1048 = arith.mulf %gather3A_1047, %gather3A_1043 : vector<16xf32>
      %convert_element_type3A = arith.fptosi %mul3A_1048 : vector<16xf32> to vector<16xi32>
      %min3A = arith.minsi %convert_element_type3A, %gather3A_1044 : vector<16xi32>
      %add3A_1049 = arith.addi %gather3A, %min3A : vector<16xi32>
      %min3A_1050 = arith.constant 1599999 : i32
      %min3A_1051 = vector.broadcast %min3A_1050 : i32 to vector<16xi32>
      %min3A_1052 = arith.minsi %add3A_1049, %min3A_1051 : vector<16xi32>
      %swap3A = arith.index_cast %add3A_1032 : i32 to index
      %swap3A_1053 = tpu.vector_load %arg18[%swap3A] {strides = array<i32>} : memref<2560xi32, #tpu.memory_space<vmem>>, vector<16xi32>,
      tpu.vector_store %arg18[%swap3A], %min3A_1052 {strides = array<i32>} : memref<2560xi32, #tpu.memory_space<vmem>>, vector<16xi32>,
      %scatter3A = arith.constant 0 : i32
      %scatter3A_1054 = arith.constant 0 : i32
      %scatter3A_1055 = arith.constant 0 : i32
      %scatter3A_1056 = tpu.memref_slice %arg20[%scatter3A, %scatter3A_1054, %scatter3A_1055] : memref<2x32x10xi32, #tpu.memory_space<vmem>> -> memref<1x32x10xi32, #tpu.memory_space<vmem>>
      %scatter3A_1057 = tpu.memref_squeeze %scatter3A_1056 : memref<1x32x10xi32, #tpu.memory_space<vmem>> -> memref<32x10xi32, #tpu.memory_space<vmem>>
      tpu.vector_store_idx %scatter3A_1057[%sub3A_1042, %sub3A], %gather3A_1045 : memref<32x10xi32, #tpu.memory_space<vmem>>[vector<16xi32>, vector<16xi32>], vector<16xi32>,
      %scatter3A_1058 = arith.constant 0 : i32
      %scatter3A_1059 = arith.constant 0 : i32
      %scatter3A_1060 = arith.constant 0 : i32
      %scatter3A_1061 = tpu.memref_slice %arg22[%scatter3A_1058, %scatter3A_1059, %scatter3A_1060] : memref<2x32x10xi32, #tpu.memory_space<vmem>> -> memref<1x32x10xi32, #tpu.memory_space<vmem>>
      %scatter3A_1062 = tpu.memref_squeeze %scatter3A_1061 : memref<1x32x10xi32, #tpu.memory_space<vmem>> -> memref<32x10xi32, #tpu.memory_space<vmem>>
      tpu.vector_store_idx %scatter3A_1062[%sub3A_1042, %sub3A], %gather3A_1046 : memref<32x10xi32, #tpu.memory_space<vmem>>[vector<16xi32>, vector<16xi32>], vector<16xi32>,
      %scan3A_1063 = arith.constant 1 : i32
      %scan3A_1064 = arith.addi %scan3A_1028, %scan3A_1063 : i32
      %mul3A_1065 = arith.constant 16 : i32
      %mul3A_1066 = arith.muli %scan3A_1064, %mul3A_1065 : i32
      %add3A_1067 = arith.constant 1280 : i32
      %add3A_1068 = arith.addi %add3A_1067, %mul3A_1066 : i32
      %add3A_1069 = vector.broadcast %add3A_1068 : i32 to vector<16xi32>
      %add3A_1070 = arith.addi %add3A_1069, %iota3A : vector<16xi32>
      %div3A_1071 = arith.constant 10 : i32
      %div3A_1072 = vector.broadcast %div3A_1071 : i32 to vector<16xi32>
      %div3A_1073 = arith.divsi %add3A_1070, %div3A_1072 : vector<16xi32>
      %mul3A_1074 = arith.constant 10 : i32
      %mul3A_1075 = vector.broadcast %mul3A_1074 : i32 to vector<16xi32>
      %mul3A_1076 = arith.muli %div3A_1073, %mul3A_1075 : vector<16xi32>
      %sub3A_1077 = arith.subi %add3A_1070, %mul3A_1076 : vector<16xi32>
      %sub3A_1078 = arith.constant 128 : i32
      %sub3A_1079 = vector.broadcast %sub3A_1078 : i32 to vector<16xi32>
      %sub3A_1080 = arith.subi %div3A_1073, %sub3A_1079 : vector<16xi32>
      %gather3A_1081 = tpu.vector_load_idx %arg11[%div3A_1073] : memref<256xi32, #tpu.memory_space<vmem>>[vector<16xi32>], vector<16xi32>,
      %gather3A_1082 = tpu.vector_load_idx %arg13[%div3A_1073] : memref<256xf32, #tpu.memory_space<vmem>>[vector<16xi32>], vector<16xf32>,
      %gather3A_1083 = tpu.vector_load_idx %arg14[%div3A_1073] : memref<256xi32, #tpu.memory_space<vmem>>[vector<16xi32>], vector<16xi32>,
      %gather3A_1084 = tpu.vector_load_idx %arg15[%div3A_1073] : memref<256xi32, #tpu.memory_space<vmem>>[vector<16xi32>], vector<16xi32>,
      %gather3A_1085 = tpu.vector_load_idx %arg16[%div3A_1073] : memref<256xi32, #tpu.memory_space<vmem>>[vector<16xi32>], vector<16xi32>,
      %gather3A_1086 = tpu.vector_load_idx %arg17[%div3A_1073, %sub3A_1077] : memref<256x10xf32, #tpu.memory_space<vmem>>[vector<16xi32>, vector<16xi32>], vector<16xf32>,
      %mul3A_1087 = arith.mulf %gather3A_1086, %gather3A_1082 : vector<16xf32>
      %convert_element_type3A_1088 = arith.fptosi %mul3A_1087 : vector<16xf32> to vector<16xi32>
      %min3A_1089 = arith.minsi %convert_element_type3A_1088, %gather3A_1083 : vector<16xi32>
      %add3A_1090 = arith.addi %gather3A_1081, %min3A_1089 : vector<16xi32>
      %min3A_1091 = arith.constant 1599999 : i32
      %min3A_1092 = vector.broadcast %min3A_1091 : i32 to vector<16xi32>
      %min3A_1093 = arith.minsi %add3A_1090, %min3A_1092 : vector<16xi32>
      %swap3A_1094 = arith.index_cast %add3A_1068 : i32 to index
      %swap3A_1095 = tpu.vector_load %arg18[%swap3A_1094] {strides = array<i32>} : memref<2560xi32, #tpu.memory_space<vmem>>, vector<16xi32>,
      tpu.vector_store %arg18[%swap3A_1094], %min3A_1093 {strides = array<i32>} : memref<2560xi32, #tpu.memory_space<vmem>>, vector<16xi32>,
      %scatter3A_1096 = arith.constant 0 : i32
      %scatter3A_1097 = arith.constant 0 : i32
      %scatter3A_1098 = arith.constant 0 : i32
      %scatter3A_1099 = tpu.memref_slice %arg20[%scatter3A_1096, %scatter3A_1097, %scatter3A_1098] : memref<2x32x10xi32, #tpu.memory_space<vmem>> -> memref<1x32x10xi32, #tpu.memory_space<vmem>>
      %scatter3A_1100 = tpu.memref_squeeze %scatter3A_1099 : memref<1x32x10xi32, #tpu.memory_space<vmem>> -> memref<32x10xi32, #tpu.memory_space<vmem>>
      tpu.vector_store_idx %scatter3A_1100[%sub3A_1080, %sub3A_1077], %gather3A_1084 : memref<32x10xi32, #tpu.memory_space<vmem>>[vector<16xi32>, vector<16xi32>], vector<16xi32>,
      %scatter3A_1101 = arith.constant 0 : i32
      %scatter3A_1102 = arith.constant 0 : i32
      %scatter3A_1103 = arith.constant 0 : i32
      %scatter3A_1104 = tpu.memref_slice %arg22[%scatter3A_1101, %scatter3A_1102, %scatter3A_1103] : memref<2x32x10xi32, #tpu.memory_space<vmem>> -> memref<1x32x10xi32, #tpu.memory_space<vmem>>
      %scatter3A_1105 = tpu.memref_squeeze %scatter3A_1104 : memref<1x32x10xi32, #tpu.memory_space<vmem>> -> memref<32x10xi32, #tpu.memory_space<vmem>>
      tpu.vector_store_idx %scatter3A_1105[%sub3A_1080, %sub3A_1077], %gather3A_1085 : memref<32x10xi32, #tpu.memory_space<vmem>>[vector<16xi32>, vector<16xi32>], vector<16xi32>,
    }
    %scan3A_471 = arith.constant 20 : i32
    %dma_start3A_472 = arith.constant 1280 : i32
    %dma_start3A_473 = tpu.memref_slice %arg19[%dma_start3A_472] : memref<2560xi32, #tpu.memory_space<vmem>> -> memref<320xi32, #tpu.memory_space<vmem>>
    %dma_start3A_474 = arith.constant 1280 : i32
    %dma_start3A_475 = tpu.memref_slice %arg18[%dma_start3A_474] : memref<2560xi32, #tpu.memory_space<vmem>> -> memref<320xi32, #tpu.memory_space<vmem>>
    %dma_start3A_476 = arith.constant 0 : i32
    %dma_start3A_477 = tpu.memref_slice %arg5[%dma_start3A_476] : memref<1600000xi32, #tpu.memory_space<hbm>> -> memref<1600000xi32, #tpu.memory_space<hbm>>
    tpu.enqueue_indirect_dma source(%dma_start3A_477 : memref<1600000xi32, #tpu.memory_space<hbm>>) target(%dma_start3A_473 : memref<320xi32, #tpu.memory_space<vmem>>) offsets(%dma_start3A_475 : memref<320xi32, #tpu.memory_space<vmem>>) semaphore(%arg23 : memref<!tpu.dma_semaphore, #tpu.memory_space<semaphore_mem>>)
    %dma_wait3A_478 = arith.constant 960 : i32
    %dma_wait3A_479 = tpu.memref_slice %arg19[%dma_wait3A_478] : memref<2560xi32, #tpu.memory_space<vmem>> -> memref<320xi32, #tpu.memory_space<vmem>>
    %dma_wait3A_480 = arith.constant 960 : i32
    %dma_wait3A_481 = tpu.memref_slice %arg18[%dma_wait3A_480] : memref<2560xi32, #tpu.memory_space<vmem>> -> memref<320xi32, #tpu.memory_space<vmem>>
    %dma_wait3A_482 = arith.constant 0 : i32
    %dma_wait3A_483 = tpu.memref_slice %arg5[%dma_wait3A_482] : memref<1600000xi32, #tpu.memory_space<hbm>> -> memref<1600000xi32, #tpu.memory_space<hbm>>
    tpu.wait_indirect_dma semaphore(%arg24 : memref<!tpu.dma_semaphore, #tpu.memory_space<semaphore_mem>>) src(%dma_wait3A_483 : memref<1600000xi32, #tpu.memory_space<hbm>>) dst(%dma_wait3A_479 : memref<320xi32, #tpu.memory_space<vmem>>)
    %scan3A_484 = arith.constant 0 : i32
    %scan3A_485 = arith.constant 0 : i32
    %scan3A_486 = arith.constant 20 : i32
    %scan3A_487 = arith.addi %scan3A_485, %scan3A_486 : i32
    %scan3A_488 = arith.constant 2 : i32
    scf.for %scan3A_1028 = %scan3A_485 to %scan3A_487 step %scan3A_488  : i32 {
      %mul3A_1029 = arith.constant 16 : i32
      %mul3A_1030 = arith.muli %scan3A_1028, %mul3A_1029 : i32
      %add3A_1031 = arith.constant 960 : i32
      %add3A_1032 = arith.addi %add3A_1031, %mul3A_1030 : i32
      %add3A_1033 = vector.broadcast %add3A_1032 : i32 to vector<16xi32>
      %add3A_1034 = arith.addi %add3A_1033, %iota3A : vector<16xi32>
      %div3A = arith.constant 10 : i32
      %div3A_1035 = vector.broadcast %div3A : i32 to vector<16xi32>
      %div3A_1036 = arith.divsi %add3A_1034, %div3A_1035 : vector<16xi32>
      %mul3A_1037 = arith.constant 10 : i32
      %mul3A_1038 = vector.broadcast %mul3A_1037 : i32 to vector<16xi32>
      %mul3A_1039 = arith.muli %div3A_1036, %mul3A_1038 : vector<16xi32>
      %sub3A = arith.subi %add3A_1034, %mul3A_1039 : vector<16xi32>
      %sub3A_1040 = arith.constant 96 : i32
      %sub3A_1041 = vector.broadcast %sub3A_1040 : i32 to vector<16xi32>
      %sub3A_1042 = arith.subi %div3A_1036, %sub3A_1041 : vector<16xi32>
      %gather3A = tpu.vector_load_idx %arg16[%div3A_1036] : memref<256xi32, #tpu.memory_space<vmem>>[vector<16xi32>], vector<16xi32>,
      %gt3A = arith.constant 0 : i32
      %gt3A_1043 = vector.broadcast %gt3A : i32 to vector<16xi32>
      %gt3A_1044 = arith.cmpi sgt, %gather3A, %gt3A_1043 : vector<16xi32>
      %get3A = arith.index_cast %add3A_1032 : i32 to index
      %get3A_1045 = tpu.vector_load %arg19[%get3A] {strides = array<i32>} : memref<2560xi32, #tpu.memory_space<vmem>>, vector<16xi32>,
      %jit3A = arith.constant -1 : i32
      %broadcast_in_dim3A = vector.broadcast %jit3A : i32 to vector<16xi32>
      %select_n3A = arith.select %gt3A_1044, %get3A_1045, %broadcast_in_dim3A : vector<16xi1>, vector<16xi32>
      %scatter3A = arith.constant 1 : i32
      %scatter3A_1046 = arith.constant 0 : i32
      %scatter3A_1047 = arith.constant 0 : i32
      %scatter3A_1048 = tpu.memref_slice %arg21[%scatter3A, %scatter3A_1046, %scatter3A_1047] : memref<2x32x10xi32, #tpu.memory_space<vmem>> -> memref<1x32x10xi32, #tpu.memory_space<vmem>>
      %scatter3A_1049 = tpu.memref_squeeze %scatter3A_1048 : memref<1x32x10xi32, #tpu.memory_space<vmem>> -> memref<32x10xi32, #tpu.memory_space<vmem>>
      tpu.vector_store_idx %scatter3A_1049[%sub3A_1042, %sub3A], %select_n3A : memref<32x10xi32, #tpu.memory_space<vmem>>[vector<16xi32>, vector<16xi32>], vector<16xi32>,
      %scan3A_1050 = arith.constant 1 : i32
      %scan3A_1051 = arith.addi %scan3A_1028, %scan3A_1050 : i32
      %mul3A_1052 = arith.constant 16 : i32
      %mul3A_1053 = arith.muli %scan3A_1051, %mul3A_1052 : i32
      %add3A_1054 = arith.constant 960 : i32
      %add3A_1055 = arith.addi %add3A_1054, %mul3A_1053 : i32
      %add3A_1056 = vector.broadcast %add3A_1055 : i32 to vector<16xi32>
      %add3A_1057 = arith.addi %add3A_1056, %iota3A : vector<16xi32>
      %div3A_1058 = arith.constant 10 : i32
      %div3A_1059 = vector.broadcast %div3A_1058 : i32 to vector<16xi32>
      %div3A_1060 = arith.divsi %add3A_1057, %div3A_1059 : vector<16xi32>
      %mul3A_1061 = arith.constant 10 : i32
      %mul3A_1062 = vector.broadcast %mul3A_1061 : i32 to vector<16xi32>
      %mul3A_1063 = arith.muli %div3A_1060, %mul3A_1062 : vector<16xi32>
      %sub3A_1064 = arith.subi %add3A_1057, %mul3A_1063 : vector<16xi32>
      %sub3A_1065 = arith.constant 96 : i32
      %sub3A_1066 = vector.broadcast %sub3A_1065 : i32 to vector<16xi32>
      %sub3A_1067 = arith.subi %div3A_1060, %sub3A_1066 : vector<16xi32>
      %gather3A_1068 = tpu.vector_load_idx %arg16[%div3A_1060] : memref<256xi32, #tpu.memory_space<vmem>>[vector<16xi32>], vector<16xi32>,
      %gt3A_1069 = arith.constant 0 : i32
      %gt3A_1070 = vector.broadcast %gt3A_1069 : i32 to vector<16xi32>
      %gt3A_1071 = arith.cmpi sgt, %gather3A_1068, %gt3A_1070 : vector<16xi32>
      %get3A_1072 = arith.index_cast %add3A_1055 : i32 to index
      %get3A_1073 = tpu.vector_load %arg19[%get3A_1072] {strides = array<i32>} : memref<2560xi32, #tpu.memory_space<vmem>>, vector<16xi32>,
      %jit3A_1074 = arith.constant -1 : i32
      %broadcast_in_dim3A_1075 = vector.broadcast %jit3A_1074 : i32 to vector<16xi32>
      %select_n3A_1076 = arith.select %gt3A_1071, %get3A_1073, %broadcast_in_dim3A_1075 : vector<16xi1>, vector<16xi32>
      %scatter3A_1077 = arith.constant 1 : i32
      %scatter3A_1078 = arith.constant 0 : i32
      %scatter3A_1079 = arith.constant 0 : i32
      %scatter3A_1080 = tpu.memref_slice %arg21[%scatter3A_1077, %scatter3A_1078, %scatter3A_1079] : memref<2x32x10xi32, #tpu.memory_space<vmem>> -> memref<1x32x10xi32, #tpu.memory_space<vmem>>
      %scatter3A_1081 = tpu.memref_squeeze %scatter3A_1080 : memref<1x32x10xi32, #tpu.memory_space<vmem>> -> memref<32x10xi32, #tpu.memory_space<vmem>>
      tpu.vector_store_idx %scatter3A_1081[%sub3A_1067, %sub3A_1064], %select_n3A_1076 : memref<32x10xi32, #tpu.memory_space<vmem>>[vector<16xi32>, vector<16xi32>], vector<16xi32>,
    }
    %scan3A_489 = arith.constant 20 : i32
    %add3A_490 = arith.constant 96 : i32
    %add3A_491 = arith.addi %mul3A_2, %add3A_490 : i32
    %dma_start3A_492 = arith.constant 1 : i32
    %dma_start3A_493 = arith.constant 0 : i32
    %dma_start3A_494 = arith.constant 0 : i32
    %dma_start3A_495 = tpu.memref_slice %arg20[%dma_start3A_492, %dma_start3A_493, %dma_start3A_494] : memref<2x32x10xi32, #tpu.memory_space<vmem>> -> memref<1x32x10xi32, #tpu.memory_space<vmem>>
    %dma_start3A_496 = tpu.memref_squeeze %dma_start3A_495 : memref<1x32x10xi32, #tpu.memory_space<vmem>> -> memref<32x10xi32, #tpu.memory_space<vmem>>
    %dma_start3A_497 = arith.constant 0 : i32
    %dma_start3A_498 = tpu.memref_slice %arg6[%add3A_491, %dma_start3A_497] : memref<8192x10xi32, #tpu.memory_space<hbm>> -> memref<32x10xi32, #tpu.memory_space<hbm>>
    %dma_start3A_499 = arith.constant 0 : i32
    %dma_start3A_500 = tpu.memref_slice %arg6[%add3A_491, %dma_start3A_499] : memref<8192x10xi32, #tpu.memory_space<hbm>> -> memref<32x10xi32, #tpu.memory_space<hbm>>
    %dma_start3A_501 = arith.constant 0 : i32
    %dma_start3A_502 = arith.constant 0 : i32
    %dma_start3A_503 = tpu.memref_slice %arg20[%dma_start3A_492, %dma_start3A_501, %dma_start3A_502] : memref<2x32x10xi32, #tpu.memory_space<vmem>> -> memref<1x32x10xi32, #tpu.memory_space<vmem>>
    %dma_start3A_504 = tpu.memref_squeeze %dma_start3A_503 : memref<1x32x10xi32, #tpu.memory_space<vmem>> -> memref<32x10xi32, #tpu.memory_space<vmem>>
    tpu.enqueue_dma source(%dma_start3A_504 : memref<32x10xi32, #tpu.memory_space<vmem>>) target(%dma_start3A_500 : memref<32x10xi32, #tpu.memory_space<hbm>>) target_semaphore(%arg27 : memref<!tpu.dma_semaphore, #tpu.memory_space<semaphore_mem>>)
    %dma_start3A_505 = arith.constant 1 : i32
    %dma_start3A_506 = arith.constant 0 : i32
    %dma_start3A_507 = arith.constant 0 : i32
    %dma_start3A_508 = tpu.memref_slice %arg21[%dma_start3A_505, %dma_start3A_506, %dma_start3A_507] : memref<2x32x10xi32, #tpu.memory_space<vmem>> -> memref<1x32x10xi32, #tpu.memory_space<vmem>>
    %dma_start3A_509 = tpu.memref_squeeze %dma_start3A_508 : memref<1x32x10xi32, #tpu.memory_space<vmem>> -> memref<32x10xi32, #tpu.memory_space<vmem>>
    %dma_start3A_510 = arith.constant 0 : i32
    %dma_start3A_511 = tpu.memref_slice %arg7[%add3A_491, %dma_start3A_510] : memref<8192x10xi32, #tpu.memory_space<hbm>> -> memref<32x10xi32, #tpu.memory_space<hbm>>
    %dma_start3A_512 = arith.constant 0 : i32
    %dma_start3A_513 = tpu.memref_slice %arg7[%add3A_491, %dma_start3A_512] : memref<8192x10xi32, #tpu.memory_space<hbm>> -> memref<32x10xi32, #tpu.memory_space<hbm>>
    %dma_start3A_514 = arith.constant 0 : i32
    %dma_start3A_515 = arith.constant 0 : i32
    %dma_start3A_516 = tpu.memref_slice %arg21[%dma_start3A_505, %dma_start3A_514, %dma_start3A_515] : memref<2x32x10xi32, #tpu.memory_space<vmem>> -> memref<1x32x10xi32, #tpu.memory_space<vmem>>
    %dma_start3A_517 = tpu.memref_squeeze %dma_start3A_516 : memref<1x32x10xi32, #tpu.memory_space<vmem>> -> memref<32x10xi32, #tpu.memory_space<vmem>>
    tpu.enqueue_dma source(%dma_start3A_517 : memref<32x10xi32, #tpu.memory_space<vmem>>) target(%dma_start3A_513 : memref<32x10xi32, #tpu.memory_space<hbm>>) target_semaphore(%arg27 : memref<!tpu.dma_semaphore, #tpu.memory_space<semaphore_mem>>)
    %dma_start3A_518 = arith.constant 1 : i32
    %dma_start3A_519 = arith.constant 0 : i32
    %dma_start3A_520 = arith.constant 0 : i32
    %dma_start3A_521 = tpu.memref_slice %arg22[%dma_start3A_518, %dma_start3A_519, %dma_start3A_520] : memref<2x32x10xi32, #tpu.memory_space<vmem>> -> memref<1x32x10xi32, #tpu.memory_space<vmem>>
    %dma_start3A_522 = tpu.memref_squeeze %dma_start3A_521 : memref<1x32x10xi32, #tpu.memory_space<vmem>> -> memref<32x10xi32, #tpu.memory_space<vmem>>
    %dma_start3A_523 = arith.constant 0 : i32
    %dma_start3A_524 = tpu.memref_slice %arg8[%add3A_491, %dma_start3A_523] : memref<8192x10xi32, #tpu.memory_space<hbm>> -> memref<32x10xi32, #tpu.memory_space<hbm>>
    %dma_start3A_525 = arith.constant 0 : i32
    %dma_start3A_526 = tpu.memref_slice %arg8[%add3A_491, %dma_start3A_525] : memref<8192x10xi32, #tpu.memory_space<hbm>> -> memref<32x10xi32, #tpu.memory_space<hbm>>
    %dma_start3A_527 = arith.constant 0 : i32
    %dma_start3A_528 = arith.constant 0 : i32
    %dma_start3A_529 = tpu.memref_slice %arg22[%dma_start3A_518, %dma_start3A_527, %dma_start3A_528] : memref<2x32x10xi32, #tpu.memory_space<vmem>> -> memref<1x32x10xi32, #tpu.memory_space<vmem>>
    %dma_start3A_530 = tpu.memref_squeeze %dma_start3A_529 : memref<1x32x10xi32, #tpu.memory_space<vmem>> -> memref<32x10xi32, #tpu.memory_space<vmem>>
    tpu.enqueue_dma source(%dma_start3A_530 : memref<32x10xi32, #tpu.memory_space<vmem>>) target(%dma_start3A_526 : memref<32x10xi32, #tpu.memory_space<hbm>>) target_semaphore(%arg27 : memref<!tpu.dma_semaphore, #tpu.memory_space<semaphore_mem>>)
    %dma_wait3A_531 = arith.constant 1 : i32
    %dma_wait3A_532 = arith.constant 0 : i32
    %dma_wait3A_533 = arith.constant 0 : i32
    %dma_wait3A_534 = tpu.memref_slice %arg20[%dma_wait3A_531, %dma_wait3A_532, %dma_wait3A_533] : memref<2x32x10xi32, #tpu.memory_space<vmem>> -> memref<1x32x10xi32, #tpu.memory_space<vmem>>
    %dma_wait3A_535 = tpu.memref_squeeze %dma_wait3A_534 : memref<1x32x10xi32, #tpu.memory_space<vmem>> -> memref<32x10xi32, #tpu.memory_space<vmem>>
    %dma_wait3A_536 = arith.constant 0 : i32
    %dma_wait3A_537 = tpu.memref_slice %arg6[%add3A_491, %dma_wait3A_536] : memref<8192x10xi32, #tpu.memory_space<hbm>> -> memref<32x10xi32, #tpu.memory_space<hbm>>
    %dma_wait3A_538 = arith.constant 0 : i32
    %dma_wait3A_539 = tpu.memref_slice %arg6[%add3A_491, %dma_wait3A_538] : memref<8192x10xi32, #tpu.memory_space<hbm>> -> memref<32x10xi32, #tpu.memory_space<hbm>>
    %dma_wait3A_540 = arith.constant 0 : i32
    %dma_wait3A_541 = arith.constant 0 : i32
    %dma_wait3A_542 = tpu.memref_slice %arg20[%dma_wait3A_531, %dma_wait3A_540, %dma_wait3A_541] : memref<2x32x10xi32, #tpu.memory_space<vmem>> -> memref<1x32x10xi32, #tpu.memory_space<vmem>>
    %dma_wait3A_543 = tpu.memref_squeeze %dma_wait3A_542 : memref<1x32x10xi32, #tpu.memory_space<vmem>> -> memref<32x10xi32, #tpu.memory_space<vmem>>
    tpu.wait_dma2 semaphore(%arg27 : memref<!tpu.dma_semaphore, #tpu.memory_space<semaphore_mem>>) src(%dma_wait3A_543 : memref<32x10xi32, #tpu.memory_space<vmem>>) dst(%dma_wait3A_539 : memref<32x10xi32, #tpu.memory_space<hbm>>)
    %dma_wait3A_544 = arith.constant 1 : i32
    %dma_wait3A_545 = arith.constant 0 : i32
    %dma_wait3A_546 = arith.constant 0 : i32
    %dma_wait3A_547 = tpu.memref_slice %arg21[%dma_wait3A_544, %dma_wait3A_545, %dma_wait3A_546] : memref<2x32x10xi32, #tpu.memory_space<vmem>> -> memref<1x32x10xi32, #tpu.memory_space<vmem>>
    %dma_wait3A_548 = tpu.memref_squeeze %dma_wait3A_547 : memref<1x32x10xi32, #tpu.memory_space<vmem>> -> memref<32x10xi32, #tpu.memory_space<vmem>>
    %dma_wait3A_549 = arith.constant 0 : i32
    %dma_wait3A_550 = tpu.memref_slice %arg7[%add3A_491, %dma_wait3A_549] : memref<8192x10xi32, #tpu.memory_space<hbm>> -> memref<32x10xi32, #tpu.memory_space<hbm>>
    %dma_wait3A_551 = arith.constant 0 : i32
    %dma_wait3A_552 = tpu.memref_slice %arg7[%add3A_491, %dma_wait3A_551] : memref<8192x10xi32, #tpu.memory_space<hbm>> -> memref<32x10xi32, #tpu.memory_space<hbm>>
    %dma_wait3A_553 = arith.constant 0 : i32
    %dma_wait3A_554 = arith.constant 0 : i32
    %dma_wait3A_555 = tpu.memref_slice %arg21[%dma_wait3A_544, %dma_wait3A_553, %dma_wait3A_554] : memref<2x32x10xi32, #tpu.memory_space<vmem>> -> memref<1x32x10xi32, #tpu.memory_space<vmem>>
    %dma_wait3A_556 = tpu.memref_squeeze %dma_wait3A_555 : memref<1x32x10xi32, #tpu.memory_space<vmem>> -> memref<32x10xi32, #tpu.memory_space<vmem>>
    tpu.wait_dma2 semaphore(%arg27 : memref<!tpu.dma_semaphore, #tpu.memory_space<semaphore_mem>>) src(%dma_wait3A_556 : memref<32x10xi32, #tpu.memory_space<vmem>>) dst(%dma_wait3A_552 : memref<32x10xi32, #tpu.memory_space<hbm>>)
    %dma_wait3A_557 = arith.constant 1 : i32
    %dma_wait3A_558 = arith.constant 0 : i32
    %dma_wait3A_559 = arith.constant 0 : i32
    %dma_wait3A_560 = tpu.memref_slice %arg22[%dma_wait3A_557, %dma_wait3A_558, %dma_wait3A_559] : memref<2x32x10xi32, #tpu.memory_space<vmem>> -> memref<1x32x10xi32, #tpu.memory_space<vmem>>
    %dma_wait3A_561 = tpu.memref_squeeze %dma_wait3A_560 : memref<1x32x10xi32, #tpu.memory_space<vmem>> -> memref<32x10xi32, #tpu.memory_space<vmem>>
    %dma_wait3A_562 = arith.constant 0 : i32
    %dma_wait3A_563 = tpu.memref_slice %arg8[%add3A_491, %dma_wait3A_562] : memref<8192x10xi32, #tpu.memory_space<hbm>> -> memref<32x10xi32, #tpu.memory_space<hbm>>
    %dma_wait3A_564 = arith.constant 0 : i32
    %dma_wait3A_565 = tpu.memref_slice %arg8[%add3A_491, %dma_wait3A_564] : memref<8192x10xi32, #tpu.memory_space<hbm>> -> memref<32x10xi32, #tpu.memory_space<hbm>>
    %dma_wait3A_566 = arith.constant 0 : i32
    %dma_wait3A_567 = arith.constant 0 : i32
    %dma_wait3A_568 = tpu.memref_slice %arg22[%dma_wait3A_557, %dma_wait3A_566, %dma_wait3A_567] : memref<2x32x10xi32, #tpu.memory_space<vmem>> -> memref<1x32x10xi32, #tpu.memory_space<vmem>>
    %dma_wait3A_569 = tpu.memref_squeeze %dma_wait3A_568 : memref<1x32x10xi32, #tpu.memory_space<vmem>> -> memref<32x10xi32, #tpu.memory_space<vmem>>
    tpu.wait_dma2 semaphore(%arg27 : memref<!tpu.dma_semaphore, #tpu.memory_space<semaphore_mem>>) src(%dma_wait3A_569 : memref<32x10xi32, #tpu.memory_space<vmem>>) dst(%dma_wait3A_565 : memref<32x10xi32, #tpu.memory_space<hbm>>)
    %dma_wait3A_570 = arith.constant 160 : i32
    %dma_wait3A_571 = arith.constant 0 : i32
    %dma_wait3A_572 = tpu.memref_slice %arg17[%dma_wait3A_570, %dma_wait3A_571] : memref<256x10xf32, #tpu.memory_space<vmem>> -> memref<32x10xf32, #tpu.memory_space<vmem>>
    %dma_wait3A_573 = arith.constant 0 : i32
    %dma_wait3A_574 = tpu.memref_slice %arg3[%add3A_455, %dma_wait3A_573] : memref<8192x10xf32, #tpu.memory_space<hbm>> -> memref<32x10xf32, #tpu.memory_space<hbm>>
    %dma_wait3A_575 = arith.constant 160 : i32
    %dma_wait3A_576 = arith.constant 0 : i32
    %dma_wait3A_577 = tpu.memref_slice %arg17[%dma_wait3A_575, %dma_wait3A_576] : memref<256x10xf32, #tpu.memory_space<vmem>> -> memref<32x10xf32, #tpu.memory_space<vmem>>
    %dma_wait3A_578 = arith.constant 0 : i32
    %dma_wait3A_579 = tpu.memref_slice %arg3[%add3A_455, %dma_wait3A_578] : memref<8192x10xf32, #tpu.memory_space<hbm>> -> memref<32x10xf32, #tpu.memory_space<hbm>>
    tpu.wait_dma2 semaphore(%arg25 : memref<!tpu.dma_semaphore, #tpu.memory_space<semaphore_mem>>) src(%dma_wait3A_579 : memref<32x10xf32, #tpu.memory_space<hbm>>) dst(%dma_wait3A_577 : memref<32x10xf32, #tpu.memory_space<vmem>>)
    %add3A_580 = arith.constant 192 : i32
    %add3A_581 = arith.addi %mul3A_2, %add3A_580 : i32
    %dma_start3A_582 = arith.constant 192 : i32
    %dma_start3A_583 = arith.constant 0 : i32
    %dma_start3A_584 = tpu.memref_slice %arg17[%dma_start3A_582, %dma_start3A_583] : memref<256x10xf32, #tpu.memory_space<vmem>> -> memref<32x10xf32, #tpu.memory_space<vmem>>
    %dma_start3A_585 = arith.constant 0 : i32
    %dma_start3A_586 = tpu.memref_slice %arg3[%add3A_581, %dma_start3A_585] : memref<8192x10xf32, #tpu.memory_space<hbm>> -> memref<32x10xf32, #tpu.memory_space<hbm>>
    %dma_start3A_587 = arith.constant 192 : i32
    %dma_start3A_588 = arith.constant 0 : i32
    %dma_start3A_589 = tpu.memref_slice %arg17[%dma_start3A_587, %dma_start3A_588] : memref<256x10xf32, #tpu.memory_space<vmem>> -> memref<32x10xf32, #tpu.memory_space<vmem>>
    %dma_start3A_590 = arith.constant 0 : i32
    %dma_start3A_591 = tpu.memref_slice %arg3[%add3A_581, %dma_start3A_590] : memref<8192x10xf32, #tpu.memory_space<hbm>> -> memref<32x10xf32, #tpu.memory_space<hbm>>
    tpu.enqueue_dma source(%dma_start3A_591 : memref<32x10xf32, #tpu.memory_space<hbm>>) target(%dma_start3A_589 : memref<32x10xf32, #tpu.memory_space<vmem>>) target_semaphore(%arg25 : memref<!tpu.dma_semaphore, #tpu.memory_space<semaphore_mem>>)
    %scan3A_592 = arith.constant 0 : i32
    %scan3A_593 = arith.constant 0 : i32
    %scan3A_594 = arith.constant 20 : i32
    %scan3A_595 = arith.addi %scan3A_593, %scan3A_594 : i32
    %scan3A_596 = arith.constant 2 : i32
    scf.for %scan3A_1028 = %scan3A_593 to %scan3A_595 step %scan3A_596  : i32 {
      %mul3A_1029 = arith.constant 16 : i32
      %mul3A_1030 = arith.muli %scan3A_1028, %mul3A_1029 : i32
      %add3A_1031 = arith.constant 1600 : i32
      %add3A_1032 = arith.addi %add3A_1031, %mul3A_1030 : i32
      %add3A_1033 = vector.broadcast %add3A_1032 : i32 to vector<16xi32>
      %add3A_1034 = arith.addi %add3A_1033, %iota3A : vector<16xi32>
      %div3A = arith.constant 10 : i32
      %div3A_1035 = vector.broadcast %div3A : i32 to vector<16xi32>
      %div3A_1036 = arith.divsi %add3A_1034, %div3A_1035 : vector<16xi32>
      %mul3A_1037 = arith.constant 10 : i32
      %mul3A_1038 = vector.broadcast %mul3A_1037 : i32 to vector<16xi32>
      %mul3A_1039 = arith.muli %div3A_1036, %mul3A_1038 : vector<16xi32>
      %sub3A = arith.subi %add3A_1034, %mul3A_1039 : vector<16xi32>
      %sub3A_1040 = arith.constant 160 : i32
      %sub3A_1041 = vector.broadcast %sub3A_1040 : i32 to vector<16xi32>
      %sub3A_1042 = arith.subi %div3A_1036, %sub3A_1041 : vector<16xi32>
      %gather3A = tpu.vector_load_idx %arg11[%div3A_1036] : memref<256xi32, #tpu.memory_space<vmem>>[vector<16xi32>], vector<16xi32>,
      %gather3A_1043 = tpu.vector_load_idx %arg13[%div3A_1036] : memref<256xf32, #tpu.memory_space<vmem>>[vector<16xi32>], vector<16xf32>,
      %gather3A_1044 = tpu.vector_load_idx %arg14[%div3A_1036] : memref<256xi32, #tpu.memory_space<vmem>>[vector<16xi32>], vector<16xi32>,
      %gather3A_1045 = tpu.vector_load_idx %arg15[%div3A_1036] : memref<256xi32, #tpu.memory_space<vmem>>[vector<16xi32>], vector<16xi32>,
      %gather3A_1046 = tpu.vector_load_idx %arg16[%div3A_1036] : memref<256xi32, #tpu.memory_space<vmem>>[vector<16xi32>], vector<16xi32>,
      %gather3A_1047 = tpu.vector_load_idx %arg17[%div3A_1036, %sub3A] : memref<256x10xf32, #tpu.memory_space<vmem>>[vector<16xi32>, vector<16xi32>], vector<16xf32>,
      %mul3A_1048 = arith.mulf %gather3A_1047, %gather3A_1043 : vector<16xf32>
      %convert_element_type3A = arith.fptosi %mul3A_1048 : vector<16xf32> to vector<16xi32>
      %min3A = arith.minsi %convert_element_type3A, %gather3A_1044 : vector<16xi32>
      %add3A_1049 = arith.addi %gather3A, %min3A : vector<16xi32>
      %min3A_1050 = arith.constant 1599999 : i32
      %min3A_1051 = vector.broadcast %min3A_1050 : i32 to vector<16xi32>
      %min3A_1052 = arith.minsi %add3A_1049, %min3A_1051 : vector<16xi32>
      %swap3A = arith.index_cast %add3A_1032 : i32 to index
      %swap3A_1053 = tpu.vector_load %arg18[%swap3A] {strides = array<i32>} : memref<2560xi32, #tpu.memory_space<vmem>>, vector<16xi32>,
      tpu.vector_store %arg18[%swap3A], %min3A_1052 {strides = array<i32>} : memref<2560xi32, #tpu.memory_space<vmem>>, vector<16xi32>,
      %scatter3A = arith.constant 1 : i32
      %scatter3A_1054 = arith.constant 0 : i32
      %scatter3A_1055 = arith.constant 0 : i32
      %scatter3A_1056 = tpu.memref_slice %arg20[%scatter3A, %scatter3A_1054, %scatter3A_1055] : memref<2x32x10xi32, #tpu.memory_space<vmem>> -> memref<1x32x10xi32, #tpu.memory_space<vmem>>
      %scatter3A_1057 = tpu.memref_squeeze %scatter3A_1056 : memref<1x32x10xi32, #tpu.memory_space<vmem>> -> memref<32x10xi32, #tpu.memory_space<vmem>>
      tpu.vector_store_idx %scatter3A_1057[%sub3A_1042, %sub3A], %gather3A_1045 : memref<32x10xi32, #tpu.memory_space<vmem>>[vector<16xi32>, vector<16xi32>], vector<16xi32>,
      %scatter3A_1058 = arith.constant 1 : i32
      %scatter3A_1059 = arith.constant 0 : i32
      %scatter3A_1060 = arith.constant 0 : i32
      %scatter3A_1061 = tpu.memref_slice %arg22[%scatter3A_1058, %scatter3A_1059, %scatter3A_1060] : memref<2x32x10xi32, #tpu.memory_space<vmem>> -> memref<1x32x10xi32, #tpu.memory_space<vmem>>
      %scatter3A_1062 = tpu.memref_squeeze %scatter3A_1061 : memref<1x32x10xi32, #tpu.memory_space<vmem>> -> memref<32x10xi32, #tpu.memory_space<vmem>>
      tpu.vector_store_idx %scatter3A_1062[%sub3A_1042, %sub3A], %gather3A_1046 : memref<32x10xi32, #tpu.memory_space<vmem>>[vector<16xi32>, vector<16xi32>], vector<16xi32>,
      %scan3A_1063 = arith.constant 1 : i32
      %scan3A_1064 = arith.addi %scan3A_1028, %scan3A_1063 : i32
      %mul3A_1065 = arith.constant 16 : i32
      %mul3A_1066 = arith.muli %scan3A_1064, %mul3A_1065 : i32
      %add3A_1067 = arith.constant 1600 : i32
      %add3A_1068 = arith.addi %add3A_1067, %mul3A_1066 : i32
      %add3A_1069 = vector.broadcast %add3A_1068 : i32 to vector<16xi32>
      %add3A_1070 = arith.addi %add3A_1069, %iota3A : vector<16xi32>
      %div3A_1071 = arith.constant 10 : i32
      %div3A_1072 = vector.broadcast %div3A_1071 : i32 to vector<16xi32>
      %div3A_1073 = arith.divsi %add3A_1070, %div3A_1072 : vector<16xi32>
      %mul3A_1074 = arith.constant 10 : i32
      %mul3A_1075 = vector.broadcast %mul3A_1074 : i32 to vector<16xi32>
      %mul3A_1076 = arith.muli %div3A_1073, %mul3A_1075 : vector<16xi32>
      %sub3A_1077 = arith.subi %add3A_1070, %mul3A_1076 : vector<16xi32>
      %sub3A_1078 = arith.constant 160 : i32
      %sub3A_1079 = vector.broadcast %sub3A_1078 : i32 to vector<16xi32>
      %sub3A_1080 = arith.subi %div3A_1073, %sub3A_1079 : vector<16xi32>
      %gather3A_1081 = tpu.vector_load_idx %arg11[%div3A_1073] : memref<256xi32, #tpu.memory_space<vmem>>[vector<16xi32>], vector<16xi32>,
      %gather3A_1082 = tpu.vector_load_idx %arg13[%div3A_1073] : memref<256xf32, #tpu.memory_space<vmem>>[vector<16xi32>], vector<16xf32>,
      %gather3A_1083 = tpu.vector_load_idx %arg14[%div3A_1073] : memref<256xi32, #tpu.memory_space<vmem>>[vector<16xi32>], vector<16xi32>,
      %gather3A_1084 = tpu.vector_load_idx %arg15[%div3A_1073] : memref<256xi32, #tpu.memory_space<vmem>>[vector<16xi32>], vector<16xi32>,
      %gather3A_1085 = tpu.vector_load_idx %arg16[%div3A_1073] : memref<256xi32, #tpu.memory_space<vmem>>[vector<16xi32>], vector<16xi32>,
      %gather3A_1086 = tpu.vector_load_idx %arg17[%div3A_1073, %sub3A_1077] : memref<256x10xf32, #tpu.memory_space<vmem>>[vector<16xi32>, vector<16xi32>], vector<16xf32>,
      %mul3A_1087 = arith.mulf %gather3A_1086, %gather3A_1082 : vector<16xf32>
      %convert_element_type3A_1088 = arith.fptosi %mul3A_1087 : vector<16xf32> to vector<16xi32>
      %min3A_1089 = arith.minsi %convert_element_type3A_1088, %gather3A_1083 : vector<16xi32>
      %add3A_1090 = arith.addi %gather3A_1081, %min3A_1089 : vector<16xi32>
      %min3A_1091 = arith.constant 1599999 : i32
      %min3A_1092 = vector.broadcast %min3A_1091 : i32 to vector<16xi32>
      %min3A_1093 = arith.minsi %add3A_1090, %min3A_1092 : vector<16xi32>
      %swap3A_1094 = arith.index_cast %add3A_1068 : i32 to index
      %swap3A_1095 = tpu.vector_load %arg18[%swap3A_1094] {strides = array<i32>} : memref<2560xi32, #tpu.memory_space<vmem>>, vector<16xi32>,
      tpu.vector_store %arg18[%swap3A_1094], %min3A_1093 {strides = array<i32>} : memref<2560xi32, #tpu.memory_space<vmem>>, vector<16xi32>,
      %scatter3A_1096 = arith.constant 1 : i32
      %scatter3A_1097 = arith.constant 0 : i32
      %scatter3A_1098 = arith.constant 0 : i32
      %scatter3A_1099 = tpu.memref_slice %arg20[%scatter3A_1096, %scatter3A_1097, %scatter3A_1098] : memref<2x32x10xi32, #tpu.memory_space<vmem>> -> memref<1x32x10xi32, #tpu.memory_space<vmem>>
      %scatter3A_1100 = tpu.memref_squeeze %scatter3A_1099 : memref<1x32x10xi32, #tpu.memory_space<vmem>> -> memref<32x10xi32, #tpu.memory_space<vmem>>
      tpu.vector_store_idx %scatter3A_1100[%sub3A_1080, %sub3A_1077], %gather3A_1084 : memref<32x10xi32, #tpu.memory_space<vmem>>[vector<16xi32>, vector<16xi32>], vector<16xi32>,
      %scatter3A_1101 = arith.constant 1 : i32
      %scatter3A_1102 = arith.constant 0 : i32
      %scatter3A_1103 = arith.constant 0 : i32
      %scatter3A_1104 = tpu.memref_slice %arg22[%scatter3A_1101, %scatter3A_1102, %scatter3A_1103] : memref<2x32x10xi32, #tpu.memory_space<vmem>> -> memref<1x32x10xi32, #tpu.memory_space<vmem>>
      %scatter3A_1105 = tpu.memref_squeeze %scatter3A_1104 : memref<1x32x10xi32, #tpu.memory_space<vmem>> -> memref<32x10xi32, #tpu.memory_space<vmem>>
      tpu.vector_store_idx %scatter3A_1105[%sub3A_1080, %sub3A_1077], %gather3A_1085 : memref<32x10xi32, #tpu.memory_space<vmem>>[vector<16xi32>, vector<16xi32>], vector<16xi32>,
    }
    %scan3A_597 = arith.constant 20 : i32
    %dma_start3A_598 = arith.constant 1600 : i32
    %dma_start3A_599 = tpu.memref_slice %arg19[%dma_start3A_598] : memref<2560xi32, #tpu.memory_space<vmem>> -> memref<320xi32, #tpu.memory_space<vmem>>
    %dma_start3A_600 = arith.constant 1600 : i32
    %dma_start3A_601 = tpu.memref_slice %arg18[%dma_start3A_600] : memref<2560xi32, #tpu.memory_space<vmem>> -> memref<320xi32, #tpu.memory_space<vmem>>
    %dma_start3A_602 = arith.constant 0 : i32
    %dma_start3A_603 = tpu.memref_slice %arg5[%dma_start3A_602] : memref<1600000xi32, #tpu.memory_space<hbm>> -> memref<1600000xi32, #tpu.memory_space<hbm>>
    tpu.enqueue_indirect_dma source(%dma_start3A_603 : memref<1600000xi32, #tpu.memory_space<hbm>>) target(%dma_start3A_599 : memref<320xi32, #tpu.memory_space<vmem>>) offsets(%dma_start3A_601 : memref<320xi32, #tpu.memory_space<vmem>>) semaphore(%arg24 : memref<!tpu.dma_semaphore, #tpu.memory_space<semaphore_mem>>)
    %dma_wait3A_604 = arith.constant 1280 : i32
    %dma_wait3A_605 = tpu.memref_slice %arg19[%dma_wait3A_604] : memref<2560xi32, #tpu.memory_space<vmem>> -> memref<320xi32, #tpu.memory_space<vmem>>
    %dma_wait3A_606 = arith.constant 1280 : i32
    %dma_wait3A_607 = tpu.memref_slice %arg18[%dma_wait3A_606] : memref<2560xi32, #tpu.memory_space<vmem>> -> memref<320xi32, #tpu.memory_space<vmem>>
    %dma_wait3A_608 = arith.constant 0 : i32
    %dma_wait3A_609 = tpu.memref_slice %arg5[%dma_wait3A_608] : memref<1600000xi32, #tpu.memory_space<hbm>> -> memref<1600000xi32, #tpu.memory_space<hbm>>
    tpu.wait_indirect_dma semaphore(%arg23 : memref<!tpu.dma_semaphore, #tpu.memory_space<semaphore_mem>>) src(%dma_wait3A_609 : memref<1600000xi32, #tpu.memory_space<hbm>>) dst(%dma_wait3A_605 : memref<320xi32, #tpu.memory_space<vmem>>)
    %scan3A_610 = arith.constant 0 : i32
    %scan3A_611 = arith.constant 0 : i32
    %scan3A_612 = arith.constant 20 : i32
    %scan3A_613 = arith.addi %scan3A_611, %scan3A_612 : i32
    %scan3A_614 = arith.constant 2 : i32
    scf.for %scan3A_1028 = %scan3A_611 to %scan3A_613 step %scan3A_614  : i32 {
      %mul3A_1029 = arith.constant 16 : i32
      %mul3A_1030 = arith.muli %scan3A_1028, %mul3A_1029 : i32
      %add3A_1031 = arith.constant 1280 : i32
      %add3A_1032 = arith.addi %add3A_1031, %mul3A_1030 : i32
      %add3A_1033 = vector.broadcast %add3A_1032 : i32 to vector<16xi32>
      %add3A_1034 = arith.addi %add3A_1033, %iota3A : vector<16xi32>
      %div3A = arith.constant 10 : i32
      %div3A_1035 = vector.broadcast %div3A : i32 to vector<16xi32>
      %div3A_1036 = arith.divsi %add3A_1034, %div3A_1035 : vector<16xi32>
      %mul3A_1037 = arith.constant 10 : i32
      %mul3A_1038 = vector.broadcast %mul3A_1037 : i32 to vector<16xi32>
      %mul3A_1039 = arith.muli %div3A_1036, %mul3A_1038 : vector<16xi32>
      %sub3A = arith.subi %add3A_1034, %mul3A_1039 : vector<16xi32>
      %sub3A_1040 = arith.constant 128 : i32
      %sub3A_1041 = vector.broadcast %sub3A_1040 : i32 to vector<16xi32>
      %sub3A_1042 = arith.subi %div3A_1036, %sub3A_1041 : vector<16xi32>
      %gather3A = tpu.vector_load_idx %arg16[%div3A_1036] : memref<256xi32, #tpu.memory_space<vmem>>[vector<16xi32>], vector<16xi32>,
      %gt3A = arith.constant 0 : i32
      %gt3A_1043 = vector.broadcast %gt3A : i32 to vector<16xi32>
      %gt3A_1044 = arith.cmpi sgt, %gather3A, %gt3A_1043 : vector<16xi32>
      %get3A = arith.index_cast %add3A_1032 : i32 to index
      %get3A_1045 = tpu.vector_load %arg19[%get3A] {strides = array<i32>} : memref<2560xi32, #tpu.memory_space<vmem>>, vector<16xi32>,
      %jit3A = arith.constant -1 : i32
      %broadcast_in_dim3A = vector.broadcast %jit3A : i32 to vector<16xi32>
      %select_n3A = arith.select %gt3A_1044, %get3A_1045, %broadcast_in_dim3A : vector<16xi1>, vector<16xi32>
      %scatter3A = arith.constant 0 : i32
      %scatter3A_1046 = arith.constant 0 : i32
      %scatter3A_1047 = arith.constant 0 : i32
      %scatter3A_1048 = tpu.memref_slice %arg21[%scatter3A, %scatter3A_1046, %scatter3A_1047] : memref<2x32x10xi32, #tpu.memory_space<vmem>> -> memref<1x32x10xi32, #tpu.memory_space<vmem>>
      %scatter3A_1049 = tpu.memref_squeeze %scatter3A_1048 : memref<1x32x10xi32, #tpu.memory_space<vmem>> -> memref<32x10xi32, #tpu.memory_space<vmem>>
      tpu.vector_store_idx %scatter3A_1049[%sub3A_1042, %sub3A], %select_n3A : memref<32x10xi32, #tpu.memory_space<vmem>>[vector<16xi32>, vector<16xi32>], vector<16xi32>,
      %scan3A_1050 = arith.constant 1 : i32
      %scan3A_1051 = arith.addi %scan3A_1028, %scan3A_1050 : i32
      %mul3A_1052 = arith.constant 16 : i32
      %mul3A_1053 = arith.muli %scan3A_1051, %mul3A_1052 : i32
      %add3A_1054 = arith.constant 1280 : i32
      %add3A_1055 = arith.addi %add3A_1054, %mul3A_1053 : i32
      %add3A_1056 = vector.broadcast %add3A_1055 : i32 to vector<16xi32>
      %add3A_1057 = arith.addi %add3A_1056, %iota3A : vector<16xi32>
      %div3A_1058 = arith.constant 10 : i32
      %div3A_1059 = vector.broadcast %div3A_1058 : i32 to vector<16xi32>
      %div3A_1060 = arith.divsi %add3A_1057, %div3A_1059 : vector<16xi32>
      %mul3A_1061 = arith.constant 10 : i32
      %mul3A_1062 = vector.broadcast %mul3A_1061 : i32 to vector<16xi32>
      %mul3A_1063 = arith.muli %div3A_1060, %mul3A_1062 : vector<16xi32>
      %sub3A_1064 = arith.subi %add3A_1057, %mul3A_1063 : vector<16xi32>
      %sub3A_1065 = arith.constant 128 : i32
      %sub3A_1066 = vector.broadcast %sub3A_1065 : i32 to vector<16xi32>
      %sub3A_1067 = arith.subi %div3A_1060, %sub3A_1066 : vector<16xi32>
      %gather3A_1068 = tpu.vector_load_idx %arg16[%div3A_1060] : memref<256xi32, #tpu.memory_space<vmem>>[vector<16xi32>], vector<16xi32>,
      %gt3A_1069 = arith.constant 0 : i32
      %gt3A_1070 = vector.broadcast %gt3A_1069 : i32 to vector<16xi32>
      %gt3A_1071 = arith.cmpi sgt, %gather3A_1068, %gt3A_1070 : vector<16xi32>
      %get3A_1072 = arith.index_cast %add3A_1055 : i32 to index
      %get3A_1073 = tpu.vector_load %arg19[%get3A_1072] {strides = array<i32>} : memref<2560xi32, #tpu.memory_space<vmem>>, vector<16xi32>,
      %jit3A_1074 = arith.constant -1 : i32
      %broadcast_in_dim3A_1075 = vector.broadcast %jit3A_1074 : i32 to vector<16xi32>
      %select_n3A_1076 = arith.select %gt3A_1071, %get3A_1073, %broadcast_in_dim3A_1075 : vector<16xi1>, vector<16xi32>
      %scatter3A_1077 = arith.constant 0 : i32
      %scatter3A_1078 = arith.constant 0 : i32
      %scatter3A_1079 = arith.constant 0 : i32
      %scatter3A_1080 = tpu.memref_slice %arg21[%scatter3A_1077, %scatter3A_1078, %scatter3A_1079] : memref<2x32x10xi32, #tpu.memory_space<vmem>> -> memref<1x32x10xi32, #tpu.memory_space<vmem>>
      %scatter3A_1081 = tpu.memref_squeeze %scatter3A_1080 : memref<1x32x10xi32, #tpu.memory_space<vmem>> -> memref<32x10xi32, #tpu.memory_space<vmem>>
      tpu.vector_store_idx %scatter3A_1081[%sub3A_1067, %sub3A_1064], %select_n3A_1076 : memref<32x10xi32, #tpu.memory_space<vmem>>[vector<16xi32>, vector<16xi32>], vector<16xi32>,
    }
    %scan3A_615 = arith.constant 20 : i32
    %add3A_616 = arith.constant 128 : i32
    %add3A_617 = arith.addi %mul3A_2, %add3A_616 : i32
    %dma_start3A_618 = arith.constant 0 : i32
    %dma_start3A_619 = arith.constant 0 : i32
    %dma_start3A_620 = arith.constant 0 : i32
    %dma_start3A_621 = tpu.memref_slice %arg20[%dma_start3A_618, %dma_start3A_619, %dma_start3A_620] : memref<2x32x10xi32, #tpu.memory_space<vmem>> -> memref<1x32x10xi32, #tpu.memory_space<vmem>>
    %dma_start3A_622 = tpu.memref_squeeze %dma_start3A_621 : memref<1x32x10xi32, #tpu.memory_space<vmem>> -> memref<32x10xi32, #tpu.memory_space<vmem>>
    %dma_start3A_623 = arith.constant 0 : i32
    %dma_start3A_624 = tpu.memref_slice %arg6[%add3A_617, %dma_start3A_623] : memref<8192x10xi32, #tpu.memory_space<hbm>> -> memref<32x10xi32, #tpu.memory_space<hbm>>
    %dma_start3A_625 = arith.constant 0 : i32
    %dma_start3A_626 = tpu.memref_slice %arg6[%add3A_617, %dma_start3A_625] : memref<8192x10xi32, #tpu.memory_space<hbm>> -> memref<32x10xi32, #tpu.memory_space<hbm>>
    %dma_start3A_627 = arith.constant 0 : i32
    %dma_start3A_628 = arith.constant 0 : i32
    %dma_start3A_629 = tpu.memref_slice %arg20[%dma_start3A_618, %dma_start3A_627, %dma_start3A_628] : memref<2x32x10xi32, #tpu.memory_space<vmem>> -> memref<1x32x10xi32, #tpu.memory_space<vmem>>
    %dma_start3A_630 = tpu.memref_squeeze %dma_start3A_629 : memref<1x32x10xi32, #tpu.memory_space<vmem>> -> memref<32x10xi32, #tpu.memory_space<vmem>>
    tpu.enqueue_dma source(%dma_start3A_630 : memref<32x10xi32, #tpu.memory_space<vmem>>) target(%dma_start3A_626 : memref<32x10xi32, #tpu.memory_space<hbm>>) target_semaphore(%arg26 : memref<!tpu.dma_semaphore, #tpu.memory_space<semaphore_mem>>)
    %dma_start3A_631 = arith.constant 0 : i32
    %dma_start3A_632 = arith.constant 0 : i32
    %dma_start3A_633 = arith.constant 0 : i32
    %dma_start3A_634 = tpu.memref_slice %arg21[%dma_start3A_631, %dma_start3A_632, %dma_start3A_633] : memref<2x32x10xi32, #tpu.memory_space<vmem>> -> memref<1x32x10xi32, #tpu.memory_space<vmem>>
    %dma_start3A_635 = tpu.memref_squeeze %dma_start3A_634 : memref<1x32x10xi32, #tpu.memory_space<vmem>> -> memref<32x10xi32, #tpu.memory_space<vmem>>
    %dma_start3A_636 = arith.constant 0 : i32
    %dma_start3A_637 = tpu.memref_slice %arg7[%add3A_617, %dma_start3A_636] : memref<8192x10xi32, #tpu.memory_space<hbm>> -> memref<32x10xi32, #tpu.memory_space<hbm>>
    %dma_start3A_638 = arith.constant 0 : i32
    %dma_start3A_639 = tpu.memref_slice %arg7[%add3A_617, %dma_start3A_638] : memref<8192x10xi32, #tpu.memory_space<hbm>> -> memref<32x10xi32, #tpu.memory_space<hbm>>
    %dma_start3A_640 = arith.constant 0 : i32
    %dma_start3A_641 = arith.constant 0 : i32
    %dma_start3A_642 = tpu.memref_slice %arg21[%dma_start3A_631, %dma_start3A_640, %dma_start3A_641] : memref<2x32x10xi32, #tpu.memory_space<vmem>> -> memref<1x32x10xi32, #tpu.memory_space<vmem>>
    %dma_start3A_643 = tpu.memref_squeeze %dma_start3A_642 : memref<1x32x10xi32, #tpu.memory_space<vmem>> -> memref<32x10xi32, #tpu.memory_space<vmem>>
    tpu.enqueue_dma source(%dma_start3A_643 : memref<32x10xi32, #tpu.memory_space<vmem>>) target(%dma_start3A_639 : memref<32x10xi32, #tpu.memory_space<hbm>>) target_semaphore(%arg26 : memref<!tpu.dma_semaphore, #tpu.memory_space<semaphore_mem>>)
    %dma_start3A_644 = arith.constant 0 : i32
    %dma_start3A_645 = arith.constant 0 : i32
    %dma_start3A_646 = arith.constant 0 : i32
    %dma_start3A_647 = tpu.memref_slice %arg22[%dma_start3A_644, %dma_start3A_645, %dma_start3A_646] : memref<2x32x10xi32, #tpu.memory_space<vmem>> -> memref<1x32x10xi32, #tpu.memory_space<vmem>>
    %dma_start3A_648 = tpu.memref_squeeze %dma_start3A_647 : memref<1x32x10xi32, #tpu.memory_space<vmem>> -> memref<32x10xi32, #tpu.memory_space<vmem>>
    %dma_start3A_649 = arith.constant 0 : i32
    %dma_start3A_650 = tpu.memref_slice %arg8[%add3A_617, %dma_start3A_649] : memref<8192x10xi32, #tpu.memory_space<hbm>> -> memref<32x10xi32, #tpu.memory_space<hbm>>
    %dma_start3A_651 = arith.constant 0 : i32
    %dma_start3A_652 = tpu.memref_slice %arg8[%add3A_617, %dma_start3A_651] : memref<8192x10xi32, #tpu.memory_space<hbm>> -> memref<32x10xi32, #tpu.memory_space<hbm>>
    %dma_start3A_653 = arith.constant 0 : i32
    %dma_start3A_654 = arith.constant 0 : i32
    %dma_start3A_655 = tpu.memref_slice %arg22[%dma_start3A_644, %dma_start3A_653, %dma_start3A_654] : memref<2x32x10xi32, #tpu.memory_space<vmem>> -> memref<1x32x10xi32, #tpu.memory_space<vmem>>
    %dma_start3A_656 = tpu.memref_squeeze %dma_start3A_655 : memref<1x32x10xi32, #tpu.memory_space<vmem>> -> memref<32x10xi32, #tpu.memory_space<vmem>>
    tpu.enqueue_dma source(%dma_start3A_656 : memref<32x10xi32, #tpu.memory_space<vmem>>) target(%dma_start3A_652 : memref<32x10xi32, #tpu.memory_space<hbm>>) target_semaphore(%arg26 : memref<!tpu.dma_semaphore, #tpu.memory_space<semaphore_mem>>)
    %dma_wait3A_657 = arith.constant 0 : i32
    %dma_wait3A_658 = arith.constant 0 : i32
    %dma_wait3A_659 = arith.constant 0 : i32
    %dma_wait3A_660 = tpu.memref_slice %arg20[%dma_wait3A_657, %dma_wait3A_658, %dma_wait3A_659] : memref<2x32x10xi32, #tpu.memory_space<vmem>> -> memref<1x32x10xi32, #tpu.memory_space<vmem>>
    %dma_wait3A_661 = tpu.memref_squeeze %dma_wait3A_660 : memref<1x32x10xi32, #tpu.memory_space<vmem>> -> memref<32x10xi32, #tpu.memory_space<vmem>>
    %dma_wait3A_662 = arith.constant 0 : i32
    %dma_wait3A_663 = tpu.memref_slice %arg6[%add3A_617, %dma_wait3A_662] : memref<8192x10xi32, #tpu.memory_space<hbm>> -> memref<32x10xi32, #tpu.memory_space<hbm>>
    %dma_wait3A_664 = arith.constant 0 : i32
    %dma_wait3A_665 = tpu.memref_slice %arg6[%add3A_617, %dma_wait3A_664] : memref<8192x10xi32, #tpu.memory_space<hbm>> -> memref<32x10xi32, #tpu.memory_space<hbm>>
    %dma_wait3A_666 = arith.constant 0 : i32
    %dma_wait3A_667 = arith.constant 0 : i32
    %dma_wait3A_668 = tpu.memref_slice %arg20[%dma_wait3A_657, %dma_wait3A_666, %dma_wait3A_667] : memref<2x32x10xi32, #tpu.memory_space<vmem>> -> memref<1x32x10xi32, #tpu.memory_space<vmem>>
    %dma_wait3A_669 = tpu.memref_squeeze %dma_wait3A_668 : memref<1x32x10xi32, #tpu.memory_space<vmem>> -> memref<32x10xi32, #tpu.memory_space<vmem>>
    tpu.wait_dma2 semaphore(%arg26 : memref<!tpu.dma_semaphore, #tpu.memory_space<semaphore_mem>>) src(%dma_wait3A_669 : memref<32x10xi32, #tpu.memory_space<vmem>>) dst(%dma_wait3A_665 : memref<32x10xi32, #tpu.memory_space<hbm>>)
    %dma_wait3A_670 = arith.constant 0 : i32
    %dma_wait3A_671 = arith.constant 0 : i32
    %dma_wait3A_672 = arith.constant 0 : i32
    %dma_wait3A_673 = tpu.memref_slice %arg21[%dma_wait3A_670, %dma_wait3A_671, %dma_wait3A_672] : memref<2x32x10xi32, #tpu.memory_space<vmem>> -> memref<1x32x10xi32, #tpu.memory_space<vmem>>
    %dma_wait3A_674 = tpu.memref_squeeze %dma_wait3A_673 : memref<1x32x10xi32, #tpu.memory_space<vmem>> -> memref<32x10xi32, #tpu.memory_space<vmem>>
    %dma_wait3A_675 = arith.constant 0 : i32
    %dma_wait3A_676 = tpu.memref_slice %arg7[%add3A_617, %dma_wait3A_675] : memref<8192x10xi32, #tpu.memory_space<hbm>> -> memref<32x10xi32, #tpu.memory_space<hbm>>
    %dma_wait3A_677 = arith.constant 0 : i32
    %dma_wait3A_678 = tpu.memref_slice %arg7[%add3A_617, %dma_wait3A_677] : memref<8192x10xi32, #tpu.memory_space<hbm>> -> memref<32x10xi32, #tpu.memory_space<hbm>>
    %dma_wait3A_679 = arith.constant 0 : i32
    %dma_wait3A_680 = arith.constant 0 : i32
    %dma_wait3A_681 = tpu.memref_slice %arg21[%dma_wait3A_670, %dma_wait3A_679, %dma_wait3A_680] : memref<2x32x10xi32, #tpu.memory_space<vmem>> -> memref<1x32x10xi32, #tpu.memory_space<vmem>>
    %dma_wait3A_682 = tpu.memref_squeeze %dma_wait3A_681 : memref<1x32x10xi32, #tpu.memory_space<vmem>> -> memref<32x10xi32, #tpu.memory_space<vmem>>
    tpu.wait_dma2 semaphore(%arg26 : memref<!tpu.dma_semaphore, #tpu.memory_space<semaphore_mem>>) src(%dma_wait3A_682 : memref<32x10xi32, #tpu.memory_space<vmem>>) dst(%dma_wait3A_678 : memref<32x10xi32, #tpu.memory_space<hbm>>)
    %dma_wait3A_683 = arith.constant 0 : i32
    %dma_wait3A_684 = arith.constant 0 : i32
    %dma_wait3A_685 = arith.constant 0 : i32
    %dma_wait3A_686 = tpu.memref_slice %arg22[%dma_wait3A_683, %dma_wait3A_684, %dma_wait3A_685] : memref<2x32x10xi32, #tpu.memory_space<vmem>> -> memref<1x32x10xi32, #tpu.memory_space<vmem>>
    %dma_wait3A_687 = tpu.memref_squeeze %dma_wait3A_686 : memref<1x32x10xi32, #tpu.memory_space<vmem>> -> memref<32x10xi32, #tpu.memory_space<vmem>>
    %dma_wait3A_688 = arith.constant 0 : i32
    %dma_wait3A_689 = tpu.memref_slice %arg8[%add3A_617, %dma_wait3A_688] : memref<8192x10xi32, #tpu.memory_space<hbm>> -> memref<32x10xi32, #tpu.memory_space<hbm>>
    %dma_wait3A_690 = arith.constant 0 : i32
    %dma_wait3A_691 = tpu.memref_slice %arg8[%add3A_617, %dma_wait3A_690] : memref<8192x10xi32, #tpu.memory_space<hbm>> -> memref<32x10xi32, #tpu.memory_space<hbm>>
    %dma_wait3A_692 = arith.constant 0 : i32
    %dma_wait3A_693 = arith.constant 0 : i32
    %dma_wait3A_694 = tpu.memref_slice %arg22[%dma_wait3A_683, %dma_wait3A_692, %dma_wait3A_693] : memref<2x32x10xi32, #tpu.memory_space<vmem>> -> memref<1x32x10xi32, #tpu.memory_space<vmem>>
    %dma_wait3A_695 = tpu.memref_squeeze %dma_wait3A_694 : memref<1x32x10xi32, #tpu.memory_space<vmem>> -> memref<32x10xi32, #tpu.memory_space<vmem>>
    tpu.wait_dma2 semaphore(%arg26 : memref<!tpu.dma_semaphore, #tpu.memory_space<semaphore_mem>>) src(%dma_wait3A_695 : memref<32x10xi32, #tpu.memory_space<vmem>>) dst(%dma_wait3A_691 : memref<32x10xi32, #tpu.memory_space<hbm>>)
    %dma_wait3A_696 = arith.constant 192 : i32
    %dma_wait3A_697 = arith.constant 0 : i32
    %dma_wait3A_698 = tpu.memref_slice %arg17[%dma_wait3A_696, %dma_wait3A_697] : memref<256x10xf32, #tpu.memory_space<vmem>> -> memref<32x10xf32, #tpu.memory_space<vmem>>
    %dma_wait3A_699 = arith.constant 0 : i32
    %dma_wait3A_700 = tpu.memref_slice %arg3[%add3A_581, %dma_wait3A_699] : memref<8192x10xf32, #tpu.memory_space<hbm>> -> memref<32x10xf32, #tpu.memory_space<hbm>>
    %dma_wait3A_701 = arith.constant 192 : i32
    %dma_wait3A_702 = arith.constant 0 : i32
    %dma_wait3A_703 = tpu.memref_slice %arg17[%dma_wait3A_701, %dma_wait3A_702] : memref<256x10xf32, #tpu.memory_space<vmem>> -> memref<32x10xf32, #tpu.memory_space<vmem>>
    %dma_wait3A_704 = arith.constant 0 : i32
    %dma_wait3A_705 = tpu.memref_slice %arg3[%add3A_581, %dma_wait3A_704] : memref<8192x10xf32, #tpu.memory_space<hbm>> -> memref<32x10xf32, #tpu.memory_space<hbm>>
    tpu.wait_dma2 semaphore(%arg25 : memref<!tpu.dma_semaphore, #tpu.memory_space<semaphore_mem>>) src(%dma_wait3A_705 : memref<32x10xf32, #tpu.memory_space<hbm>>) dst(%dma_wait3A_703 : memref<32x10xf32, #tpu.memory_space<vmem>>)
    %add3A_706 = arith.constant 224 : i32
    %add3A_707 = arith.addi %mul3A_2, %add3A_706 : i32
    %dma_start3A_708 = arith.constant 224 : i32
    %dma_start3A_709 = arith.constant 0 : i32
    %dma_start3A_710 = tpu.memref_slice %arg17[%dma_start3A_708, %dma_start3A_709] : memref<256x10xf32, #tpu.memory_space<vmem>> -> memref<32x10xf32, #tpu.memory_space<vmem>>
    %dma_start3A_711 = arith.constant 0 : i32
    %dma_start3A_712 = tpu.memref_slice %arg3[%add3A_707, %dma_start3A_711] : memref<8192x10xf32, #tpu.memory_space<hbm>> -> memref<32x10xf32, #tpu.memory_space<hbm>>
    %dma_start3A_713 = arith.constant 224 : i32
    %dma_start3A_714 = arith.constant 0 : i32
    %dma_start3A_715 = tpu.memref_slice %arg17[%dma_start3A_713, %dma_start3A_714] : memref<256x10xf32, #tpu.memory_space<vmem>> -> memref<32x10xf32, #tpu.memory_space<vmem>>
    %dma_start3A_716 = arith.constant 0 : i32
    %dma_start3A_717 = tpu.memref_slice %arg3[%add3A_707, %dma_start3A_716] : memref<8192x10xf32, #tpu.memory_space<hbm>> -> memref<32x10xf32, #tpu.memory_space<hbm>>
    tpu.enqueue_dma source(%dma_start3A_717 : memref<32x10xf32, #tpu.memory_space<hbm>>) target(%dma_start3A_715 : memref<32x10xf32, #tpu.memory_space<vmem>>) target_semaphore(%arg25 : memref<!tpu.dma_semaphore, #tpu.memory_space<semaphore_mem>>)
    %scan3A_718 = arith.constant 0 : i32
    %scan3A_719 = arith.constant 0 : i32
    %scan3A_720 = arith.constant 20 : i32
    %scan3A_721 = arith.addi %scan3A_719, %scan3A_720 : i32
    %scan3A_722 = arith.constant 2 : i32
    scf.for %scan3A_1028 = %scan3A_719 to %scan3A_721 step %scan3A_722  : i32 {
      %mul3A_1029 = arith.constant 16 : i32
      %mul3A_1030 = arith.muli %scan3A_1028, %mul3A_1029 : i32
      %add3A_1031 = arith.constant 1920 : i32
      %add3A_1032 = arith.addi %add3A_1031, %mul3A_1030 : i32
      %add3A_1033 = vector.broadcast %add3A_1032 : i32 to vector<16xi32>
      %add3A_1034 = arith.addi %add3A_1033, %iota3A : vector<16xi32>
      %div3A = arith.constant 10 : i32
      %div3A_1035 = vector.broadcast %div3A : i32 to vector<16xi32>
      %div3A_1036 = arith.divsi %add3A_1034, %div3A_1035 : vector<16xi32>
      %mul3A_1037 = arith.constant 10 : i32
      %mul3A_1038 = vector.broadcast %mul3A_1037 : i32 to vector<16xi32>
      %mul3A_1039 = arith.muli %div3A_1036, %mul3A_1038 : vector<16xi32>
      %sub3A = arith.subi %add3A_1034, %mul3A_1039 : vector<16xi32>
      %sub3A_1040 = arith.constant 192 : i32
      %sub3A_1041 = vector.broadcast %sub3A_1040 : i32 to vector<16xi32>
      %sub3A_1042 = arith.subi %div3A_1036, %sub3A_1041 : vector<16xi32>
      %gather3A = tpu.vector_load_idx %arg11[%div3A_1036] : memref<256xi32, #tpu.memory_space<vmem>>[vector<16xi32>], vector<16xi32>,
      %gather3A_1043 = tpu.vector_load_idx %arg13[%div3A_1036] : memref<256xf32, #tpu.memory_space<vmem>>[vector<16xi32>], vector<16xf32>,
      %gather3A_1044 = tpu.vector_load_idx %arg14[%div3A_1036] : memref<256xi32, #tpu.memory_space<vmem>>[vector<16xi32>], vector<16xi32>,
      %gather3A_1045 = tpu.vector_load_idx %arg15[%div3A_1036] : memref<256xi32, #tpu.memory_space<vmem>>[vector<16xi32>], vector<16xi32>,
      %gather3A_1046 = tpu.vector_load_idx %arg16[%div3A_1036] : memref<256xi32, #tpu.memory_space<vmem>>[vector<16xi32>], vector<16xi32>,
      %gather3A_1047 = tpu.vector_load_idx %arg17[%div3A_1036, %sub3A] : memref<256x10xf32, #tpu.memory_space<vmem>>[vector<16xi32>, vector<16xi32>], vector<16xf32>,
      %mul3A_1048 = arith.mulf %gather3A_1047, %gather3A_1043 : vector<16xf32>
      %convert_element_type3A = arith.fptosi %mul3A_1048 : vector<16xf32> to vector<16xi32>
      %min3A = arith.minsi %convert_element_type3A, %gather3A_1044 : vector<16xi32>
      %add3A_1049 = arith.addi %gather3A, %min3A : vector<16xi32>
      %min3A_1050 = arith.constant 1599999 : i32
      %min3A_1051 = vector.broadcast %min3A_1050 : i32 to vector<16xi32>
      %min3A_1052 = arith.minsi %add3A_1049, %min3A_1051 : vector<16xi32>
      %swap3A = arith.index_cast %add3A_1032 : i32 to index
      %swap3A_1053 = tpu.vector_load %arg18[%swap3A] {strides = array<i32>} : memref<2560xi32, #tpu.memory_space<vmem>>, vector<16xi32>,
      tpu.vector_store %arg18[%swap3A], %min3A_1052 {strides = array<i32>} : memref<2560xi32, #tpu.memory_space<vmem>>, vector<16xi32>,
      %scatter3A = arith.constant 0 : i32
      %scatter3A_1054 = arith.constant 0 : i32
      %scatter3A_1055 = arith.constant 0 : i32
      %scatter3A_1056 = tpu.memref_slice %arg20[%scatter3A, %scatter3A_1054, %scatter3A_1055] : memref<2x32x10xi32, #tpu.memory_space<vmem>> -> memref<1x32x10xi32, #tpu.memory_space<vmem>>
      %scatter3A_1057 = tpu.memref_squeeze %scatter3A_1056 : memref<1x32x10xi32, #tpu.memory_space<vmem>> -> memref<32x10xi32, #tpu.memory_space<vmem>>
      tpu.vector_store_idx %scatter3A_1057[%sub3A_1042, %sub3A], %gather3A_1045 : memref<32x10xi32, #tpu.memory_space<vmem>>[vector<16xi32>, vector<16xi32>], vector<16xi32>,
      %scatter3A_1058 = arith.constant 0 : i32
      %scatter3A_1059 = arith.constant 0 : i32
      %scatter3A_1060 = arith.constant 0 : i32
      %scatter3A_1061 = tpu.memref_slice %arg22[%scatter3A_1058, %scatter3A_1059, %scatter3A_1060] : memref<2x32x10xi32, #tpu.memory_space<vmem>> -> memref<1x32x10xi32, #tpu.memory_space<vmem>>
      %scatter3A_1062 = tpu.memref_squeeze %scatter3A_1061 : memref<1x32x10xi32, #tpu.memory_space<vmem>> -> memref<32x10xi32, #tpu.memory_space<vmem>>
      tpu.vector_store_idx %scatter3A_1062[%sub3A_1042, %sub3A], %gather3A_1046 : memref<32x10xi32, #tpu.memory_space<vmem>>[vector<16xi32>, vector<16xi32>], vector<16xi32>,
      %scan3A_1063 = arith.constant 1 : i32
      %scan3A_1064 = arith.addi %scan3A_1028, %scan3A_1063 : i32
      %mul3A_1065 = arith.constant 16 : i32
      %mul3A_1066 = arith.muli %scan3A_1064, %mul3A_1065 : i32
      %add3A_1067 = arith.constant 1920 : i32
      %add3A_1068 = arith.addi %add3A_1067, %mul3A_1066 : i32
      %add3A_1069 = vector.broadcast %add3A_1068 : i32 to vector<16xi32>
      %add3A_1070 = arith.addi %add3A_1069, %iota3A : vector<16xi32>
      %div3A_1071 = arith.constant 10 : i32
      %div3A_1072 = vector.broadcast %div3A_1071 : i32 to vector<16xi32>
      %div3A_1073 = arith.divsi %add3A_1070, %div3A_1072 : vector<16xi32>
      %mul3A_1074 = arith.constant 10 : i32
      %mul3A_1075 = vector.broadcast %mul3A_1074 : i32 to vector<16xi32>
      %mul3A_1076 = arith.muli %div3A_1073, %mul3A_1075 : vector<16xi32>
      %sub3A_1077 = arith.subi %add3A_1070, %mul3A_1076 : vector<16xi32>
      %sub3A_1078 = arith.constant 192 : i32
      %sub3A_1079 = vector.broadcast %sub3A_1078 : i32 to vector<16xi32>
      %sub3A_1080 = arith.subi %div3A_1073, %sub3A_1079 : vector<16xi32>
      %gather3A_1081 = tpu.vector_load_idx %arg11[%div3A_1073] : memref<256xi32, #tpu.memory_space<vmem>>[vector<16xi32>], vector<16xi32>,
      %gather3A_1082 = tpu.vector_load_idx %arg13[%div3A_1073] : memref<256xf32, #tpu.memory_space<vmem>>[vector<16xi32>], vector<16xf32>,
      %gather3A_1083 = tpu.vector_load_idx %arg14[%div3A_1073] : memref<256xi32, #tpu.memory_space<vmem>>[vector<16xi32>], vector<16xi32>,
      %gather3A_1084 = tpu.vector_load_idx %arg15[%div3A_1073] : memref<256xi32, #tpu.memory_space<vmem>>[vector<16xi32>], vector<16xi32>,
      %gather3A_1085 = tpu.vector_load_idx %arg16[%div3A_1073] : memref<256xi32, #tpu.memory_space<vmem>>[vector<16xi32>], vector<16xi32>,
      %gather3A_1086 = tpu.vector_load_idx %arg17[%div3A_1073, %sub3A_1077] : memref<256x10xf32, #tpu.memory_space<vmem>>[vector<16xi32>, vector<16xi32>], vector<16xf32>,
      %mul3A_1087 = arith.mulf %gather3A_1086, %gather3A_1082 : vector<16xf32>
      %convert_element_type3A_1088 = arith.fptosi %mul3A_1087 : vector<16xf32> to vector<16xi32>
      %min3A_1089 = arith.minsi %convert_element_type3A_1088, %gather3A_1083 : vector<16xi32>
      %add3A_1090 = arith.addi %gather3A_1081, %min3A_1089 : vector<16xi32>
      %min3A_1091 = arith.constant 1599999 : i32
      %min3A_1092 = vector.broadcast %min3A_1091 : i32 to vector<16xi32>
      %min3A_1093 = arith.minsi %add3A_1090, %min3A_1092 : vector<16xi32>
      %swap3A_1094 = arith.index_cast %add3A_1068 : i32 to index
      %swap3A_1095 = tpu.vector_load %arg18[%swap3A_1094] {strides = array<i32>} : memref<2560xi32, #tpu.memory_space<vmem>>, vector<16xi32>,
      tpu.vector_store %arg18[%swap3A_1094], %min3A_1093 {strides = array<i32>} : memref<2560xi32, #tpu.memory_space<vmem>>, vector<16xi32>,
      %scatter3A_1096 = arith.constant 0 : i32
      %scatter3A_1097 = arith.constant 0 : i32
      %scatter3A_1098 = arith.constant 0 : i32
      %scatter3A_1099 = tpu.memref_slice %arg20[%scatter3A_1096, %scatter3A_1097, %scatter3A_1098] : memref<2x32x10xi32, #tpu.memory_space<vmem>> -> memref<1x32x10xi32, #tpu.memory_space<vmem>>
      %scatter3A_1100 = tpu.memref_squeeze %scatter3A_1099 : memref<1x32x10xi32, #tpu.memory_space<vmem>> -> memref<32x10xi32, #tpu.memory_space<vmem>>
      tpu.vector_store_idx %scatter3A_1100[%sub3A_1080, %sub3A_1077], %gather3A_1084 : memref<32x10xi32, #tpu.memory_space<vmem>>[vector<16xi32>, vector<16xi32>], vector<16xi32>,
      %scatter3A_1101 = arith.constant 0 : i32
      %scatter3A_1102 = arith.constant 0 : i32
      %scatter3A_1103 = arith.constant 0 : i32
      %scatter3A_1104 = tpu.memref_slice %arg22[%scatter3A_1101, %scatter3A_1102, %scatter3A_1103] : memref<2x32x10xi32, #tpu.memory_space<vmem>> -> memref<1x32x10xi32, #tpu.memory_space<vmem>>
      %scatter3A_1105 = tpu.memref_squeeze %scatter3A_1104 : memref<1x32x10xi32, #tpu.memory_space<vmem>> -> memref<32x10xi32, #tpu.memory_space<vmem>>
      tpu.vector_store_idx %scatter3A_1105[%sub3A_1080, %sub3A_1077], %gather3A_1085 : memref<32x10xi32, #tpu.memory_space<vmem>>[vector<16xi32>, vector<16xi32>], vector<16xi32>,
    }
    %scan3A_723 = arith.constant 20 : i32
    %dma_start3A_724 = arith.constant 1920 : i32
    %dma_start3A_725 = tpu.memref_slice %arg19[%dma_start3A_724] : memref<2560xi32, #tpu.memory_space<vmem>> -> memref<320xi32, #tpu.memory_space<vmem>>
    %dma_start3A_726 = arith.constant 1920 : i32
    %dma_start3A_727 = tpu.memref_slice %arg18[%dma_start3A_726] : memref<2560xi32, #tpu.memory_space<vmem>> -> memref<320xi32, #tpu.memory_space<vmem>>
    %dma_start3A_728 = arith.constant 0 : i32
    %dma_start3A_729 = tpu.memref_slice %arg5[%dma_start3A_728] : memref<1600000xi32, #tpu.memory_space<hbm>> -> memref<1600000xi32, #tpu.memory_space<hbm>>
    tpu.enqueue_indirect_dma source(%dma_start3A_729 : memref<1600000xi32, #tpu.memory_space<hbm>>) target(%dma_start3A_725 : memref<320xi32, #tpu.memory_space<vmem>>) offsets(%dma_start3A_727 : memref<320xi32, #tpu.memory_space<vmem>>) semaphore(%arg23 : memref<!tpu.dma_semaphore, #tpu.memory_space<semaphore_mem>>)
    %dma_wait3A_730 = arith.constant 1600 : i32
    %dma_wait3A_731 = tpu.memref_slice %arg19[%dma_wait3A_730] : memref<2560xi32, #tpu.memory_space<vmem>> -> memref<320xi32, #tpu.memory_space<vmem>>
    %dma_wait3A_732 = arith.constant 1600 : i32
    %dma_wait3A_733 = tpu.memref_slice %arg18[%dma_wait3A_732] : memref<2560xi32, #tpu.memory_space<vmem>> -> memref<320xi32, #tpu.memory_space<vmem>>
    %dma_wait3A_734 = arith.constant 0 : i32
    %dma_wait3A_735 = tpu.memref_slice %arg5[%dma_wait3A_734] : memref<1600000xi32, #tpu.memory_space<hbm>> -> memref<1600000xi32, #tpu.memory_space<hbm>>
    tpu.wait_indirect_dma semaphore(%arg24 : memref<!tpu.dma_semaphore, #tpu.memory_space<semaphore_mem>>) src(%dma_wait3A_735 : memref<1600000xi32, #tpu.memory_space<hbm>>) dst(%dma_wait3A_731 : memref<320xi32, #tpu.memory_space<vmem>>)
    %scan3A_736 = arith.constant 0 : i32
    %scan3A_737 = arith.constant 0 : i32
    %scan3A_738 = arith.constant 20 : i32
    %scan3A_739 = arith.addi %scan3A_737, %scan3A_738 : i32
    %scan3A_740 = arith.constant 2 : i32
    scf.for %scan3A_1028 = %scan3A_737 to %scan3A_739 step %scan3A_740  : i32 {
      %mul3A_1029 = arith.constant 16 : i32
      %mul3A_1030 = arith.muli %scan3A_1028, %mul3A_1029 : i32
      %add3A_1031 = arith.constant 1600 : i32
      %add3A_1032 = arith.addi %add3A_1031, %mul3A_1030 : i32
      %add3A_1033 = vector.broadcast %add3A_1032 : i32 to vector<16xi32>
      %add3A_1034 = arith.addi %add3A_1033, %iota3A : vector<16xi32>
      %div3A = arith.constant 10 : i32
      %div3A_1035 = vector.broadcast %div3A : i32 to vector<16xi32>
      %div3A_1036 = arith.divsi %add3A_1034, %div3A_1035 : vector<16xi32>
      %mul3A_1037 = arith.constant 10 : i32
      %mul3A_1038 = vector.broadcast %mul3A_1037 : i32 to vector<16xi32>
      %mul3A_1039 = arith.muli %div3A_1036, %mul3A_1038 : vector<16xi32>
      %sub3A = arith.subi %add3A_1034, %mul3A_1039 : vector<16xi32>
      %sub3A_1040 = arith.constant 160 : i32
      %sub3A_1041 = vector.broadcast %sub3A_1040 : i32 to vector<16xi32>
      %sub3A_1042 = arith.subi %div3A_1036, %sub3A_1041 : vector<16xi32>
      %gather3A = tpu.vector_load_idx %arg16[%div3A_1036] : memref<256xi32, #tpu.memory_space<vmem>>[vector<16xi32>], vector<16xi32>,
      %gt3A = arith.constant 0 : i32
      %gt3A_1043 = vector.broadcast %gt3A : i32 to vector<16xi32>
      %gt3A_1044 = arith.cmpi sgt, %gather3A, %gt3A_1043 : vector<16xi32>
      %get3A = arith.index_cast %add3A_1032 : i32 to index
      %get3A_1045 = tpu.vector_load %arg19[%get3A] {strides = array<i32>} : memref<2560xi32, #tpu.memory_space<vmem>>, vector<16xi32>,
      %jit3A = arith.constant -1 : i32
      %broadcast_in_dim3A = vector.broadcast %jit3A : i32 to vector<16xi32>
      %select_n3A = arith.select %gt3A_1044, %get3A_1045, %broadcast_in_dim3A : vector<16xi1>, vector<16xi32>
      %scatter3A = arith.constant 1 : i32
      %scatter3A_1046 = arith.constant 0 : i32
      %scatter3A_1047 = arith.constant 0 : i32
      %scatter3A_1048 = tpu.memref_slice %arg21[%scatter3A, %scatter3A_1046, %scatter3A_1047] : memref<2x32x10xi32, #tpu.memory_space<vmem>> -> memref<1x32x10xi32, #tpu.memory_space<vmem>>
      %scatter3A_1049 = tpu.memref_squeeze %scatter3A_1048 : memref<1x32x10xi32, #tpu.memory_space<vmem>> -> memref<32x10xi32, #tpu.memory_space<vmem>>
      tpu.vector_store_idx %scatter3A_1049[%sub3A_1042, %sub3A], %select_n3A : memref<32x10xi32, #tpu.memory_space<vmem>>[vector<16xi32>, vector<16xi32>], vector<16xi32>,
      %scan3A_1050 = arith.constant 1 : i32
      %scan3A_1051 = arith.addi %scan3A_1028, %scan3A_1050 : i32
      %mul3A_1052 = arith.constant 16 : i32
      %mul3A_1053 = arith.muli %scan3A_1051, %mul3A_1052 : i32
      %add3A_1054 = arith.constant 1600 : i32
      %add3A_1055 = arith.addi %add3A_1054, %mul3A_1053 : i32
      %add3A_1056 = vector.broadcast %add3A_1055 : i32 to vector<16xi32>
      %add3A_1057 = arith.addi %add3A_1056, %iota3A : vector<16xi32>
      %div3A_1058 = arith.constant 10 : i32
      %div3A_1059 = vector.broadcast %div3A_1058 : i32 to vector<16xi32>
      %div3A_1060 = arith.divsi %add3A_1057, %div3A_1059 : vector<16xi32>
      %mul3A_1061 = arith.constant 10 : i32
      %mul3A_1062 = vector.broadcast %mul3A_1061 : i32 to vector<16xi32>
      %mul3A_1063 = arith.muli %div3A_1060, %mul3A_1062 : vector<16xi32>
      %sub3A_1064 = arith.subi %add3A_1057, %mul3A_1063 : vector<16xi32>
      %sub3A_1065 = arith.constant 160 : i32
      %sub3A_1066 = vector.broadcast %sub3A_1065 : i32 to vector<16xi32>
      %sub3A_1067 = arith.subi %div3A_1060, %sub3A_1066 : vector<16xi32>
      %gather3A_1068 = tpu.vector_load_idx %arg16[%div3A_1060] : memref<256xi32, #tpu.memory_space<vmem>>[vector<16xi32>], vector<16xi32>,
      %gt3A_1069 = arith.constant 0 : i32
      %gt3A_1070 = vector.broadcast %gt3A_1069 : i32 to vector<16xi32>
      %gt3A_1071 = arith.cmpi sgt, %gather3A_1068, %gt3A_1070 : vector<16xi32>
      %get3A_1072 = arith.index_cast %add3A_1055 : i32 to index
      %get3A_1073 = tpu.vector_load %arg19[%get3A_1072] {strides = array<i32>} : memref<2560xi32, #tpu.memory_space<vmem>>, vector<16xi32>,
      %jit3A_1074 = arith.constant -1 : i32
      %broadcast_in_dim3A_1075 = vector.broadcast %jit3A_1074 : i32 to vector<16xi32>
      %select_n3A_1076 = arith.select %gt3A_1071, %get3A_1073, %broadcast_in_dim3A_1075 : vector<16xi1>, vector<16xi32>
      %scatter3A_1077 = arith.constant 1 : i32
      %scatter3A_1078 = arith.constant 0 : i32
      %scatter3A_1079 = arith.constant 0 : i32
      %scatter3A_1080 = tpu.memref_slice %arg21[%scatter3A_1077, %scatter3A_1078, %scatter3A_1079] : memref<2x32x10xi32, #tpu.memory_space<vmem>> -> memref<1x32x10xi32, #tpu.memory_space<vmem>>
      %scatter3A_1081 = tpu.memref_squeeze %scatter3A_1080 : memref<1x32x10xi32, #tpu.memory_space<vmem>> -> memref<32x10xi32, #tpu.memory_space<vmem>>
      tpu.vector_store_idx %scatter3A_1081[%sub3A_1067, %sub3A_1064], %select_n3A_1076 : memref<32x10xi32, #tpu.memory_space<vmem>>[vector<16xi32>, vector<16xi32>], vector<16xi32>,
    }
    %scan3A_741 = arith.constant 20 : i32
    %add3A_742 = arith.constant 160 : i32
    %add3A_743 = arith.addi %mul3A_2, %add3A_742 : i32
    %dma_start3A_744 = arith.constant 1 : i32
    %dma_start3A_745 = arith.constant 0 : i32
    %dma_start3A_746 = arith.constant 0 : i32
    %dma_start3A_747 = tpu.memref_slice %arg20[%dma_start3A_744, %dma_start3A_745, %dma_start3A_746] : memref<2x32x10xi32, #tpu.memory_space<vmem>> -> memref<1x32x10xi32, #tpu.memory_space<vmem>>
    %dma_start3A_748 = tpu.memref_squeeze %dma_start3A_747 : memref<1x32x10xi32, #tpu.memory_space<vmem>> -> memref<32x10xi32, #tpu.memory_space<vmem>>
    %dma_start3A_749 = arith.constant 0 : i32
    %dma_start3A_750 = tpu.memref_slice %arg6[%add3A_743, %dma_start3A_749] : memref<8192x10xi32, #tpu.memory_space<hbm>> -> memref<32x10xi32, #tpu.memory_space<hbm>>
    %dma_start3A_751 = arith.constant 0 : i32
    %dma_start3A_752 = tpu.memref_slice %arg6[%add3A_743, %dma_start3A_751] : memref<8192x10xi32, #tpu.memory_space<hbm>> -> memref<32x10xi32, #tpu.memory_space<hbm>>
    %dma_start3A_753 = arith.constant 0 : i32
    %dma_start3A_754 = arith.constant 0 : i32
    %dma_start3A_755 = tpu.memref_slice %arg20[%dma_start3A_744, %dma_start3A_753, %dma_start3A_754] : memref<2x32x10xi32, #tpu.memory_space<vmem>> -> memref<1x32x10xi32, #tpu.memory_space<vmem>>
    %dma_start3A_756 = tpu.memref_squeeze %dma_start3A_755 : memref<1x32x10xi32, #tpu.memory_space<vmem>> -> memref<32x10xi32, #tpu.memory_space<vmem>>
    tpu.enqueue_dma source(%dma_start3A_756 : memref<32x10xi32, #tpu.memory_space<vmem>>) target(%dma_start3A_752 : memref<32x10xi32, #tpu.memory_space<hbm>>) target_semaphore(%arg27 : memref<!tpu.dma_semaphore, #tpu.memory_space<semaphore_mem>>)
    %dma_start3A_757 = arith.constant 1 : i32
    %dma_start3A_758 = arith.constant 0 : i32
    %dma_start3A_759 = arith.constant 0 : i32
    %dma_start3A_760 = tpu.memref_slice %arg21[%dma_start3A_757, %dma_start3A_758, %dma_start3A_759] : memref<2x32x10xi32, #tpu.memory_space<vmem>> -> memref<1x32x10xi32, #tpu.memory_space<vmem>>
    %dma_start3A_761 = tpu.memref_squeeze %dma_start3A_760 : memref<1x32x10xi32, #tpu.memory_space<vmem>> -> memref<32x10xi32, #tpu.memory_space<vmem>>
    %dma_start3A_762 = arith.constant 0 : i32
    %dma_start3A_763 = tpu.memref_slice %arg7[%add3A_743, %dma_start3A_762] : memref<8192x10xi32, #tpu.memory_space<hbm>> -> memref<32x10xi32, #tpu.memory_space<hbm>>
    %dma_start3A_764 = arith.constant 0 : i32
    %dma_start3A_765 = tpu.memref_slice %arg7[%add3A_743, %dma_start3A_764] : memref<8192x10xi32, #tpu.memory_space<hbm>> -> memref<32x10xi32, #tpu.memory_space<hbm>>
    %dma_start3A_766 = arith.constant 0 : i32
    %dma_start3A_767 = arith.constant 0 : i32
    %dma_start3A_768 = tpu.memref_slice %arg21[%dma_start3A_757, %dma_start3A_766, %dma_start3A_767] : memref<2x32x10xi32, #tpu.memory_space<vmem>> -> memref<1x32x10xi32, #tpu.memory_space<vmem>>
    %dma_start3A_769 = tpu.memref_squeeze %dma_start3A_768 : memref<1x32x10xi32, #tpu.memory_space<vmem>> -> memref<32x10xi32, #tpu.memory_space<vmem>>
    tpu.enqueue_dma source(%dma_start3A_769 : memref<32x10xi32, #tpu.memory_space<vmem>>) target(%dma_start3A_765 : memref<32x10xi32, #tpu.memory_space<hbm>>) target_semaphore(%arg27 : memref<!tpu.dma_semaphore, #tpu.memory_space<semaphore_mem>>)
    %dma_start3A_770 = arith.constant 1 : i32
    %dma_start3A_771 = arith.constant 0 : i32
    %dma_start3A_772 = arith.constant 0 : i32
    %dma_start3A_773 = tpu.memref_slice %arg22[%dma_start3A_770, %dma_start3A_771, %dma_start3A_772] : memref<2x32x10xi32, #tpu.memory_space<vmem>> -> memref<1x32x10xi32, #tpu.memory_space<vmem>>
    %dma_start3A_774 = tpu.memref_squeeze %dma_start3A_773 : memref<1x32x10xi32, #tpu.memory_space<vmem>> -> memref<32x10xi32, #tpu.memory_space<vmem>>
    %dma_start3A_775 = arith.constant 0 : i32
    %dma_start3A_776 = tpu.memref_slice %arg8[%add3A_743, %dma_start3A_775] : memref<8192x10xi32, #tpu.memory_space<hbm>> -> memref<32x10xi32, #tpu.memory_space<hbm>>
    %dma_start3A_777 = arith.constant 0 : i32
    %dma_start3A_778 = tpu.memref_slice %arg8[%add3A_743, %dma_start3A_777] : memref<8192x10xi32, #tpu.memory_space<hbm>> -> memref<32x10xi32, #tpu.memory_space<hbm>>
    %dma_start3A_779 = arith.constant 0 : i32
    %dma_start3A_780 = arith.constant 0 : i32
    %dma_start3A_781 = tpu.memref_slice %arg22[%dma_start3A_770, %dma_start3A_779, %dma_start3A_780] : memref<2x32x10xi32, #tpu.memory_space<vmem>> -> memref<1x32x10xi32, #tpu.memory_space<vmem>>
    %dma_start3A_782 = tpu.memref_squeeze %dma_start3A_781 : memref<1x32x10xi32, #tpu.memory_space<vmem>> -> memref<32x10xi32, #tpu.memory_space<vmem>>
    tpu.enqueue_dma source(%dma_start3A_782 : memref<32x10xi32, #tpu.memory_space<vmem>>) target(%dma_start3A_778 : memref<32x10xi32, #tpu.memory_space<hbm>>) target_semaphore(%arg27 : memref<!tpu.dma_semaphore, #tpu.memory_space<semaphore_mem>>)
    %dma_wait3A_783 = arith.constant 1 : i32
    %dma_wait3A_784 = arith.constant 0 : i32
    %dma_wait3A_785 = arith.constant 0 : i32
    %dma_wait3A_786 = tpu.memref_slice %arg20[%dma_wait3A_783, %dma_wait3A_784, %dma_wait3A_785] : memref<2x32x10xi32, #tpu.memory_space<vmem>> -> memref<1x32x10xi32, #tpu.memory_space<vmem>>
    %dma_wait3A_787 = tpu.memref_squeeze %dma_wait3A_786 : memref<1x32x10xi32, #tpu.memory_space<vmem>> -> memref<32x10xi32, #tpu.memory_space<vmem>>
    %dma_wait3A_788 = arith.constant 0 : i32
    %dma_wait3A_789 = tpu.memref_slice %arg6[%add3A_743, %dma_wait3A_788] : memref<8192x10xi32, #tpu.memory_space<hbm>> -> memref<32x10xi32, #tpu.memory_space<hbm>>
    %dma_wait3A_790 = arith.constant 0 : i32
    %dma_wait3A_791 = tpu.memref_slice %arg6[%add3A_743, %dma_wait3A_790] : memref<8192x10xi32, #tpu.memory_space<hbm>> -> memref<32x10xi32, #tpu.memory_space<hbm>>
    %dma_wait3A_792 = arith.constant 0 : i32
    %dma_wait3A_793 = arith.constant 0 : i32
    %dma_wait3A_794 = tpu.memref_slice %arg20[%dma_wait3A_783, %dma_wait3A_792, %dma_wait3A_793] : memref<2x32x10xi32, #tpu.memory_space<vmem>> -> memref<1x32x10xi32, #tpu.memory_space<vmem>>
    %dma_wait3A_795 = tpu.memref_squeeze %dma_wait3A_794 : memref<1x32x10xi32, #tpu.memory_space<vmem>> -> memref<32x10xi32, #tpu.memory_space<vmem>>
    tpu.wait_dma2 semaphore(%arg27 : memref<!tpu.dma_semaphore, #tpu.memory_space<semaphore_mem>>) src(%dma_wait3A_795 : memref<32x10xi32, #tpu.memory_space<vmem>>) dst(%dma_wait3A_791 : memref<32x10xi32, #tpu.memory_space<hbm>>)
    %dma_wait3A_796 = arith.constant 1 : i32
    %dma_wait3A_797 = arith.constant 0 : i32
    %dma_wait3A_798 = arith.constant 0 : i32
    %dma_wait3A_799 = tpu.memref_slice %arg21[%dma_wait3A_796, %dma_wait3A_797, %dma_wait3A_798] : memref<2x32x10xi32, #tpu.memory_space<vmem>> -> memref<1x32x10xi32, #tpu.memory_space<vmem>>
    %dma_wait3A_800 = tpu.memref_squeeze %dma_wait3A_799 : memref<1x32x10xi32, #tpu.memory_space<vmem>> -> memref<32x10xi32, #tpu.memory_space<vmem>>
    %dma_wait3A_801 = arith.constant 0 : i32
    %dma_wait3A_802 = tpu.memref_slice %arg7[%add3A_743, %dma_wait3A_801] : memref<8192x10xi32, #tpu.memory_space<hbm>> -> memref<32x10xi32, #tpu.memory_space<hbm>>
    %dma_wait3A_803 = arith.constant 0 : i32
    %dma_wait3A_804 = tpu.memref_slice %arg7[%add3A_743, %dma_wait3A_803] : memref<8192x10xi32, #tpu.memory_space<hbm>> -> memref<32x10xi32, #tpu.memory_space<hbm>>
    %dma_wait3A_805 = arith.constant 0 : i32
    %dma_wait3A_806 = arith.constant 0 : i32
    %dma_wait3A_807 = tpu.memref_slice %arg21[%dma_wait3A_796, %dma_wait3A_805, %dma_wait3A_806] : memref<2x32x10xi32, #tpu.memory_space<vmem>> -> memref<1x32x10xi32, #tpu.memory_space<vmem>>
    %dma_wait3A_808 = tpu.memref_squeeze %dma_wait3A_807 : memref<1x32x10xi32, #tpu.memory_space<vmem>> -> memref<32x10xi32, #tpu.memory_space<vmem>>
    tpu.wait_dma2 semaphore(%arg27 : memref<!tpu.dma_semaphore, #tpu.memory_space<semaphore_mem>>) src(%dma_wait3A_808 : memref<32x10xi32, #tpu.memory_space<vmem>>) dst(%dma_wait3A_804 : memref<32x10xi32, #tpu.memory_space<hbm>>)
    %dma_wait3A_809 = arith.constant 1 : i32
    %dma_wait3A_810 = arith.constant 0 : i32
    %dma_wait3A_811 = arith.constant 0 : i32
    %dma_wait3A_812 = tpu.memref_slice %arg22[%dma_wait3A_809, %dma_wait3A_810, %dma_wait3A_811] : memref<2x32x10xi32, #tpu.memory_space<vmem>> -> memref<1x32x10xi32, #tpu.memory_space<vmem>>
    %dma_wait3A_813 = tpu.memref_squeeze %dma_wait3A_812 : memref<1x32x10xi32, #tpu.memory_space<vmem>> -> memref<32x10xi32, #tpu.memory_space<vmem>>
    %dma_wait3A_814 = arith.constant 0 : i32
    %dma_wait3A_815 = tpu.memref_slice %arg8[%add3A_743, %dma_wait3A_814] : memref<8192x10xi32, #tpu.memory_space<hbm>> -> memref<32x10xi32, #tpu.memory_space<hbm>>
    %dma_wait3A_816 = arith.constant 0 : i32
    %dma_wait3A_817 = tpu.memref_slice %arg8[%add3A_743, %dma_wait3A_816] : memref<8192x10xi32, #tpu.memory_space<hbm>> -> memref<32x10xi32, #tpu.memory_space<hbm>>
    %dma_wait3A_818 = arith.constant 0 : i32
    %dma_wait3A_819 = arith.constant 0 : i32
    %dma_wait3A_820 = tpu.memref_slice %arg22[%dma_wait3A_809, %dma_wait3A_818, %dma_wait3A_819] : memref<2x32x10xi32, #tpu.memory_space<vmem>> -> memref<1x32x10xi32, #tpu.memory_space<vmem>>
    %dma_wait3A_821 = tpu.memref_squeeze %dma_wait3A_820 : memref<1x32x10xi32, #tpu.memory_space<vmem>> -> memref<32x10xi32, #tpu.memory_space<vmem>>
    tpu.wait_dma2 semaphore(%arg27 : memref<!tpu.dma_semaphore, #tpu.memory_space<semaphore_mem>>) src(%dma_wait3A_821 : memref<32x10xi32, #tpu.memory_space<vmem>>) dst(%dma_wait3A_817 : memref<32x10xi32, #tpu.memory_space<hbm>>)
    %dma_wait3A_822 = arith.constant 224 : i32
    %dma_wait3A_823 = arith.constant 0 : i32
    %dma_wait3A_824 = tpu.memref_slice %arg17[%dma_wait3A_822, %dma_wait3A_823] : memref<256x10xf32, #tpu.memory_space<vmem>> -> memref<32x10xf32, #tpu.memory_space<vmem>>
    %dma_wait3A_825 = arith.constant 0 : i32
    %dma_wait3A_826 = tpu.memref_slice %arg3[%add3A_707, %dma_wait3A_825] : memref<8192x10xf32, #tpu.memory_space<hbm>> -> memref<32x10xf32, #tpu.memory_space<hbm>>
    %dma_wait3A_827 = arith.constant 224 : i32
    %dma_wait3A_828 = arith.constant 0 : i32
    %dma_wait3A_829 = tpu.memref_slice %arg17[%dma_wait3A_827, %dma_wait3A_828] : memref<256x10xf32, #tpu.memory_space<vmem>> -> memref<32x10xf32, #tpu.memory_space<vmem>>
    %dma_wait3A_830 = arith.constant 0 : i32
    %dma_wait3A_831 = tpu.memref_slice %arg3[%add3A_707, %dma_wait3A_830] : memref<8192x10xf32, #tpu.memory_space<hbm>> -> memref<32x10xf32, #tpu.memory_space<hbm>>
    tpu.wait_dma2 semaphore(%arg25 : memref<!tpu.dma_semaphore, #tpu.memory_space<semaphore_mem>>) src(%dma_wait3A_831 : memref<32x10xf32, #tpu.memory_space<hbm>>) dst(%dma_wait3A_829 : memref<32x10xf32, #tpu.memory_space<vmem>>)
    %scan3A_832 = arith.constant 0 : i32
    %scan3A_833 = arith.constant 0 : i32
    %scan3A_834 = arith.constant 20 : i32
    %scan3A_835 = arith.addi %scan3A_833, %scan3A_834 : i32
    %scan3A_836 = arith.constant 2 : i32
    scf.for %scan3A_1028 = %scan3A_833 to %scan3A_835 step %scan3A_836  : i32 {
      %mul3A_1029 = arith.constant 16 : i32
      %mul3A_1030 = arith.muli %scan3A_1028, %mul3A_1029 : i32
      %add3A_1031 = arith.constant 2240 : i32
      %add3A_1032 = arith.addi %add3A_1031, %mul3A_1030 : i32
      %add3A_1033 = vector.broadcast %add3A_1032 : i32 to vector<16xi32>
      %add3A_1034 = arith.addi %add3A_1033, %iota3A : vector<16xi32>
      %div3A = arith.constant 10 : i32
      %div3A_1035 = vector.broadcast %div3A : i32 to vector<16xi32>
      %div3A_1036 = arith.divsi %add3A_1034, %div3A_1035 : vector<16xi32>
      %mul3A_1037 = arith.constant 10 : i32
      %mul3A_1038 = vector.broadcast %mul3A_1037 : i32 to vector<16xi32>
      %mul3A_1039 = arith.muli %div3A_1036, %mul3A_1038 : vector<16xi32>
      %sub3A = arith.subi %add3A_1034, %mul3A_1039 : vector<16xi32>
      %sub3A_1040 = arith.constant 224 : i32
      %sub3A_1041 = vector.broadcast %sub3A_1040 : i32 to vector<16xi32>
      %sub3A_1042 = arith.subi %div3A_1036, %sub3A_1041 : vector<16xi32>
      %gather3A = tpu.vector_load_idx %arg11[%div3A_1036] : memref<256xi32, #tpu.memory_space<vmem>>[vector<16xi32>], vector<16xi32>,
      %gather3A_1043 = tpu.vector_load_idx %arg13[%div3A_1036] : memref<256xf32, #tpu.memory_space<vmem>>[vector<16xi32>], vector<16xf32>,
      %gather3A_1044 = tpu.vector_load_idx %arg14[%div3A_1036] : memref<256xi32, #tpu.memory_space<vmem>>[vector<16xi32>], vector<16xi32>,
      %gather3A_1045 = tpu.vector_load_idx %arg15[%div3A_1036] : memref<256xi32, #tpu.memory_space<vmem>>[vector<16xi32>], vector<16xi32>,
      %gather3A_1046 = tpu.vector_load_idx %arg16[%div3A_1036] : memref<256xi32, #tpu.memory_space<vmem>>[vector<16xi32>], vector<16xi32>,
      %gather3A_1047 = tpu.vector_load_idx %arg17[%div3A_1036, %sub3A] : memref<256x10xf32, #tpu.memory_space<vmem>>[vector<16xi32>, vector<16xi32>], vector<16xf32>,
      %mul3A_1048 = arith.mulf %gather3A_1047, %gather3A_1043 : vector<16xf32>
      %convert_element_type3A = arith.fptosi %mul3A_1048 : vector<16xf32> to vector<16xi32>
      %min3A = arith.minsi %convert_element_type3A, %gather3A_1044 : vector<16xi32>
      %add3A_1049 = arith.addi %gather3A, %min3A : vector<16xi32>
      %min3A_1050 = arith.constant 1599999 : i32
      %min3A_1051 = vector.broadcast %min3A_1050 : i32 to vector<16xi32>
      %min3A_1052 = arith.minsi %add3A_1049, %min3A_1051 : vector<16xi32>
      %swap3A = arith.index_cast %add3A_1032 : i32 to index
      %swap3A_1053 = tpu.vector_load %arg18[%swap3A] {strides = array<i32>} : memref<2560xi32, #tpu.memory_space<vmem>>, vector<16xi32>,
      tpu.vector_store %arg18[%swap3A], %min3A_1052 {strides = array<i32>} : memref<2560xi32, #tpu.memory_space<vmem>>, vector<16xi32>,
      %scatter3A = arith.constant 1 : i32
      %scatter3A_1054 = arith.constant 0 : i32
      %scatter3A_1055 = arith.constant 0 : i32
      %scatter3A_1056 = tpu.memref_slice %arg20[%scatter3A, %scatter3A_1054, %scatter3A_1055] : memref<2x32x10xi32, #tpu.memory_space<vmem>> -> memref<1x32x10xi32, #tpu.memory_space<vmem>>
      %scatter3A_1057 = tpu.memref_squeeze %scatter3A_1056 : memref<1x32x10xi32, #tpu.memory_space<vmem>> -> memref<32x10xi32, #tpu.memory_space<vmem>>
      tpu.vector_store_idx %scatter3A_1057[%sub3A_1042, %sub3A], %gather3A_1045 : memref<32x10xi32, #tpu.memory_space<vmem>>[vector<16xi32>, vector<16xi32>], vector<16xi32>,
      %scatter3A_1058 = arith.constant 1 : i32
      %scatter3A_1059 = arith.constant 0 : i32
      %scatter3A_1060 = arith.constant 0 : i32
      %scatter3A_1061 = tpu.memref_slice %arg22[%scatter3A_1058, %scatter3A_1059, %scatter3A_1060] : memref<2x32x10xi32, #tpu.memory_space<vmem>> -> memref<1x32x10xi32, #tpu.memory_space<vmem>>
      %scatter3A_1062 = tpu.memref_squeeze %scatter3A_1061 : memref<1x32x10xi32, #tpu.memory_space<vmem>> -> memref<32x10xi32, #tpu.memory_space<vmem>>
      tpu.vector_store_idx %scatter3A_1062[%sub3A_1042, %sub3A], %gather3A_1046 : memref<32x10xi32, #tpu.memory_space<vmem>>[vector<16xi32>, vector<16xi32>], vector<16xi32>,
      %scan3A_1063 = arith.constant 1 : i32
      %scan3A_1064 = arith.addi %scan3A_1028, %scan3A_1063 : i32
      %mul3A_1065 = arith.constant 16 : i32
      %mul3A_1066 = arith.muli %scan3A_1064, %mul3A_1065 : i32
      %add3A_1067 = arith.constant 2240 : i32
      %add3A_1068 = arith.addi %add3A_1067, %mul3A_1066 : i32
      %add3A_1069 = vector.broadcast %add3A_1068 : i32 to vector<16xi32>
      %add3A_1070 = arith.addi %add3A_1069, %iota3A : vector<16xi32>
      %div3A_1071 = arith.constant 10 : i32
      %div3A_1072 = vector.broadcast %div3A_1071 : i32 to vector<16xi32>
      %div3A_1073 = arith.divsi %add3A_1070, %div3A_1072 : vector<16xi32>
      %mul3A_1074 = arith.constant 10 : i32
      %mul3A_1075 = vector.broadcast %mul3A_1074 : i32 to vector<16xi32>
      %mul3A_1076 = arith.muli %div3A_1073, %mul3A_1075 : vector<16xi32>
      %sub3A_1077 = arith.subi %add3A_1070, %mul3A_1076 : vector<16xi32>
      %sub3A_1078 = arith.constant 224 : i32
      %sub3A_1079 = vector.broadcast %sub3A_1078 : i32 to vector<16xi32>
      %sub3A_1080 = arith.subi %div3A_1073, %sub3A_1079 : vector<16xi32>
      %gather3A_1081 = tpu.vector_load_idx %arg11[%div3A_1073] : memref<256xi32, #tpu.memory_space<vmem>>[vector<16xi32>], vector<16xi32>,
      %gather3A_1082 = tpu.vector_load_idx %arg13[%div3A_1073] : memref<256xf32, #tpu.memory_space<vmem>>[vector<16xi32>], vector<16xf32>,
      %gather3A_1083 = tpu.vector_load_idx %arg14[%div3A_1073] : memref<256xi32, #tpu.memory_space<vmem>>[vector<16xi32>], vector<16xi32>,
      %gather3A_1084 = tpu.vector_load_idx %arg15[%div3A_1073] : memref<256xi32, #tpu.memory_space<vmem>>[vector<16xi32>], vector<16xi32>,
      %gather3A_1085 = tpu.vector_load_idx %arg16[%div3A_1073] : memref<256xi32, #tpu.memory_space<vmem>>[vector<16xi32>], vector<16xi32>,
      %gather3A_1086 = tpu.vector_load_idx %arg17[%div3A_1073, %sub3A_1077] : memref<256x10xf32, #tpu.memory_space<vmem>>[vector<16xi32>, vector<16xi32>], vector<16xf32>,
      %mul3A_1087 = arith.mulf %gather3A_1086, %gather3A_1082 : vector<16xf32>
      %convert_element_type3A_1088 = arith.fptosi %mul3A_1087 : vector<16xf32> to vector<16xi32>
      %min3A_1089 = arith.minsi %convert_element_type3A_1088, %gather3A_1083 : vector<16xi32>
      %add3A_1090 = arith.addi %gather3A_1081, %min3A_1089 : vector<16xi32>
      %min3A_1091 = arith.constant 1599999 : i32
      %min3A_1092 = vector.broadcast %min3A_1091 : i32 to vector<16xi32>
      %min3A_1093 = arith.minsi %add3A_1090, %min3A_1092 : vector<16xi32>
      %swap3A_1094 = arith.index_cast %add3A_1068 : i32 to index
      %swap3A_1095 = tpu.vector_load %arg18[%swap3A_1094] {strides = array<i32>} : memref<2560xi32, #tpu.memory_space<vmem>>, vector<16xi32>,
      tpu.vector_store %arg18[%swap3A_1094], %min3A_1093 {strides = array<i32>} : memref<2560xi32, #tpu.memory_space<vmem>>, vector<16xi32>,
      %scatter3A_1096 = arith.constant 1 : i32
      %scatter3A_1097 = arith.constant 0 : i32
      %scatter3A_1098 = arith.constant 0 : i32
      %scatter3A_1099 = tpu.memref_slice %arg20[%scatter3A_1096, %scatter3A_1097, %scatter3A_1098] : memref<2x32x10xi32, #tpu.memory_space<vmem>> -> memref<1x32x10xi32, #tpu.memory_space<vmem>>
      %scatter3A_1100 = tpu.memref_squeeze %scatter3A_1099 : memref<1x32x10xi32, #tpu.memory_space<vmem>> -> memref<32x10xi32, #tpu.memory_space<vmem>>
      tpu.vector_store_idx %scatter3A_1100[%sub3A_1080, %sub3A_1077], %gather3A_1084 : memref<32x10xi32, #tpu.memory_space<vmem>>[vector<16xi32>, vector<16xi32>], vector<16xi32>,
      %scatter3A_1101 = arith.constant 1 : i32
      %scatter3A_1102 = arith.constant 0 : i32
      %scatter3A_1103 = arith.constant 0 : i32
      %scatter3A_1104 = tpu.memref_slice %arg22[%scatter3A_1101, %scatter3A_1102, %scatter3A_1103] : memref<2x32x10xi32, #tpu.memory_space<vmem>> -> memref<1x32x10xi32, #tpu.memory_space<vmem>>
      %scatter3A_1105 = tpu.memref_squeeze %scatter3A_1104 : memref<1x32x10xi32, #tpu.memory_space<vmem>> -> memref<32x10xi32, #tpu.memory_space<vmem>>
      tpu.vector_store_idx %scatter3A_1105[%sub3A_1080, %sub3A_1077], %gather3A_1085 : memref<32x10xi32, #tpu.memory_space<vmem>>[vector<16xi32>, vector<16xi32>], vector<16xi32>,
    }
    %scan3A_837 = arith.constant 20 : i32
    %dma_start3A_838 = arith.constant 2240 : i32
    %dma_start3A_839 = tpu.memref_slice %arg19[%dma_start3A_838] : memref<2560xi32, #tpu.memory_space<vmem>> -> memref<320xi32, #tpu.memory_space<vmem>>
    %dma_start3A_840 = arith.constant 2240 : i32
    %dma_start3A_841 = tpu.memref_slice %arg18[%dma_start3A_840] : memref<2560xi32, #tpu.memory_space<vmem>> -> memref<320xi32, #tpu.memory_space<vmem>>
    %dma_start3A_842 = arith.constant 0 : i32
    %dma_start3A_843 = tpu.memref_slice %arg5[%dma_start3A_842] : memref<1600000xi32, #tpu.memory_space<hbm>> -> memref<1600000xi32, #tpu.memory_space<hbm>>
    tpu.enqueue_indirect_dma source(%dma_start3A_843 : memref<1600000xi32, #tpu.memory_space<hbm>>) target(%dma_start3A_839 : memref<320xi32, #tpu.memory_space<vmem>>) offsets(%dma_start3A_841 : memref<320xi32, #tpu.memory_space<vmem>>) semaphore(%arg24 : memref<!tpu.dma_semaphore, #tpu.memory_space<semaphore_mem>>)
    %dma_wait3A_844 = arith.constant 1920 : i32
    %dma_wait3A_845 = tpu.memref_slice %arg19[%dma_wait3A_844] : memref<2560xi32, #tpu.memory_space<vmem>> -> memref<320xi32, #tpu.memory_space<vmem>>
    %dma_wait3A_846 = arith.constant 1920 : i32
    %dma_wait3A_847 = tpu.memref_slice %arg18[%dma_wait3A_846] : memref<2560xi32, #tpu.memory_space<vmem>> -> memref<320xi32, #tpu.memory_space<vmem>>
    %dma_wait3A_848 = arith.constant 0 : i32
    %dma_wait3A_849 = tpu.memref_slice %arg5[%dma_wait3A_848] : memref<1600000xi32, #tpu.memory_space<hbm>> -> memref<1600000xi32, #tpu.memory_space<hbm>>
    tpu.wait_indirect_dma semaphore(%arg23 : memref<!tpu.dma_semaphore, #tpu.memory_space<semaphore_mem>>) src(%dma_wait3A_849 : memref<1600000xi32, #tpu.memory_space<hbm>>) dst(%dma_wait3A_845 : memref<320xi32, #tpu.memory_space<vmem>>)
    %scan3A_850 = arith.constant 0 : i32
    %scan3A_851 = arith.constant 0 : i32
    %scan3A_852 = arith.constant 20 : i32
    %scan3A_853 = arith.addi %scan3A_851, %scan3A_852 : i32
    %scan3A_854 = arith.constant 2 : i32
    scf.for %scan3A_1028 = %scan3A_851 to %scan3A_853 step %scan3A_854  : i32 {
      %mul3A_1029 = arith.constant 16 : i32
      %mul3A_1030 = arith.muli %scan3A_1028, %mul3A_1029 : i32
      %add3A_1031 = arith.constant 1920 : i32
      %add3A_1032 = arith.addi %add3A_1031, %mul3A_1030 : i32
      %add3A_1033 = vector.broadcast %add3A_1032 : i32 to vector<16xi32>
      %add3A_1034 = arith.addi %add3A_1033, %iota3A : vector<16xi32>
      %div3A = arith.constant 10 : i32
      %div3A_1035 = vector.broadcast %div3A : i32 to vector<16xi32>
      %div3A_1036 = arith.divsi %add3A_1034, %div3A_1035 : vector<16xi32>
      %mul3A_1037 = arith.constant 10 : i32
      %mul3A_1038 = vector.broadcast %mul3A_1037 : i32 to vector<16xi32>
      %mul3A_1039 = arith.muli %div3A_1036, %mul3A_1038 : vector<16xi32>
      %sub3A = arith.subi %add3A_1034, %mul3A_1039 : vector<16xi32>
      %sub3A_1040 = arith.constant 192 : i32
      %sub3A_1041 = vector.broadcast %sub3A_1040 : i32 to vector<16xi32>
      %sub3A_1042 = arith.subi %div3A_1036, %sub3A_1041 : vector<16xi32>
      %gather3A = tpu.vector_load_idx %arg16[%div3A_1036] : memref<256xi32, #tpu.memory_space<vmem>>[vector<16xi32>], vector<16xi32>,
      %gt3A = arith.constant 0 : i32
      %gt3A_1043 = vector.broadcast %gt3A : i32 to vector<16xi32>
      %gt3A_1044 = arith.cmpi sgt, %gather3A, %gt3A_1043 : vector<16xi32>
      %get3A = arith.index_cast %add3A_1032 : i32 to index
      %get3A_1045 = tpu.vector_load %arg19[%get3A] {strides = array<i32>} : memref<2560xi32, #tpu.memory_space<vmem>>, vector<16xi32>,
      %jit3A = arith.constant -1 : i32
      %broadcast_in_dim3A = vector.broadcast %jit3A : i32 to vector<16xi32>
      %select_n3A = arith.select %gt3A_1044, %get3A_1045, %broadcast_in_dim3A : vector<16xi1>, vector<16xi32>
      %scatter3A = arith.constant 0 : i32
      %scatter3A_1046 = arith.constant 0 : i32
      %scatter3A_1047 = arith.constant 0 : i32
      %scatter3A_1048 = tpu.memref_slice %arg21[%scatter3A, %scatter3A_1046, %scatter3A_1047] : memref<2x32x10xi32, #tpu.memory_space<vmem>> -> memref<1x32x10xi32, #tpu.memory_space<vmem>>
      %scatter3A_1049 = tpu.memref_squeeze %scatter3A_1048 : memref<1x32x10xi32, #tpu.memory_space<vmem>> -> memref<32x10xi32, #tpu.memory_space<vmem>>
      tpu.vector_store_idx %scatter3A_1049[%sub3A_1042, %sub3A], %select_n3A : memref<32x10xi32, #tpu.memory_space<vmem>>[vector<16xi32>, vector<16xi32>], vector<16xi32>,
      %scan3A_1050 = arith.constant 1 : i32
      %scan3A_1051 = arith.addi %scan3A_1028, %scan3A_1050 : i32
      %mul3A_1052 = arith.constant 16 : i32
      %mul3A_1053 = arith.muli %scan3A_1051, %mul3A_1052 : i32
      %add3A_1054 = arith.constant 1920 : i32
      %add3A_1055 = arith.addi %add3A_1054, %mul3A_1053 : i32
      %add3A_1056 = vector.broadcast %add3A_1055 : i32 to vector<16xi32>
      %add3A_1057 = arith.addi %add3A_1056, %iota3A : vector<16xi32>
      %div3A_1058 = arith.constant 10 : i32
      %div3A_1059 = vector.broadcast %div3A_1058 : i32 to vector<16xi32>
      %div3A_1060 = arith.divsi %add3A_1057, %div3A_1059 : vector<16xi32>
      %mul3A_1061 = arith.constant 10 : i32
      %mul3A_1062 = vector.broadcast %mul3A_1061 : i32 to vector<16xi32>
      %mul3A_1063 = arith.muli %div3A_1060, %mul3A_1062 : vector<16xi32>
      %sub3A_1064 = arith.subi %add3A_1057, %mul3A_1063 : vector<16xi32>
      %sub3A_1065 = arith.constant 192 : i32
      %sub3A_1066 = vector.broadcast %sub3A_1065 : i32 to vector<16xi32>
      %sub3A_1067 = arith.subi %div3A_1060, %sub3A_1066 : vector<16xi32>
      %gather3A_1068 = tpu.vector_load_idx %arg16[%div3A_1060] : memref<256xi32, #tpu.memory_space<vmem>>[vector<16xi32>], vector<16xi32>,
      %gt3A_1069 = arith.constant 0 : i32
      %gt3A_1070 = vector.broadcast %gt3A_1069 : i32 to vector<16xi32>
      %gt3A_1071 = arith.cmpi sgt, %gather3A_1068, %gt3A_1070 : vector<16xi32>
      %get3A_1072 = arith.index_cast %add3A_1055 : i32 to index
      %get3A_1073 = tpu.vector_load %arg19[%get3A_1072] {strides = array<i32>} : memref<2560xi32, #tpu.memory_space<vmem>>, vector<16xi32>,
      %jit3A_1074 = arith.constant -1 : i32
      %broadcast_in_dim3A_1075 = vector.broadcast %jit3A_1074 : i32 to vector<16xi32>
      %select_n3A_1076 = arith.select %gt3A_1071, %get3A_1073, %broadcast_in_dim3A_1075 : vector<16xi1>, vector<16xi32>
      %scatter3A_1077 = arith.constant 0 : i32
      %scatter3A_1078 = arith.constant 0 : i32
      %scatter3A_1079 = arith.constant 0 : i32
      %scatter3A_1080 = tpu.memref_slice %arg21[%scatter3A_1077, %scatter3A_1078, %scatter3A_1079] : memref<2x32x10xi32, #tpu.memory_space<vmem>> -> memref<1x32x10xi32, #tpu.memory_space<vmem>>
      %scatter3A_1081 = tpu.memref_squeeze %scatter3A_1080 : memref<1x32x10xi32, #tpu.memory_space<vmem>> -> memref<32x10xi32, #tpu.memory_space<vmem>>
      tpu.vector_store_idx %scatter3A_1081[%sub3A_1067, %sub3A_1064], %select_n3A_1076 : memref<32x10xi32, #tpu.memory_space<vmem>>[vector<16xi32>, vector<16xi32>], vector<16xi32>,
    }
    %scan3A_855 = arith.constant 20 : i32
    %add3A_856 = arith.constant 192 : i32
    %add3A_857 = arith.addi %mul3A_2, %add3A_856 : i32
    %dma_start3A_858 = arith.constant 0 : i32
    %dma_start3A_859 = arith.constant 0 : i32
    %dma_start3A_860 = arith.constant 0 : i32
    %dma_start3A_861 = tpu.memref_slice %arg20[%dma_start3A_858, %dma_start3A_859, %dma_start3A_860] : memref<2x32x10xi32, #tpu.memory_space<vmem>> -> memref<1x32x10xi32, #tpu.memory_space<vmem>>
    %dma_start3A_862 = tpu.memref_squeeze %dma_start3A_861 : memref<1x32x10xi32, #tpu.memory_space<vmem>> -> memref<32x10xi32, #tpu.memory_space<vmem>>
    %dma_start3A_863 = arith.constant 0 : i32
    %dma_start3A_864 = tpu.memref_slice %arg6[%add3A_857, %dma_start3A_863] : memref<8192x10xi32, #tpu.memory_space<hbm>> -> memref<32x10xi32, #tpu.memory_space<hbm>>
    %dma_start3A_865 = arith.constant 0 : i32
    %dma_start3A_866 = tpu.memref_slice %arg6[%add3A_857, %dma_start3A_865] : memref<8192x10xi32, #tpu.memory_space<hbm>> -> memref<32x10xi32, #tpu.memory_space<hbm>>
    %dma_start3A_867 = arith.constant 0 : i32
    %dma_start3A_868 = arith.constant 0 : i32
    %dma_start3A_869 = tpu.memref_slice %arg20[%dma_start3A_858, %dma_start3A_867, %dma_start3A_868] : memref<2x32x10xi32, #tpu.memory_space<vmem>> -> memref<1x32x10xi32, #tpu.memory_space<vmem>>
    %dma_start3A_870 = tpu.memref_squeeze %dma_start3A_869 : memref<1x32x10xi32, #tpu.memory_space<vmem>> -> memref<32x10xi32, #tpu.memory_space<vmem>>
    tpu.enqueue_dma source(%dma_start3A_870 : memref<32x10xi32, #tpu.memory_space<vmem>>) target(%dma_start3A_866 : memref<32x10xi32, #tpu.memory_space<hbm>>) target_semaphore(%arg26 : memref<!tpu.dma_semaphore, #tpu.memory_space<semaphore_mem>>)
    %dma_start3A_871 = arith.constant 0 : i32
    %dma_start3A_872 = arith.constant 0 : i32
    %dma_start3A_873 = arith.constant 0 : i32
    %dma_start3A_874 = tpu.memref_slice %arg21[%dma_start3A_871, %dma_start3A_872, %dma_start3A_873] : memref<2x32x10xi32, #tpu.memory_space<vmem>> -> memref<1x32x10xi32, #tpu.memory_space<vmem>>
    %dma_start3A_875 = tpu.memref_squeeze %dma_start3A_874 : memref<1x32x10xi32, #tpu.memory_space<vmem>> -> memref<32x10xi32, #tpu.memory_space<vmem>>
    %dma_start3A_876 = arith.constant 0 : i32
    %dma_start3A_877 = tpu.memref_slice %arg7[%add3A_857, %dma_start3A_876] : memref<8192x10xi32, #tpu.memory_space<hbm>> -> memref<32x10xi32, #tpu.memory_space<hbm>>
    %dma_start3A_878 = arith.constant 0 : i32
    %dma_start3A_879 = tpu.memref_slice %arg7[%add3A_857, %dma_start3A_878] : memref<8192x10xi32, #tpu.memory_space<hbm>> -> memref<32x10xi32, #tpu.memory_space<hbm>>
    %dma_start3A_880 = arith.constant 0 : i32
    %dma_start3A_881 = arith.constant 0 : i32
    %dma_start3A_882 = tpu.memref_slice %arg21[%dma_start3A_871, %dma_start3A_880, %dma_start3A_881] : memref<2x32x10xi32, #tpu.memory_space<vmem>> -> memref<1x32x10xi32, #tpu.memory_space<vmem>>
    %dma_start3A_883 = tpu.memref_squeeze %dma_start3A_882 : memref<1x32x10xi32, #tpu.memory_space<vmem>> -> memref<32x10xi32, #tpu.memory_space<vmem>>
    tpu.enqueue_dma source(%dma_start3A_883 : memref<32x10xi32, #tpu.memory_space<vmem>>) target(%dma_start3A_879 : memref<32x10xi32, #tpu.memory_space<hbm>>) target_semaphore(%arg26 : memref<!tpu.dma_semaphore, #tpu.memory_space<semaphore_mem>>)
    %dma_start3A_884 = arith.constant 0 : i32
    %dma_start3A_885 = arith.constant 0 : i32
    %dma_start3A_886 = arith.constant 0 : i32
    %dma_start3A_887 = tpu.memref_slice %arg22[%dma_start3A_884, %dma_start3A_885, %dma_start3A_886] : memref<2x32x10xi32, #tpu.memory_space<vmem>> -> memref<1x32x10xi32, #tpu.memory_space<vmem>>
    %dma_start3A_888 = tpu.memref_squeeze %dma_start3A_887 : memref<1x32x10xi32, #tpu.memory_space<vmem>> -> memref<32x10xi32, #tpu.memory_space<vmem>>
    %dma_start3A_889 = arith.constant 0 : i32
    %dma_start3A_890 = tpu.memref_slice %arg8[%add3A_857, %dma_start3A_889] : memref<8192x10xi32, #tpu.memory_space<hbm>> -> memref<32x10xi32, #tpu.memory_space<hbm>>
    %dma_start3A_891 = arith.constant 0 : i32
    %dma_start3A_892 = tpu.memref_slice %arg8[%add3A_857, %dma_start3A_891] : memref<8192x10xi32, #tpu.memory_space<hbm>> -> memref<32x10xi32, #tpu.memory_space<hbm>>
    %dma_start3A_893 = arith.constant 0 : i32
    %dma_start3A_894 = arith.constant 0 : i32
    %dma_start3A_895 = tpu.memref_slice %arg22[%dma_start3A_884, %dma_start3A_893, %dma_start3A_894] : memref<2x32x10xi32, #tpu.memory_space<vmem>> -> memref<1x32x10xi32, #tpu.memory_space<vmem>>
    %dma_start3A_896 = tpu.memref_squeeze %dma_start3A_895 : memref<1x32x10xi32, #tpu.memory_space<vmem>> -> memref<32x10xi32, #tpu.memory_space<vmem>>
    tpu.enqueue_dma source(%dma_start3A_896 : memref<32x10xi32, #tpu.memory_space<vmem>>) target(%dma_start3A_892 : memref<32x10xi32, #tpu.memory_space<hbm>>) target_semaphore(%arg26 : memref<!tpu.dma_semaphore, #tpu.memory_space<semaphore_mem>>)
    %dma_wait3A_897 = arith.constant 2240 : i32
    %dma_wait3A_898 = tpu.memref_slice %arg19[%dma_wait3A_897] : memref<2560xi32, #tpu.memory_space<vmem>> -> memref<320xi32, #tpu.memory_space<vmem>>
    %dma_wait3A_899 = arith.constant 2240 : i32
    %dma_wait3A_900 = tpu.memref_slice %arg18[%dma_wait3A_899] : memref<2560xi32, #tpu.memory_space<vmem>> -> memref<320xi32, #tpu.memory_space<vmem>>
    %dma_wait3A_901 = arith.constant 0 : i32
    %dma_wait3A_902 = tpu.memref_slice %arg5[%dma_wait3A_901] : memref<1600000xi32, #tpu.memory_space<hbm>> -> memref<1600000xi32, #tpu.memory_space<hbm>>
    tpu.wait_indirect_dma semaphore(%arg24 : memref<!tpu.dma_semaphore, #tpu.memory_space<semaphore_mem>>) src(%dma_wait3A_902 : memref<1600000xi32, #tpu.memory_space<hbm>>) dst(%dma_wait3A_898 : memref<320xi32, #tpu.memory_space<vmem>>)
    %scan3A_903 = arith.constant 0 : i32
    %scan3A_904 = arith.constant 0 : i32
    %scan3A_905 = arith.constant 20 : i32
    %scan3A_906 = arith.addi %scan3A_904, %scan3A_905 : i32
    %scan3A_907 = arith.constant 2 : i32
    scf.for %scan3A_1028 = %scan3A_904 to %scan3A_906 step %scan3A_907  : i32 {
      %mul3A_1029 = arith.constant 16 : i32
      %mul3A_1030 = arith.muli %scan3A_1028, %mul3A_1029 : i32
      %add3A_1031 = arith.constant 2240 : i32
      %add3A_1032 = arith.addi %add3A_1031, %mul3A_1030 : i32
      %add3A_1033 = vector.broadcast %add3A_1032 : i32 to vector<16xi32>
      %add3A_1034 = arith.addi %add3A_1033, %iota3A : vector<16xi32>
      %div3A = arith.constant 10 : i32
      %div3A_1035 = vector.broadcast %div3A : i32 to vector<16xi32>
      %div3A_1036 = arith.divsi %add3A_1034, %div3A_1035 : vector<16xi32>
      %mul3A_1037 = arith.constant 10 : i32
      %mul3A_1038 = vector.broadcast %mul3A_1037 : i32 to vector<16xi32>
      %mul3A_1039 = arith.muli %div3A_1036, %mul3A_1038 : vector<16xi32>
      %sub3A = arith.subi %add3A_1034, %mul3A_1039 : vector<16xi32>
      %sub3A_1040 = arith.constant 224 : i32
      %sub3A_1041 = vector.broadcast %sub3A_1040 : i32 to vector<16xi32>
      %sub3A_1042 = arith.subi %div3A_1036, %sub3A_1041 : vector<16xi32>
      %gather3A = tpu.vector_load_idx %arg16[%div3A_1036] : memref<256xi32, #tpu.memory_space<vmem>>[vector<16xi32>], vector<16xi32>,
      %gt3A = arith.constant 0 : i32
      %gt3A_1043 = vector.broadcast %gt3A : i32 to vector<16xi32>
      %gt3A_1044 = arith.cmpi sgt, %gather3A, %gt3A_1043 : vector<16xi32>
      %get3A = arith.index_cast %add3A_1032 : i32 to index
      %get3A_1045 = tpu.vector_load %arg19[%get3A] {strides = array<i32>} : memref<2560xi32, #tpu.memory_space<vmem>>, vector<16xi32>,
      %jit3A = arith.constant -1 : i32
      %broadcast_in_dim3A = vector.broadcast %jit3A : i32 to vector<16xi32>
      %select_n3A = arith.select %gt3A_1044, %get3A_1045, %broadcast_in_dim3A : vector<16xi1>, vector<16xi32>
      %scatter3A = arith.constant 1 : i32
      %scatter3A_1046 = arith.constant 0 : i32
      %scatter3A_1047 = arith.constant 0 : i32
      %scatter3A_1048 = tpu.memref_slice %arg21[%scatter3A, %scatter3A_1046, %scatter3A_1047] : memref<2x32x10xi32, #tpu.memory_space<vmem>> -> memref<1x32x10xi32, #tpu.memory_space<vmem>>
      %scatter3A_1049 = tpu.memref_squeeze %scatter3A_1048 : memref<1x32x10xi32, #tpu.memory_space<vmem>> -> memref<32x10xi32, #tpu.memory_space<vmem>>
      tpu.vector_store_idx %scatter3A_1049[%sub3A_1042, %sub3A], %select_n3A : memref<32x10xi32, #tpu.memory_space<vmem>>[vector<16xi32>, vector<16xi32>], vector<16xi32>,
      %scan3A_1050 = arith.constant 1 : i32
      %scan3A_1051 = arith.addi %scan3A_1028, %scan3A_1050 : i32
      %mul3A_1052 = arith.constant 16 : i32
      %mul3A_1053 = arith.muli %scan3A_1051, %mul3A_1052 : i32
      %add3A_1054 = arith.constant 2240 : i32
      %add3A_1055 = arith.addi %add3A_1054, %mul3A_1053 : i32
      %add3A_1056 = vector.broadcast %add3A_1055 : i32 to vector<16xi32>
      %add3A_1057 = arith.addi %add3A_1056, %iota3A : vector<16xi32>
      %div3A_1058 = arith.constant 10 : i32
      %div3A_1059 = vector.broadcast %div3A_1058 : i32 to vector<16xi32>
      %div3A_1060 = arith.divsi %add3A_1057, %div3A_1059 : vector<16xi32>
      %mul3A_1061 = arith.constant 10 : i32
      %mul3A_1062 = vector.broadcast %mul3A_1061 : i32 to vector<16xi32>
      %mul3A_1063 = arith.muli %div3A_1060, %mul3A_1062 : vector<16xi32>
      %sub3A_1064 = arith.subi %add3A_1057, %mul3A_1063 : vector<16xi32>
      %sub3A_1065 = arith.constant 224 : i32
      %sub3A_1066 = vector.broadcast %sub3A_1065 : i32 to vector<16xi32>
      %sub3A_1067 = arith.subi %div3A_1060, %sub3A_1066 : vector<16xi32>
      %gather3A_1068 = tpu.vector_load_idx %arg16[%div3A_1060] : memref<256xi32, #tpu.memory_space<vmem>>[vector<16xi32>], vector<16xi32>,
      %gt3A_1069 = arith.constant 0 : i32
      %gt3A_1070 = vector.broadcast %gt3A_1069 : i32 to vector<16xi32>
      %gt3A_1071 = arith.cmpi sgt, %gather3A_1068, %gt3A_1070 : vector<16xi32>
      %get3A_1072 = arith.index_cast %add3A_1055 : i32 to index
      %get3A_1073 = tpu.vector_load %arg19[%get3A_1072] {strides = array<i32>} : memref<2560xi32, #tpu.memory_space<vmem>>, vector<16xi32>,
      %jit3A_1074 = arith.constant -1 : i32
      %broadcast_in_dim3A_1075 = vector.broadcast %jit3A_1074 : i32 to vector<16xi32>
      %select_n3A_1076 = arith.select %gt3A_1071, %get3A_1073, %broadcast_in_dim3A_1075 : vector<16xi1>, vector<16xi32>
      %scatter3A_1077 = arith.constant 1 : i32
      %scatter3A_1078 = arith.constant 0 : i32
      %scatter3A_1079 = arith.constant 0 : i32
      %scatter3A_1080 = tpu.memref_slice %arg21[%scatter3A_1077, %scatter3A_1078, %scatter3A_1079] : memref<2x32x10xi32, #tpu.memory_space<vmem>> -> memref<1x32x10xi32, #tpu.memory_space<vmem>>
      %scatter3A_1081 = tpu.memref_squeeze %scatter3A_1080 : memref<1x32x10xi32, #tpu.memory_space<vmem>> -> memref<32x10xi32, #tpu.memory_space<vmem>>
      tpu.vector_store_idx %scatter3A_1081[%sub3A_1067, %sub3A_1064], %select_n3A_1076 : memref<32x10xi32, #tpu.memory_space<vmem>>[vector<16xi32>, vector<16xi32>], vector<16xi32>,
    }
    %scan3A_908 = arith.constant 20 : i32
    %add3A_909 = arith.constant 224 : i32
    %add3A_910 = arith.addi %mul3A_2, %add3A_909 : i32
    %dma_start3A_911 = arith.constant 1 : i32
    %dma_start3A_912 = arith.constant 0 : i32
    %dma_start3A_913 = arith.constant 0 : i32
    %dma_start3A_914 = tpu.memref_slice %arg20[%dma_start3A_911, %dma_start3A_912, %dma_start3A_913] : memref<2x32x10xi32, #tpu.memory_space<vmem>> -> memref<1x32x10xi32, #tpu.memory_space<vmem>>
    %dma_start3A_915 = tpu.memref_squeeze %dma_start3A_914 : memref<1x32x10xi32, #tpu.memory_space<vmem>> -> memref<32x10xi32, #tpu.memory_space<vmem>>
    %dma_start3A_916 = arith.constant 0 : i32
    %dma_start3A_917 = tpu.memref_slice %arg6[%add3A_910, %dma_start3A_916] : memref<8192x10xi32, #tpu.memory_space<hbm>> -> memref<32x10xi32, #tpu.memory_space<hbm>>
    %dma_start3A_918 = arith.constant 0 : i32
    %dma_start3A_919 = tpu.memref_slice %arg6[%add3A_910, %dma_start3A_918] : memref<8192x10xi32, #tpu.memory_space<hbm>> -> memref<32x10xi32, #tpu.memory_space<hbm>>
    %dma_start3A_920 = arith.constant 0 : i32
    %dma_start3A_921 = arith.constant 0 : i32
    %dma_start3A_922 = tpu.memref_slice %arg20[%dma_start3A_911, %dma_start3A_920, %dma_start3A_921] : memref<2x32x10xi32, #tpu.memory_space<vmem>> -> memref<1x32x10xi32, #tpu.memory_space<vmem>>
    %dma_start3A_923 = tpu.memref_squeeze %dma_start3A_922 : memref<1x32x10xi32, #tpu.memory_space<vmem>> -> memref<32x10xi32, #tpu.memory_space<vmem>>
    tpu.enqueue_dma source(%dma_start3A_923 : memref<32x10xi32, #tpu.memory_space<vmem>>) target(%dma_start3A_919 : memref<32x10xi32, #tpu.memory_space<hbm>>) target_semaphore(%arg27 : memref<!tpu.dma_semaphore, #tpu.memory_space<semaphore_mem>>)
    %dma_start3A_924 = arith.constant 1 : i32
    %dma_start3A_925 = arith.constant 0 : i32
    %dma_start3A_926 = arith.constant 0 : i32
    %dma_start3A_927 = tpu.memref_slice %arg21[%dma_start3A_924, %dma_start3A_925, %dma_start3A_926] : memref<2x32x10xi32, #tpu.memory_space<vmem>> -> memref<1x32x10xi32, #tpu.memory_space<vmem>>
    %dma_start3A_928 = tpu.memref_squeeze %dma_start3A_927 : memref<1x32x10xi32, #tpu.memory_space<vmem>> -> memref<32x10xi32, #tpu.memory_space<vmem>>
    %dma_start3A_929 = arith.constant 0 : i32
    %dma_start3A_930 = tpu.memref_slice %arg7[%add3A_910, %dma_start3A_929] : memref<8192x10xi32, #tpu.memory_space<hbm>> -> memref<32x10xi32, #tpu.memory_space<hbm>>
    %dma_start3A_931 = arith.constant 0 : i32
    %dma_start3A_932 = tpu.memref_slice %arg7[%add3A_910, %dma_start3A_931] : memref<8192x10xi32, #tpu.memory_space<hbm>> -> memref<32x10xi32, #tpu.memory_space<hbm>>
    %dma_start3A_933 = arith.constant 0 : i32
    %dma_start3A_934 = arith.constant 0 : i32
    %dma_start3A_935 = tpu.memref_slice %arg21[%dma_start3A_924, %dma_start3A_933, %dma_start3A_934] : memref<2x32x10xi32, #tpu.memory_space<vmem>> -> memref<1x32x10xi32, #tpu.memory_space<vmem>>
    %dma_start3A_936 = tpu.memref_squeeze %dma_start3A_935 : memref<1x32x10xi32, #tpu.memory_space<vmem>> -> memref<32x10xi32, #tpu.memory_space<vmem>>
    tpu.enqueue_dma source(%dma_start3A_936 : memref<32x10xi32, #tpu.memory_space<vmem>>) target(%dma_start3A_932 : memref<32x10xi32, #tpu.memory_space<hbm>>) target_semaphore(%arg27 : memref<!tpu.dma_semaphore, #tpu.memory_space<semaphore_mem>>)
    %dma_start3A_937 = arith.constant 1 : i32
    %dma_start3A_938 = arith.constant 0 : i32
    %dma_start3A_939 = arith.constant 0 : i32
    %dma_start3A_940 = tpu.memref_slice %arg22[%dma_start3A_937, %dma_start3A_938, %dma_start3A_939] : memref<2x32x10xi32, #tpu.memory_space<vmem>> -> memref<1x32x10xi32, #tpu.memory_space<vmem>>
    %dma_start3A_941 = tpu.memref_squeeze %dma_start3A_940 : memref<1x32x10xi32, #tpu.memory_space<vmem>> -> memref<32x10xi32, #tpu.memory_space<vmem>>
    %dma_start3A_942 = arith.constant 0 : i32
    %dma_start3A_943 = tpu.memref_slice %arg8[%add3A_910, %dma_start3A_942] : memref<8192x10xi32, #tpu.memory_space<hbm>> -> memref<32x10xi32, #tpu.memory_space<hbm>>
    %dma_start3A_944 = arith.constant 0 : i32
    %dma_start3A_945 = tpu.memref_slice %arg8[%add3A_910, %dma_start3A_944] : memref<8192x10xi32, #tpu.memory_space<hbm>> -> memref<32x10xi32, #tpu.memory_space<hbm>>
    %dma_start3A_946 = arith.constant 0 : i32
    %dma_start3A_947 = arith.constant 0 : i32
    %dma_start3A_948 = tpu.memref_slice %arg22[%dma_start3A_937, %dma_start3A_946, %dma_start3A_947] : memref<2x32x10xi32, #tpu.memory_space<vmem>> -> memref<1x32x10xi32, #tpu.memory_space<vmem>>
    %dma_start3A_949 = tpu.memref_squeeze %dma_start3A_948 : memref<1x32x10xi32, #tpu.memory_space<vmem>> -> memref<32x10xi32, #tpu.memory_space<vmem>>
    tpu.enqueue_dma source(%dma_start3A_949 : memref<32x10xi32, #tpu.memory_space<vmem>>) target(%dma_start3A_945 : memref<32x10xi32, #tpu.memory_space<hbm>>) target_semaphore(%arg27 : memref<!tpu.dma_semaphore, #tpu.memory_space<semaphore_mem>>)
    %dma_wait3A_950 = arith.constant 0 : i32
    %dma_wait3A_951 = arith.constant 0 : i32
    %dma_wait3A_952 = arith.constant 0 : i32
    %dma_wait3A_953 = tpu.memref_slice %arg20[%dma_wait3A_950, %dma_wait3A_951, %dma_wait3A_952] : memref<2x32x10xi32, #tpu.memory_space<vmem>> -> memref<1x32x10xi32, #tpu.memory_space<vmem>>
    %dma_wait3A_954 = tpu.memref_squeeze %dma_wait3A_953 : memref<1x32x10xi32, #tpu.memory_space<vmem>> -> memref<32x10xi32, #tpu.memory_space<vmem>>
    %dma_wait3A_955 = arith.constant 0 : i32
    %dma_wait3A_956 = tpu.memref_slice %arg6[%add3A_857, %dma_wait3A_955] : memref<8192x10xi32, #tpu.memory_space<hbm>> -> memref<32x10xi32, #tpu.memory_space<hbm>>
    %dma_wait3A_957 = arith.constant 0 : i32
    %dma_wait3A_958 = tpu.memref_slice %arg6[%add3A_857, %dma_wait3A_957] : memref<8192x10xi32, #tpu.memory_space<hbm>> -> memref<32x10xi32, #tpu.memory_space<hbm>>
    %dma_wait3A_959 = arith.constant 0 : i32
    %dma_wait3A_960 = arith.constant 0 : i32
    %dma_wait3A_961 = tpu.memref_slice %arg20[%dma_wait3A_950, %dma_wait3A_959, %dma_wait3A_960] : memref<2x32x10xi32, #tpu.memory_space<vmem>> -> memref<1x32x10xi32, #tpu.memory_space<vmem>>
    %dma_wait3A_962 = tpu.memref_squeeze %dma_wait3A_961 : memref<1x32x10xi32, #tpu.memory_space<vmem>> -> memref<32x10xi32, #tpu.memory_space<vmem>>
    tpu.wait_dma2 semaphore(%arg26 : memref<!tpu.dma_semaphore, #tpu.memory_space<semaphore_mem>>) src(%dma_wait3A_962 : memref<32x10xi32, #tpu.memory_space<vmem>>) dst(%dma_wait3A_958 : memref<32x10xi32, #tpu.memory_space<hbm>>)
    %dma_wait3A_963 = arith.constant 0 : i32
    %dma_wait3A_964 = arith.constant 0 : i32
    %dma_wait3A_965 = arith.constant 0 : i32
    %dma_wait3A_966 = tpu.memref_slice %arg21[%dma_wait3A_963, %dma_wait3A_964, %dma_wait3A_965] : memref<2x32x10xi32, #tpu.memory_space<vmem>> -> memref<1x32x10xi32, #tpu.memory_space<vmem>>
    %dma_wait3A_967 = tpu.memref_squeeze %dma_wait3A_966 : memref<1x32x10xi32, #tpu.memory_space<vmem>> -> memref<32x10xi32, #tpu.memory_space<vmem>>
    %dma_wait3A_968 = arith.constant 0 : i32
    %dma_wait3A_969 = tpu.memref_slice %arg7[%add3A_857, %dma_wait3A_968] : memref<8192x10xi32, #tpu.memory_space<hbm>> -> memref<32x10xi32, #tpu.memory_space<hbm>>
    %dma_wait3A_970 = arith.constant 0 : i32
    %dma_wait3A_971 = tpu.memref_slice %arg7[%add3A_857, %dma_wait3A_970] : memref<8192x10xi32, #tpu.memory_space<hbm>> -> memref<32x10xi32, #tpu.memory_space<hbm>>
    %dma_wait3A_972 = arith.constant 0 : i32
    %dma_wait3A_973 = arith.constant 0 : i32
    %dma_wait3A_974 = tpu.memref_slice %arg21[%dma_wait3A_963, %dma_wait3A_972, %dma_wait3A_973] : memref<2x32x10xi32, #tpu.memory_space<vmem>> -> memref<1x32x10xi32, #tpu.memory_space<vmem>>
    %dma_wait3A_975 = tpu.memref_squeeze %dma_wait3A_974 : memref<1x32x10xi32, #tpu.memory_space<vmem>> -> memref<32x10xi32, #tpu.memory_space<vmem>>
    tpu.wait_dma2 semaphore(%arg26 : memref<!tpu.dma_semaphore, #tpu.memory_space<semaphore_mem>>) src(%dma_wait3A_975 : memref<32x10xi32, #tpu.memory_space<vmem>>) dst(%dma_wait3A_971 : memref<32x10xi32, #tpu.memory_space<hbm>>)
    %dma_wait3A_976 = arith.constant 0 : i32
    %dma_wait3A_977 = arith.constant 0 : i32
    %dma_wait3A_978 = arith.constant 0 : i32
    %dma_wait3A_979 = tpu.memref_slice %arg22[%dma_wait3A_976, %dma_wait3A_977, %dma_wait3A_978] : memref<2x32x10xi32, #tpu.memory_space<vmem>> -> memref<1x32x10xi32, #tpu.memory_space<vmem>>
    %dma_wait3A_980 = tpu.memref_squeeze %dma_wait3A_979 : memref<1x32x10xi32, #tpu.memory_space<vmem>> -> memref<32x10xi32, #tpu.memory_space<vmem>>
    %dma_wait3A_981 = arith.constant 0 : i32
    %dma_wait3A_982 = tpu.memref_slice %arg8[%add3A_857, %dma_wait3A_981] : memref<8192x10xi32, #tpu.memory_space<hbm>> -> memref<32x10xi32, #tpu.memory_space<hbm>>
    %dma_wait3A_983 = arith.constant 0 : i32
    %dma_wait3A_984 = tpu.memref_slice %arg8[%add3A_857, %dma_wait3A_983] : memref<8192x10xi32, #tpu.memory_space<hbm>> -> memref<32x10xi32, #tpu.memory_space<hbm>>
    %dma_wait3A_985 = arith.constant 0 : i32
    %dma_wait3A_986 = arith.constant 0 : i32
    %dma_wait3A_987 = tpu.memref_slice %arg22[%dma_wait3A_976, %dma_wait3A_985, %dma_wait3A_986] : memref<2x32x10xi32, #tpu.memory_space<vmem>> -> memref<1x32x10xi32, #tpu.memory_space<vmem>>
    %dma_wait3A_988 = tpu.memref_squeeze %dma_wait3A_987 : memref<1x32x10xi32, #tpu.memory_space<vmem>> -> memref<32x10xi32, #tpu.memory_space<vmem>>
    tpu.wait_dma2 semaphore(%arg26 : memref<!tpu.dma_semaphore, #tpu.memory_space<semaphore_mem>>) src(%dma_wait3A_988 : memref<32x10xi32, #tpu.memory_space<vmem>>) dst(%dma_wait3A_984 : memref<32x10xi32, #tpu.memory_space<hbm>>)
    %dma_wait3A_989 = arith.constant 1 : i32
    %dma_wait3A_990 = arith.constant 0 : i32
    %dma_wait3A_991 = arith.constant 0 : i32
    %dma_wait3A_992 = tpu.memref_slice %arg20[%dma_wait3A_989, %dma_wait3A_990, %dma_wait3A_991] : memref<2x32x10xi32, #tpu.memory_space<vmem>> -> memref<1x32x10xi32, #tpu.memory_space<vmem>>
    %dma_wait3A_993 = tpu.memref_squeeze %dma_wait3A_992 : memref<1x32x10xi32, #tpu.memory_space<vmem>> -> memref<32x10xi32, #tpu.memory_space<vmem>>
    %dma_wait3A_994 = arith.constant 0 : i32
    %dma_wait3A_995 = tpu.memref_slice %arg6[%add3A_910, %dma_wait3A_994] : memref<8192x10xi32, #tpu.memory_space<hbm>> -> memref<32x10xi32, #tpu.memory_space<hbm>>
    %dma_wait3A_996 = arith.constant 0 : i32
    %dma_wait3A_997 = tpu.memref_slice %arg6[%add3A_910, %dma_wait3A_996] : memref<8192x10xi32, #tpu.memory_space<hbm>> -> memref<32x10xi32, #tpu.memory_space<hbm>>
    %dma_wait3A_998 = arith.constant 0 : i32
    %dma_wait3A_999 = arith.constant 0 : i32
    %dma_wait3A_1000 = tpu.memref_slice %arg20[%dma_wait3A_989, %dma_wait3A_998, %dma_wait3A_999] : memref<2x32x10xi32, #tpu.memory_space<vmem>> -> memref<1x32x10xi32, #tpu.memory_space<vmem>>
    %dma_wait3A_1001 = tpu.memref_squeeze %dma_wait3A_1000 : memref<1x32x10xi32, #tpu.memory_space<vmem>> -> memref<32x10xi32, #tpu.memory_space<vmem>>
    tpu.wait_dma2 semaphore(%arg27 : memref<!tpu.dma_semaphore, #tpu.memory_space<semaphore_mem>>) src(%dma_wait3A_1001 : memref<32x10xi32, #tpu.memory_space<vmem>>) dst(%dma_wait3A_997 : memref<32x10xi32, #tpu.memory_space<hbm>>)
    %dma_wait3A_1002 = arith.constant 1 : i32
    %dma_wait3A_1003 = arith.constant 0 : i32
    %dma_wait3A_1004 = arith.constant 0 : i32
    %dma_wait3A_1005 = tpu.memref_slice %arg21[%dma_wait3A_1002, %dma_wait3A_1003, %dma_wait3A_1004] : memref<2x32x10xi32, #tpu.memory_space<vmem>> -> memref<1x32x10xi32, #tpu.memory_space<vmem>>
    %dma_wait3A_1006 = tpu.memref_squeeze %dma_wait3A_1005 : memref<1x32x10xi32, #tpu.memory_space<vmem>> -> memref<32x10xi32, #tpu.memory_space<vmem>>
    %dma_wait3A_1007 = arith.constant 0 : i32
    %dma_wait3A_1008 = tpu.memref_slice %arg7[%add3A_910, %dma_wait3A_1007] : memref<8192x10xi32, #tpu.memory_space<hbm>> -> memref<32x10xi32, #tpu.memory_space<hbm>>
    %dma_wait3A_1009 = arith.constant 0 : i32
    %dma_wait3A_1010 = tpu.memref_slice %arg7[%add3A_910, %dma_wait3A_1009] : memref<8192x10xi32, #tpu.memory_space<hbm>> -> memref<32x10xi32, #tpu.memory_space<hbm>>
    %dma_wait3A_1011 = arith.constant 0 : i32
    %dma_wait3A_1012 = arith.constant 0 : i32
    %dma_wait3A_1013 = tpu.memref_slice %arg21[%dma_wait3A_1002, %dma_wait3A_1011, %dma_wait3A_1012] : memref<2x32x10xi32, #tpu.memory_space<vmem>> -> memref<1x32x10xi32, #tpu.memory_space<vmem>>
    %dma_wait3A_1014 = tpu.memref_squeeze %dma_wait3A_1013 : memref<1x32x10xi32, #tpu.memory_space<vmem>> -> memref<32x10xi32, #tpu.memory_space<vmem>>
    tpu.wait_dma2 semaphore(%arg27 : memref<!tpu.dma_semaphore, #tpu.memory_space<semaphore_mem>>) src(%dma_wait3A_1014 : memref<32x10xi32, #tpu.memory_space<vmem>>) dst(%dma_wait3A_1010 : memref<32x10xi32, #tpu.memory_space<hbm>>)
    %dma_wait3A_1015 = arith.constant 1 : i32
    %dma_wait3A_1016 = arith.constant 0 : i32
    %dma_wait3A_1017 = arith.constant 0 : i32
    %dma_wait3A_1018 = tpu.memref_slice %arg22[%dma_wait3A_1015, %dma_wait3A_1016, %dma_wait3A_1017] : memref<2x32x10xi32, #tpu.memory_space<vmem>> -> memref<1x32x10xi32, #tpu.memory_space<vmem>>
    %dma_wait3A_1019 = tpu.memref_squeeze %dma_wait3A_1018 : memref<1x32x10xi32, #tpu.memory_space<vmem>> -> memref<32x10xi32, #tpu.memory_space<vmem>>
    %dma_wait3A_1020 = arith.constant 0 : i32
    %dma_wait3A_1021 = tpu.memref_slice %arg8[%add3A_910, %dma_wait3A_1020] : memref<8192x10xi32, #tpu.memory_space<hbm>> -> memref<32x10xi32, #tpu.memory_space<hbm>>
    %dma_wait3A_1022 = arith.constant 0 : i32
    %dma_wait3A_1023 = tpu.memref_slice %arg8[%add3A_910, %dma_wait3A_1022] : memref<8192x10xi32, #tpu.memory_space<hbm>> -> memref<32x10xi32, #tpu.memory_space<hbm>>
    %dma_wait3A_1024 = arith.constant 0 : i32
    %dma_wait3A_1025 = arith.constant 0 : i32
    %dma_wait3A_1026 = tpu.memref_slice %arg22[%dma_wait3A_1015, %dma_wait3A_1024, %dma_wait3A_1025] : memref<2x32x10xi32, #tpu.memory_space<vmem>> -> memref<1x32x10xi32, #tpu.memory_space<vmem>>
    %dma_wait3A_1027 = tpu.memref_squeeze %dma_wait3A_1026 : memref<1x32x10xi32, #tpu.memory_space<vmem>> -> memref<32x10xi32, #tpu.memory_space<vmem>>
    tpu.wait_dma2 semaphore(%arg27 : memref<!tpu.dma_semaphore, #tpu.memory_space<semaphore_mem>>) src(%dma_wait3A_1027 : memref<32x10xi32, #tpu.memory_space<vmem>>) dst(%dma_wait3A_1023 : memref<32x10xi32, #tpu.memory_space<hbm>>)
    return
  }
}

</mosaic_0001>

<sc_bundles>
// kernel: kernel.3.cloned.1.call-start
scs
__scs_entry_jumppad:
0x0: {  	(pc) =	sbr.rel $0x88, $3  }
0x1: {  	(tag) =	ssettag $0x0;
	lr =	simm.s32 $0x1  }
0x2: {  	[smem:$0x3F9D] =	sst lr;
	_ =	strace $0xD0000000  }
0x3: {  	_ = 	snop  }
0x4: {  	_ = 	snop  }
0x5: {  	_ = 	snop  }
0x6: {  	_ = 	snop  }
0x7: {  	_ = 	snop  }
__scs_overlays_trampoline_lowered:
0x8: {  	[smem:$0x3FAC] =	sst s0  }
0x9: {  	[smem:$0x3FAD] =	sst s1  }
0xa: {  	[smem:$0x3FAE] =	sst s2  }
0xb: {  	[smem:$0x3FAF] =	sst s3  }
0xc: {  	[smem:$0x3FB0] =	sst s4  }
0xd: {  	[smem:$0x3FB1] =	sst s5  }
0xe: {  	[smem:$0x3FB2] =	sst s6  }
0xf: {  	[smem:$0x3FB3] =	sst s7  }
0x10: {  	[smem:$0x3FB4] =	sst s8  }
0x11: {  	[smem:$0x3FB5] =	sst s9;
	s0 =	simm.s32 @!p0 $0x0  }
0x12: {  	s1 =	sld [smem:$0x3F9B];
	s0 =	simm.s32 @p0 $0x1  }
0x13: {  	[smem:$0x3FB6] =	sst s0;
	s0 =	simm.s32 @!p1 $0x0  }
0x14: {  	s2 =	sld [smem:$0x3F9A];
	s0 =	simm.s32 @p1 $0x1  }
0x15: {  	[smem:$0x3FB7] =	sst s0;
	s0 =	simm.s32 @!p2 $0x0  }
0x16: {  	s3 =	sld [smem:$0x3FDB];
	s0 =	simm.s32 @p2 $0x1  }
0x17: {  	s4 =	simm.s32 $0x1BF5;
	[smem:$0x3FB9] =	sst s0  }
0x18: {  	s0 =	sld [smem:$0x3F9C];
	_ =	swait.ge [sflag:s4], $0x0  }
0x19: {  	s7 =	sld [smem:$0x3F9D]  }
0x1a: {  	s8 =	sadd.s32 $0xFFFFE003, lr  }
0x1b: {  	s9 =	sadd.s32 $0xFFFFFEF7, lr;
	s5 =	simm.s32 $0xFFFFFFFF;
	p2 =	slt.u32 s8, $0xFFFFF086  }
0x1c: {  	p1 =	slt.u32 s9, $0xF7A;
	s5 =	simm.s32 @!p2 $0x0  }
0x1d: {  	s5 =	simm.s32 @p1 $0x1;
	p0 =	seq.s32 s7, s2  }
0x1e: {  	s7 =	smul.u32 @!p0 $0xF7A, s2;
	p2 =	seq.s32 @!p0 s5, $0x0  }
0x1f: {  	s9 =	smul.u32 $0xF7A, s1;
	s8 =	simm.s32 @!p0 $0x1BF5;
	p2 =	por !p2, p0  }
0x20: {  	[sflag:s8] =	ssyncset.s32 @!p0 $0xFFFFF086;
	s6 =	sadd.s32 @!p0 s3, s7;
	s7 =	simm.s32 @!p0 $0x108  }
0x21: {  	s3 =	sadd.s32 s3, s9;
	s6 =	sadd.s32 @!p0 $0x88, s6;
	s7 =	simm.s32 @p2 $0x1082  }
0x22: {  	[simem:s7], [sflag:s8] =	dma.local @!p0 [hbm:s6], $0xF7A  }
0x23: {  	s9 =	sor.u32 $0xD0000000, s2;
	s6 =	simm.s32 $0x108;
	_ =	swait.ge @!p0 [sflag:s8], $0x0  }
0x24: {  	s3 =	sadd.s32 $0x88, s3;
	s6 =	simm.s32 @!p1 $0x1082;
	[sflag:s4] =	ssyncset.s32 $0xFFFFF086  }
0x25: {  	[simem:s6], [sflag:s4] =	dma.local [hbm:s3], $0xF7A  }
0x26: {  	[smem:$0x3F9D] =	sst s1;
	(tag) =	ssettag s2;
	_ =	strace s9  }
0x27: {  	s1 =	sld [smem:$0x3FAD]  }
0x28: {  	s2 =	sld [smem:$0x3FAE]  }
0x29: {  	s4 =	sld [smem:$0x3FB0]  }
0x2a: {  	p0 =	seq.s32 s5, $0x0;
	s5 =	sld [smem:$0x3FB1]  }
0x2b: {  	s6 =	sld [smem:$0x3FB2]  }
0x2c: {  	s7 =	sld [smem:$0x3FB3]  }
0x2d: {  	s3 =	simm.s32 $0x108;
	s8 =	sld [smem:$0x3FB4]  }
0x2e: {  	s3 =	simm.s32 @!p0 $0x1082;
	s9 =	sld [smem:$0x3FB5]  }
0x2f: {  	lr =	sadd.s32 s0, s3;
	s0 =	sld [smem:$0x3FAC]  }
0x30: {  	s3 =	sld [smem:$0x3FAF]  }
0x31: {  	[smem:$0x3FB8] =	sst s10  }
0x32: {  	s10 =	sld [smem:$0x3FB6];
	_ =	sdelay $0x3  }
0x33: {  	p0 =	seq.s32 s10, $0x1;
	s10 =	sld [smem:$0x3FB8];
	_ =	sdelay $0x3  }
0x34: {  	[smem:$0x3FB8] =	sst s10  }
0x35: {  	s10 =	sld [smem:$0x3FB7];
	_ =	sdelay $0x3  }
0x36: {  	p1 =	seq.s32 s10, $0x1;
	s10 =	sld [smem:$0x3FB8];
	_ =	sdelay $0x3  }
0x37: {  	[smem:$0x3FB8] =	sst s10  }
0x38: {  	s10 =	sld [smem:$0x3FB9]  }
0x39: {  	_ = 	snop;
	(pc) =	sbr.ind lr, $3  }
0x3a: {  	_ = 	snop  }
0x3b: {  	_ = 	snop  }
0x3c: {  	p2 =	seq.s32 s10, $0x1;
	s10 =	sld [smem:$0x3FB8]  }
0x3d: {  	_ =	shalt  }
0x3e: {  	_ =	shalt  }
0x3f: {  	_ =	shalt  }
0x40: {  	_ =	shalt  }
0x41: {  	_ =	shalt  }
0x42: {  	_ =	shalt  }
0x43: {  	_ =	shalt  }
0x44: {  	_ =	shalt  }
0x45: {  	_ =	shalt  }
0x46: {  	_ =	shalt  }
0x47: {  	_ =	shalt  }
0x48: {  	_ =	shalt  }
0x49: {  	_ =	shalt  }
0x4a: {  	_ =	shalt  }
0x4b: {  	_ =	shalt  }
0x4c: {  	_ =	shalt  }
0x4d: {  	_ =	shalt  }
0x4e: {  	_ =	shalt  }
0x4f: {  	_ =	shalt  }
0x50: {  	_ =	shalt  }
0x51: {  	_ =	shalt  }
0x52: {  	_ =	shalt  }
0x53: {  	_ =	shalt  }
0x54: {  	_ =	shalt  }
0x55: {  	_ =	shalt  }
0x56: {  	_ =	shalt  }
0x57: {  	_ =	shalt  }
0x58: {  	_ =	shalt  }
0x59: {  	_ =	shalt  }
0x5a: {  	_ =	shalt  }
0x5b: {  	_ =	shalt  }
0x5c: {  	_ =	shalt  }
0x5d: {  	_ =	shalt  }
0x5e: {  	_ =	shalt  }
0x5f: {  	_ =	shalt  }
0x60: {  	_ =	shalt  }
0x61: {  	_ =	shalt  }
0x62: {  	_ =	shalt  }
0x63: {  	_ =	shalt  }
0x64: {  	_ =	shalt  }
0x65: {  	_ =	shalt  }
0x66: {  	_ =	shalt  }
0x67: {  	_ =	shalt  }
0x68: {  	_ =	shalt  }
0x69: {  	_ =	shalt  }
0x6a: {  	_ =	shalt  }
0x6b: {  	_ =	shalt  }
0x6c: {  	_ =	shalt  }
0x6d: {  	_ =	shalt  }
0x6e: {  	_ =	shalt  }
0x6f: {  	_ =	shalt  }
0x70: {  	_ =	shalt  }
0x71: {  	_ =	shalt  }
0x72: {  	_ =	shalt  }
0x73: {  	_ =	shalt  }
0x74: {  	_ =	shalt  }
0x75: {  	_ =	shalt  }
0x76: {  	_ =	shalt  }
0x77: {  	_ =	shalt  }
0x78: {  	_ =	shalt  }
0x79: {  	_ =	shalt  }
0x7a: {  	_ =	shalt  }
0x7b: {  	_ =	shalt  }
0x7c: {  	_ =	shalt  }
0x7d: {  	_ =	shalt  }
0x7e: {  	_ =	shalt  }
0x7f: {  	_ =	shalt  }
0x80: {  	_ =	shalt  }
0x81: {  	_ =	shalt  }
0x82: {  	_ =	shalt  }
0x83: {  	_ =	shalt  }
0x84: {  	_ =	shalt  }
0x85: {  	_ =	shalt  }
0x86: {  	_ =	shalt  }
0x87: {  	_ =	shalt  }
.Lfunc_end0:
.L_simem_size_0:
called_computation_lowered:
.L_overlay_start_0:
0x88: {  	s2 =	sld [smem:$0x3FD9]  }
0x89: {  	s3 =	sld [smem:$0x3FFE];
	_ =	sdelay $0x1  }
0x8a: {  	s1 =	srdreg.scid  }
0x8b: {  	s0 =	sand.u32 $0x1, s1  }
0x8c: {  	s17 =	sshll.u32 s0, $0xA;
	s2 =	sadd.s32 s3, s2  }
0x8d: {  	s2 =	sadd.s32 s2, s17  }
0x8e: {  	[smem:$0x3FC4] =	sst s2  }
0x8f: {  	_ = 	snop  }
0x90: {  	s2 =	sld [smem:$0x3FC9]  }
0x91: {  	s18 =	sld [smem:$0x3FC7]  }
0x92: {  	s4 =	sld [smem:$0x3FC6];
	(tm) =	ssettm $0x1  }
0x93: {  	s5 =	sld [smem:$0x3FFB];
	_ =	sdelay $0x3  }
0x94: {  	_ =	strace s5  }
0x95: {  	s5 =	sld [smem:$0x3FFC];
	_ =	sdelay $0x3  }
0x96: {  	_ =	strace s5  }
0x97: {  	s5 =	sld [smem:$0x3FFD];
	_ =	sdelay $0x3  }
0x98: {  	_ =	strace s5  }
0x99: {  	_ =	strace $0x8FFFFFFF  }
0x9a: {  	s19 =	sld [smem:$0x3FDB];
	_ =	sdelay $0x1  }
0x9b: {  	s6 =	simm.s32 $_scs_section_size  }
0x9c: {  	s7 =	simm.s32 $_size__tile_overlayer_lowered;
	s8 =	simm.s32 $_tile_overlayer_lowered  }
0x9d: {  	s22 =	simm.s32 $0x1BFF;
	s21 =	sshll.u32 s8, $0x1;
	s5 =	sadd.s32 s6, s19  }
0x9e: {  	s9 =	simm.s32 $0x0;
	s20 =	sshll.u32 s7, $0x1;
	s7 =	sadd.s32 s21, s5  }
0x9f: {  	[timem:s9], [sflag:s22] =	dma.local [hbm:s7], s20  }
0xa0: {  	_ =	swait.ge [sflag:s22], s20  }
0xa1: {  	s6 =	ssub.s32 $0x0, s20;
	[sflag:s22] =	ssyncset.done $0x0  }
0xa2: {  	[sflag:s22] =	ssyncadd.s32 s6;
	_ =	sdelay $0x1  }
0xa3: {  	s23 =	simm.s32 $0x1B8B  }
0xa4: {  	_ =	swait.ge [sflag:s23], $0x1  }
0xa5: {  	[sflag:s23] =	ssyncset.done $0x0  }
0xa6: {  	s25 =	simm.s32 $0x1B8E;
	s24 =	sld [smem:$0x3FFE];
	[sflag:s23] =	ssyncadd.s32 $0xFFFFFFFF  }
0xa7: {  	s26 =	simm.s32 $execute0_lowered;
	[smem:$0x3FD2] =	sst s25  }
0xa8: {  	s7 =	sshll.u32 s26, $0x1;
	_ =	strace $0x80000046;
	[dreg:$0x1] =	wrdreg $0xFFFFFFFF  }
0xa9: {  	s28 =	simm.s32 $_size_execute0_lowered;
	s5 =	sadd.s32 s5, s7;
	[dreg:$0x0] =	wrdreg $0x0  }
0xaa: {  	s7 =	sshll.u32 s28, $0x1;
	[dreg:$0x2] =	wrdreg s5  }
0xab: {  	[dreg:$0x3] =	wrdreg s7  }
0xac: {  	[dreg:$0x4] =	wrdreg $0xC0  }
0xad: {  	_ =	task [dreg:s9], $0x5FFFF  }
0xae: {  	[dreg:$0x1] =	wrdreg $0xFFFFFFFF  }
0xaf: {  	[dreg:$0x0] =	wrdreg $0x60  }
0xb0: {  	[dreg:$0x2] =	wrdreg s2  }
0xb1: {  	[dreg:$0x3] =	wrdreg s24  }
0xb2: {  	[dreg:$0x4] =	wrdreg s18  }
0xb3: {  	[dreg:$0x5] =	wrdreg s4  }
0xb4: {  	[dreg:$0x6] =	wrdreg $0x9  }
0xb5: {  	_ =	task.clear_ibuf [dreg:s9], $0x7FFFF;
	_ =	strace $0x90000046  }
0xb6: {  	s29 =	simm.s32 $0x9;
	_ =	strace $0x80000048  }
0xb7: {  	_ =	swait.ge [sflag:s29], $0x1  }
0xb8: {  	[sflag:s29] =	ssyncadd.s32 $0xFFFFFFFF  }
0xb9: {  	_ =	strace $0x90000048  }
0xba: {  	_ =	sfence  }
0xbb: {  	s30 =	sld [smem:$0x0];
	_ =	sdelay $0x2  }
0xbc: {  	s31 =	sshll.u32 s1, $0xD;
	s1 =	sshrl.u32 s1, $0x2  }
0xbd: {  	s3 =	sand.u32 $0x4000, s31;
	s1 =	sadd.s32 s1, s30  }
0xbe: {  	s0 =	sor.u32 s3, s0;
	s1 =	sshll.u32 s1, $0x11  }
0xbf: {  	s0 =	sor.u32 s1, s0  }
0xc0: {  	s0 =	sadd.s32 $0x8F2B, s0  }
0xc1: {  	[sflag:s0] =	ssyncadd.remote.s32 $0x1  }
0xc2: {  	_ =	sfence.sel $0xFFFF  }
0xc3: {  	[dreg:$0x0] =	wrdreg $0xFFFFFFFF;
	(pc) =	sbr.abs _section_cstart, $3  }
0xc4: {  	[dreg:$0x1] =	wrdreg $0xFFFFFFFF  }
0xc5: {  	_ =	task.clear_ibuf [dreg:s9], $0x2FFFF;
	_ =	strace $0x9FFFFFFF  }
0xc6: {  	(tm) =	ssettm $0x7FFFFFFF  }
0xc7: {  	_ =	shalt  }
tec
execute0_lowered:
.L_overlay_start_1:
0x0: {  	(tag) =	ssettag $0x1  }
0x1: {  	s1 =	rddreg [dreg:$0x0]  }
0x2: {  	s2 =	rddreg [dreg:$0x1];
	s5 =	srdreg.scid  }
0x3: {  	s0 =	simm.s32 $0x0;
	s8 =	stileid.u32;
	s5 =	sand.u32 $0x1, s5  }
0x4: {  	s8 =	sshll.u32 s8, $0x9;
	s7 =	ssub.s32 $0x2, s5;
	s5 =	sshll.u32 s5, $0x8  }
0x5: {  	[smem:$0x7FF] =	sst s0;
	s5 =	sor.u32 s5, s8  }
0x6: {  	s3 =	sadd.s32 $0xC00, s2;
	s4 =	sadd.s32 $0x20C00, s2;
	s21 =	sshrl.u32 s5, $0x3  }
0x7: {  	s6 =	sadd.s32 $0x40C00, s2;
	s5 =	sshll.u32 s5, $0x4;
	s1 =	sadd.s32 s1, s21  }
0x8: {  	s9 =	sadd.s32 $0x60C00, s2;
	s22 =	sadd.s32 s3, s5;
	[dreg:$0x5] =	wrdreg s1  }
0x9: {  	s20 =	sshrl.u32 s7, $0x1;
	s19 =	sadd.s32 s4, s5;
	[dreg:$0x6] =	wrdreg s22  }
0xa: {  	s7 =	ssub.s32 s7, s20;
	s20 =	sadd.s32 s6, s5;
	[dreg:$0x17] =	wrdreg s19  }
0xb: {  	s23 =	sor.u32 $0x200, s5;
	s21 =	sadd.s32 s9, s5;
	[dreg:$0x18] =	wrdreg s20  }
0xc: {  	s25 =	sor.u32 $0x400, s5;
	s24 =	sadd.s32 s3, s23;
	[dreg:$0x19] =	wrdreg s21  }
0xd: {  	s26 =	sor.u32 $0x600, s5;
	s10 =	sadd.s32 s3, s25;
	[dreg:$0x7] =	wrdreg s24  }
0xe: {  	s28 =	sadd.s32 s3, s26;
	[dreg:$0x8] =	wrdreg s10  }
0xf: {  	s29 =	sadd.s32 s4, s23;
	[dreg:$0x9] =	wrdreg s28  }
0x10: {  	s30 =	sadd.s32 s6, s23;
	[dreg:$0xa] =	wrdreg s29  }
0x11: {  	s31 =	sor.u32 $0x800, s5;
	s1 =	sadd.s32 s9, s23;
	[dreg:$0xb] =	wrdreg s30  }
0x12: {  	s11 =	sadd.s32 s3, s31;
	[dreg:$0xc] =	wrdreg s1  }
0x13: {  	s12 =	sadd.s32 s4, s25;
	[dreg:$0xd] =	wrdreg s11  }
0x14: {  	s13 =	sadd.s32 s6, s25;
	[dreg:$0xe] =	wrdreg s12  }
0x15: {  	s2 =	sadd.s32 s9, s25;
	[dreg:$0xf] =	wrdreg s13  }
0x16: {  	s8 =	simm.s32 $0x800;
	s14 =	sadd.s32 s4, s26;
	[dreg:$0x10] =	wrdreg s2  }
0x17: {  	s15 =	sadd.s32 s6, s26;
	s16 =	sadd.s32 s9, s26;
	[dreg:$0x11] =	wrdreg s14  }
0x18: {  	s17 =	sadd.s32 s4, s31;
	s18 =	sadd.s32 s6, s31;
	[dreg:$0x12] =	wrdreg s15  }
0x19: {  	s22 =	sor.u32 $0xA00, s5;
	s23 =	sor.u32 $0xC00, s5;
	[dreg:$0x13] =	wrdreg s16  }
0x1a: {  	s5 =	sor.u32 $0xE00, s5;
	s19 =	simm.s32 $0x140;
	[dreg:$0x14] =	wrdreg s17  }
0x1b: {  	s20 =	simm.s32 $0xAC00;
	s21 =	simm.s32 $0xEC00;
	[dreg:$0x15] =	wrdreg s18  }
0x1c: {  	s1 =	sadd.s32 s9, s31;
	s24 =	sadd.s32 s3, s22;
	s2 =	rddreg [dreg:$0x3]  }
0x1d: {  	s25 =	sadd.s32 s3, s23;
	s3 =	sadd.s32 s3, s5;
	[dreg:$0x16] =	wrdreg s1  }
0x1e: {  	s26 =	sadd.s32 s4, s22;
	s28 =	sadd.s32 s6, s22;
	[dreg:$0x1a] =	wrdreg s24  }
0x1f: {  	s29 =	sadd.s32 s4, s23;
	s30 =	sadd.s32 s6, s23;
	[dreg:$0x1b] =	wrdreg s25  }
0x20: {  	s31 =	sadd.s32 s9, s23;
	s10 =	simm.s32 $0x1;
	[dreg:$0x1c] =	wrdreg s3  }
0x21: {  	s11 =	simm.s32 $0x2;
	s12 =	simm.s32 $0x3;
	[dreg:$0x1d] =	wrdreg s26  }
0x22: {  	s13 =	simm.s32 $0x400;
	s14 =	simm.s32 $0x500;
	[dreg:$0x1e] =	wrdreg s28  }
0x23: {  	s15 =	simm.s32 $0x600;
	s16 =	simm.s32 $0x700;
	[smem:$0x7FB] =	sst s29  }
0x24: {  	s17 =	simm.s32 $0x9C00;
	s18 =	simm.s32 $0xDC00;
	[smem:$0x7FC] =	sst s30  }
0x25: {  	s23 =	simm.s32 $0x4;
	s1 =	sadd.s32 s9, s22;
	[smem:$0x7FD] =	sst s31  }
0x26: {  	s3 =	sadd.s32 s4, s5;
	s4 =	sadd.s32 s6, s5;
	s5 =	sadd.s32 s9, s5  }
0x27: {  	s6 =	smax.u32 s7, $0x1;
	s7 =	simm.s32 $0x6;
	s9 =	simm.s32 $0x200  }
0x28: {  	s22 =	simm.s32 $0xBC00;
	s24 =	simm.s32 $0xCC00;
	[dreg:$0x1f] =	wrdreg s1  }
0x29: {  	v0 =	vimm.s32 $0x0;
	v1 =	vlaneseq.u32;
	s25 =	simm.s32 $0x5;
	s26 =	simm.s32 $0x0;
	_ =	strace $0x80000047  }
.LBB2_1:
0x2a: {  	s1 =	rddreg [dreg:$0x5]  }
0x2b: {  	[tilespmem:s0], [sflag:$0x6] =	stream.linear.gather [hbm4b:s1+s0], $0x100, $0x38;
	[tilespmem:$0xFC00] =	vst v63  }
0x2c: {  	_ =	swait.ge [sflag:s7], $0x100  }
0x2d: {  	[sflag:s7] =	ssyncset.done $0x0  }
0x2e: {  	s30 =	rddreg [dreg:$0x6];
	[sflag:s7] =	ssyncadd.s32 $0xFFFFFF00  }
0x2f: {  	[tilespmem:s8], [sflag:$0x3] =	stream.linear.gather [hbm4b:s30+s0], $0x1000, $0x38;
	[tilespmem:$0xFC00] =	vst v63  }
0x30: {  	v2 =	vld [tilespmem:$0x0]  }
0x31: {  	v3 =	vld [tilespmem:$0x10]  }
0x32: {  	v4 =	vld [tilespmem:$0x20]  }
0x33: {  	v5 =	vld [tilespmem:$0x30]  }
0x34: {  	v6 =	vld [tilespmem:$0x40]  }
0x35: {  	v7 =	vld [tilespmem:$0x50];
	v2 =	vadd.s32 $0x1, v2  }
0x36: {  	[tilespmem:$0x100] =	vst v2;
	v2 =	vadd.s32 $0x1, v3;
	v3 =	vld [tilespmem:$0x60]  }
0x37: {  	[tilespmem:$0x110] =	vst v2;
	v2 =	vadd.s32 $0x1, v4;
	v4 =	vld [tilespmem:$0x70]  }
0x38: {  	[tilespmem:$0x120] =	vst v2;
	v2 =	vadd.s32 $0x1, v5;
	v5 =	vld [tilespmem:$0x80]  }
0x39: {  	[tilespmem:$0x130] =	vst v2;
	v2 =	vadd.s32 $0x1, v6;
	v6 =	vld [tilespmem:$0x90]  }
0x3a: {  	[tilespmem:$0x140] =	vst v2;
	v2 =	vadd.s32 $0x1, v7;
	v7 =	vld [tilespmem:$0xA0]  }
0x3b: {  	[tilespmem:$0x150] =	vst v2;
	v2 =	vadd.s32 $0x1, v3;
	v3 =	vld [tilespmem:$0xB0]  }
0x3c: {  	[tilespmem:$0x160] =	vst v2;
	v2 =	vadd.s32 $0x1, v4;
	v4 =	vld [tilespmem:$0xC0]  }
0x3d: {  	[tilespmem:$0x170] =	vst v2;
	v2 =	vadd.s32 $0x1, v5;
	v5 =	vld [tilespmem:$0xD0]  }
0x3e: {  	[tilespmem:$0x180] =	vst v2;
	v2 =	vadd.s32 $0x1, v6;
	v6 =	vld [tilespmem:$0xE0]  }
0x3f: {  	[tilespmem:$0x190] =	vst v2;
	v2 =	vadd.s32 $0x1, v7;
	v7 =	vld [tilespmem:$0xF0]  }
0x40: {  	[tilespmem:$0x1A0] =	vst v2;
	v2 =	vadd.s32 $0x1, v3  }
0x41: {  	[tilespmem:$0x1B0] =	vst v2;
	v2 =	vadd.s32 $0x1, v4  }
0x42: {  	[tilespmem:$0x1C0] =	vst v2;
	v2 =	vadd.s32 $0x1, v5  }
0x43: {  	[tilespmem:$0x1D0] =	vst v2;
	v2 =	vadd.s32 $0x1, v6  }
0x44: {  	[tilespmem:$0x1E0] =	vst v2;
	v2 =	vadd.s32 $0x1, v7  }
0x45: {  	s28 =	simm.s32 $0x100;
	s31 =	rddreg [dreg:$0x2];
	[tilespmem:$0x1F0] =	vst v2  }
0x46: {  	[tilespmem:s9], [sflag:$0x1] =	stream.indirect.gather [hbm4b:s31+s28], $0x1, s0, s28, $0xb8;
	[tilespmem:$0xFC00] =	vst v63  }
0x47: {  	s29 =	simm.s32 $0x300  }
0x48: {  	[tilespmem:s29], [sflag:$0x2] =	stream.indirect.gather [hbm4b:s31+s28], $0x1, s28, s28, $0xb8;
	[tilespmem:$0xFC00] =	vst v63  }
0x49: {  	_ =	swait.ge [sflag:s10], $0x100  }
0x4a: {  	[sflag:s10] =	ssyncset.done $0x0  }
0x4b: {  	[sflag:s10] =	ssyncadd.s32 $0xFFFFFF00  }
0x4c: {  	_ =	swait.ge [sflag:s11], $0x100  }
0x4d: {  	[sflag:s11] =	ssyncset.done $0x0  }
0x4e: {  	[sflag:s11] =	ssyncadd.s32 $0xFFFFFF00  }
0x4f: {  	v2 =	vld [tilespmem:$0x300]  }
0x50: {  	v3 =	vld [tilespmem:$0x200];
	_ =	sdelay $0x1  }
0x51: {  	v4 =	vld [tilespmem:$0x310]  }
0x52: {  	v5 =	vld [tilespmem:$0x210];
	_ =	sdelay $0x1  }
0x53: {  	v2 =	vsub.s32 v2, v3;
	v3 =	vld [tilespmem:$0x0]  }
0x54: {  	vm0 =	vgt.s32 v2, $0x1  }
0x55: {  	v7 =	vld [tilespmem:$0x320];
	v6 =	vnsel vm0, $0x1, v2  }
0x56: {  	v9 =	vld [tilespmem:$0x220];
	v4 =	vsub.s32 v4, v5;
	v8 =	vcvt.s32.f32 v6;
	v5 =	vadd.s32 $0xFFFFFFFF, v6  }
0x57: {  	vm6 =	vgt.s32 v2, $0x0;
	vm1 =	vgt.s32 v4, $0x1;
	v2 =	vld [tilespmem:$0x10];
	[tilespmem:$0x500] =	vst v5  }
0x58: {  	v10 =	vld [tilespmem:$0x230];
	v5 =	vnsel vm1, $0x1, v4;
	[tilespmem:$0x400] =	vst v8;
	v3 =	vnsel vm6, $0xFFFFFFFF, v3  }
0x59: {  	vm7 =	vgt.s32 v4, $0x0;
	v4 =	vld [tilespmem:$0x20];
	v8 =	vcvt.s32.f32 v5;
	v5 =	vadd.s32 $0xFFFFFFFF, v5;
	[tilespmem:$0x600] =	vst v3  }
0x5a: {  	v6 =	vld [tilespmem:$0x330];
	v3 =	vsel vm6, $0x1, v0;
	[tilespmem:$0x510] =	vst v5  }
0x5b: {  	[tilespmem:$0x700] =	vst v3  }
0x5c: {  	v3 =	vsub.s32 v7, v9;
	[tilespmem:$0x410] =	vst v8;
	v2 =	vnsel vm7, $0xFFFFFFFF, v2  }
0x5d: {  	v46 =	vld [tilespmem:$0x240];
	vm8 =	vgt.s32 v3, $0x1;
	[tilespmem:$0x610] =	vst v2;
	v2 =	vsel vm7, $0x1, v0;
	vm9 =	vgt.s32 v3, $0x0  }
0x5e: {  	v7 =	vld [tilespmem:$0x340];
	v5 =	vnsel vm8, $0x1, v3;
	[tilespmem:$0x710] =	vst v2;
	v4 =	vnsel vm9, $0xFFFFFFFF, v4  }
0x5f: {  	v2 =	vsub.s32 v6, v10;
	v3 =	vld [tilespmem:$0x30];
	v8 =	vcvt.s32.f32 v5;
	v5 =	vadd.s32 $0xFFFFFFFF, v5;
	[tilespmem:$0x620] =	vst v4  }
0x60: {  	vm10 =	vgt.s32 v2, $0x1;
	v4 =	vsel vm9, $0x1, v0;
	[tilespmem:$0x520] =	vst v5  }
0x61: {  	v47 =	vld [tilespmem:$0x250];
	v5 =	vnsel vm10, $0x1, v2;
	[tilespmem:$0x720] =	vst v4  }
0x62: {  	v6 =	vld [tilespmem:$0x350];
	[tilespmem:$0x420] =	vst v8;
	v8 =	vcvt.s32.f32 v5;
	v5 =	vadd.s32 $0xFFFFFFFF, v5  }
0x63: {  	vm11 =	vgt.s32 v2, $0x0;
	v2 =	vld [tilespmem:$0x40];
	v4 =	vsub.s32 v7, v46;
	[tilespmem:$0x530] =	vst v5  }
0x64: {  	v48 =	vld [tilespmem:$0x260];
	vm12 =	vgt.s32 v4, $0x1;
	[tilespmem:$0x430] =	vst v8;
	v3 =	vnsel vm11, $0xFFFFFFFF, v3  }
0x65: {  	v7 =	vld [tilespmem:$0x360];
	v5 =	vnsel vm12, $0x1, v4;
	[tilespmem:$0x630] =	vst v3;
	v3 =	vsel vm11, $0x1, v0  }
0x66: {  	vm13 =	vgt.s32 v4, $0x0;
	v4 =	vld [tilespmem:$0x50];
	v8 =	vcvt.s32.f32 v5;
	v5 =	vadd.s32 $0xFFFFFFFF, v5;
	[tilespmem:$0x730] =	vst v3  }
0x67: {  	v3 =	vsub.s32 v6, v47;
	[tilespmem:$0x540] =	vst v5  }
0x68: {  	v2 =	vnsel vm13, $0xFFFFFFFF, v2;
	[tilespmem:$0x440] =	vst v8;
	vm14 =	vgt.s32 v3, $0x1  }
0x69: {  	v49 =	vld [tilespmem:$0x270];
	[tilespmem:$0x640] =	vst v2;
	v2 =	vsel vm13, $0x1, v0;
	v5 =	vnsel vm14, $0x1, v3  }
0x6a: {  	v6 =	vld [tilespmem:$0x370];
	vm15 =	vgt.s32 v3, $0x0;
	[tilespmem:$0x740] =	vst v2;
	v8 =	vcvt.s32.f32 v5;
	v5 =	vadd.s32 $0xFFFFFFFF, v5  }
0x6b: {  	v2 =	vsub.s32 v7, v48;
	v3 =	vld [tilespmem:$0x60];
	v4 =	vnsel vm15, $0xFFFFFFFF, v4;
	[tilespmem:$0x550] =	vst v5  }
0x6c: {  	vm4 =	vgt.s32 v2, $0x1;
	[tilespmem:$0x650] =	vst v4  }
0x6d: {  	v50 =	vld [tilespmem:$0x280];
	v5 =	vnsel vm4, $0x1, v2;
	v4 =	vsel vm15, $0x1, v0;
	[tilespmem:$0x450] =	vst v8  }
0x6e: {  	v7 =	vld [tilespmem:$0x380];
	v8 =	vcvt.s32.f32 v5;
	[tilespmem:$0x750] =	vst v4;
	v5 =	vadd.s32 $0xFFFFFFFF, v5  }
0x6f: {  	vm5 =	vgt.s32 v2, $0x0;
	v2 =	vld [tilespmem:$0x70];
	v4 =	vsub.s32 v6, v49;
	[tilespmem:$0x560] =	vst v5  }
0x70: {  	v51 =	vld [tilespmem:$0x290];
	vm6 =	vgt.s32 v4, $0x1;
	[tilespmem:$0x460] =	vst v8;
	v3 =	vnsel vm5, $0xFFFFFFFF, v3  }
0x71: {  	v6 =	vld [tilespmem:$0x390];
	v5 =	vnsel vm6, $0x1, v4;
	[tilespmem:$0x660] =	vst v3;
	v3 =	vsel vm5, $0x1, v0  }
0x72: {  	vm7 =	vgt.s32 v4, $0x0;
	v4 =	vld [tilespmem:$0x80];
	v8 =	vcvt.s32.f32 v5;
	v5 =	vadd.s32 $0xFFFFFFFF, v5;
	[tilespmem:$0x760] =	vst v3  }
0x73: {  	v3 =	vsub.s32 v7, v50;
	[tilespmem:$0x570] =	vst v5  }
0x74: {  	v2 =	vnsel vm7, $0xFFFFFFFF, v2;
	[tilespmem:$0x470] =	vst v8;
	vm8 =	vgt.s32 v3, $0x1  }
0x75: {  	v52 =	vld [tilespmem:$0x2A0];
	[tilespmem:$0x670] =	vst v2;
	v2 =	vsel vm7, $0x1, v0;
	v5 =	vnsel vm8, $0x1, v3  }
0x76: {  	v7 =	vld [tilespmem:$0x3A0];
	vm9 =	vgt.s32 v3, $0x0;
	[tilespmem:$0x770] =	vst v2;
	v8 =	vcvt.s32.f32 v5;
	v5 =	vadd.s32 $0xFFFFFFFF, v5  }
0x77: {  	v2 =	vsub.s32 v6, v51;
	v3 =	vld [tilespmem:$0x90];
	v4 =	vnsel vm9, $0xFFFFFFFF, v4;
	[tilespmem:$0x580] =	vst v5  }
0x78: {  	vm10 =	vgt.s32 v2, $0x1;
	[tilespmem:$0x680] =	vst v4  }
0x79: {  	v53 =	vld [tilespmem:$0x2B0];
	v5 =	vnsel vm10, $0x1, v2;
	v4 =	vsel vm9, $0x1, v0;
	[tilespmem:$0x480] =	vst v8  }
0x7a: {  	v6 =	vld [tilespmem:$0x3B0];
	v8 =	vcvt.s32.f32 v5;
	[tilespmem:$0x780] =	vst v4;
	v5 =	vadd.s32 $0xFFFFFFFF, v5  }
0x7b: {  	vm11 =	vgt.s32 v2, $0x0;
	v2 =	vld [tilespmem:$0xA0];
	v4 =	vsub.s32 v7, v52;
	[tilespmem:$0x590] =	vst v5  }
0x7c: {  	v54 =	vld [tilespmem:$0x2C0];
	vm12 =	vgt.s32 v4, $0x1;
	[tilespmem:$0x490] =	vst v8;
	v3 =	vnsel vm11, $0xFFFFFFFF, v3  }
0x7d: {  	v7 =	vld [tilespmem:$0x3C0];
	v5 =	vnsel vm12, $0x1, v4;
	[tilespmem:$0x690] =	vst v3;
	v3 =	vsel vm11, $0x1, v0  }
0x7e: {  	vm13 =	vgt.s32 v4, $0x0;
	v4 =	vld [tilespmem:$0xB0];
	v8 =	vcvt.s32.f32 v5;
	v5 =	vadd.s32 $0xFFFFFFFF, v5;
	[tilespmem:$0x790] =	vst v3  }
0x7f: {  	v3 =	vsub.s32 v6, v53;
	[tilespmem:$0x5A0] =	vst v5  }
0x80: {  	v2 =	vnsel vm13, $0xFFFFFFFF, v2;
	[tilespmem:$0x4A0] =	vst v8;
	vm14 =	vgt.s32 v3, $0x1  }
0x81: {  	v55 =	vld [tilespmem:$0x2D0];
	[tilespmem:$0x6A0] =	vst v2;
	v2 =	vsel vm13, $0x1, v0;
	v5 =	vnsel vm14, $0x1, v3  }
0x82: {  	v6 =	vld [tilespmem:$0x3D0];
	vm15 =	vgt.s32 v3, $0x0;
	[tilespmem:$0x7A0] =	vst v2;
	v8 =	vcvt.s32.f32 v5;
	v5 =	vadd.s32 $0xFFFFFFFF, v5  }
0x83: {  	v2 =	vsub.s32 v7, v54;
	v3 =	vld [tilespmem:$0xC0];
	v4 =	vnsel vm15, $0xFFFFFFFF, v4;
	[tilespmem:$0x5B0] =	vst v5  }
0x84: {  	v56 =	vld [tilespmem:$0x2E0];
	vm4 =	vgt.s32 v2, $0x1;
	[tilespmem:$0x6B0] =	vst v4  }
0x85: {  	v7 =	vld [tilespmem:$0x3E0];
	v5 =	vnsel vm4, $0x1, v2;
	v4 =	vsel vm15, $0x1, v0;
	[tilespmem:$0x4B0] =	vst v8  }
0x86: {  	v8 =	vcvt.s32.f32 v5;
	[tilespmem:$0x7B0] =	vst v4;
	v5 =	vadd.s32 $0xFFFFFFFF, v5  }
0x87: {  	vm5 =	vgt.s32 v2, $0x0;
	v2 =	vld [tilespmem:$0xD0];
	v4 =	vsub.s32 v6, v55;
	[tilespmem:$0x5C0] =	vst v5  }
0x88: {  	v57 =	vld [tilespmem:$0x2F0];
	vm6 =	vgt.s32 v4, $0x1;
	[tilespmem:$0x4C0] =	vst v8;
	v3 =	vnsel vm5, $0xFFFFFFFF, v3  }
0x89: {  	v6 =	vld [tilespmem:$0x3F0];
	v5 =	vnsel vm6, $0x1, v4;
	[tilespmem:$0x6C0] =	vst v3;
	v3 =	vsel vm5, $0x1, v0  }
0x8a: {  	v8 =	vcvt.s32.f32 v5;
	v5 =	vadd.s32 $0xFFFFFFFF, v5;
	[tilespmem:$0x7C0] =	vst v3;
	v3 =	vsub.s32 v7, v56  }
0x8b: {  	vm7 =	vgt.s32 v4, $0x0;
	v4 =	vld [tilespmem:$0xE0];
	[tilespmem:$0x5D0] =	vst v5;
	vm8 =	vgt.s32 v3, $0x1  }
0x8c: {  	v2 =	vnsel vm7, $0xFFFFFFFF, v2;
	[tilespmem:$0x4D0] =	vst v8;
	v5 =	vnsel vm8, $0x1, v3  }
0x8d: {  	s30 =	simm.s32 $0x0;
	[tilespmem:$0x6D0] =	vst v2;
	v2 =	vsel vm7, $0x1, v0;
	vm9 =	vgt.s32 v3, $0x0;
	v7 =	vcvt.s32.f32 v5  }
0x8e: {  	[tilespmem:$0x7D0] =	vst v2;
	v3 =	vld [tilespmem:$0xF0];
	v2 =	vadd.s32 $0xFFFFFFFF, v5;
	v5 =	vsub.s32 v6, v57;
	v6 =	vor.u32 s30, v1  }
0x8f: {  	vm10 =	vgt.s32 v5, $0x1;
	[tilespmem:$0x4E0] =	vst v7;
	v7 =	vmulhi.u32 $0xCCCCCCCD, v6  }
0x90: {  	[tilespmem:$0x5E0] =	vst v2;
	v2 =	vnsel vm9, $0xFFFFFFFF, v4;
	v8 =	vnsel vm10, $0x1, v5  }
0x91: {  	[tilespmem:$0x6E0] =	vst v2;
	v2 =	vsel vm9, $0x1, v0;
	v4 =	vcvt.s32.f32 v8;
	v7 =	vshrl.u32 v7, $0x3  }
0x92: {  	vm11 =	vgt.s32 v5, $0x0;
	[tilespmem:$0x7E0] =	vst v2;
	v2 =	vmul.u32 $0xFFFFFFF6, v7  }
0x93: {  	v3 =	vnsel vm11, $0xFFFFFFFF, v3;
	[tilespmem:$0x4F0] =	vst v4  }
0x94: {  	v4 =	vadd.s32 $0xFFFFFFFF, v8;
	[tilespmem:$0x6F0] =	vst v3;
	v2 =	vadd.s32 v6, v2  }
0x95: {  	v3 =	vsel vm11, $0x1, v0;
	v5 =	vshll.u32 v7, $0x7;
	[tilespmem:$0x5F0] =	vst v4;
	v4 =	vand.u32 $0xFFFFFF80, v2  }
0x96: {  	[tilespmem:$0x7F0] =	vst v3;
	v2 =	vand.u32 $0x7F, v2;
	v3 =	vadd.s32 v5, v4  }
0x97: {  	_ =	swait.ge [sflag:s12], $0x1000;
	v3 =	vor.u32 v2, v3  }
0x98: {  	[sflag:s12] =	ssyncset.done $0x0  }
0x99: {  	s28 =	simm.s32 $0x1800;
	s31 =	rddreg [dreg:$0x7];
	[sflag:s12] =	ssyncadd.s32 $0xFFFFF000  }
0x9a: {  	[tilespmem:s28], [sflag:$0x3] =	stream.linear.gather [hbm4b:s31+s0], $0x1000, $0x38;
	[tilespmem:$0xFC00] =	vst v63  }
0x9b: {  	v2 =	vld.idx.msk [tilespmem:v7+s13+$0x0], $0xffff  }
0x9c: {  	v4 =	vld.idx.msk [tilespmem:v3+s8+$0x0], $0xffff;
	_ =	sdelay $0x3  }
0x9d: {  	s30 =	simm.s32 $0x10  }
0x9e: {  	v6 =	vor.u32 s30, v1;
	v5 =	vld.idx.msk [tilespmem:v7+s14+$0x0], $0xffff;
	v2 =	vmul.f32 v4, v2  }
0x9f: {  	v4 =	vmulhi.u32 $0xCCCCCCCD, v6  }
0xa0: {  	v8 =	vld.idx.msk [tilespmem:v7+s9+$0x0], $0xffff;
	v2 =	vtrunc.f32 v2  }
0xa1: {  	v4 =	vshrl.u32 v4, $0x3;
	v2 =	vcvt.f32.s32 v2  }
0xa2: {  	v58 =	vmul.u32 $0xFFFFFFF6, v4  }
0xa3: {  	vm12 =	vlt.s32 v2, v5  }
0xa4: {  	v59 =	vld.idx.msk [tilespmem:v7+s15+$0x0], $0xffff;
	v6 =	vadd.s32 v6, v58;
	v2 =	vsel vm12, v2, v5  }
0xa5: {  	v60 =	vshll.u32 v4, $0x7;
	v5 =	vld.idx.msk [tilespmem:v7+s16+$0x0], $0xffff;
	v7 =	vand.u32 $0xFFFFFF80, v6;
	v8 =	vadd.s32 v8, v2  }
0xa6: {  	v2 =	vand.u32 $0x7F, v6;
	v6 =	vadd.s32 v60, v7;
	vm13 =	vlt.s32 v8, $0x1869FF  }
0xa7: {  	s28 =	simm.s32 $0x8810;
	v2 =	vor.u32 v2, v6;
	v6 =	vnsel vm13, $0x1869FF, v8  }
0xa8: {  	[tilespmem:s28+$0xFFFFFFF0] =	vst v6  }
0xa9: {  	[tilespmem:v3+s17+$0x0] =	vst.idx.msk $0xffff, v59  }
0xaa: {  	[tilespmem:v3+s18+$0x0] =	vst.idx.msk $0xffff, v5  }
0xab: {  	v3 =	vld.idx.msk [tilespmem:v4+s13+$0x0], $0xffff  }
0xac: {  	v5 =	vld.idx.msk [tilespmem:v2+s8+$0x0], $0xffff;
	_ =	sdelay $0x3  }
0xad: {  	s31 =	simm.s32 $0x20  }
0xae: {  	v6 =	vld.idx.msk [tilespmem:v4+s14+$0x0], $0xffff;
	v3 =	vmul.f32 v5, v3;
	v5 =	vor.u32 s31, v1  }
0xaf: {  	v8 =	vmulhi.u32 $0xCCCCCCCD, v5  }
0xb0: {  	v7 =	vld.idx.msk [tilespmem:v4+s9+$0x0], $0xffff;
	v3 =	vtrunc.f32 v3  }
0xb1: {  	v61 =	vcvt.f32.s32 v3;
	v3 =	vshrl.u32 v8, $0x3  }
0xb2: {  	v8 =	vmul.u32 $0xFFFFFFF6, v3  }
0xb3: {  	vm14 =	vlt.s32 v61, v6  }
0xb4: {  	v6 =	vsel vm14, v61, v6;
	v8 =	vadd.s32 v5, v8;
	v5 =	vld.idx.msk [tilespmem:v4+s15+$0x0], $0xffff  }
0xb5: {  	v63 =	vshll.u32 v3, $0x7;
	v7 =	vadd.s32 v7, v6;
	v62 =	vand.u32 $0xFFFFFF80, v8;
	v6 =	vld.idx.msk [tilespmem:v4+s16+$0x0], $0xffff  }
0xb6: {  	v4 =	vand.u32 $0x7F, v8;
	vm15 =	vlt.s32 v7, $0x1869FF;
	v8 =	vadd.s32 v63, v62  }
0xb7: {  	v7 =	vnsel vm15, $0x1869FF, v7;
	v4 =	vor.u32 v4, v8  }
0xb8: {  	s1 =	simm.s32 $0x30;
	s29 =	simm.s32 $0x2;
	[tilespmem:s28+$0x0] =	vst v7  }
.LBB2_2:
0xb9: {  	s29 =	sadd.s32 $0x2, s29;
	[tilespmem:v2+s17+$0x0] =	vst.idx.msk $0xffff, v5;
	s28 =	sadd.s32 $0x20, s28  }
0xba: {  	p0 =	slt.u32 s29, $0x12;
	[tilespmem:v2+s18+$0x0] =	vst.idx.msk $0xffff, v6  }
0xbb: {  	v2 =	vld.idx.msk [tilespmem:v3+s13+$0x0], $0xffff  }
0xbc: {  	v5 =	vld.idx.msk [tilespmem:v4+s8+$0x0], $0xffff;
	_ =	sdelay $0x4  }
0xbd: {  	v7 =	vor.u32 s1, v1;
	v6 =	vld.idx.msk [tilespmem:v3+s14+$0x0], $0xffff  }
0xbe: {  	v2 =	vmul.f32 v5, v2;
	v5 =	vmulhi.u32 $0xCCCCCCCD, v7  }
0xbf: {  	v8 =	vld.idx.msk [tilespmem:v3+s9+$0x0], $0xffff  }
0xc0: {  	v2 =	vtrunc.f32 v2;
	v9 =	vshrl.u32 v5, $0x3  }
0xc1: {  	v2 =	vcvt.f32.s32 v2;
	v5 =	vmul.u32 $0xFFFFFFF6, v9;
	_ =	sdelay $0x1  }
0xc2: {  	vm0 =	vlt.s32 v2, v6;
	v5 =	vadd.s32 v7, v5;
	v10 =	vld.idx.msk [tilespmem:v3+s15+$0x0], $0xffff  }
0xc3: {  	v7 =	vshll.u32 v9, $0x7;
	v2 =	vsel vm0, v2, v6;
	v6 =	vand.u32 $0xFFFFFF80, v5;
	v3 =	vld.idx.msk [tilespmem:v3+s16+$0x0], $0xffff  }
0xc4: {  	v8 =	vadd.s32 v8, v2;
	v2 =	vand.u32 $0x7F, v5;
	v5 =	vadd.s32 v7, v6  }
0xc5: {  	vm0 =	vlt.s32 v8, $0x1869FF;
	v2 =	vor.u32 v2, v5  }
0xc6: {  	v5 =	vnsel vm0, $0x1869FF, v8  }
0xc7: {  	[tilespmem:s28+$0xFFFFFFF0] =	vst v5  }
0xc8: {  	[tilespmem:v4+s17+$0x0] =	vst.idx.msk $0xffff, v10  }
0xc9: {  	[tilespmem:v4+s18+$0x0] =	vst.idx.msk $0xffff, v3  }
0xca: {  	v3 =	vld.idx.msk [tilespmem:v9+s13+$0x0], $0xffff  }
0xcb: {  	v4 =	vld.idx.msk [tilespmem:v2+s8+$0x0], $0xffff;
	_ =	sdelay $0x3  }
0xcc: {  	s1 =	sadd.s32 $0x20, s1;
	v7 =	vld.idx.msk [tilespmem:v9+s14+$0x0], $0xffff  }
0xcd: {  	s31 =	sadd.s32 $0xFFFFFFF0, s1  }
0xce: {  	v8 =	vor.u32 s31, v1;
	v3 =	vmul.f32 v4, v3;
	v10 =	vld.idx.msk [tilespmem:v9+s9+$0x0], $0xffff  }
0xcf: {  	v4 =	vmulhi.u32 $0xCCCCCCCD, v8  }
0xd0: {  	v5 =	vtrunc.f32 v3  }
0xd1: {  	v3 =	vshrl.u32 v4, $0x3;
	v4 =	vcvt.f32.s32 v5  }
0xd2: {  	v11 =	vmul.u32 $0xFFFFFFF6, v3;
	v5 =	vld.idx.msk [tilespmem:v9+s15+$0x0], $0xffff  }
0xd3: {  	vm0 =	vlt.s32 v4, v7;
	v6 =	vld.idx.msk [tilespmem:v9+s16+$0x0], $0xffff  }
.Ltmp0:
0xd4: {  	v8 =	vadd.s32 v8, v11;
	v4 =	vsel vm0, v4, v7;
	(pc) =	sbr.rel @p0 .LBB2_2-.Ltmp0, $4  }
0xd5: {  	v7 =	vand.u32 $0xFFFFFF80, v8;
	v9 =	vshll.u32 v3, $0x7;
	v10 =	vadd.s32 v10, v4  }
0xd6: {  	v4 =	vand.u32 $0x7F, v8;
	v7 =	vadd.s32 v9, v7;
	vm0 =	vlt.s32 v10, $0x1869FF  }
0xd7: {  	v4 =	vor.u32 v4, v7;
	v7 =	vnsel vm0, $0x1869FF, v10  }
0xd8: {  	[tilespmem:s28+$0x0] =	vst v7  }
0xd9: {  	_ =	sdelay $0x3  }
0xda: {  	[tilespmem:v2+s17+$0x0] =	vst.idx.msk $0xffff, v5  }
0xdb: {  	[tilespmem:v2+s18+$0x0] =	vst.idx.msk $0xffff, v6  }
0xdc: {  	v2 =	vld.idx.msk [tilespmem:v3+s13+$0x0], $0xffff  }
0xdd: {  	v5 =	vld.idx.msk [tilespmem:v4+s8+$0x0], $0xffff;
	_ =	sdelay $0x4  }
0xde: {  	v7 =	vor.u32 s1, v1;
	v6 =	vld.idx.msk [tilespmem:v3+s14+$0x0], $0xffff;
	v2 =	vmul.f32 v5, v2  }
0xdf: {  	v5 =	vmulhi.u32 $0xCCCCCCCD, v7  }
0xe0: {  	v8 =	vld.idx.msk [tilespmem:v3+s9+$0x0], $0xffff;
	v2 =	vtrunc.f32 v2  }
0xe1: {  	v5 =	vshrl.u32 v5, $0x3;
	v2 =	vcvt.f32.s32 v2  }
0xe2: {  	v9 =	vmul.u32 $0xFFFFFFF6, v5  }
0xe3: {  	vm0 =	vlt.s32 v2, v6  }
0xe4: {  	v10 =	vld.idx.msk [tilespmem:v3+s15+$0x0], $0xffff;
	v7 =	vadd.s32 v7, v9;
	v2 =	vsel vm0, v2, v6  }
0xe5: {  	v3 =	vld.idx.msk [tilespmem:v3+s16+$0x0], $0xffff;
	v59 =	vshll.u32 v5, $0x7;
	v6 =	vand.u32 $0xFFFFFF80, v7;
	v2 =	vadd.s32 v8, v2  }
0xe6: {  	v7 =	vand.u32 $0x7F, v7;
	v6 =	vadd.s32 v59, v6;
	vm9 =	vlt.s32 v2, $0x1869FF  }
0xe7: {  	s31 =	sadd.s32 $0x20, s28;
	v6 =	vor.u32 v7, v6;
	v2 =	vnsel vm9, $0x1869FF, v2  }
0xe8: {  	[tilespmem:s31+$0xFFFFFFF0] =	vst v2  }
0xe9: {  	[tilespmem:v4+s17+$0x0] =	vst.idx.msk $0xffff, v10  }
0xea: {  	[tilespmem:v4+s18+$0x0] =	vst.idx.msk $0xffff, v3  }
0xeb: {  	v2 =	vld.idx.msk [tilespmem:v5+s13+$0x0], $0xffff  }
0xec: {  	v3 =	vld.idx.msk [tilespmem:v6+s8+$0x0], $0xffff;
	_ =	sdelay $0x4  }
0xed: {  	v4 =	vld.idx.msk [tilespmem:v5+s14+$0x0], $0xffff;
	v2 =	vmul.f32 v3, v2;
	_ =	sdelay $0x1  }
0xee: {  	v3 =	vld.idx.msk [tilespmem:v5+s9+$0x0], $0xffff;
	v2 =	vtrunc.f32 v2  }
0xef: {  	v2 =	vcvt.f32.s32 v2  }
0xf0: {  	s28 =	simm.s32 $0x140  }
0xf1: {  	v7 =	vor.u32 s28, v1;
	vm10 =	vlt.s32 v2, v4  }
0xf2: {  	v8 =	vld.idx.msk [tilespmem:v5+s15+$0x0], $0xffff;
	v2 =	vsel vm10, v2, v4;
	v4 =	vmulhi.u32 $0xCCCCCCCD, v7  }
0xf3: {  	v5 =	vld.idx.msk [tilespmem:v5+s16+$0x0], $0xffff;
	v2 =	vadd.s32 v3, v2  }
0xf4: {  	vm11 =	vlt.s32 v2, $0x1869FF;
	v3 =	vshrl.u32 v4, $0x3  }
0xf5: {  	v2 =	vnsel vm11, $0x1869FF, v2;
	v4 =	vmul.u32 $0xFFFFFFF6, v3  }
0xf6: {  	[tilespmem:s31+$0x0] =	vst v2  }
0xf7: {  	[tilespmem:v6+s17+$0x0] =	vst.idx.msk $0xffff, v8;
	v2 =	vadd.s32 v7, v4  }
0xf8: {  	s30 =	simm.s32 $0x8800;
	s28 =	simm.s32 $0x9200;
	[tilespmem:v6+s18+$0x0] =	vst.idx.msk $0xffff, v5;
	v4 =	vand.u32 $0xFFFFFF80, v2;
	v5 =	vshll.u32 v3, $0x7  }
0xf9: {  	v2 =	vand.u32 $0x7F, v2;
	[tilespmem:s28], [sflag:$0x1] =	stream.indirect.gather [hbm4b:s2+s19], $0x1, s30, s19, $0xb8;
	v4 =	vadd.s32 v5, v4;
	[tilespmem:$0xFC00] =	vst v63  }
0xfa: {  	_ =	swait.ge [sflag:s12], $0x1000;
	v2 =	vor.u32 v2, v4  }
0xfb: {  	[sflag:s12] =	ssyncset.done $0x0  }
0xfc: {  	s28 =	simm.s32 $0x2800;
	s31 =	rddreg [dreg:$0x8];
	[sflag:s12] =	ssyncadd.s32 $0xFFFFF000  }
0xfd: {  	[tilespmem:s28], [sflag:$0x3] =	stream.linear.gather [hbm4b:s31+s0], $0x1000, $0x38;
	[tilespmem:$0xFC00] =	vst v63  }
0xfe: {  	v4 =	vld.idx.msk [tilespmem:v3+s13+$0x0], $0xffff  }
0xff: {  	v5 =	vld.idx.msk [tilespmem:v2+s8+$0x0], $0xffff;
	_ =	sdelay $0x3  }
0x100: {  	s30 =	simm.s32 $0x150  }
0x101: {  	v7 =	vor.u32 s30, v1;
	v6 =	vld.idx.msk [tilespmem:v3+s14+$0x0], $0xffff;
	v4 =	vmul.f32 v5, v4  }
0x102: {  	v5 =	vmulhi.u32 $0xCCCCCCCD, v7  }
0x103: {  	v8 =	vld.idx.msk [tilespmem:v3+s9+$0x0], $0xffff;
	v4 =	vtrunc.f32 v4  }
0x104: {  	v5 =	vshrl.u32 v5, $0x3;
	v4 =	vcvt.f32.s32 v4  }
0x105: {  	v60 =	vmul.u32 $0xFFFFFFF6, v5  }
0x106: {  	vm12 =	vlt.s32 v4, v6  }
0x107: {  	v61 =	vld.idx.msk [tilespmem:v3+s15+$0x0], $0xffff;
	v2 =	vadd.s32 $0xFFFFF000, v2;
	v7 =	vadd.s32 v7, v60;
	v4 =	vsel vm12, v4, v6  }
0x108: {  	v3 =	vld.idx.msk [tilespmem:v3+s16+$0x0], $0xffff;
	v6 =	vshll.u32 v5, $0x7;
	v9 =	vand.u32 $0xFFFFFF80, v7;
	v4 =	vadd.s32 v8, v4  }
0x109: {  	v7 =	vand.u32 $0x7F, v7;
	v6 =	vadd.s32 v6, v9;
	vm13 =	vlt.s32 v4, $0x1869FF  }
0x10a: {  	s28 =	simm.s32 $0x8950;
	v6 =	vor.u32 v7, v6;
	v4 =	vnsel vm13, $0x1869FF, v4  }
0x10b: {  	[tilespmem:s28+$0xFFFFFFF0] =	vst v4  }
0x10c: {  	[tilespmem:v2+s20+$0x0] =	vst.idx.msk $0xffff, v61  }
0x10d: {  	[tilespmem:v2+s21+$0x0] =	vst.idx.msk $0xffff, v3  }
0x10e: {  	v2 =	vld.idx.msk [tilespmem:v5+s13+$0x0], $0xffff  }
0x10f: {  	v3 =	vld.idx.msk [tilespmem:v6+s8+$0x0], $0xffff;
	_ =	sdelay $0x4  }
0x110: {  	s31 =	simm.s32 $0x160;
	v4 =	vld.idx.msk [tilespmem:v5+s14+$0x0], $0xffff;
	v2 =	vmul.f32 v3, v2  }
0x111: {  	v3 =	vor.u32 s31, v1  }
0x112: {  	v7 =	vld.idx.msk [tilespmem:v5+s9+$0x0], $0xffff;
	v8 =	vmulhi.u32 $0xCCCCCCCD, v3;
	v2 =	vtrunc.f32 v2  }
0x113: {  	v62 =	vcvt.f32.s32 v2  }
0x114: {  	v2 =	vshrl.u32 v8, $0x3  }
0x115: {  	v8 =	vmul.u32 $0xFFFFFFF6, v2;
	vm14 =	vlt.s32 v62, v4  }
0x116: {  	v4 =	vsel vm14, v62, v4  }
0x117: {  	v6 =	vadd.s32 $0xFFFFF000, v6;
	v3 =	vadd.s32 v3, v8;
	v7 =	vadd.s32 v7, v4;
	v4 =	vld.idx.msk [tilespmem:v5+s15+$0x0], $0xffff  }
0x118: {  	v63 =	vshll.u32 v2, $0x7;
	v8 =	vand.u32 $0xFFFFFF80, v3;
	v5 =	vld.idx.msk [tilespmem:v5+s16+$0x0], $0xffff  }
0x119: {  	v3 =	vand.u32 $0x7F, v3;
	vm15 =	vlt.s32 v7, $0x1869FF;
	v8 =	vadd.s32 v63, v8  }
0x11a: {  	v7 =	vnsel vm15, $0x1869FF, v7;
	v3 =	vor.u32 v3, v8  }
0x11b: {  	s1 =	simm.s32 $0x2;
	s29 =	simm.s32 $0x170;
	[tilespmem:s28+$0x0] =	vst v7  }
.LBB2_4:
0x11c: {  	s1 =	sadd.s32 $0x2, s1;
	[tilespmem:v6+s20+$0x0] =	vst.idx.msk $0xffff, v4;
	s28 =	sadd.s32 $0x20, s28  }
0x11d: {  	p0 =	slt.u32 s1, $0x12;
	[tilespmem:v6+s21+$0x0] =	vst.idx.msk $0xffff, v5  }
0x11e: {  	v4 =	vld.idx.msk [tilespmem:v2+s13+$0x0], $0xffff  }
0x11f: {  	v5 =	vld.idx.msk [tilespmem:v3+s8+$0x0], $0xffff;
	_ =	sdelay $0x4  }
0x120: {  	v7 =	vor.u32 s29, v1;
	v6 =	vld.idx.msk [tilespmem:v2+s14+$0x0], $0xffff  }
0x121: {  	v4 =	vmul.f32 v5, v4;
	v5 =	vmulhi.u32 $0xCCCCCCCD, v7  }
0x122: {  	v8 =	vld.idx.msk [tilespmem:v2+s9+$0x0], $0xffff  }
0x123: {  	v4 =	vtrunc.f32 v4;
	v5 =	vshrl.u32 v5, $0x3  }
0x124: {  	v4 =	vcvt.f32.s32 v4;
	v9 =	vmul.u32 $0xFFFFFFF6, v5;
	_ =	sdelay $0x1  }
0x125: {  	vm0 =	vlt.s32 v4, v6;
	v7 =	vadd.s32 v7, v9;
	v9 =	vshll.u32 v5, $0x7;
	v10 =	vld.idx.msk [tilespmem:v2+s15+$0x0], $0xffff  }
0x126: {  	v3 =	vadd.s32 $0xFFFFF000, v3;
	v4 =	vsel vm0, v4, v6;
	v6 =	vand.u32 $0xFFFFFF80, v7;
	v2 =	vld.idx.msk [tilespmem:v2+s16+$0x0], $0xffff  }
0x127: {  	v7 =	vand.u32 $0x7F, v7;
	v4 =	vadd.s32 v8, v4;
	v6 =	vadd.s32 v9, v6  }
0x128: {  	vm0 =	vlt.s32 v4, $0x1869FF;
	v6 =	vor.u32 v7, v6  }
0x129: {  	v4 =	vnsel vm0, $0x1869FF, v4  }
0x12a: {  	[tilespmem:s28+$0xFFFFFFF0] =	vst v4  }
0x12b: {  	[tilespmem:v3+s20+$0x0] =	vst.idx.msk $0xffff, v10  }
0x12c: {  	[tilespmem:v3+s21+$0x0] =	vst.idx.msk $0xffff, v2  }
0x12d: {  	v2 =	vld.idx.msk [tilespmem:v5+s13+$0x0], $0xffff  }
0x12e: {  	v3 =	vld.idx.msk [tilespmem:v6+s8+$0x0], $0xffff;
	_ =	sdelay $0x3  }
0x12f: {  	s29 =	sadd.s32 $0x20, s29;
	v7 =	vld.idx.msk [tilespmem:v5+s14+$0x0], $0xffff  }
0x130: {  	s31 =	sadd.s32 $0xFFFFFFF0, s29  }
0x131: {  	v8 =	vor.u32 s31, v1;
	v2 =	vmul.f32 v3, v2;
	v9 =	vld.idx.msk [tilespmem:v5+s9+$0x0], $0xffff  }
0x132: {  	v3 =	vmulhi.u32 $0xCCCCCCCD, v8  }
0x133: {  	v4 =	vtrunc.f32 v2  }
0x134: {  	v2 =	vshrl.u32 v3, $0x3;
	v3 =	vcvt.f32.s32 v4  }
0x135: {  	v10 =	vmul.u32 $0xFFFFFFF6, v2;
	v4 =	vld.idx.msk [tilespmem:v5+s15+$0x0], $0xffff  }
0x136: {  	v6 =	vadd.s32 $0xFFFFF000, v6;
	vm0 =	vlt.s32 v3, v7;
	v5 =	vld.idx.msk [tilespmem:v5+s16+$0x0], $0xffff  }
.Ltmp1:
0x137: {  	v8 =	vadd.s32 v8, v10;
	v3 =	vsel vm0, v3, v7;
	(pc) =	sbr.rel @p0 .LBB2_4-.Ltmp1, $4  }
0x138: {  	v10 =	vshll.u32 v2, $0x7;
	v7 =	vand.u32 $0xFFFFFF80, v8;
	v9 =	vadd.s32 v9, v3  }
0x139: {  	v3 =	vand.u32 $0x7F, v8;
	v7 =	vadd.s32 v10, v7;
	vm0 =	vlt.s32 v9, $0x1869FF  }
0x13a: {  	v3 =	vor.u32 v3, v7;
	v7 =	vnsel vm0, $0x1869FF, v9  }
0x13b: {  	[tilespmem:s28+$0x0] =	vst v7  }
0x13c: {  	_ =	sdelay $0x3  }
0x13d: {  	[tilespmem:v6+s20+$0x0] =	vst.idx.msk $0xffff, v4  }
0x13e: {  	[tilespmem:v6+s21+$0x0] =	vst.idx.msk $0xffff, v5  }
0x13f: {  	v4 =	vld.idx.msk [tilespmem:v2+s13+$0x0], $0xffff  }
0x140: {  	v5 =	vld.idx.msk [tilespmem:v3+s8+$0x0], $0xffff;
	_ =	sdelay $0x4  }
0x141: {  	v7 =	vor.u32 s29, v1;
	v6 =	vld.idx.msk [tilespmem:v2+s14+$0x0], $0xffff;
	v4 =	vmul.f32 v5, v4  }
0x142: {  	v5 =	vmulhi.u32 $0xCCCCCCCD, v7  }
0x143: {  	v8 =	vld.idx.msk [tilespmem:v2+s9+$0x0], $0xffff;
	v4 =	vtrunc.f32 v4  }
0x144: {  	v5 =	vshrl.u32 v5, $0x3;
	v4 =	vcvt.f32.s32 v4  }
0x145: {  	v9 =	vmul.u32 $0xFFFFFFF6, v5  }
0x146: {  	vm0 =	vlt.s32 v4, v6  }
0x147: {  	v10 =	vld.idx.msk [tilespmem:v2+s15+$0x0], $0xffff;
	v3 =	vadd.s32 $0xFFFFF000, v3;
	v7 =	vadd.s32 v7, v9;
	v4 =	vsel vm0, v4, v6  }
0x148: {  	v2 =	vld.idx.msk [tilespmem:v2+s16+$0x0], $0xffff;
	v6 =	vshll.u32 v5, $0x7;
	v9 =	vand.u32 $0xFFFFFF80, v7;
	v4 =	vadd.s32 v8, v4  }
0x149: {  	v7 =	vand.u32 $0x7F, v7;
	v6 =	vadd.s32 v6, v9;
	vm11 =	vlt.s32 v4, $0x1869FF  }
0x14a: {  	s1 =	sadd.s32 $0x20, s28;
	v6 =	vor.u32 v7, v6;
	v4 =	vnsel vm11, $0x1869FF, v4  }
0x14b: {  	[tilespmem:s1+$0xFFFFFFF0] =	vst v4  }
0x14c: {  	[tilespmem:v3+s20+$0x0] =	vst.idx.msk $0xffff, v10  }
0x14d: {  	[tilespmem:v3+s21+$0x0] =	vst.idx.msk $0xffff, v2  }
0x14e: {  	v2 =	vld.idx.msk [tilespmem:v5+s13+$0x0], $0xffff  }
0x14f: {  	v3 =	vld.idx.msk [tilespmem:v6+s8+$0x0], $0xffff;
	_ =	sdelay $0x4  }
0x150: {  	v4 =	vld.idx.msk [tilespmem:v5+s14+$0x0], $0xffff;
	v2 =	vmul.f32 v3, v2;
	_ =	sdelay $0x1  }
0x151: {  	v3 =	vld.idx.msk [tilespmem:v5+s9+$0x0], $0xffff;
	v2 =	vtrunc.f32 v2  }
0x152: {  	v2 =	vcvt.f32.s32 v2;
	_ =	sdelay $0x1  }
0x153: {  	vm12 =	vlt.s32 v2, v4  }
0x154: {  	v7 =	vld.idx.msk [tilespmem:v5+s15+$0x0], $0xffff;
	v6 =	vadd.s32 $0xFFFFF000, v6;
	v2 =	vsel vm12, v2, v4  }
0x155: {  	v4 =	vld.idx.msk [tilespmem:v5+s16+$0x0], $0xffff;
	v2 =	vadd.s32 v3, v2  }
0x156: {  	s28 =	simm.s32 $0x0;
	vm13 =	vlt.s32 v2, $0x1869FF  }
0x157: {  	v3 =	vor.u32 s28, v1;
	v2 =	vnsel vm13, $0x1869FF, v2  }
0x158: {  	[tilespmem:s1+$0x0] =	vst v2;
	v2 =	vmulhi.u32 $0xCCCCCCCD, v3  }
0x159: {  	[tilespmem:v6+s20+$0x0] =	vst.idx.msk $0xffff, v7  }
0x15a: {  	s31 =	simm.s32 $0x8940;
	s28 =	simm.s32 $0x9340;
	[tilespmem:v6+s21+$0x0] =	vst.idx.msk $0xffff, v4;
	v2 =	vshrl.u32 v2, $0x3  }
0x15b: {  	[tilespmem:s28], [sflag:$0x2] =	stream.indirect.gather [hbm4b:s2+s19], $0x1, s31, s19, $0xb8;
	[tilespmem:$0xFC00] =	vst v63  }
0x15c: {  	v4 =	vmul.u32 $0xFFFFFFF6, v2;
	_ =	swait.ge [sflag:s10], $0x140  }
0x15d: {  	[sflag:s10] =	ssyncset.done $0x0  }
0x15e: {  	s28 =	simm.s32 $0x10;
	v3 =	vadd.s32 v3, v4;
	[sflag:s10] =	ssyncadd.s32 $0xFFFFFEC0  }
0x15f: {  	s1 =	simm.s32 $0x9210;
	v6 =	vor.u32 s28, v1;
	v5 =	vand.u32 $0xFFFFFF80, v3;
	v4 =	vld.idx.msk [tilespmem:v2+s16+$0x0], $0xffff;
	v2 =	vshll.u32 v2, $0x7  }
0x160: {  	v3 =	vand.u32 $0x7F, v3;
	v7 =	vld [tilespmem:s1+$0xFFFFFFF0];
	v2 =	vadd.s32 v2, v5;
	v5 =	vmulhi.u32 $0xCCCCCCCD, v6  }
0x161: {  	v2 =	vor.u32 v3, v2  }
0x162: {  	v3 =	vshrl.u32 v5, $0x3;
	_ =	sdelay $0x1  }
0x163: {  	vm14 =	vgt.s32 v4, $0x0  }
0x164: {  	v4 =	vnsel vm14, $0xFFFFFFFF, v7  }
0x165: {  	s28 =	simm.s32 $0x20;
	[tilespmem:v2+s22+$0x0] =	vst.idx.msk $0xffff, v4  }
0x166: {  	v5 =	vor.u32 s28, v1;
	v2 =	vmul.u32 $0xFFFFFFF6, v3;
	v4 =	vld.idx.msk [tilespmem:v3+s16+$0x0], $0xffff  }
0x167: {  	v7 =	vmulhi.u32 $0xCCCCCCCD, v5  }
0x168: {  	v6 =	vadd.s32 v6, v2  }
0x169: {  	v3 =	vshll.u32 v3, $0x7;
	v2 =	vshrl.u32 v7, $0x3;
	v7 =	vand.u32 $0xFFFFFF80, v6  }
0x16a: {  	v62 =	vld [tilespmem:s1+$0x0];
	v6 =	vand.u32 $0x7F, v6;
	v3 =	vadd.s32 v3, v7  }
0x16b: {  	vm15 =	vgt.s32 v4, $0x0;
	v4 =	vor.u32 v6, v3;
	_ =	sdelay $0x1  }
0x16c: {  	v63 =	vmul.u32 $0xFFFFFFF6, v2;
	_ =	sdelay $0x1  }
0x16d: {  	s29 =	simm.s32 $0x2;
	s28 =	simm.s32 $0x30;
	v3 =	vadd.s32 v5, v63;
	v5 =	vnsel vm15, $0xFFFFFFFF, v62  }
.LBB2_6:
0x16e: {  	s29 =	sadd.s32 $0x2, s29;
	[tilespmem:v4+s22+$0x0] =	vst.idx.msk $0xffff, v5;
	s1 =	sadd.s32 $0x20, s1  }
0x16f: {  	p0 =	slt.u32 s29, $0x12;
	v4 =	vld.idx.msk [tilespmem:v2+s16+$0x0], $0xffff  }
0x170: {  	v5 =	vand.u32 $0xFFFFFF80, v3;
	v6 =	vor.u32 s28, v1;
	v2 =	vshll.u32 v2, $0x7  }
0x171: {  	v3 =	vand.u32 $0x7F, v3;
	v2 =	vadd.s32 v2, v5;
	v5 =	vmulhi.u32 $0xCCCCCCCD, v6;
	v7 =	vld [tilespmem:s1+$0xFFFFFFF0]  }
0x172: {  	v2 =	vor.u32 v3, v2  }
0x173: {  	v3 =	vshrl.u32 v5, $0x3  }
0x174: {  	v5 =	vmul.u32 $0xFFFFFFF6, v3  }
0x175: {  	vm0 =	vgt.s32 v4, $0x0  }
0x176: {  	v5 =	vadd.s32 v6, v5;
	v4 =	vnsel vm0, $0xFFFFFFFF, v7  }
0x177: {  	s28 =	sadd.s32 $0x20, s28;
	[tilespmem:v2+s22+$0x0] =	vst.idx.msk $0xffff, v4;
	v2 =	vand.u32 $0xFFFFFF80, v5;
	v4 =	vshll.u32 v3, $0x7  }
0x178: {  	s31 =	sadd.s32 $0xFFFFFFF0, s28;
	v3 =	vld.idx.msk [tilespmem:v3+s16+$0x0], $0xffff;
	v2 =	vadd.s32 v4, v2  }
0x179: {  	v6 =	vor.u32 s31, v1  }
0x17a: {  	v7 =	vmulhi.u32 $0xCCCCCCCD, v6;
	v4 =	vand.u32 $0x7F, v5;
	v8 =	vld [tilespmem:s1+$0x0]  }
.Ltmp2:
0x17b: {  	v4 =	vor.u32 v4, v2;
	(pc) =	sbr.rel @p0 .LBB2_6-.Ltmp2, $4  }
0x17c: {  	v2 =	vshrl.u32 v7, $0x3  }
0x17d: {  	v5 =	vmul.u32 $0xFFFFFFF6, v2  }
0x17e: {  	vm0 =	vgt.s32 v3, $0x0  }
0x17f: {  	v3 =	vadd.s32 v6, v5;
	v5 =	vnsel vm0, $0xFFFFFFFF, v8  }
0x180: {  	_ =	sdelay $0x3  }
0x181: {  	[tilespmem:v4+s22+$0x0] =	vst.idx.msk $0xffff, v5  }
0x182: {  	s1 =	sadd.s32 $0x20, s1;
	v5 =	vand.u32 $0xFFFFFF80, v3;
	v6 =	vor.u32 s28, v1;
	v4 =	vld.idx.msk [tilespmem:v2+s16+$0x0], $0xffff;
	v2 =	vshll.u32 v2, $0x7  }
0x183: {  	v3 =	vand.u32 $0x7F, v3;
	v7 =	vld [tilespmem:s1+$0xFFFFFFF0];
	v2 =	vadd.s32 v2, v5;
	v5 =	vmulhi.u32 $0xCCCCCCCD, v6  }
0x184: {  	v2 =	vor.u32 v3, v2  }
0x185: {  	v3 =	vshrl.u32 v5, $0x3;
	_ =	sdelay $0x1  }
0x186: {  	v5 =	vmul.u32 $0xFFFFFFF6, v3;
	vm0 =	vgt.s32 v4, $0x0  }
0x187: {  	v4 =	vnsel vm0, $0xFFFFFFFF, v7  }
0x188: {  	v5 =	vadd.s32 v6, v5;
	[tilespmem:v2+s22+$0x0] =	vst.idx.msk $0xffff, v4  }
0x189: {  	v2 =	vand.u32 $0xFFFFFF80, v5;
	v4 =	vshll.u32 v3, $0x7;
	v3 =	vld.idx.msk [tilespmem:v3+s16+$0x0], $0xffff  }
0x18a: {  	v5 =	vand.u32 $0x7F, v5;
	v2 =	vadd.s32 v4, v2;
	v4 =	vld [tilespmem:s1+$0x0]  }
0x18b: {  	v2 =	vor.u32 v5, v2;
	_ =	sdelay $0x2  }
0x18c: {  	vm11 =	vgt.s32 v3, $0x0  }
0x18d: {  	v3 =	vnsel vm11, $0xFFFFFFFF, v4  }
0x18e: {  	s30 =	rddreg [dreg:$0x17];
	[tilespmem:v2+s22+$0x0] =	vst.idx.msk $0xffff, v3  }
0x18f: {  	[hbm4b:s30+s0] =	stream.linear.scatter [tilespmem:s17], [sflag:$0x4], $0x1000, $0x38;
	[tilespmem:$0xFC00] =	vst v63  }
0x190: {  	s30 =	rddreg [dreg:$0x18]  }
0x191: {  	[hbm4b:s30+s0] =	stream.linear.scatter [tilespmem:s22], [sflag:$0x4], $0x1000, $0x38;
	[tilespmem:$0xFC00] =	vst v63  }
0x192: {  	s30 =	rddreg [dreg:$0x19]  }
0x193: {  	[hbm4b:s30+s0] =	stream.linear.scatter [tilespmem:s18], [sflag:$0x4], $0x1000, $0x38;
	[tilespmem:$0xFC00] =	vst v63  }
0x194: {  	s30 =	simm.s32 $0x280  }
0x195: {  	_ =	swait.ge [sflag:s23], $0x1000;
	v2 =	vor.u32 s30, v1  }
0x196: {  	[sflag:s23] =	ssyncset.done $0x0;
	v3 =	vmulhi.u32 $0xCCCCCCCD, v2  }
0x197: {  	[sflag:s23] =	ssyncadd.s32 $0xFFFFF000  }
0x198: {  	_ =	swait.ge [sflag:s23], $0x1000;
	v3 =	vshrl.u32 v3, $0x3  }
0x199: {  	[sflag:s23] =	ssyncset.done $0x0;
	v4 =	vmul.u32 $0xFFFFFFF6, v3  }
0x19a: {  	[sflag:s23] =	ssyncadd.s32 $0xFFFFF000  }
0x19b: {  	_ =	swait.ge [sflag:s23], $0x1000;
	v2 =	vadd.s32 v2, v4  }
0x19c: {  	v5 =	vshll.u32 v3, $0x7;
	[sflag:s23] =	ssyncset.done $0x0;
	v4 =	vand.u32 $0xFFFFFF80, v2  }
0x19d: {  	v2 =	vand.u32 $0x7F, v2;
	[sflag:s23] =	ssyncadd.s32 $0xFFFFF000;
	v4 =	vadd.s32 v5, v4  }
0x19e: {  	_ =	swait.ge [sflag:s12], $0x1000;
	v2 =	vor.u32 v2, v4  }
0x19f: {  	[sflag:s12] =	ssyncset.done $0x0  }
0x1a0: {  	s29 =	simm.s32 $0x3800;
	s28 =	rddreg [dreg:$0x9];
	[sflag:s12] =	ssyncadd.s32 $0xFFFFF000  }
0x1a1: {  	[tilespmem:s29], [sflag:$0x3] =	stream.linear.gather [hbm4b:s28+s0], $0x1000, $0x38;
	[tilespmem:$0xFC00] =	vst v63  }
0x1a2: {  	v4 =	vld.idx.msk [tilespmem:v3+s13+$0x0], $0xffff  }
0x1a3: {  	v5 =	vld.idx.msk [tilespmem:v2+s8+$0x0], $0xffff;
	_ =	sdelay $0x3  }
0x1a4: {  	s28 =	simm.s32 $0x290  }
0x1a5: {  	v6 =	vld.idx.msk [tilespmem:v3+s14+$0x0], $0xffff;
	v7 =	vor.u32 s28, v1;
	v4 =	vmul.f32 v5, v4  }
0x1a6: {  	v5 =	vmulhi.u32 $0xCCCCCCCD, v7  }
0x1a7: {  	v8 =	vld.idx.msk [tilespmem:v3+s9+$0x0], $0xffff;
	v4 =	vtrunc.f32 v4  }
0x1a8: {  	v5 =	vshrl.u32 v5, $0x3;
	v4 =	vcvt.f32.s32 v4  }
0x1a9: {  	v9 =	vmul.u32 $0xFFFFFFF6, v5  }
0x1aa: {  	vm12 =	vlt.s32 v4, v6  }
0x1ab: {  	v10 =	vld.idx.msk [tilespmem:v3+s15+$0x0], $0xffff;
	v2 =	vadd.s32 $0xFFFFE000, v2;
	v7 =	vadd.s32 v7, v9;
	v4 =	vsel vm12, v4, v6  }
0x1ac: {  	v3 =	vld.idx.msk [tilespmem:v3+s16+$0x0], $0xffff;
	s28 =	simm.s32 $0x0;
	v6 =	vshll.u32 v5, $0x7;
	v9 =	vand.u32 $0xFFFFFF80, v7;
	v4 =	vadd.s32 v8, v4  }
0x1ad: {  	s1 =	sand.u32 $0x780, s30;
	s28 =	sand.u32 $0x60, s28;
	v7 =	vand.u32 $0x7F, v7;
	v6 =	vadd.s32 v6, v9;
	vm13 =	vlt.s32 v4, $0x1869FF  }
0x1ae: {  	s1 =	sor.u32 s28, s1;
	v6 =	vor.u32 v7, v6;
	v4 =	vnsel vm13, $0x1869FF, v4  }
0x1af: {  	[tilespmem:s1+$0x8800] =	vst v4  }
0x1b0: {  	[tilespmem:v2+s17+$0x0] =	vst.idx.msk $0xffff, v10  }
0x1b1: {  	[tilespmem:v2+s18+$0x0] =	vst.idx.msk $0xffff, v3  }
0x1b2: {  	v2 =	vld.idx.msk [tilespmem:v5+s13+$0x0], $0xffff  }
0x1b3: {  	v3 =	vld.idx.msk [tilespmem:v6+s8+$0x0], $0xffff;
	_ =	sdelay $0x4  }
0x1b4: {  	s31 =	simm.s32 $0x2A0;
	v4 =	vld.idx.msk [tilespmem:v5+s14+$0x0], $0xffff;
	v2 =	vmul.f32 v3, v2  }
0x1b5: {  	v3 =	vor.u32 s31, v1  }
0x1b6: {  	v7 =	vld.idx.msk [tilespmem:v5+s9+$0x0], $0xffff;
	v8 =	vmulhi.u32 $0xCCCCCCCD, v3;
	v2 =	vtrunc.f32 v2  }
0x1b7: {  	v62 =	vcvt.f32.s32 v2  }
0x1b8: {  	v2 =	vshrl.u32 v8, $0x3  }
0x1b9: {  	v8 =	vmul.u32 $0xFFFFFFF6, v2;
	vm14 =	vlt.s32 v62, v4  }
0x1ba: {  	v4 =	vsel vm14, v62, v4  }
0x1bb: {  	v6 =	vadd.s32 $0xFFFFE000, v6;
	v3 =	vadd.s32 v3, v8;
	v7 =	vadd.s32 v7, v4;
	v4 =	vld.idx.msk [tilespmem:v5+s15+$0x0], $0xffff  }
0x1bc: {  	v63 =	vshll.u32 v2, $0x7;
	v8 =	vand.u32 $0xFFFFFF80, v3;
	v5 =	vld.idx.msk [tilespmem:v5+s16+$0x0], $0xffff  }
0x1bd: {  	v3 =	vand.u32 $0x7F, v3;
	vm15 =	vlt.s32 v7, $0x1869FF;
	v8 =	vadd.s32 v63, v8  }
0x1be: {  	s28 =	simm.s32 $0x8A90;
	v7 =	vnsel vm15, $0x1869FF, v7;
	v3 =	vor.u32 v3, v8  }
0x1bf: {  	s29 =	simm.s32 $0x2B0;
	s1 =	simm.s32 $0x2;
	s31 =	sand.u32 $0x780, s31;
	[tilespmem:s28+$0x0] =	vst v7  }
.LBB2_8:
0x1c0: {  	s1 =	sadd.s32 $0x2, s1;
	[tilespmem:v6+s17+$0x0] =	vst.idx.msk $0xffff, v4;
	s28 =	sadd.s32 $0x20, s28  }
0x1c1: {  	p0 =	slt.u32 s1, $0x12;
	[tilespmem:v6+s18+$0x0] =	vst.idx.msk $0xffff, v5  }
0x1c2: {  	v4 =	vld.idx.msk [tilespmem:v2+s13+$0x0], $0xffff  }
0x1c3: {  	v5 =	vld.idx.msk [tilespmem:v3+s8+$0x0], $0xffff;
	_ =	sdelay $0x4  }
0x1c4: {  	v7 =	vor.u32 s29, v1;
	v6 =	vld.idx.msk [tilespmem:v2+s14+$0x0], $0xffff  }
0x1c5: {  	v4 =	vmul.f32 v5, v4;
	v5 =	vmulhi.u32 $0xCCCCCCCD, v7  }
0x1c6: {  	v8 =	vld.idx.msk [tilespmem:v2+s9+$0x0], $0xffff  }
0x1c7: {  	v4 =	vtrunc.f32 v4;
	v5 =	vshrl.u32 v5, $0x3  }
0x1c8: {  	v4 =	vcvt.f32.s32 v4;
	v9 =	vmul.u32 $0xFFFFFFF6, v5;
	_ =	sdelay $0x1  }
0x1c9: {  	vm0 =	vlt.s32 v4, v6;
	v7 =	vadd.s32 v7, v9;
	v9 =	vshll.u32 v5, $0x7;
	v10 =	vld.idx.msk [tilespmem:v2+s15+$0x0], $0xffff  }
0x1ca: {  	v3 =	vadd.s32 $0xFFFFE000, v3;
	v4 =	vsel vm0, v4, v6;
	v6 =	vand.u32 $0xFFFFFF80, v7;
	v2 =	vld.idx.msk [tilespmem:v2+s16+$0x0], $0xffff  }
0x1cb: {  	s30 =	sadd.s32 $0xFFFFFD70, s29;
	v7 =	vand.u32 $0x7F, v7;
	v4 =	vadd.s32 v8, v4;
	v6 =	vadd.s32 v9, v6  }
0x1cc: {  	s30 =	sand.u32 $0x60, s30;
	vm0 =	vlt.s32 v4, $0x1869FF;
	v6 =	vor.u32 v7, v6  }
0x1cd: {  	s30 =	sor.u32 s30, s31;
	v4 =	vnsel vm0, $0x1869FF, v4  }
0x1ce: {  	[tilespmem:s30+$0x8800] =	vst v4  }
0x1cf: {  	[tilespmem:v3+s17+$0x0] =	vst.idx.msk $0xffff, v10  }
0x1d0: {  	[tilespmem:v3+s18+$0x0] =	vst.idx.msk $0xffff, v2  }
0x1d1: {  	v2 =	vld.idx.msk [tilespmem:v5+s13+$0x0], $0xffff  }
0x1d2: {  	v3 =	vld.idx.msk [tilespmem:v6+s8+$0x0], $0xffff;
	_ =	sdelay $0x3  }
0x1d3: {  	s29 =	sadd.s32 $0x20, s29;
	v7 =	vld.idx.msk [tilespmem:v5+s14+$0x0], $0xffff  }
0x1d4: {  	s30 =	sadd.s32 $0xFFFFFFF0, s29  }
0x1d5: {  	v8 =	vor.u32 s30, v1;
	s31 =	sand.u32 $0x780, s30;
	v2 =	vmul.f32 v3, v2;
	v9 =	vld.idx.msk [tilespmem:v5+s9+$0x0], $0xffff  }
0x1d6: {  	v3 =	vmulhi.u32 $0xCCCCCCCD, v8  }
0x1d7: {  	v4 =	vtrunc.f32 v2  }
0x1d8: {  	v2 =	vshrl.u32 v3, $0x3;
	v3 =	vcvt.f32.s32 v4  }
0x1d9: {  	v10 =	vmul.u32 $0xFFFFFFF6, v2;
	v4 =	vld.idx.msk [tilespmem:v5+s15+$0x0], $0xffff  }
0x1da: {  	v6 =	vadd.s32 $0xFFFFE000, v6;
	vm0 =	vlt.s32 v3, v7;
	v5 =	vld.idx.msk [tilespmem:v5+s16+$0x0], $0xffff  }
.Ltmp3:
0x1db: {  	v8 =	vadd.s32 v8, v10;
	v3 =	vsel vm0, v3, v7;
	(pc) =	sbr.rel @p0 .LBB2_8-.Ltmp3, $4  }
0x1dc: {  	v10 =	vshll.u32 v2, $0x7;
	v7 =	vand.u32 $0xFFFFFF80, v8;
	v9 =	vadd.s32 v9, v3  }
0x1dd: {  	v3 =	vand.u32 $0x7F, v8;
	v7 =	vadd.s32 v10, v7;
	vm0 =	vlt.s32 v9, $0x1869FF  }
0x1de: {  	v3 =	vor.u32 v3, v7;
	v7 =	vnsel vm0, $0x1869FF, v9  }
0x1df: {  	[tilespmem:s28+$0x0] =	vst v7  }
0x1e0: {  	_ =	sdelay $0x3  }
0x1e1: {  	[tilespmem:v6+s17+$0x0] =	vst.idx.msk $0xffff, v4  }
0x1e2: {  	[tilespmem:v6+s18+$0x0] =	vst.idx.msk $0xffff, v5  }
0x1e3: {  	v4 =	vld.idx.msk [tilespmem:v2+s13+$0x0], $0xffff  }
0x1e4: {  	v5 =	vld.idx.msk [tilespmem:v3+s8+$0x0], $0xffff;
	_ =	sdelay $0x4  }
0x1e5: {  	v7 =	vor.u32 s29, v1;
	v6 =	vld.idx.msk [tilespmem:v2+s14+$0x0], $0xffff;
	v4 =	vmul.f32 v5, v4  }
0x1e6: {  	v5 =	vmulhi.u32 $0xCCCCCCCD, v7  }
0x1e7: {  	v8 =	vld.idx.msk [tilespmem:v2+s9+$0x0], $0xffff;
	v4 =	vtrunc.f32 v4  }
0x1e8: {  	v5 =	vshrl.u32 v5, $0x3;
	v4 =	vcvt.f32.s32 v4  }
0x1e9: {  	v9 =	vmul.u32 $0xFFFFFFF6, v5  }
0x1ea: {  	vm0 =	vlt.s32 v4, v6  }
0x1eb: {  	v10 =	vld.idx.msk [tilespmem:v2+s15+$0x0], $0xffff;
	v3 =	vadd.s32 $0xFFFFE000, v3;
	v7 =	vadd.s32 v7, v9;
	v4 =	vsel vm0, v4, v6  }
0x1ec: {  	s1 =	sadd.s32 $0xFFFFFD70, s29;
	v2 =	vld.idx.msk [tilespmem:v2+s16+$0x0], $0xffff;
	v6 =	vshll.u32 v5, $0x7;
	v9 =	vand.u32 $0xFFFFFF80, v7;
	v4 =	vadd.s32 v8, v4  }
0x1ed: {  	s1 =	sand.u32 $0x60, s1;
	v7 =	vand.u32 $0x7F, v7;
	v6 =	vadd.s32 v6, v9;
	vm11 =	vlt.s32 v4, $0x1869FF  }
0x1ee: {  	s1 =	sor.u32 s1, s31;
	v6 =	vor.u32 v7, v6;
	v4 =	vnsel vm11, $0x1869FF, v4  }
0x1ef: {  	[tilespmem:s1+$0x8800] =	vst v4  }
0x1f0: {  	[tilespmem:v3+s17+$0x0] =	vst.idx.msk $0xffff, v10  }
0x1f1: {  	[tilespmem:v3+s18+$0x0] =	vst.idx.msk $0xffff, v2  }
0x1f2: {  	v2 =	vld.idx.msk [tilespmem:v5+s13+$0x0], $0xffff  }
0x1f3: {  	v3 =	vld.idx.msk [tilespmem:v6+s8+$0x0], $0xffff;
	_ =	sdelay $0x4  }
0x1f4: {  	v4 =	vld.idx.msk [tilespmem:v5+s14+$0x0], $0xffff;
	v2 =	vmul.f32 v3, v2;
	_ =	sdelay $0x1  }
0x1f5: {  	v3 =	vld.idx.msk [tilespmem:v5+s9+$0x0], $0xffff;
	v2 =	vtrunc.f32 v2  }
0x1f6: {  	v2 =	vcvt.f32.s32 v2;
	_ =	sdelay $0x1  }
0x1f7: {  	vm12 =	vlt.s32 v2, v4  }
0x1f8: {  	v7 =	vld.idx.msk [tilespmem:v5+s15+$0x0], $0xffff;
	v6 =	vadd.s32 $0xFFFFE000, v6;
	v2 =	vsel vm12, v2, v4  }
0x1f9: {  	v4 =	vld.idx.msk [tilespmem:v5+s16+$0x0], $0xffff;
	v2 =	vadd.s32 v3, v2  }
0x1fa: {  	s30 =	simm.s32 $0x140;
	vm13 =	vlt.s32 v2, $0x1869FF  }
0x1fb: {  	s28 =	sadd.s32 $0x20, s28;
	v3 =	vor.u32 s30, v1;
	v2 =	vnsel vm13, $0x1869FF, v2  }
0x1fc: {  	[tilespmem:s28+$0x0] =	vst v2;
	v2 =	vmulhi.u32 $0xCCCCCCCD, v3  }
0x1fd: {  	[tilespmem:v6+s17+$0x0] =	vst.idx.msk $0xffff, v7  }
0x1fe: {  	s31 =	simm.s32 $0x8A80;
	s28 =	simm.s32 $0x9480;
	[tilespmem:v6+s18+$0x0] =	vst.idx.msk $0xffff, v4;
	v2 =	vshrl.u32 v2, $0x3  }
0x1ff: {  	[tilespmem:s28], [sflag:$0x1] =	stream.indirect.gather [hbm4b:s2+s19], $0x1, s31, s19, $0xb8;
	v4 =	vmul.u32 $0xFFFFFFF6, v2;
	[tilespmem:$0xFC00] =	vst v63  }
0x200: {  	_ =	swait.ge [sflag:s11], $0x140  }
0x201: {  	[sflag:s11] =	ssyncset.done $0x0;
	v3 =	vadd.s32 v3, v4  }
0x202: {  	v5 =	vshll.u32 v2, $0x7;
	[sflag:s11] =	ssyncadd.s32 $0xFFFFFEC0;
	v4 =	vand.u32 $0xFFFFFF80, v3  }
0x203: {  	s1 =	simm.s32 $0x9350;
	v3 =	vand.u32 $0x7F, v3;
	v2 =	vld.idx.msk [tilespmem:v2+s16+$0x0], $0xffff;
	v4 =	vadd.s32 v4, v5  }
0x204: {  	s28 =	simm.s32 $0x150;
	v6 =	vld [tilespmem:s1+$0xFFFFFFF0];
	v3 =	vor.u32 v3, v4  }
0x205: {  	v5 =	vor.u32 s28, v1;
	v3 =	vadd.s32 $0xFFFFF000, v3  }
0x206: {  	v4 =	vmulhi.u32 $0xCCCCCCCD, v5;
	_ =	sdelay $0x1  }
0x207: {  	v4 =	vshrl.u32 v4, $0x3;
	vm14 =	vgt.s32 v2, $0x0  }
0x208: {  	v2 =	vnsel vm14, $0xFFFFFFFF, v6  }
0x209: {  	[tilespmem:v3+s24+$0x0] =	vst.idx.msk $0xffff, v2;
	v2 =	vmul.u32 $0xFFFFFFF6, v4;
	_ =	sdelay $0x1  }
0x20a: {  	v5 =	vadd.s32 v5, v2  }
0x20b: {  	s28 =	simm.s32 $0x160;
	v3 =	vld.idx.msk [tilespmem:v4+s16+$0x0], $0xffff;
	v4 =	vshll.u32 v4, $0x7;
	v63 =	vand.u32 $0xFFFFFF80, v5  }
0x20c: {  	v6 =	vor.u32 s28, v1;
	v5 =	vand.u32 $0x7F, v5;
	v4 =	vadd.s32 v63, v4  }
0x20d: {  	v7 =	vmulhi.u32 $0xCCCCCCCD, v6;
	v62 =	vld [tilespmem:s1+$0x0];
	v4 =	vor.u32 v5, v4  }
0x20e: {  	v4 =	vadd.s32 $0xFFFFF000, v4  }
0x20f: {  	v2 =	vshrl.u32 v7, $0x3  }
0x210: {  	v7 =	vmul.u32 $0xFFFFFFF6, v2  }
0x211: {  	vm15 =	vgt.s32 v3, $0x0  }
0x212: {  	s29 =	simm.s32 $0x2;
	s28 =	simm.s32 $0x170;
	v3 =	vadd.s32 v6, v7;
	v5 =	vnsel vm15, $0xFFFFFFFF, v62  }
.LBB2_10:
0x213: {  	s29 =	sadd.s32 $0x2, s29;
	[tilespmem:v4+s24+$0x0] =	vst.idx.msk $0xffff, v5;
	s1 =	sadd.s32 $0x20, s1  }
0x214: {  	v5 =	vand.u32 $0xFFFFFF80, v3;
	p0 =	slt.u32 s29, $0x12;
	v4 =	vld.idx.msk [tilespmem:v2+s16+$0x0], $0xffff;
	v2 =	vshll.u32 v2, $0x7  }
0x215: {  	v3 =	vand.u32 $0x7F, v3;
	v2 =	vadd.s32 v5, v2;
	v5 =	vor.u32 s28, v1  }
0x216: {  	v6 =	vld [tilespmem:s1+$0xFFFFFFF0];
	v2 =	vor.u32 v3, v2;
	v3 =	vmulhi.u32 $0xCCCCCCCD, v5  }
0x217: {  	v2 =	vadd.s32 $0xFFFFF000, v2  }
0x218: {  	v3 =	vshrl.u32 v3, $0x3  }
0x219: {  	v7 =	vmul.u32 $0xFFFFFFF6, v3  }
0x21a: {  	vm0 =	vgt.s32 v4, $0x0  }
0x21b: {  	v4 =	vnsel vm0, $0xFFFFFFFF, v6;
	v5 =	vadd.s32 v5, v7  }
0x21c: {  	s28 =	sadd.s32 $0x20, s28;
	[tilespmem:v2+s24+$0x0] =	vst.idx.msk $0xffff, v4;
	v2 =	vand.u32 $0xFFFFFF80, v5;
	v4 =	vshll.u32 v3, $0x7  }
0x21d: {  	s30 =	sadd.s32 $0xFFFFFFF0, s28;
	v5 =	vand.u32 $0x7F, v5;
	v3 =	vld.idx.msk [tilespmem:v3+s16+$0x0], $0xffff;
	v2 =	vadd.s32 v2, v4  }
0x21e: {  	v6 =	vor.u32 s30, v1;
	v2 =	vor.u32 v5, v2  }
0x21f: {  	v5 =	vmulhi.u32 $0xCCCCCCCD, v6;
	v7 =	vld [tilespmem:s1+$0x0]  }
.Ltmp4:
0x220: {  	v4 =	vadd.s32 $0xFFFFF000, v2;
	(pc) =	sbr.rel @p0 .LBB2_10-.Ltmp4, $4  }
0x221: {  	v2 =	vshrl.u32 v5, $0x3  }
0x222: {  	v5 =	vmul.u32 $0xFFFFFFF6, v2  }
0x223: {  	vm0 =	vgt.s32 v3, $0x0  }
0x224: {  	v3 =	vadd.s32 v6, v5;
	v5 =	vnsel vm0, $0xFFFFFFFF, v7  }
0x225: {  	_ =	sdelay $0x3  }
0x226: {  	[tilespmem:v4+s24+$0x0] =	vst.idx.msk $0xffff, v5;
	v4 =	vand.u32 $0xFFFFFF80, v3;
	v5 =	vshll.u32 v2, $0x7  }
0x227: {  	s1 =	sadd.s32 $0x20, s1;
	v3 =	vand.u32 $0x7F, v3;
	v2 =	vld.idx.msk [tilespmem:v2+s16+$0x0], $0xffff;
	v4 =	vadd.s32 v4, v5;
	v5 =	vor.u32 s28, v1  }
0x228: {  	v6 =	vld [tilespmem:s1+$0xFFFFFFF0];
	v3 =	vor.u32 v3, v4;
	v4 =	vmulhi.u32 $0xCCCCCCCD, v5  }
0x229: {  	v3 =	vadd.s32 $0xFFFFF000, v3  }
0x22a: {  	v4 =	vshrl.u32 v4, $0x3  }
0x22b: {  	v7 =	vmul.u32 $0xFFFFFFF6, v4  }
0x22c: {  	vm0 =	vgt.s32 v2, $0x0  }
0x22d: {  	v2 =	vnsel vm0, $0xFFFFFFFF, v6;
	v5 =	vadd.s32 v5, v7  }
0x22e: {  	[tilespmem:v3+s24+$0x0] =	vst.idx.msk $0xffff, v2;
	v2 =	vand.u32 $0xFFFFFF80, v5;
	v3 =	vshll.u32 v4, $0x7  }
0x22f: {  	v5 =	vand.u32 $0x7F, v5;
	v4 =	vld.idx.msk [tilespmem:v4+s16+$0x0], $0xffff;
	v2 =	vadd.s32 v2, v3  }
0x230: {  	v3 =	vld [tilespmem:s1+$0x0];
	v2 =	vor.u32 v5, v2  }
0x231: {  	v2 =	vadd.s32 $0xFFFFF000, v2;
	_ =	sdelay $0x2  }
0x232: {  	vm11 =	vgt.s32 v4, $0x0  }
0x233: {  	v3 =	vnsel vm11, $0xFFFFFFFF, v3  }
0x234: {  	s31 =	rddreg [dreg:$0xa];
	[tilespmem:v2+s24+$0x0] =	vst.idx.msk $0xffff, v3  }
0x235: {  	[hbm4b:s31+s0] =	stream.linear.scatter [tilespmem:s20], [sflag:$0x5], $0x1000, $0x38;
	[tilespmem:$0xFC00] =	vst v63  }
0x236: {  	s30 =	rddreg [dreg:$0xb]  }
0x237: {  	[hbm4b:s30+s0] =	stream.linear.scatter [tilespmem:s24], [sflag:$0x5], $0x1000, $0x38;
	[tilespmem:$0xFC00] =	vst v63  }
0x238: {  	s31 =	rddreg [dreg:$0xc];
	s30 =	simm.s32 $0x3C0  }
0x239: {  	[hbm4b:s31+s0] =	stream.linear.scatter [tilespmem:s21], [sflag:$0x5], $0x1000, $0x38;
	[tilespmem:$0xFC00] =	vst v63  }
0x23a: {  	v2 =	vor.u32 s30, v1;
	_ =	swait.ge [sflag:s25], $0x1000  }
0x23b: {  	v3 =	vmulhi.u32 $0xCCCCCCCD, v2;
	[sflag:s25] =	ssyncset.done $0x0  }
0x23c: {  	[sflag:s25] =	ssyncadd.s32 $0xFFFFF000  }
0x23d: {  	v3 =	vshrl.u32 v3, $0x3;
	_ =	swait.ge [sflag:s25], $0x1000  }
0x23e: {  	v4 =	vmul.u32 $0xFFFFFFF6, v3;
	[sflag:s25] =	ssyncset.done $0x0  }
0x23f: {  	[sflag:s25] =	ssyncadd.s32 $0xFFFFF000  }
0x240: {  	v2 =	vadd.s32 v2, v4;
	_ =	swait.ge [sflag:s25], $0x1000  }
0x241: {  	v5 =	vshll.u32 v3, $0x7;
	v4 =	vand.u32 $0xFFFFFF80, v2;
	[sflag:s25] =	ssyncset.done $0x0  }
0x242: {  	v2 =	vand.u32 $0x7F, v2;
	v4 =	vadd.s32 v5, v4;
	[sflag:s25] =	ssyncadd.s32 $0xFFFFF000  }
0x243: {  	v2 =	vor.u32 v2, v4;
	_ =	swait.ge [sflag:s12], $0x1000  }
0x244: {  	[sflag:s12] =	ssyncset.done $0x0  }
0x245: {  	s28 =	simm.s32 $0x4800;
	s31 =	rddreg [dreg:$0xd];
	[sflag:s12] =	ssyncadd.s32 $0xFFFFF000  }
0x246: {  	[tilespmem:s28], [sflag:$0x3] =	stream.linear.gather [hbm4b:s31+s0], $0x1000, $0x38;
	[tilespmem:$0xFC00] =	vst v63  }
0x247: {  	v4 =	vld.idx.msk [tilespmem:v3+s13+$0x0], $0xffff  }
0x248: {  	v5 =	vld.idx.msk [tilespmem:v2+s8+$0x0], $0xffff;
	_ =	sdelay $0x3  }
0x249: {  	s30 =	simm.s32 $0x3D0  }
0x24a: {  	v7 =	vor.u32 s30, v1;
	v6 =	vld.idx.msk [tilespmem:v3+s14+$0x0], $0xffff;
	v4 =	vmul.f32 v5, v4  }
0x24b: {  	v5 =	vmulhi.u32 $0xCCCCCCCD, v7  }
0x24c: {  	v8 =	vld.idx.msk [tilespmem:v3+s9+$0x0], $0xffff;
	v4 =	vtrunc.f32 v4  }
0x24d: {  	v5 =	vshrl.u32 v5, $0x3;
	v4 =	vcvt.f32.s32 v4  }
0x24e: {  	v9 =	vmul.u32 $0xFFFFFFF6, v5  }
0x24f: {  	vm12 =	vlt.s32 v4, v6  }
0x250: {  	v10 =	vld.idx.msk [tilespmem:v3+s15+$0x0], $0xffff;
	v2 =	vadd.s32 $0xFFFFD000, v2;
	v7 =	vadd.s32 v7, v9;
	v4 =	vsel vm12, v4, v6  }
0x251: {  	v3 =	vld.idx.msk [tilespmem:v3+s16+$0x0], $0xffff;
	v6 =	vshll.u32 v5, $0x7;
	v9 =	vand.u32 $0xFFFFFF80, v7;
	v4 =	vadd.s32 v8, v4  }
0x252: {  	v7 =	vand.u32 $0x7F, v7;
	v6 =	vadd.s32 v6, v9;
	vm13 =	vlt.s32 v4, $0x1869FF  }
0x253: {  	s28 =	simm.s32 $0x8BD0;
	v6 =	vor.u32 v7, v6;
	v4 =	vnsel vm13, $0x1869FF, v4  }
0x254: {  	[tilespmem:s28+$0xFFFFFFF0] =	vst v4  }
0x255: {  	[tilespmem:v2+s20+$0x0] =	vst.idx.msk $0xffff, v10  }
0x256: {  	[tilespmem:v2+s21+$0x0] =	vst.idx.msk $0xffff, v3  }
0x257: {  	v2 =	vld.idx.msk [tilespmem:v5+s13+$0x0], $0xffff  }
0x258: {  	v3 =	vld.idx.msk [tilespmem:v6+s8+$0x0], $0xffff;
	_ =	sdelay $0x4  }
0x259: {  	s31 =	simm.s32 $0x3E0;
	v4 =	vld.idx.msk [tilespmem:v5+s14+$0x0], $0xffff;
	v2 =	vmul.f32 v3, v2  }
0x25a: {  	v3 =	vor.u32 s31, v1  }
0x25b: {  	v7 =	vld.idx.msk [tilespmem:v5+s9+$0x0], $0xffff;
	v8 =	vmulhi.u32 $0xCCCCCCCD, v3;
	v2 =	vtrunc.f32 v2  }
0x25c: {  	v62 =	vcvt.f32.s32 v2  }
0x25d: {  	v2 =	vshrl.u32 v8, $0x3  }
0x25e: {  	v8 =	vmul.u32 $0xFFFFFFF6, v2;
	vm14 =	vlt.s32 v62, v4  }
0x25f: {  	v4 =	vsel vm14, v62, v4  }
0x260: {  	v6 =	vadd.s32 $0xFFFFD000, v6;
	v3 =	vadd.s32 v3, v8;
	v7 =	vadd.s32 v7, v4;
	v4 =	vld.idx.msk [tilespmem:v5+s15+$0x0], $0xffff  }
0x261: {  	v63 =	vshll.u32 v2, $0x7;
	v8 =	vand.u32 $0xFFFFFF80, v3;
	v5 =	vld.idx.msk [tilespmem:v5+s16+$0x0], $0xffff  }
0x262: {  	v3 =	vand.u32 $0x7F, v3;
	vm15 =	vlt.s32 v7, $0x1869FF;
	v8 =	vadd.s32 v63, v8  }
0x263: {  	v7 =	vnsel vm15, $0x1869FF, v7;
	v3 =	vor.u32 v3, v8  }
0x264: {  	s29 =	simm.s32 $0x3F0;
	s1 =	simm.s32 $0x2;
	[tilespmem:s28+$0x0] =	vst v7  }
.LBB2_12:
0x265: {  	s1 =	sadd.s32 $0x2, s1;
	[tilespmem:v6+s20+$0x0] =	vst.idx.msk $0xffff, v4;
	s28 =	sadd.s32 $0x20, s28  }
0x266: {  	p0 =	slt.u32 s1, $0x12;
	[tilespmem:v6+s21+$0x0] =	vst.idx.msk $0xffff, v5  }
0x267: {  	v4 =	vld.idx.msk [tilespmem:v2+s13+$0x0], $0xffff  }
0x268: {  	v5 =	vld.idx.msk [tilespmem:v3+s8+$0x0], $0xffff;
	_ =	sdelay $0x4  }
0x269: {  	v7 =	vor.u32 s29, v1;
	v6 =	vld.idx.msk [tilespmem:v2+s14+$0x0], $0xffff  }
0x26a: {  	v4 =	vmul.f32 v5, v4;
	v5 =	vmulhi.u32 $0xCCCCCCCD, v7  }
0x26b: {  	v8 =	vld.idx.msk [tilespmem:v2+s9+$0x0], $0xffff  }
0x26c: {  	v4 =	vtrunc.f32 v4;
	v5 =	vshrl.u32 v5, $0x3  }
0x26d: {  	v4 =	vcvt.f32.s32 v4;
	v9 =	vmul.u32 $0xFFFFFFF6, v5;
	_ =	sdelay $0x1  }
0x26e: {  	vm0 =	vlt.s32 v4, v6;
	v7 =	vadd.s32 v7, v9;
	v9 =	vshll.u32 v5, $0x7;
	v10 =	vld.idx.msk [tilespmem:v2+s15+$0x0], $0xffff  }
0x26f: {  	v3 =	vadd.s32 $0xFFFFD000, v3;
	v4 =	vsel vm0, v4, v6;
	v6 =	vand.u32 $0xFFFFFF80, v7;
	v2 =	vld.idx.msk [tilespmem:v2+s16+$0x0], $0xffff  }
0x270: {  	v7 =	vand.u32 $0x7F, v7;
	v4 =	vadd.s32 v8, v4;
	v6 =	vadd.s32 v9, v6  }
0x271: {  	vm0 =	vlt.s32 v4, $0x1869FF;
	v6 =	vor.u32 v7, v6  }
0x272: {  	v4 =	vnsel vm0, $0x1869FF, v4  }
0x273: {  	[tilespmem:s28+$0xFFFFFFF0] =	vst v4  }
0x274: {  	[tilespmem:v3+s20+$0x0] =	vst.idx.msk $0xffff, v10  }
0x275: {  	[tilespmem:v3+s21+$0x0] =	vst.idx.msk $0xffff, v2  }
0x276: {  	v2 =	vld.idx.msk [tilespmem:v5+s13+$0x0], $0xffff  }
0x277: {  	v3 =	vld.idx.msk [tilespmem:v6+s8+$0x0], $0xffff;
	_ =	sdelay $0x3  }
0x278: {  	s29 =	sadd.s32 $0x20, s29;
	v7 =	vld.idx.msk [tilespmem:v5+s14+$0x0], $0xffff  }
0x279: {  	s30 =	sadd.s32 $0xFFFFFFF0, s29  }
0x27a: {  	v8 =	vor.u32 s30, v1;
	v2 =	vmul.f32 v3, v2;
	v9 =	vld.idx.msk [tilespmem:v5+s9+$0x0], $0xffff  }
0x27b: {  	v3 =	vmulhi.u32 $0xCCCCCCCD, v8  }
0x27c: {  	v4 =	vtrunc.f32 v2  }
0x27d: {  	v2 =	vshrl.u32 v3, $0x3;
	v3 =	vcvt.f32.s32 v4  }
0x27e: {  	v10 =	vmul.u32 $0xFFFFFFF6, v2;
	v4 =	vld.idx.msk [tilespmem:v5+s15+$0x0], $0xffff  }
0x27f: {  	v6 =	vadd.s32 $0xFFFFD000, v6;
	vm0 =	vlt.s32 v3, v7;
	v5 =	vld.idx.msk [tilespmem:v5+s16+$0x0], $0xffff  }
.Ltmp5:
0x280: {  	v8 =	vadd.s32 v8, v10;
	v3 =	vsel vm0, v3, v7;
	(pc) =	sbr.rel @p0 .LBB2_12-.Ltmp5, $4  }
0x281: {  	v10 =	vshll.u32 v2, $0x7;
	v7 =	vand.u32 $0xFFFFFF80, v8;
	v9 =	vadd.s32 v9, v3  }
0x282: {  	v3 =	vand.u32 $0x7F, v8;
	v7 =	vadd.s32 v10, v7;
	vm0 =	vlt.s32 v9, $0x1869FF  }
0x283: {  	v3 =	vor.u32 v3, v7;
	v7 =	vnsel vm0, $0x1869FF, v9  }
0x284: {  	[tilespmem:s28+$0x0] =	vst v7  }
0x285: {  	_ =	sdelay $0x3  }
0x286: {  	[tilespmem:v6+s20+$0x0] =	vst.idx.msk $0xffff, v4  }
0x287: {  	[tilespmem:v6+s21+$0x0] =	vst.idx.msk $0xffff, v5  }
0x288: {  	v4 =	vld.idx.msk [tilespmem:v2+s13+$0x0], $0xffff  }
0x289: {  	v5 =	vld.idx.msk [tilespmem:v3+s8+$0x0], $0xffff;
	_ =	sdelay $0x4  }
0x28a: {  	v7 =	vor.u32 s29, v1;
	v6 =	vld.idx.msk [tilespmem:v2+s14+$0x0], $0xffff;
	v4 =	vmul.f32 v5, v4  }
0x28b: {  	v5 =	vmulhi.u32 $0xCCCCCCCD, v7  }
0x28c: {  	v8 =	vld.idx.msk [tilespmem:v2+s9+$0x0], $0xffff;
	v4 =	vtrunc.f32 v4  }
0x28d: {  	v5 =	vshrl.u32 v5, $0x3;
	v4 =	vcvt.f32.s32 v4  }
0x28e: {  	v9 =	vmul.u32 $0xFFFFFFF6, v5  }
0x28f: {  	vm0 =	vlt.s32 v4, v6  }
0x290: {  	v10 =	vld.idx.msk [tilespmem:v2+s15+$0x0], $0xffff;
	v3 =	vadd.s32 $0xFFFFD000, v3;
	v7 =	vadd.s32 v7, v9;
	v4 =	vsel vm0, v4, v6  }
0x291: {  	v2 =	vld.idx.msk [tilespmem:v2+s16+$0x0], $0xffff;
	v6 =	vshll.u32 v5, $0x7;
	v9 =	vand.u32 $0xFFFFFF80, v7;
	v4 =	vadd.s32 v8, v4  }
0x292: {  	v7 =	vand.u32 $0x7F, v7;
	v6 =	vadd.s32 v6, v9;
	vm11 =	vlt.s32 v4, $0x1869FF  }
0x293: {  	s1 =	sadd.s32 $0x20, s28;
	v6 =	vor.u32 v7, v6;
	v4 =	vnsel vm11, $0x1869FF, v4  }
0x294: {  	[tilespmem:s1+$0xFFFFFFF0] =	vst v4  }
0x295: {  	[tilespmem:v3+s20+$0x0] =	vst.idx.msk $0xffff, v10  }
0x296: {  	[tilespmem:v3+s21+$0x0] =	vst.idx.msk $0xffff, v2  }
0x297: {  	v2 =	vld.idx.msk [tilespmem:v5+s13+$0x0], $0xffff  }
0x298: {  	v3 =	vld.idx.msk [tilespmem:v6+s8+$0x0], $0xffff;
	_ =	sdelay $0x4  }
0x299: {  	v4 =	vld.idx.msk [tilespmem:v5+s14+$0x0], $0xffff;
	v2 =	vmul.f32 v3, v2;
	_ =	sdelay $0x1  }
0x29a: {  	v3 =	vld.idx.msk [tilespmem:v5+s9+$0x0], $0xffff;
	v2 =	vtrunc.f32 v2  }
0x29b: {  	v2 =	vcvt.f32.s32 v2;
	_ =	sdelay $0x1  }
0x29c: {  	vm12 =	vlt.s32 v2, v4  }
0x29d: {  	v2 =	vsel vm12, v2, v4  }
0x29e: {  	v7 =	vld.idx.msk [tilespmem:v5+s15+$0x0], $0xffff;
	v6 =	vadd.s32 $0xFFFFD000, v6;
	v2 =	vadd.s32 v3, v2  }
0x29f: {  	v4 =	vld.idx.msk [tilespmem:v5+s16+$0x0], $0xffff;
	vm13 =	vlt.s32 v2, $0x1869FF  }
0x2a0: {  	s28 =	simm.s32 $0x280;
	v2 =	vnsel vm13, $0x1869FF, v2  }
0x2a1: {  	[tilespmem:s1+$0x0] =	vst v2;
	v2 =	vor.u32 s28, v1  }
0x2a2: {  	v3 =	vmulhi.u32 $0xCCCCCCCD, v2  }
0x2a3: {  	[tilespmem:v6+s20+$0x0] =	vst.idx.msk $0xffff, v7  }
0x2a4: {  	s30 =	simm.s32 $0x8BC0;
	s29 =	simm.s32 $0x95C0;
	[tilespmem:v6+s21+$0x0] =	vst.idx.msk $0xffff, v4;
	v3 =	vshrl.u32 v3, $0x3  }
0x2a5: {  	[tilespmem:s29], [sflag:$0x2] =	stream.indirect.gather [hbm4b:s2+s19], $0x1, s30, s19, $0xb8;
	v4 =	vmul.u32 $0xFFFFFFF6, v3;
	[tilespmem:$0xFC00] =	vst v63  }
0x2a6: {  	_ =	swait.ge [sflag:s10], $0x140  }
0x2a7: {  	s30 =	simm.s32 $0x0;
	[sflag:s10] =	ssyncset.done $0x0;
	v2 =	vadd.s32 v2, v4  }
0x2a8: {  	s28 =	sand.u32 $0x780, s28;
	s1 =	sand.u32 $0x60, s30;
	v5 =	vshll.u32 v3, $0x7;
	[sflag:s10] =	ssyncadd.s32 $0xFFFFFEC0;
	v4 =	vand.u32 $0xFFFFFF80, v2  }
0x2a9: {  	s1 =	sor.u32 s1, s28;
	v2 =	vand.u32 $0x7F, v2;
	v3 =	vld.idx.msk [tilespmem:v3+s16+$0x0], $0xffff;
	v4 =	vadd.s32 v4, v5  }
0x2aa: {  	s29 =	simm.s32 $0x290;
	v6 =	vld [tilespmem:s1+$0x9200];
	v2 =	vor.u32 v2, v4  }
0x2ab: {  	v5 =	vor.u32 s29, v1;
	v2 =	vadd.s32 $0xFFFFE000, v2  }
0x2ac: {  	v4 =	vmulhi.u32 $0xCCCCCCCD, v5;
	_ =	sdelay $0x1  }
0x2ad: {  	v4 =	vshrl.u32 v4, $0x3;
	vm14 =	vgt.s32 v3, $0x0  }
0x2ae: {  	v3 =	vnsel vm14, $0xFFFFFFFF, v6  }
0x2af: {  	[tilespmem:v2+s22+$0x0] =	vst.idx.msk $0xffff, v3;
	v2 =	vmul.u32 $0xFFFFFFF6, v4;
	_ =	sdelay $0x1  }
0x2b0: {  	v5 =	vadd.s32 v5, v2  }
0x2b1: {  	s30 =	simm.s32 $0x2A0;
	v3 =	vld.idx.msk [tilespmem:v4+s16+$0x0], $0xffff;
	v4 =	vshll.u32 v4, $0x7;
	v63 =	vand.u32 $0xFFFFFF80, v5  }
0x2b2: {  	s1 =	simm.s32 $0x9490;
	v6 =	vor.u32 s30, v1;
	v5 =	vand.u32 $0x7F, v5;
	v4 =	vadd.s32 v63, v4  }
0x2b3: {  	v7 =	vmulhi.u32 $0xCCCCCCCD, v6;
	v62 =	vld [tilespmem:s1+$0x0];
	v4 =	vor.u32 v5, v4  }
0x2b4: {  	v4 =	vadd.s32 $0xFFFFE000, v4  }
0x2b5: {  	v2 =	vshrl.u32 v7, $0x3  }
0x2b6: {  	v7 =	vmul.u32 $0xFFFFFFF6, v2  }
0x2b7: {  	vm15 =	vgt.s32 v3, $0x0  }
0x2b8: {  	s28 =	simm.s32 $0x2B0;
	s31 =	sand.u32 $0x780, s30;
	s29 =	simm.s32 $0x2;
	v3 =	vadd.s32 v6, v7;
	v5 =	vnsel vm15, $0xFFFFFFFF, v62  }
.LBB2_14:
0x2b9: {  	s29 =	sadd.s32 $0x2, s29;
	s30 =	sadd.s32 $0xFFFFFD70, s28;
	[tilespmem:v4+s22+$0x0] =	vst.idx.msk $0xffff, v5;
	s1 =	sadd.s32 $0x20, s1  }
0x2ba: {  	v5 =	vand.u32 $0xFFFFFF80, v3;
	p0 =	slt.u32 s29, $0x12;
	v4 =	vld.idx.msk [tilespmem:v2+s16+$0x0], $0xffff;
	s30 =	sand.u32 $0x60, s30;
	v2 =	vshll.u32 v2, $0x7  }
0x2bb: {  	v3 =	vand.u32 $0x7F, v3;
	s30 =	sor.u32 s30, s31;
	v2 =	vadd.s32 v5, v2;
	v5 =	vor.u32 s28, v1  }
0x2bc: {  	v6 =	vld [tilespmem:s30+$0x9200];
	v2 =	vor.u32 v3, v2;
	v3 =	vmulhi.u32 $0xCCCCCCCD, v5  }
0x2bd: {  	v2 =	vadd.s32 $0xFFFFE000, v2  }
0x2be: {  	v3 =	vshrl.u32 v3, $0x3  }
0x2bf: {  	v7 =	vmul.u32 $0xFFFFFFF6, v3  }
0x2c0: {  	vm0 =	vgt.s32 v4, $0x0  }
0x2c1: {  	v4 =	vnsel vm0, $0xFFFFFFFF, v6;
	v5 =	vadd.s32 v5, v7  }
0x2c2: {  	s28 =	sadd.s32 $0x20, s28;
	[tilespmem:v2+s22+$0x0] =	vst.idx.msk $0xffff, v4;
	v2 =	vand.u32 $0xFFFFFF80, v5;
	v4 =	vshll.u32 v3, $0x7  }
0x2c3: {  	s30 =	sadd.s32 $0xFFFFFFF0, s28;
	v5 =	vand.u32 $0x7F, v5;
	v3 =	vld.idx.msk [tilespmem:v3+s16+$0x0], $0xffff;
	v2 =	vadd.s32 v2, v4  }
0x2c4: {  	s31 =	sand.u32 $0x780, s30;
	v6 =	vor.u32 s30, v1;
	v2 =	vor.u32 v5, v2  }
0x2c5: {  	v5 =	vmulhi.u32 $0xCCCCCCCD, v6;
	v7 =	vld [tilespmem:s1+$0x0]  }
.Ltmp6:
0x2c6: {  	v4 =	vadd.s32 $0xFFFFE000, v2;
	(pc) =	sbr.rel @p0 .LBB2_14-.Ltmp6, $4  }
0x2c7: {  	v2 =	vshrl.u32 v5, $0x3  }
0x2c8: {  	v5 =	vmul.u32 $0xFFFFFFF6, v2  }
0x2c9: {  	vm0 =	vgt.s32 v3, $0x0  }
0x2ca: {  	v3 =	vadd.s32 v6, v5;
	v5 =	vnsel vm0, $0xFFFFFFFF, v7  }
0x2cb: {  	_ =	sdelay $0x2  }
0x2cc: {  	s29 =	sadd.s32 $0xFFFFFD70, s28  }
0x2cd: {  	[tilespmem:v4+s22+$0x0] =	vst.idx.msk $0xffff, v5;
	v4 =	vand.u32 $0xFFFFFF80, v3;
	v5 =	vshll.u32 v2, $0x7;
	s29 =	sand.u32 $0x60, s29  }
0x2ce: {  	v3 =	vand.u32 $0x7F, v3;
	v2 =	vld.idx.msk [tilespmem:v2+s16+$0x0], $0xffff;
	v4 =	vadd.s32 v4, v5;
	v5 =	vor.u32 s28, v1;
	s29 =	sor.u32 s29, s31  }
0x2cf: {  	v3 =	vor.u32 v3, v4;
	v4 =	vmulhi.u32 $0xCCCCCCCD, v5;
	v6 =	vld [tilespmem:s29+$0x9200]  }
0x2d0: {  	v3 =	vadd.s32 $0xFFFFE000, v3  }
0x2d1: {  	v4 =	vshrl.u32 v4, $0x3  }
0x2d2: {  	v7 =	vmul.u32 $0xFFFFFFF6, v4  }
0x2d3: {  	vm0 =	vgt.s32 v2, $0x0  }
0x2d4: {  	v5 =	vadd.s32 v5, v7;
	v2 =	vnsel vm0, $0xFFFFFFFF, v6  }
0x2d5: {  	[tilespmem:v3+s22+$0x0] =	vst.idx.msk $0xffff, v2;
	v2 =	vand.u32 $0xFFFFFF80, v5;
	v3 =	vshll.u32 v4, $0x7  }
0x2d6: {  	s1 =	sadd.s32 $0x20, s1;
	v5 =	vand.u32 $0x7F, v5;
	v4 =	vld.idx.msk [tilespmem:v4+s16+$0x0], $0xffff;
	v2 =	vadd.s32 v2, v3  }
0x2d7: {  	v3 =	vld [tilespmem:s1+$0x0];
	v2 =	vor.u32 v5, v2  }
0x2d8: {  	v2 =	vadd.s32 $0xFFFFE000, v2;
	_ =	sdelay $0x2  }
0x2d9: {  	vm11 =	vgt.s32 v4, $0x0  }
0x2da: {  	v3 =	vnsel vm11, $0xFFFFFFFF, v3  }
0x2db: {  	s30 =	rddreg [dreg:$0xe];
	[tilespmem:v2+s22+$0x0] =	vst.idx.msk $0xffff, v3  }
0x2dc: {  	[hbm4b:s30+s0] =	stream.linear.scatter [tilespmem:s17], [sflag:$0x4], $0x1000, $0x38;
	[tilespmem:$0xFC00] =	vst v63  }
0x2dd: {  	s30 =	rddreg [dreg:$0xf]  }
0x2de: {  	[hbm4b:s30+s0] =	stream.linear.scatter [tilespmem:s22], [sflag:$0x4], $0x1000, $0x38;
	[tilespmem:$0xFC00] =	vst v63  }
0x2df: {  	s30 =	rddreg [dreg:$0x10]  }
0x2e0: {  	[hbm4b:s30+s0] =	stream.linear.scatter [tilespmem:s18], [sflag:$0x4], $0x1000, $0x38;
	[tilespmem:$0xFC00] =	vst v63  }
0x2e1: {  	s30 =	simm.s32 $0x500  }
0x2e2: {  	_ =	swait.ge [sflag:s23], $0x1000;
	v2 =	vor.u32 s30, v1  }
0x2e3: {  	[sflag:s23] =	ssyncset.done $0x0;
	v3 =	vmulhi.u32 $0xCCCCCCCD, v2  }
0x2e4: {  	[sflag:s23] =	ssyncadd.s32 $0xFFFFF000  }
0x2e5: {  	_ =	swait.ge [sflag:s23], $0x1000;
	v3 =	vshrl.u32 v3, $0x3  }
0x2e6: {  	[sflag:s23] =	ssyncset.done $0x0;
	v4 =	vmul.u32 $0xFFFFFFF6, v3  }
0x2e7: {  	[sflag:s23] =	ssyncadd.s32 $0xFFFFF000  }
0x2e8: {  	_ =	swait.ge [sflag:s23], $0x1000;
	v2 =	vadd.s32 v2, v4  }
0x2e9: {  	v5 =	vshll.u32 v3, $0x7;
	[sflag:s23] =	ssyncset.done $0x0;
	v4 =	vand.u32 $0xFFFFFF80, v2  }
0x2ea: {  	v2 =	vand.u32 $0x7F, v2;
	[sflag:s23] =	ssyncadd.s32 $0xFFFFF000;
	v4 =	vadd.s32 v5, v4  }
0x2eb: {  	_ =	swait.ge [sflag:s12], $0x1000;
	v2 =	vor.u32 v2, v4  }
0x2ec: {  	[sflag:s12] =	ssyncset.done $0x0  }
0x2ed: {  	s29 =	simm.s32 $0x5800;
	s28 =	rddreg [dreg:$0x1a];
	[sflag:s12] =	ssyncadd.s32 $0xFFFFF000  }
0x2ee: {  	[tilespmem:s29], [sflag:$0x3] =	stream.linear.gather [hbm4b:s28+s0], $0x1000, $0x38;
	[tilespmem:$0xFC00] =	vst v63  }
0x2ef: {  	v4 =	vld.idx.msk [tilespmem:v3+s13+$0x0], $0xffff  }
0x2f0: {  	v5 =	vld.idx.msk [tilespmem:v2+s8+$0x0], $0xffff;
	_ =	sdelay $0x3  }
0x2f1: {  	s28 =	simm.s32 $0x510  }
0x2f2: {  	v6 =	vld.idx.msk [tilespmem:v3+s14+$0x0], $0xffff;
	v7 =	vor.u32 s28, v1;
	v4 =	vmul.f32 v5, v4  }
0x2f3: {  	v5 =	vmulhi.u32 $0xCCCCCCCD, v7  }
0x2f4: {  	v8 =	vld.idx.msk [tilespmem:v3+s9+$0x0], $0xffff;
	v4 =	vtrunc.f32 v4  }
0x2f5: {  	v5 =	vshrl.u32 v5, $0x3;
	v4 =	vcvt.f32.s32 v4  }
0x2f6: {  	v9 =	vmul.u32 $0xFFFFFFF6, v5  }
0x2f7: {  	vm12 =	vlt.s32 v4, v6  }
0x2f8: {  	v10 =	vld.idx.msk [tilespmem:v3+s15+$0x0], $0xffff;
	v2 =	vadd.s32 $0xFFFFC000, v2;
	v7 =	vadd.s32 v7, v9;
	v4 =	vsel vm12, v4, v6  }
0x2f9: {  	v3 =	vld.idx.msk [tilespmem:v3+s16+$0x0], $0xffff;
	s28 =	simm.s32 $0x0;
	v6 =	vshll.u32 v5, $0x7;
	v9 =	vand.u32 $0xFFFFFF80, v7;
	v4 =	vadd.s32 v8, v4  }
0x2fa: {  	s1 =	sand.u32 $0x780, s30;
	s28 =	sand.u32 $0x60, s28;
	v7 =	vand.u32 $0x7F, v7;
	v6 =	vadd.s32 v6, v9;
	vm13 =	vlt.s32 v4, $0x1869FF  }
0x2fb: {  	s1 =	sor.u32 s28, s1;
	v6 =	vor.u32 v7, v6;
	v4 =	vnsel vm13, $0x1869FF, v4  }
0x2fc: {  	[tilespmem:s1+$0x8800] =	vst v4  }
0x2fd: {  	[tilespmem:v2+s17+$0x0] =	vst.idx.msk $0xffff, v10  }
0x2fe: {  	[tilespmem:v2+s18+$0x0] =	vst.idx.msk $0xffff, v3  }
0x2ff: {  	v2 =	vld.idx.msk [tilespmem:v5+s13+$0x0], $0xffff  }
0x300: {  	v3 =	vld.idx.msk [tilespmem:v6+s8+$0x0], $0xffff;
	_ =	sdelay $0x4  }
0x301: {  	s30 =	simm.s32 $0x520;
	v4 =	vld.idx.msk [tilespmem:v5+s14+$0x0], $0xffff;
	v2 =	vmul.f32 v3, v2  }
0x302: {  	v3 =	vor.u32 s30, v1  }
0x303: {  	v7 =	vld.idx.msk [tilespmem:v5+s9+$0x0], $0xffff;
	v8 =	vmulhi.u32 $0xCCCCCCCD, v3;
	v2 =	vtrunc.f32 v2  }
0x304: {  	v62 =	vcvt.f32.s32 v2  }
0x305: {  	v2 =	vshrl.u32 v8, $0x3  }
0x306: {  	v8 =	vmul.u32 $0xFFFFFFF6, v2;
	vm14 =	vlt.s32 v62, v4  }
0x307: {  	v4 =	vsel vm14, v62, v4  }
0x308: {  	v6 =	vadd.s32 $0xFFFFC000, v6;
	v3 =	vadd.s32 v3, v8;
	v7 =	vadd.s32 v7, v4;
	v4 =	vld.idx.msk [tilespmem:v5+s15+$0x0], $0xffff  }
0x309: {  	v63 =	vshll.u32 v2, $0x7;
	v8 =	vand.u32 $0xFFFFFF80, v3;
	v5 =	vld.idx.msk [tilespmem:v5+s16+$0x0], $0xffff  }
0x30a: {  	v3 =	vand.u32 $0x7F, v3;
	vm15 =	vlt.s32 v7, $0x1869FF;
	v8 =	vadd.s32 v63, v8  }
0x30b: {  	s28 =	simm.s32 $0x8D10;
	v7 =	vnsel vm15, $0x1869FF, v7;
	v3 =	vor.u32 v3, v8  }
0x30c: {  	s31 =	sand.u32 $0x780, s30;
	s29 =	simm.s32 $0x530;
	s1 =	simm.s32 $0x2;
	[tilespmem:s28+$0x0] =	vst v7  }
.LBB2_16:
0x30d: {  	s1 =	sadd.s32 $0x2, s1;
	[tilespmem:v6+s17+$0x0] =	vst.idx.msk $0xffff, v4;
	s28 =	sadd.s32 $0x20, s28  }
0x30e: {  	p0 =	slt.u32 s1, $0x12;
	[tilespmem:v6+s18+$0x0] =	vst.idx.msk $0xffff, v5  }
0x30f: {  	v4 =	vld.idx.msk [tilespmem:v2+s13+$0x0], $0xffff  }
0x310: {  	v5 =	vld.idx.msk [tilespmem:v3+s8+$0x0], $0xffff;
	_ =	sdelay $0x4  }
0x311: {  	v7 =	vor.u32 s29, v1;
	v6 =	vld.idx.msk [tilespmem:v2+s14+$0x0], $0xffff  }
0x312: {  	v4 =	vmul.f32 v5, v4;
	v5 =	vmulhi.u32 $0xCCCCCCCD, v7  }
0x313: {  	v8 =	vld.idx.msk [tilespmem:v2+s9+$0x0], $0xffff  }
0x314: {  	v4 =	vtrunc.f32 v4;
	v5 =	vshrl.u32 v5, $0x3  }
0x315: {  	v4 =	vcvt.f32.s32 v4;
	v9 =	vmul.u32 $0xFFFFFFF6, v5;
	_ =	sdelay $0x1  }
0x316: {  	vm0 =	vlt.s32 v4, v6;
	v7 =	vadd.s32 v7, v9;
	v9 =	vshll.u32 v5, $0x7;
	v10 =	vld.idx.msk [tilespmem:v2+s15+$0x0], $0xffff  }
0x317: {  	v3 =	vadd.s32 $0xFFFFC000, v3;
	v4 =	vsel vm0, v4, v6;
	v6 =	vand.u32 $0xFFFFFF80, v7;
	v2 =	vld.idx.msk [tilespmem:v2+s16+$0x0], $0xffff  }
0x318: {  	s30 =	sadd.s32 $0xFFFFFAF0, s29;
	v7 =	vand.u32 $0x7F, v7;
	v4 =	vadd.s32 v8, v4;
	v6 =	vadd.s32 v9, v6  }
0x319: {  	s30 =	sand.u32 $0x60, s30;
	vm0 =	vlt.s32 v4, $0x1869FF;
	v6 =	vor.u32 v7, v6  }
0x31a: {  	s30 =	sor.u32 s30, s31;
	v4 =	vnsel vm0, $0x1869FF, v4  }
0x31b: {  	[tilespmem:s30+$0x8800] =	vst v4  }
0x31c: {  	[tilespmem:v3+s17+$0x0] =	vst.idx.msk $0xffff, v10  }
0x31d: {  	[tilespmem:v3+s18+$0x0] =	vst.idx.msk $0xffff, v2  }
0x31e: {  	v2 =	vld.idx.msk [tilespmem:v5+s13+$0x0], $0xffff  }
0x31f: {  	v3 =	vld.idx.msk [tilespmem:v6+s8+$0x0], $0xffff;
	_ =	sdelay $0x3  }
0x320: {  	s29 =	sadd.s32 $0x20, s29;
	v7 =	vld.idx.msk [tilespmem:v5+s14+$0x0], $0xffff  }
0x321: {  	s30 =	sadd.s32 $0xFFFFFFF0, s29  }
0x322: {  	v8 =	vor.u32 s30, v1;
	s31 =	sand.u32 $0x780, s30;
	v2 =	vmul.f32 v3, v2;
	v9 =	vld.idx.msk [tilespmem:v5+s9+$0x0], $0xffff  }
0x323: {  	v3 =	vmulhi.u32 $0xCCCCCCCD, v8  }
0x324: {  	v4 =	vtrunc.f32 v2  }
0x325: {  	v2 =	vshrl.u32 v3, $0x3;
	v3 =	vcvt.f32.s32 v4  }
0x326: {  	v10 =	vmul.u32 $0xFFFFFFF6, v2;
	v4 =	vld.idx.msk [tilespmem:v5+s15+$0x0], $0xffff  }
0x327: {  	v6 =	vadd.s32 $0xFFFFC000, v6;
	vm0 =	vlt.s32 v3, v7;
	v5 =	vld.idx.msk [tilespmem:v5+s16+$0x0], $0xffff  }
.Ltmp7:
0x328: {  	v8 =	vadd.s32 v8, v10;
	v3 =	vsel vm0, v3, v7;
	(pc) =	sbr.rel @p0 .LBB2_16-.Ltmp7, $4  }
0x329: {  	v10 =	vshll.u32 v2, $0x7;
	v7 =	vand.u32 $0xFFFFFF80, v8;
	v9 =	vadd.s32 v9, v3  }
0x32a: {  	v3 =	vand.u32 $0x7F, v8;
	v7 =	vadd.s32 v10, v7;
	vm0 =	vlt.s32 v9, $0x1869FF  }
0x32b: {  	v3 =	vor.u32 v3, v7;
	v7 =	vnsel vm0, $0x1869FF, v9  }
0x32c: {  	[tilespmem:s28+$0x0] =	vst v7  }
0x32d: {  	_ =	sdelay $0x3  }
0x32e: {  	[tilespmem:v6+s17+$0x0] =	vst.idx.msk $0xffff, v4  }
0x32f: {  	[tilespmem:v6+s18+$0x0] =	vst.idx.msk $0xffff, v5  }
0x330: {  	v4 =	vld.idx.msk [tilespmem:v2+s13+$0x0], $0xffff  }
0x331: {  	v5 =	vld.idx.msk [tilespmem:v3+s8+$0x0], $0xffff;
	_ =	sdelay $0x4  }
0x332: {  	v7 =	vor.u32 s29, v1;
	v6 =	vld.idx.msk [tilespmem:v2+s14+$0x0], $0xffff;
	v4 =	vmul.f32 v5, v4  }
0x333: {  	v5 =	vmulhi.u32 $0xCCCCCCCD, v7  }
0x334: {  	v8 =	vld.idx.msk [tilespmem:v2+s9+$0x0], $0xffff;
	v4 =	vtrunc.f32 v4  }
0x335: {  	v5 =	vshrl.u32 v5, $0x3;
	v4 =	vcvt.f32.s32 v4  }
0x336: {  	v9 =	vmul.u32 $0xFFFFFFF6, v5  }
0x337: {  	vm0 =	vlt.s32 v4, v6  }
0x338: {  	v10 =	vld.idx.msk [tilespmem:v2+s15+$0x0], $0xffff;
	v3 =	vadd.s32 $0xFFFFC000, v3;
	v7 =	vadd.s32 v7, v9;
	v4 =	vsel vm0, v4, v6  }
0x339: {  	s1 =	sadd.s32 $0xFFFFFAF0, s29;
	v2 =	vld.idx.msk [tilespmem:v2+s16+$0x0], $0xffff;
	v6 =	vshll.u32 v5, $0x7;
	v9 =	vand.u32 $0xFFFFFF80, v7;
	v4 =	vadd.s32 v8, v4  }
0x33a: {  	s1 =	sand.u32 $0x60, s1;
	v7 =	vand.u32 $0x7F, v7;
	v6 =	vadd.s32 v6, v9;
	vm11 =	vlt.s32 v4, $0x1869FF  }
0x33b: {  	s1 =	sor.u32 s1, s31;
	v6 =	vor.u32 v7, v6;
	v4 =	vnsel vm11, $0x1869FF, v4  }
0x33c: {  	[tilespmem:s1+$0x8800] =	vst v4  }
0x33d: {  	[tilespmem:v3+s17+$0x0] =	vst.idx.msk $0xffff, v10  }
0x33e: {  	[tilespmem:v3+s18+$0x0] =	vst.idx.msk $0xffff, v2  }
0x33f: {  	v2 =	vld.idx.msk [tilespmem:v5+s13+$0x0], $0xffff  }
0x340: {  	v3 =	vld.idx.msk [tilespmem:v6+s8+$0x0], $0xffff;
	_ =	sdelay $0x4  }
0x341: {  	v4 =	vld.idx.msk [tilespmem:v5+s14+$0x0], $0xffff;
	v2 =	vmul.f32 v3, v2;
	_ =	sdelay $0x1  }
0x342: {  	v3 =	vld.idx.msk [tilespmem:v5+s9+$0x0], $0xffff;
	v2 =	vtrunc.f32 v2  }
0x343: {  	v2 =	vcvt.f32.s32 v2;
	_ =	sdelay $0x1  }
0x344: {  	vm12 =	vlt.s32 v2, v4  }
0x345: {  	v7 =	vld.idx.msk [tilespmem:v5+s15+$0x0], $0xffff;
	v6 =	vadd.s32 $0xFFFFC000, v6;
	v2 =	vsel vm12, v2, v4  }
0x346: {  	v4 =	vld.idx.msk [tilespmem:v5+s16+$0x0], $0xffff;
	v2 =	vadd.s32 v3, v2  }
0x347: {  	s30 =	simm.s32 $0x3C0;
	vm13 =	vlt.s32 v2, $0x1869FF  }
0x348: {  	s28 =	sadd.s32 $0x20, s28;
	v3 =	vor.u32 s30, v1;
	v2 =	vnsel vm13, $0x1869FF, v2  }
0x349: {  	[tilespmem:s28+$0x0] =	vst v2;
	v2 =	vmulhi.u32 $0xCCCCCCCD, v3  }
0x34a: {  	[tilespmem:v6+s17+$0x0] =	vst.idx.msk $0xffff, v7  }
0x34b: {  	s31 =	simm.s32 $0x8D00;
	s28 =	simm.s32 $0x9700;
	[tilespmem:v6+s18+$0x0] =	vst.idx.msk $0xffff, v4;
	v2 =	vshrl.u32 v2, $0x3  }
0x34c: {  	[tilespmem:s28], [sflag:$0x1] =	stream.indirect.gather [hbm4b:s2+s19], $0x1, s31, s19, $0xb8;
	v4 =	vmul.u32 $0xFFFFFFF6, v2;
	[tilespmem:$0xFC00] =	vst v63  }
0x34d: {  	_ =	swait.ge [sflag:s11], $0x140  }
0x34e: {  	[sflag:s11] =	ssyncset.done $0x0;
	v3 =	vadd.s32 v3, v4  }
0x34f: {  	v5 =	vshll.u32 v2, $0x7;
	[sflag:s11] =	ssyncadd.s32 $0xFFFFFEC0;
	v4 =	vand.u32 $0xFFFFFF80, v3  }
0x350: {  	s1 =	simm.s32 $0x95D0;
	v3 =	vand.u32 $0x7F, v3;
	v2 =	vld.idx.msk [tilespmem:v2+s16+$0x0], $0xffff;
	v4 =	vadd.s32 v4, v5  }
0x351: {  	s28 =	simm.s32 $0x3D0;
	v6 =	vld [tilespmem:s1+$0xFFFFFFF0];
	v3 =	vor.u32 v3, v4  }
0x352: {  	v5 =	vor.u32 s28, v1;
	v3 =	vadd.s32 $0xFFFFD000, v3  }
0x353: {  	v4 =	vmulhi.u32 $0xCCCCCCCD, v5;
	_ =	sdelay $0x1  }
0x354: {  	v4 =	vshrl.u32 v4, $0x3;
	vm14 =	vgt.s32 v2, $0x0  }
0x355: {  	v2 =	vnsel vm14, $0xFFFFFFFF, v6  }
0x356: {  	[tilespmem:v3+s24+$0x0] =	vst.idx.msk $0xffff, v2;
	v2 =	vmul.u32 $0xFFFFFFF6, v4;
	_ =	sdelay $0x1  }
0x357: {  	v5 =	vadd.s32 v5, v2  }
0x358: {  	s28 =	simm.s32 $0x3E0;
	v3 =	vld.idx.msk [tilespmem:v4+s16+$0x0], $0xffff;
	v4 =	vshll.u32 v4, $0x7;
	v63 =	vand.u32 $0xFFFFFF80, v5  }
0x359: {  	v6 =	vor.u32 s28, v1;
	v5 =	vand.u32 $0x7F, v5;
	v4 =	vadd.s32 v63, v4  }
0x35a: {  	v7 =	vmulhi.u32 $0xCCCCCCCD, v6;
	v62 =	vld [tilespmem:s1+$0x0];
	v4 =	vor.u32 v5, v4  }
0x35b: {  	v4 =	vadd.s32 $0xFFFFD000, v4  }
0x35c: {  	v2 =	vshrl.u32 v7, $0x3  }
0x35d: {  	v7 =	vmul.u32 $0xFFFFFFF6, v2  }
0x35e: {  	vm15 =	vgt.s32 v3, $0x0  }
0x35f: {  	s29 =	simm.s32 $0x2;
	s28 =	simm.s32 $0x3F0;
	v3 =	vadd.s32 v6, v7;
	v5 =	vnsel vm15, $0xFFFFFFFF, v62  }
.LBB2_18:
0x360: {  	s29 =	sadd.s32 $0x2, s29;
	[tilespmem:v4+s24+$0x0] =	vst.idx.msk $0xffff, v5;
	s1 =	sadd.s32 $0x20, s1  }
0x361: {  	v5 =	vand.u32 $0xFFFFFF80, v3;
	p0 =	slt.u32 s29, $0x12;
	v4 =	vld.idx.msk [tilespmem:v2+s16+$0x0], $0xffff;
	v2 =	vshll.u32 v2, $0x7  }
0x362: {  	v3 =	vand.u32 $0x7F, v3;
	v2 =	vadd.s32 v5, v2;
	v5 =	vor.u32 s28, v1  }
0x363: {  	v6 =	vld [tilespmem:s1+$0xFFFFFFF0];
	v2 =	vor.u32 v3, v2;
	v3 =	vmulhi.u32 $0xCCCCCCCD, v5  }
0x364: {  	v2 =	vadd.s32 $0xFFFFD000, v2  }
0x365: {  	v3 =	vshrl.u32 v3, $0x3  }
0x366: {  	v7 =	vmul.u32 $0xFFFFFFF6, v3  }
0x367: {  	vm0 =	vgt.s32 v4, $0x0  }
0x368: {  	v4 =	vnsel vm0, $0xFFFFFFFF, v6;
	v5 =	vadd.s32 v5, v7  }
0x369: {  	s28 =	sadd.s32 $0x20, s28;
	[tilespmem:v2+s24+$0x0] =	vst.idx.msk $0xffff, v4;
	v2 =	vand.u32 $0xFFFFFF80, v5;
	v4 =	vshll.u32 v3, $0x7  }
0x36a: {  	s30 =	sadd.s32 $0xFFFFFFF0, s28;
	v5 =	vand.u32 $0x7F, v5;
	v3 =	vld.idx.msk [tilespmem:v3+s16+$0x0], $0xffff;
	v2 =	vadd.s32 v2, v4  }
0x36b: {  	v6 =	vor.u32 s30, v1;
	v2 =	vor.u32 v5, v2  }
0x36c: {  	v5 =	vmulhi.u32 $0xCCCCCCCD, v6;
	v7 =	vld [tilespmem:s1+$0x0]  }
.Ltmp8:
0x36d: {  	v4 =	vadd.s32 $0xFFFFD000, v2;
	(pc) =	sbr.rel @p0 .LBB2_18-.Ltmp8, $4  }
0x36e: {  	v2 =	vshrl.u32 v5, $0x3  }
0x36f: {  	v5 =	vmul.u32 $0xFFFFFFF6, v2  }
0x370: {  	vm0 =	vgt.s32 v3, $0x0  }
0x371: {  	v3 =	vadd.s32 v6, v5;
	v5 =	vnsel vm0, $0xFFFFFFFF, v7  }
0x372: {  	_ =	sdelay $0x3  }
0x373: {  	[tilespmem:v4+s24+$0x0] =	vst.idx.msk $0xffff, v5;
	v4 =	vand.u32 $0xFFFFFF80, v3;
	v5 =	vshll.u32 v2, $0x7  }
0x374: {  	s1 =	sadd.s32 $0x20, s1;
	v3 =	vand.u32 $0x7F, v3;
	v2 =	vld.idx.msk [tilespmem:v2+s16+$0x0], $0xffff;
	v4 =	vadd.s32 v4, v5;
	v5 =	vor.u32 s28, v1  }
0x375: {  	v6 =	vld [tilespmem:s1+$0xFFFFFFF0];
	v3 =	vor.u32 v3, v4;
	v4 =	vmulhi.u32 $0xCCCCCCCD, v5  }
0x376: {  	v3 =	vadd.s32 $0xFFFFD000, v3  }
0x377: {  	v4 =	vshrl.u32 v4, $0x3  }
0x378: {  	v7 =	vmul.u32 $0xFFFFFFF6, v4  }
0x379: {  	vm0 =	vgt.s32 v2, $0x0  }
0x37a: {  	v2 =	vnsel vm0, $0xFFFFFFFF, v6;
	v5 =	vadd.s32 v5, v7  }
0x37b: {  	[tilespmem:v3+s24+$0x0] =	vst.idx.msk $0xffff, v2;
	v2 =	vand.u32 $0xFFFFFF80, v5;
	v3 =	vshll.u32 v4, $0x7  }
0x37c: {  	v5 =	vand.u32 $0x7F, v5;
	v4 =	vld.idx.msk [tilespmem:v4+s16+$0x0], $0xffff;
	v2 =	vadd.s32 v2, v3  }
0x37d: {  	v3 =	vld [tilespmem:s1+$0x0];
	v2 =	vor.u32 v5, v2  }
0x37e: {  	v2 =	vadd.s32 $0xFFFFD000, v2;
	_ =	sdelay $0x2  }
0x37f: {  	vm11 =	vgt.s32 v4, $0x0  }
0x380: {  	v3 =	vnsel vm11, $0xFFFFFFFF, v3  }
0x381: {  	s31 =	rddreg [dreg:$0x11];
	[tilespmem:v2+s24+$0x0] =	vst.idx.msk $0xffff, v3  }
0x382: {  	[hbm4b:s31+s0] =	stream.linear.scatter [tilespmem:s20], [sflag:$0x5], $0x1000, $0x38;
	[tilespmem:$0xFC00] =	vst v63  }
0x383: {  	s30 =	rddreg [dreg:$0x12]  }
0x384: {  	[hbm4b:s30+s0] =	stream.linear.scatter [tilespmem:s24], [sflag:$0x5], $0x1000, $0x38;
	[tilespmem:$0xFC00] =	vst v63  }
0x385: {  	s31 =	rddreg [dreg:$0x13];
	s30 =	simm.s32 $0x640  }
0x386: {  	[hbm4b:s31+s0] =	stream.linear.scatter [tilespmem:s21], [sflag:$0x5], $0x1000, $0x38;
	[tilespmem:$0xFC00] =	vst v63  }
0x387: {  	v2 =	vor.u32 s30, v1;
	_ =	swait.ge [sflag:s25], $0x1000  }
0x388: {  	v3 =	vmulhi.u32 $0xCCCCCCCD, v2;
	[sflag:s25] =	ssyncset.done $0x0  }
0x389: {  	[sflag:s25] =	ssyncadd.s32 $0xFFFFF000  }
0x38a: {  	v3 =	vshrl.u32 v3, $0x3;
	_ =	swait.ge [sflag:s25], $0x1000  }
0x38b: {  	v4 =	vmul.u32 $0xFFFFFFF6, v3;
	[sflag:s25] =	ssyncset.done $0x0  }
0x38c: {  	[sflag:s25] =	ssyncadd.s32 $0xFFFFF000  }
0x38d: {  	v2 =	vadd.s32 v2, v4;
	_ =	swait.ge [sflag:s25], $0x1000  }
0x38e: {  	v5 =	vshll.u32 v3, $0x7;
	v4 =	vand.u32 $0xFFFFFF80, v2;
	[sflag:s25] =	ssyncset.done $0x0  }
0x38f: {  	v2 =	vand.u32 $0x7F, v2;
	v4 =	vadd.s32 v5, v4;
	[sflag:s25] =	ssyncadd.s32 $0xFFFFF000  }
0x390: {  	v2 =	vor.u32 v2, v4;
	_ =	swait.ge [sflag:s12], $0x1000  }
0x391: {  	[sflag:s12] =	ssyncset.done $0x0  }
0x392: {  	s28 =	simm.s32 $0x6800;
	s31 =	rddreg [dreg:$0x1b];
	[sflag:s12] =	ssyncadd.s32 $0xFFFFF000  }
0x393: {  	[tilespmem:s28], [sflag:$0x3] =	stream.linear.gather [hbm4b:s31+s0], $0x1000, $0x38;
	[tilespmem:$0xFC00] =	vst v63  }
0x394: {  	v4 =	vld.idx.msk [tilespmem:v3+s13+$0x0], $0xffff  }
0x395: {  	v5 =	vld.idx.msk [tilespmem:v2+s8+$0x0], $0xffff;
	_ =	sdelay $0x3  }
0x396: {  	s30 =	simm.s32 $0x650  }
0x397: {  	v7 =	vor.u32 s30, v1;
	v6 =	vld.idx.msk [tilespmem:v3+s14+$0x0], $0xffff;
	v4 =	vmul.f32 v5, v4  }
0x398: {  	v5 =	vmulhi.u32 $0xCCCCCCCD, v7  }
0x399: {  	v8 =	vld.idx.msk [tilespmem:v3+s9+$0x0], $0xffff;
	v4 =	vtrunc.f32 v4  }
0x39a: {  	v5 =	vshrl.u32 v5, $0x3;
	v4 =	vcvt.f32.s32 v4  }
0x39b: {  	v9 =	vmul.u32 $0xFFFFFFF6, v5  }
0x39c: {  	vm12 =	vlt.s32 v4, v6  }
0x39d: {  	v10 =	vld.idx.msk [tilespmem:v3+s15+$0x0], $0xffff;
	v2 =	vadd.s32 $0xFFFFB000, v2;
	v7 =	vadd.s32 v7, v9;
	v4 =	vsel vm12, v4, v6  }
0x39e: {  	v3 =	vld.idx.msk [tilespmem:v3+s16+$0x0], $0xffff;
	v6 =	vshll.u32 v5, $0x7;
	v9 =	vand.u32 $0xFFFFFF80, v7;
	v4 =	vadd.s32 v8, v4  }
0x39f: {  	v7 =	vand.u32 $0x7F, v7;
	v6 =	vadd.s32 v6, v9;
	vm13 =	vlt.s32 v4, $0x1869FF  }
0x3a0: {  	s28 =	simm.s32 $0x8E50;
	v6 =	vor.u32 v7, v6;
	v4 =	vnsel vm13, $0x1869FF, v4  }
0x3a1: {  	[tilespmem:s28+$0xFFFFFFF0] =	vst v4  }
0x3a2: {  	[tilespmem:v2+s20+$0x0] =	vst.idx.msk $0xffff, v10  }
0x3a3: {  	[tilespmem:v2+s21+$0x0] =	vst.idx.msk $0xffff, v3  }
0x3a4: {  	v2 =	vld.idx.msk [tilespmem:v5+s13+$0x0], $0xffff  }
0x3a5: {  	v3 =	vld.idx.msk [tilespmem:v6+s8+$0x0], $0xffff;
	_ =	sdelay $0x4  }
0x3a6: {  	s31 =	simm.s32 $0x660;
	v4 =	vld.idx.msk [tilespmem:v5+s14+$0x0], $0xffff;
	v2 =	vmul.f32 v3, v2  }
0x3a7: {  	v3 =	vor.u32 s31, v1  }
0x3a8: {  	v7 =	vld.idx.msk [tilespmem:v5+s9+$0x0], $0xffff;
	v8 =	vmulhi.u32 $0xCCCCCCCD, v3;
	v2 =	vtrunc.f32 v2  }
0x3a9: {  	v62 =	vcvt.f32.s32 v2  }
0x3aa: {  	v2 =	vshrl.u32 v8, $0x3  }
0x3ab: {  	v8 =	vmul.u32 $0xFFFFFFF6, v2;
	vm14 =	vlt.s32 v62, v4  }
0x3ac: {  	v4 =	vsel vm14, v62, v4  }
0x3ad: {  	v6 =	vadd.s32 $0xFFFFB000, v6;
	v3 =	vadd.s32 v3, v8;
	v7 =	vadd.s32 v7, v4;
	v4 =	vld.idx.msk [tilespmem:v5+s15+$0x0], $0xffff  }
0x3ae: {  	v63 =	vshll.u32 v2, $0x7;
	v8 =	vand.u32 $0xFFFFFF80, v3;
	v5 =	vld.idx.msk [tilespmem:v5+s16+$0x0], $0xffff  }
0x3af: {  	v3 =	vand.u32 $0x7F, v3;
	vm15 =	vlt.s32 v7, $0x1869FF;
	v8 =	vadd.s32 v63, v8  }
0x3b0: {  	v7 =	vnsel vm15, $0x1869FF, v7;
	v3 =	vor.u32 v3, v8  }
0x3b1: {  	s29 =	simm.s32 $0x670;
	s1 =	simm.s32 $0x2;
	[tilespmem:s28+$0x0] =	vst v7  }
.LBB2_20:
0x3b2: {  	s1 =	sadd.s32 $0x2, s1;
	[tilespmem:v6+s20+$0x0] =	vst.idx.msk $0xffff, v4;
	s28 =	sadd.s32 $0x20, s28  }
0x3b3: {  	p0 =	slt.u32 s1, $0x12;
	[tilespmem:v6+s21+$0x0] =	vst.idx.msk $0xffff, v5  }
0x3b4: {  	v4 =	vld.idx.msk [tilespmem:v2+s13+$0x0], $0xffff  }
0x3b5: {  	v5 =	vld.idx.msk [tilespmem:v3+s8+$0x0], $0xffff;
	_ =	sdelay $0x4  }
0x3b6: {  	v7 =	vor.u32 s29, v1;
	v6 =	vld.idx.msk [tilespmem:v2+s14+$0x0], $0xffff  }
0x3b7: {  	v4 =	vmul.f32 v5, v4;
	v5 =	vmulhi.u32 $0xCCCCCCCD, v7  }
0x3b8: {  	v8 =	vld.idx.msk [tilespmem:v2+s9+$0x0], $0xffff  }
0x3b9: {  	v4 =	vtrunc.f32 v4;
	v5 =	vshrl.u32 v5, $0x3  }
0x3ba: {  	v4 =	vcvt.f32.s32 v4;
	v9 =	vmul.u32 $0xFFFFFFF6, v5;
	_ =	sdelay $0x1  }
0x3bb: {  	vm0 =	vlt.s32 v4, v6;
	v7 =	vadd.s32 v7, v9;
	v9 =	vshll.u32 v5, $0x7;
	v10 =	vld.idx.msk [tilespmem:v2+s15+$0x0], $0xffff  }
0x3bc: {  	v3 =	vadd.s32 $0xFFFFB000, v3;
	v4 =	vsel vm0, v4, v6;
	v6 =	vand.u32 $0xFFFFFF80, v7;
	v2 =	vld.idx.msk [tilespmem:v2+s16+$0x0], $0xffff  }
0x3bd: {  	v7 =	vand.u32 $0x7F, v7;
	v4 =	vadd.s32 v8, v4;
	v6 =	vadd.s32 v9, v6  }
0x3be: {  	vm0 =	vlt.s32 v4, $0x1869FF;
	v6 =	vor.u32 v7, v6  }
0x3bf: {  	v4 =	vnsel vm0, $0x1869FF, v4  }
0x3c0: {  	[tilespmem:s28+$0xFFFFFFF0] =	vst v4  }
0x3c1: {  	[tilespmem:v3+s20+$0x0] =	vst.idx.msk $0xffff, v10  }
0x3c2: {  	[tilespmem:v3+s21+$0x0] =	vst.idx.msk $0xffff, v2  }
0x3c3: {  	v2 =	vld.idx.msk [tilespmem:v5+s13+$0x0], $0xffff  }
0x3c4: {  	v3 =	vld.idx.msk [tilespmem:v6+s8+$0x0], $0xffff;
	_ =	sdelay $0x3  }
0x3c5: {  	s29 =	sadd.s32 $0x20, s29;
	v7 =	vld.idx.msk [tilespmem:v5+s14+$0x0], $0xffff  }
0x3c6: {  	s30 =	sadd.s32 $0xFFFFFFF0, s29  }
0x3c7: {  	v8 =	vor.u32 s30, v1;
	v2 =	vmul.f32 v3, v2;
	v9 =	vld.idx.msk [tilespmem:v5+s9+$0x0], $0xffff  }
0x3c8: {  	v3 =	vmulhi.u32 $0xCCCCCCCD, v8  }
0x3c9: {  	v4 =	vtrunc.f32 v2  }
0x3ca: {  	v2 =	vshrl.u32 v3, $0x3;
	v3 =	vcvt.f32.s32 v4  }
0x3cb: {  	v10 =	vmul.u32 $0xFFFFFFF6, v2;
	v4 =	vld.idx.msk [tilespmem:v5+s15+$0x0], $0xffff  }
0x3cc: {  	v6 =	vadd.s32 $0xFFFFB000, v6;
	vm0 =	vlt.s32 v3, v7;
	v5 =	vld.idx.msk [tilespmem:v5+s16+$0x0], $0xffff  }
.Ltmp9:
0x3cd: {  	v8 =	vadd.s32 v8, v10;
	v3 =	vsel vm0, v3, v7;
	(pc) =	sbr.rel @p0 .LBB2_20-.Ltmp9, $4  }
0x3ce: {  	v10 =	vshll.u32 v2, $0x7;
	v7 =	vand.u32 $0xFFFFFF80, v8;
	v9 =	vadd.s32 v9, v3  }
0x3cf: {  	v3 =	vand.u32 $0x7F, v8;
	v7 =	vadd.s32 v10, v7;
	vm0 =	vlt.s32 v9, $0x1869FF  }
0x3d0: {  	v3 =	vor.u32 v3, v7;
	v7 =	vnsel vm0, $0x1869FF, v9  }
0x3d1: {  	[tilespmem:s28+$0x0] =	vst v7  }
0x3d2: {  	_ =	sdelay $0x3  }
0x3d3: {  	[tilespmem:v6+s20+$0x0] =	vst.idx.msk $0xffff, v4  }
0x3d4: {  	[tilespmem:v6+s21+$0x0] =	vst.idx.msk $0xffff, v5  }
0x3d5: {  	v4 =	vld.idx.msk [tilespmem:v2+s13+$0x0], $0xffff  }
0x3d6: {  	v5 =	vld.idx.msk [tilespmem:v3+s8+$0x0], $0xffff;
	_ =	sdelay $0x4  }
0x3d7: {  	v7 =	vor.u32 s29, v1;
	v6 =	vld.idx.msk [tilespmem:v2+s14+$0x0], $0xffff;
	v4 =	vmul.f32 v5, v4  }
0x3d8: {  	v5 =	vmulhi.u32 $0xCCCCCCCD, v7  }
0x3d9: {  	v8 =	vld.idx.msk [tilespmem:v2+s9+$0x0], $0xffff;
	v4 =	vtrunc.f32 v4  }
0x3da: {  	v5 =	vshrl.u32 v5, $0x3;
	v4 =	vcvt.f32.s32 v4  }
0x3db: {  	v9 =	vmul.u32 $0xFFFFFFF6, v5  }
0x3dc: {  	vm0 =	vlt.s32 v4, v6  }
0x3dd: {  	v10 =	vld.idx.msk [tilespmem:v2+s15+$0x0], $0xffff;
	v3 =	vadd.s32 $0xFFFFB000, v3;
	v7 =	vadd.s32 v7, v9;
	v4 =	vsel vm0, v4, v6  }
0x3de: {  	v2 =	vld.idx.msk [tilespmem:v2+s16+$0x0], $0xffff;
	v6 =	vshll.u32 v5, $0x7;
	v9 =	vand.u32 $0xFFFFFF80, v7;
	v4 =	vadd.s32 v8, v4  }
0x3df: {  	v7 =	vand.u32 $0x7F, v7;
	v6 =	vadd.s32 v6, v9;
	vm11 =	vlt.s32 v4, $0x1869FF  }
0x3e0: {  	s1 =	sadd.s32 $0x20, s28;
	v6 =	vor.u32 v7, v6;
	v4 =	vnsel vm11, $0x1869FF, v4  }
0x3e1: {  	[tilespmem:s1+$0xFFFFFFF0] =	vst v4  }
0x3e2: {  	[tilespmem:v3+s20+$0x0] =	vst.idx.msk $0xffff, v10  }
0x3e3: {  	[tilespmem:v3+s21+$0x0] =	vst.idx.msk $0xffff, v2  }
0x3e4: {  	v2 =	vld.idx.msk [tilespmem:v5+s13+$0x0], $0xffff  }
0x3e5: {  	v3 =	vld.idx.msk [tilespmem:v6+s8+$0x0], $0xffff;
	_ =	sdelay $0x4  }
0x3e6: {  	v4 =	vld.idx.msk [tilespmem:v5+s14+$0x0], $0xffff;
	v2 =	vmul.f32 v3, v2;
	_ =	sdelay $0x1  }
0x3e7: {  	v3 =	vld.idx.msk [tilespmem:v5+s9+$0x0], $0xffff;
	v2 =	vtrunc.f32 v2  }
0x3e8: {  	v2 =	vcvt.f32.s32 v2;
	_ =	sdelay $0x1  }
0x3e9: {  	vm12 =	vlt.s32 v2, v4  }
0x3ea: {  	v2 =	vsel vm12, v2, v4  }
0x3eb: {  	v7 =	vld.idx.msk [tilespmem:v5+s15+$0x0], $0xffff;
	v6 =	vadd.s32 $0xFFFFB000, v6;
	v2 =	vadd.s32 v3, v2  }
0x3ec: {  	v4 =	vld.idx.msk [tilespmem:v5+s16+$0x0], $0xffff;
	vm13 =	vlt.s32 v2, $0x1869FF  }
0x3ed: {  	s28 =	simm.s32 $0x500;
	v2 =	vnsel vm13, $0x1869FF, v2  }
0x3ee: {  	[tilespmem:s1+$0x0] =	vst v2;
	v2 =	vor.u32 s28, v1  }
0x3ef: {  	v3 =	vmulhi.u32 $0xCCCCCCCD, v2  }
0x3f0: {  	[tilespmem:v6+s20+$0x0] =	vst.idx.msk $0xffff, v7  }
0x3f1: {  	s30 =	simm.s32 $0x8E40;
	s29 =	simm.s32 $0x9840;
	[tilespmem:v6+s21+$0x0] =	vst.idx.msk $0xffff, v4;
	v3 =	vshrl.u32 v3, $0x3  }
0x3f2: {  	[tilespmem:s29], [sflag:$0x2] =	stream.indirect.gather [hbm4b:s2+s19], $0x1, s30, s19, $0xb8;
	v4 =	vmul.u32 $0xFFFFFFF6, v3;
	[tilespmem:$0xFC00] =	vst v63  }
0x3f3: {  	_ =	swait.ge [sflag:s10], $0x140  }
0x3f4: {  	s30 =	simm.s32 $0x0;
	[sflag:s10] =	ssyncset.done $0x0;
	v2 =	vadd.s32 v2, v4  }
0x3f5: {  	s28 =	sand.u32 $0x780, s28;
	s1 =	sand.u32 $0x60, s30;
	v5 =	vshll.u32 v3, $0x7;
	[sflag:s10] =	ssyncadd.s32 $0xFFFFFEC0;
	v4 =	vand.u32 $0xFFFFFF80, v2  }
0x3f6: {  	s1 =	sor.u32 s1, s28;
	v2 =	vand.u32 $0x7F, v2;
	v3 =	vld.idx.msk [tilespmem:v3+s16+$0x0], $0xffff;
	v4 =	vadd.s32 v4, v5  }
0x3f7: {  	s29 =	simm.s32 $0x510;
	v6 =	vld [tilespmem:s1+$0x9200];
	v2 =	vor.u32 v2, v4  }
0x3f8: {  	v5 =	vor.u32 s29, v1;
	v2 =	vadd.s32 $0xFFFFC000, v2  }
0x3f9: {  	v4 =	vmulhi.u32 $0xCCCCCCCD, v5;
	_ =	sdelay $0x1  }
0x3fa: {  	v4 =	vshrl.u32 v4, $0x3;
	vm14 =	vgt.s32 v3, $0x0  }
0x3fb: {  	v3 =	vnsel vm14, $0xFFFFFFFF, v6  }
0x3fc: {  	[tilespmem:v2+s22+$0x0] =	vst.idx.msk $0xffff, v3;
	v2 =	vmul.u32 $0xFFFFFFF6, v4;
	_ =	sdelay $0x1  }
0x3fd: {  	v5 =	vadd.s32 v5, v2  }
0x3fe: {  	s30 =	simm.s32 $0x520;
	v3 =	vld.idx.msk [tilespmem:v4+s16+$0x0], $0xffff;
	v4 =	vshll.u32 v4, $0x7;
	v63 =	vand.u32 $0xFFFFFF80, v5  }
0x3ff: {  	s1 =	simm.s32 $0x9710;
	v6 =	vor.u32 s30, v1;
	v5 =	vand.u32 $0x7F, v5;
	v4 =	vadd.s32 v63, v4  }
0x400: {  	v7 =	vmulhi.u32 $0xCCCCCCCD, v6;
	v62 =	vld [tilespmem:s1+$0x0];
	v4 =	vor.u32 v5, v4  }
0x401: {  	v4 =	vadd.s32 $0xFFFFC000, v4  }
0x402: {  	v2 =	vshrl.u32 v7, $0x3  }
0x403: {  	v7 =	vmul.u32 $0xFFFFFFF6, v2  }
0x404: {  	vm15 =	vgt.s32 v3, $0x0  }
0x405: {  	s28 =	simm.s32 $0x530;
	s31 =	sand.u32 $0x780, s30;
	s29 =	simm.s32 $0x2;
	v3 =	vadd.s32 v6, v7;
	v5 =	vnsel vm15, $0xFFFFFFFF, v62  }
.LBB2_22:
0x406: {  	s29 =	sadd.s32 $0x2, s29;
	s30 =	sadd.s32 $0xFFFFFAF0, s28;
	[tilespmem:v4+s22+$0x0] =	vst.idx.msk $0xffff, v5;
	s1 =	sadd.s32 $0x20, s1  }
0x407: {  	v5 =	vand.u32 $0xFFFFFF80, v3;
	p0 =	slt.u32 s29, $0x12;
	v4 =	vld.idx.msk [tilespmem:v2+s16+$0x0], $0xffff;
	s30 =	sand.u32 $0x60, s30;
	v2 =	vshll.u32 v2, $0x7  }
0x408: {  	v3 =	vand.u32 $0x7F, v3;
	s30 =	sor.u32 s30, s31;
	v2 =	vadd.s32 v5, v2;
	v5 =	vor.u32 s28, v1  }
0x409: {  	v6 =	vld [tilespmem:s30+$0x9200];
	v2 =	vor.u32 v3, v2;
	v3 =	vmulhi.u32 $0xCCCCCCCD, v5  }
0x40a: {  	v2 =	vadd.s32 $0xFFFFC000, v2  }
0x40b: {  	v3 =	vshrl.u32 v3, $0x3  }
0x40c: {  	v7 =	vmul.u32 $0xFFFFFFF6, v3  }
0x40d: {  	vm0 =	vgt.s32 v4, $0x0  }
0x40e: {  	v4 =	vnsel vm0, $0xFFFFFFFF, v6;
	v5 =	vadd.s32 v5, v7  }
0x40f: {  	s28 =	sadd.s32 $0x20, s28;
	[tilespmem:v2+s22+$0x0] =	vst.idx.msk $0xffff, v4;
	v2 =	vand.u32 $0xFFFFFF80, v5;
	v4 =	vshll.u32 v3, $0x7  }
0x410: {  	s30 =	sadd.s32 $0xFFFFFFF0, s28;
	v5 =	vand.u32 $0x7F, v5;
	v3 =	vld.idx.msk [tilespmem:v3+s16+$0x0], $0xffff;
	v2 =	vadd.s32 v2, v4  }
0x411: {  	s31 =	sand.u32 $0x780, s30;
	v6 =	vor.u32 s30, v1;
	v2 =	vor.u32 v5, v2  }
0x412: {  	v5 =	vmulhi.u32 $0xCCCCCCCD, v6;
	v7 =	vld [tilespmem:s1+$0x0]  }
.Ltmp10:
0x413: {  	v4 =	vadd.s32 $0xFFFFC000, v2;
	(pc) =	sbr.rel @p0 .LBB2_22-.Ltmp10, $4  }
0x414: {  	v2 =	vshrl.u32 v5, $0x3  }
0x415: {  	v5 =	vmul.u32 $0xFFFFFFF6, v2  }
0x416: {  	vm0 =	vgt.s32 v3, $0x0  }
0x417: {  	v3 =	vadd.s32 v6, v5;
	v5 =	vnsel vm0, $0xFFFFFFFF, v7  }
0x418: {  	_ =	sdelay $0x2  }
0x419: {  	s29 =	sadd.s32 $0xFFFFFAF0, s28  }
0x41a: {  	[tilespmem:v4+s22+$0x0] =	vst.idx.msk $0xffff, v5;
	v4 =	vand.u32 $0xFFFFFF80, v3;
	v5 =	vshll.u32 v2, $0x7;
	s29 =	sand.u32 $0x60, s29  }
0x41b: {  	v3 =	vand.u32 $0x7F, v3;
	v2 =	vld.idx.msk [tilespmem:v2+s16+$0x0], $0xffff;
	v4 =	vadd.s32 v4, v5;
	v5 =	vor.u32 s28, v1;
	s29 =	sor.u32 s29, s31  }
0x41c: {  	v3 =	vor.u32 v3, v4;
	v4 =	vmulhi.u32 $0xCCCCCCCD, v5;
	v6 =	vld [tilespmem:s29+$0x9200]  }
0x41d: {  	v3 =	vadd.s32 $0xFFFFC000, v3  }
0x41e: {  	v4 =	vshrl.u32 v4, $0x3  }
0x41f: {  	v7 =	vmul.u32 $0xFFFFFFF6, v4  }
0x420: {  	vm0 =	vgt.s32 v2, $0x0  }
0x421: {  	v5 =	vadd.s32 v5, v7;
	v2 =	vnsel vm0, $0xFFFFFFFF, v6  }
0x422: {  	[tilespmem:v3+s22+$0x0] =	vst.idx.msk $0xffff, v2;
	v2 =	vand.u32 $0xFFFFFF80, v5;
	v3 =	vshll.u32 v4, $0x7  }
0x423: {  	s1 =	sadd.s32 $0x20, s1;
	v5 =	vand.u32 $0x7F, v5;
	v4 =	vld.idx.msk [tilespmem:v4+s16+$0x0], $0xffff;
	v2 =	vadd.s32 v2, v3  }
0x424: {  	v3 =	vld [tilespmem:s1+$0x0];
	v2 =	vor.u32 v5, v2  }
0x425: {  	v2 =	vadd.s32 $0xFFFFC000, v2;
	_ =	sdelay $0x2  }
0x426: {  	vm11 =	vgt.s32 v4, $0x0  }
0x427: {  	v3 =	vnsel vm11, $0xFFFFFFFF, v3  }
0x428: {  	s30 =	rddreg [dreg:$0x14];
	[tilespmem:v2+s22+$0x0] =	vst.idx.msk $0xffff, v3  }
0x429: {  	[hbm4b:s30+s0] =	stream.linear.scatter [tilespmem:s17], [sflag:$0x4], $0x1000, $0x38;
	[tilespmem:$0xFC00] =	vst v63  }
0x42a: {  	s30 =	rddreg [dreg:$0x15]  }
0x42b: {  	[hbm4b:s30+s0] =	stream.linear.scatter [tilespmem:s22], [sflag:$0x4], $0x1000, $0x38;
	[tilespmem:$0xFC00] =	vst v63  }
0x42c: {  	s30 =	rddreg [dreg:$0x16]  }
0x42d: {  	[hbm4b:s30+s0] =	stream.linear.scatter [tilespmem:s18], [sflag:$0x4], $0x1000, $0x38;
	[tilespmem:$0xFC00] =	vst v63  }
0x42e: {  	s30 =	simm.s32 $0x780  }
0x42f: {  	_ =	swait.ge [sflag:s23], $0x1000;
	v2 =	vor.u32 s30, v1  }
0x430: {  	[sflag:s23] =	ssyncset.done $0x0;
	v3 =	vmulhi.u32 $0xCCCCCCCD, v2  }
0x431: {  	[sflag:s23] =	ssyncadd.s32 $0xFFFFF000  }
0x432: {  	_ =	swait.ge [sflag:s23], $0x1000;
	v3 =	vshrl.u32 v3, $0x3  }
0x433: {  	[sflag:s23] =	ssyncset.done $0x0;
	v4 =	vmul.u32 $0xFFFFFFF6, v3  }
0x434: {  	[sflag:s23] =	ssyncadd.s32 $0xFFFFF000  }
0x435: {  	_ =	swait.ge [sflag:s23], $0x1000;
	v2 =	vadd.s32 v2, v4  }
0x436: {  	v5 =	vshll.u32 v3, $0x7;
	[sflag:s23] =	ssyncset.done $0x0;
	v4 =	vand.u32 $0xFFFFFF80, v2  }
0x437: {  	v2 =	vand.u32 $0x7F, v2;
	[sflag:s23] =	ssyncadd.s32 $0xFFFFF000;
	v4 =	vadd.s32 v5, v4  }
0x438: {  	_ =	swait.ge [sflag:s12], $0x1000;
	v2 =	vor.u32 v2, v4  }
0x439: {  	[sflag:s12] =	ssyncset.done $0x0  }
0x43a: {  	s29 =	simm.s32 $0x7800;
	s28 =	rddreg [dreg:$0x1c];
	[sflag:s12] =	ssyncadd.s32 $0xFFFFF000  }
0x43b: {  	[tilespmem:s29], [sflag:$0x3] =	stream.linear.gather [hbm4b:s28+s0], $0x1000, $0x38;
	[tilespmem:$0xFC00] =	vst v63  }
0x43c: {  	v4 =	vld.idx.msk [tilespmem:v3+s13+$0x0], $0xffff  }
0x43d: {  	v5 =	vld.idx.msk [tilespmem:v2+s8+$0x0], $0xffff;
	_ =	sdelay $0x3  }
0x43e: {  	s28 =	simm.s32 $0x790  }
0x43f: {  	v6 =	vld.idx.msk [tilespmem:v3+s14+$0x0], $0xffff;
	v7 =	vor.u32 s28, v1;
	v4 =	vmul.f32 v5, v4  }
0x440: {  	v5 =	vmulhi.u32 $0xCCCCCCCD, v7  }
0x441: {  	v8 =	vld.idx.msk [tilespmem:v3+s9+$0x0], $0xffff;
	v4 =	vtrunc.f32 v4  }
0x442: {  	v5 =	vshrl.u32 v5, $0x3;
	v4 =	vcvt.f32.s32 v4  }
0x443: {  	v9 =	vmul.u32 $0xFFFFFFF6, v5  }
0x444: {  	vm12 =	vlt.s32 v4, v6  }
0x445: {  	v10 =	vld.idx.msk [tilespmem:v3+s15+$0x0], $0xffff;
	v2 =	vadd.s32 $0xFFFFA000, v2;
	v7 =	vadd.s32 v7, v9;
	v4 =	vsel vm12, v4, v6  }
0x446: {  	v3 =	vld.idx.msk [tilespmem:v3+s16+$0x0], $0xffff;
	s28 =	simm.s32 $0x0;
	v6 =	vshll.u32 v5, $0x7;
	v9 =	vand.u32 $0xFFFFFF80, v7;
	v4 =	vadd.s32 v8, v4  }
0x447: {  	s1 =	sand.u32 $0xF80, s30;
	s28 =	sand.u32 $0x60, s28;
	v7 =	vand.u32 $0x7F, v7;
	v6 =	vadd.s32 v6, v9;
	vm13 =	vlt.s32 v4, $0x1869FF  }
0x448: {  	s1 =	sor.u32 s28, s1;
	v6 =	vor.u32 v7, v6;
	v4 =	vnsel vm13, $0x1869FF, v4  }
0x449: {  	[tilespmem:s1+$0x8800] =	vst v4  }
0x44a: {  	[tilespmem:v2+s17+$0x0] =	vst.idx.msk $0xffff, v10  }
0x44b: {  	[tilespmem:v2+s18+$0x0] =	vst.idx.msk $0xffff, v3  }
0x44c: {  	v2 =	vld.idx.msk [tilespmem:v5+s13+$0x0], $0xffff  }
0x44d: {  	v3 =	vld.idx.msk [tilespmem:v6+s8+$0x0], $0xffff;
	_ =	sdelay $0x4  }
0x44e: {  	s30 =	simm.s32 $0x7A0;
	v4 =	vld.idx.msk [tilespmem:v5+s14+$0x0], $0xffff;
	v2 =	vmul.f32 v3, v2  }
0x44f: {  	v3 =	vor.u32 s30, v1  }
0x450: {  	v7 =	vld.idx.msk [tilespmem:v5+s9+$0x0], $0xffff;
	v8 =	vmulhi.u32 $0xCCCCCCCD, v3;
	v2 =	vtrunc.f32 v2  }
0x451: {  	v62 =	vcvt.f32.s32 v2  }
0x452: {  	v2 =	vshrl.u32 v8, $0x3  }
0x453: {  	v8 =	vmul.u32 $0xFFFFFFF6, v2;
	vm14 =	vlt.s32 v62, v4  }
0x454: {  	v4 =	vsel vm14, v62, v4  }
0x455: {  	v6 =	vadd.s32 $0xFFFFA000, v6;
	v3 =	vadd.s32 v3, v8;
	v7 =	vadd.s32 v7, v4;
	v4 =	vld.idx.msk [tilespmem:v5+s15+$0x0], $0xffff  }
0x456: {  	v63 =	vshll.u32 v2, $0x7;
	v8 =	vand.u32 $0xFFFFFF80, v3;
	v5 =	vld.idx.msk [tilespmem:v5+s16+$0x0], $0xffff  }
0x457: {  	v3 =	vand.u32 $0x7F, v3;
	vm15 =	vlt.s32 v7, $0x1869FF;
	v8 =	vadd.s32 v63, v8  }
0x458: {  	s28 =	simm.s32 $0x8F90;
	v7 =	vnsel vm15, $0x1869FF, v7;
	v3 =	vor.u32 v3, v8  }
0x459: {  	s31 =	sand.u32 $0xF80, s30;
	s29 =	simm.s32 $0x7B0;
	s1 =	simm.s32 $0x2;
	[tilespmem:s28+$0x0] =	vst v7  }
.LBB2_24:
0x45a: {  	s1 =	sadd.s32 $0x2, s1;
	[tilespmem:v6+s17+$0x0] =	vst.idx.msk $0xffff, v4;
	s28 =	sadd.s32 $0x20, s28  }
0x45b: {  	p0 =	slt.u32 s1, $0x12;
	[tilespmem:v6+s18+$0x0] =	vst.idx.msk $0xffff, v5  }
0x45c: {  	v4 =	vld.idx.msk [tilespmem:v2+s13+$0x0], $0xffff  }
0x45d: {  	v5 =	vld.idx.msk [tilespmem:v3+s8+$0x0], $0xffff;
	_ =	sdelay $0x4  }
0x45e: {  	v7 =	vor.u32 s29, v1;
	v6 =	vld.idx.msk [tilespmem:v2+s14+$0x0], $0xffff  }
0x45f: {  	v4 =	vmul.f32 v5, v4;
	v5 =	vmulhi.u32 $0xCCCCCCCD, v7  }
0x460: {  	v8 =	vld.idx.msk [tilespmem:v2+s9+$0x0], $0xffff  }
0x461: {  	v4 =	vtrunc.f32 v4;
	v5 =	vshrl.u32 v5, $0x3  }
0x462: {  	v4 =	vcvt.f32.s32 v4;
	v9 =	vmul.u32 $0xFFFFFFF6, v5;
	_ =	sdelay $0x1  }
0x463: {  	vm0 =	vlt.s32 v4, v6;
	v7 =	vadd.s32 v7, v9;
	v9 =	vshll.u32 v5, $0x7;
	v10 =	vld.idx.msk [tilespmem:v2+s15+$0x0], $0xffff  }
0x464: {  	v3 =	vadd.s32 $0xFFFFA000, v3;
	v4 =	vsel vm0, v4, v6;
	v6 =	vand.u32 $0xFFFFFF80, v7;
	v2 =	vld.idx.msk [tilespmem:v2+s16+$0x0], $0xffff  }
0x465: {  	s30 =	sadd.s32 $0xFFFFF870, s29;
	v7 =	vand.u32 $0x7F, v7;
	v4 =	vadd.s32 v8, v4;
	v6 =	vadd.s32 v9, v6  }
0x466: {  	s30 =	sand.u32 $0x60, s30;
	vm0 =	vlt.s32 v4, $0x1869FF;
	v6 =	vor.u32 v7, v6  }
0x467: {  	s30 =	sor.u32 s30, s31;
	v4 =	vnsel vm0, $0x1869FF, v4  }
0x468: {  	[tilespmem:s30+$0x8800] =	vst v4  }
0x469: {  	[tilespmem:v3+s17+$0x0] =	vst.idx.msk $0xffff, v10  }
0x46a: {  	[tilespmem:v3+s18+$0x0] =	vst.idx.msk $0xffff, v2  }
0x46b: {  	v2 =	vld.idx.msk [tilespmem:v5+s13+$0x0], $0xffff  }
0x46c: {  	v3 =	vld.idx.msk [tilespmem:v6+s8+$0x0], $0xffff;
	_ =	sdelay $0x3  }
0x46d: {  	s29 =	sadd.s32 $0x20, s29;
	v7 =	vld.idx.msk [tilespmem:v5+s14+$0x0], $0xffff  }
0x46e: {  	s30 =	sadd.s32 $0xFFFFFFF0, s29  }
0x46f: {  	v8 =	vor.u32 s30, v1;
	s31 =	sand.u32 $0xF80, s30;
	v2 =	vmul.f32 v3, v2;
	v9 =	vld.idx.msk [tilespmem:v5+s9+$0x0], $0xffff  }
0x470: {  	v3 =	vmulhi.u32 $0xCCCCCCCD, v8  }
0x471: {  	v4 =	vtrunc.f32 v2  }
0x472: {  	v2 =	vshrl.u32 v3, $0x3;
	v3 =	vcvt.f32.s32 v4  }
0x473: {  	v10 =	vmul.u32 $0xFFFFFFF6, v2;
	v4 =	vld.idx.msk [tilespmem:v5+s15+$0x0], $0xffff  }
0x474: {  	v6 =	vadd.s32 $0xFFFFA000, v6;
	vm0 =	vlt.s32 v3, v7;
	v5 =	vld.idx.msk [tilespmem:v5+s16+$0x0], $0xffff  }
.Ltmp11:
0x475: {  	v8 =	vadd.s32 v8, v10;
	v3 =	vsel vm0, v3, v7;
	(pc) =	sbr.rel @p0 .LBB2_24-.Ltmp11, $4  }
0x476: {  	v10 =	vshll.u32 v2, $0x7;
	v7 =	vand.u32 $0xFFFFFF80, v8;
	v9 =	vadd.s32 v9, v3  }
0x477: {  	v3 =	vand.u32 $0x7F, v8;
	v7 =	vadd.s32 v10, v7;
	vm0 =	vlt.s32 v9, $0x1869FF  }
0x478: {  	v3 =	vor.u32 v3, v7;
	v7 =	vnsel vm0, $0x1869FF, v9  }
0x479: {  	[tilespmem:s28+$0x0] =	vst v7  }
0x47a: {  	_ =	sdelay $0x3  }
0x47b: {  	[tilespmem:v6+s17+$0x0] =	vst.idx.msk $0xffff, v4  }
0x47c: {  	[tilespmem:v6+s18+$0x0] =	vst.idx.msk $0xffff, v5  }
0x47d: {  	v4 =	vld.idx.msk [tilespmem:v2+s13+$0x0], $0xffff  }
0x47e: {  	v5 =	vld.idx.msk [tilespmem:v3+s8+$0x0], $0xffff;
	_ =	sdelay $0x4  }
0x47f: {  	v7 =	vor.u32 s29, v1;
	v6 =	vld.idx.msk [tilespmem:v2+s14+$0x0], $0xffff;
	v4 =	vmul.f32 v5, v4  }
0x480: {  	v5 =	vmulhi.u32 $0xCCCCCCCD, v7  }
0x481: {  	v8 =	vld.idx.msk [tilespmem:v2+s9+$0x0], $0xffff;
	v4 =	vtrunc.f32 v4  }
0x482: {  	v5 =	vshrl.u32 v5, $0x3;
	v4 =	vcvt.f32.s32 v4  }
0x483: {  	v9 =	vmul.u32 $0xFFFFFFF6, v5  }
0x484: {  	vm0 =	vlt.s32 v4, v6  }
0x485: {  	v10 =	vld.idx.msk [tilespmem:v2+s15+$0x0], $0xffff;
	v3 =	vadd.s32 $0xFFFFA000, v3;
	v7 =	vadd.s32 v7, v9;
	v4 =	vsel vm0, v4, v6  }
0x486: {  	s1 =	sadd.s32 $0xFFFFF870, s29;
	v2 =	vld.idx.msk [tilespmem:v2+s16+$0x0], $0xffff;
	v6 =	vshll.u32 v5, $0x7;
	v9 =	vand.u32 $0xFFFFFF80, v7;
	v4 =	vadd.s32 v8, v4  }
0x487: {  	s1 =	sand.u32 $0x60, s1;
	v7 =	vand.u32 $0x7F, v7;
	v6 =	vadd.s32 v6, v9;
	vm11 =	vlt.s32 v4, $0x1869FF  }
0x488: {  	s1 =	sor.u32 s1, s31;
	v6 =	vor.u32 v7, v6;
	v4 =	vnsel vm11, $0x1869FF, v4  }
0x489: {  	[tilespmem:s1+$0x8800] =	vst v4  }
0x48a: {  	[tilespmem:v3+s17+$0x0] =	vst.idx.msk $0xffff, v10  }
0x48b: {  	[tilespmem:v3+s18+$0x0] =	vst.idx.msk $0xffff, v2  }
0x48c: {  	v2 =	vld.idx.msk [tilespmem:v5+s13+$0x0], $0xffff  }
0x48d: {  	v3 =	vld.idx.msk [tilespmem:v6+s8+$0x0], $0xffff;
	_ =	sdelay $0x4  }
0x48e: {  	v4 =	vld.idx.msk [tilespmem:v5+s14+$0x0], $0xffff;
	v2 =	vmul.f32 v3, v2;
	_ =	sdelay $0x1  }
0x48f: {  	v3 =	vld.idx.msk [tilespmem:v5+s9+$0x0], $0xffff;
	v2 =	vtrunc.f32 v2  }
0x490: {  	v2 =	vcvt.f32.s32 v2;
	_ =	sdelay $0x1  }
0x491: {  	vm12 =	vlt.s32 v2, v4  }
0x492: {  	v7 =	vld.idx.msk [tilespmem:v5+s15+$0x0], $0xffff;
	v6 =	vadd.s32 $0xFFFFA000, v6;
	v2 =	vsel vm12, v2, v4  }
0x493: {  	v4 =	vld.idx.msk [tilespmem:v5+s16+$0x0], $0xffff;
	v2 =	vadd.s32 v3, v2  }
0x494: {  	s30 =	simm.s32 $0x640;
	vm13 =	vlt.s32 v2, $0x1869FF  }
0x495: {  	s28 =	sadd.s32 $0x20, s28;
	v3 =	vor.u32 s30, v1;
	v2 =	vnsel vm13, $0x1869FF, v2  }
0x496: {  	[tilespmem:s28+$0x0] =	vst v2;
	v2 =	vmulhi.u32 $0xCCCCCCCD, v3  }
0x497: {  	[tilespmem:v6+s17+$0x0] =	vst.idx.msk $0xffff, v7  }
0x498: {  	s31 =	simm.s32 $0x8F80;
	s28 =	simm.s32 $0x9980;
	[tilespmem:v6+s18+$0x0] =	vst.idx.msk $0xffff, v4;
	v2 =	vshrl.u32 v2, $0x3  }
0x499: {  	[tilespmem:s28], [sflag:$0x1] =	stream.indirect.gather [hbm4b:s2+s19], $0x1, s31, s19, $0xb8;
	v4 =	vmul.u32 $0xFFFFFFF6, v2;
	[tilespmem:$0xFC00] =	vst v63  }
0x49a: {  	_ =	swait.ge [sflag:s11], $0x140  }
0x49b: {  	[sflag:s11] =	ssyncset.done $0x0;
	v3 =	vadd.s32 v3, v4  }
0x49c: {  	v5 =	vshll.u32 v2, $0x7;
	[sflag:s11] =	ssyncadd.s32 $0xFFFFFEC0;
	v4 =	vand.u32 $0xFFFFFF80, v3  }
0x49d: {  	s1 =	simm.s32 $0x9850;
	v3 =	vand.u32 $0x7F, v3;
	v2 =	vld.idx.msk [tilespmem:v2+s16+$0x0], $0xffff;
	v4 =	vadd.s32 v4, v5  }
0x49e: {  	s28 =	simm.s32 $0x650;
	v6 =	vld [tilespmem:s1+$0xFFFFFFF0];
	v3 =	vor.u32 v3, v4  }
0x49f: {  	v5 =	vor.u32 s28, v1;
	v3 =	vadd.s32 $0xFFFFB000, v3  }
0x4a0: {  	v4 =	vmulhi.u32 $0xCCCCCCCD, v5;
	_ =	sdelay $0x1  }
0x4a1: {  	v4 =	vshrl.u32 v4, $0x3;
	vm14 =	vgt.s32 v2, $0x0  }
0x4a2: {  	v2 =	vnsel vm14, $0xFFFFFFFF, v6  }
0x4a3: {  	[tilespmem:v3+s24+$0x0] =	vst.idx.msk $0xffff, v2;
	v2 =	vmul.u32 $0xFFFFFFF6, v4;
	_ =	sdelay $0x1  }
0x4a4: {  	v5 =	vadd.s32 v5, v2  }
0x4a5: {  	s28 =	simm.s32 $0x660;
	v3 =	vld.idx.msk [tilespmem:v4+s16+$0x0], $0xffff;
	v4 =	vshll.u32 v4, $0x7;
	v63 =	vand.u32 $0xFFFFFF80, v5  }
0x4a6: {  	v6 =	vor.u32 s28, v1;
	v5 =	vand.u32 $0x7F, v5;
	v4 =	vadd.s32 v63, v4  }
0x4a7: {  	v7 =	vmulhi.u32 $0xCCCCCCCD, v6;
	v62 =	vld [tilespmem:s1+$0x0];
	v4 =	vor.u32 v5, v4  }
0x4a8: {  	v4 =	vadd.s32 $0xFFFFB000, v4  }
0x4a9: {  	v2 =	vshrl.u32 v7, $0x3  }
0x4aa: {  	v7 =	vmul.u32 $0xFFFFFFF6, v2  }
0x4ab: {  	vm15 =	vgt.s32 v3, $0x0  }
0x4ac: {  	s29 =	simm.s32 $0x2;
	s28 =	simm.s32 $0x670;
	v3 =	vadd.s32 v6, v7;
	v5 =	vnsel vm15, $0xFFFFFFFF, v62  }
.LBB2_26:
0x4ad: {  	s29 =	sadd.s32 $0x2, s29;
	[tilespmem:v4+s24+$0x0] =	vst.idx.msk $0xffff, v5;
	s1 =	sadd.s32 $0x20, s1  }
0x4ae: {  	v5 =	vand.u32 $0xFFFFFF80, v3;
	p0 =	slt.u32 s29, $0x12;
	v4 =	vld.idx.msk [tilespmem:v2+s16+$0x0], $0xffff;
	v2 =	vshll.u32 v2, $0x7  }
0x4af: {  	v3 =	vand.u32 $0x7F, v3;
	v2 =	vadd.s32 v5, v2;
	v5 =	vor.u32 s28, v1  }
0x4b0: {  	v6 =	vld [tilespmem:s1+$0xFFFFFFF0];
	v2 =	vor.u32 v3, v2;
	v3 =	vmulhi.u32 $0xCCCCCCCD, v5  }
0x4b1: {  	v2 =	vadd.s32 $0xFFFFB000, v2  }
0x4b2: {  	v3 =	vshrl.u32 v3, $0x3  }
0x4b3: {  	v7 =	vmul.u32 $0xFFFFFFF6, v3  }
0x4b4: {  	vm0 =	vgt.s32 v4, $0x0  }
0x4b5: {  	v4 =	vnsel vm0, $0xFFFFFFFF, v6;
	v5 =	vadd.s32 v5, v7  }
0x4b6: {  	s28 =	sadd.s32 $0x20, s28;
	[tilespmem:v2+s24+$0x0] =	vst.idx.msk $0xffff, v4;
	v2 =	vand.u32 $0xFFFFFF80, v5;
	v4 =	vshll.u32 v3, $0x7  }
0x4b7: {  	s30 =	sadd.s32 $0xFFFFFFF0, s28;
	v5 =	vand.u32 $0x7F, v5;
	v3 =	vld.idx.msk [tilespmem:v3+s16+$0x0], $0xffff;
	v2 =	vadd.s32 v2, v4  }
0x4b8: {  	v6 =	vor.u32 s30, v1;
	v2 =	vor.u32 v5, v2  }
0x4b9: {  	v5 =	vmulhi.u32 $0xCCCCCCCD, v6;
	v7 =	vld [tilespmem:s1+$0x0]  }
.Ltmp12:
0x4ba: {  	v4 =	vadd.s32 $0xFFFFB000, v2;
	(pc) =	sbr.rel @p0 .LBB2_26-.Ltmp12, $4  }
0x4bb: {  	v2 =	vshrl.u32 v5, $0x3  }
0x4bc: {  	v5 =	vmul.u32 $0xFFFFFFF6, v2  }
0x4bd: {  	vm0 =	vgt.s32 v3, $0x0  }
0x4be: {  	v3 =	vadd.s32 v6, v5;
	v5 =	vnsel vm0, $0xFFFFFFFF, v7  }
0x4bf: {  	_ =	sdelay $0x3  }
0x4c0: {  	[tilespmem:v4+s24+$0x0] =	vst.idx.msk $0xffff, v5;
	v4 =	vand.u32 $0xFFFFFF80, v3;
	v5 =	vshll.u32 v2, $0x7  }
0x4c1: {  	s1 =	sadd.s32 $0x20, s1;
	v3 =	vand.u32 $0x7F, v3;
	v2 =	vld.idx.msk [tilespmem:v2+s16+$0x0], $0xffff;
	v4 =	vadd.s32 v4, v5;
	v5 =	vor.u32 s28, v1  }
0x4c2: {  	v6 =	vld [tilespmem:s1+$0xFFFFFFF0];
	v3 =	vor.u32 v3, v4;
	v4 =	vmulhi.u32 $0xCCCCCCCD, v5  }
0x4c3: {  	v3 =	vadd.s32 $0xFFFFB000, v3  }
0x4c4: {  	v4 =	vshrl.u32 v4, $0x3  }
0x4c5: {  	v7 =	vmul.u32 $0xFFFFFFF6, v4  }
0x4c6: {  	vm0 =	vgt.s32 v2, $0x0  }
0x4c7: {  	v2 =	vnsel vm0, $0xFFFFFFFF, v6;
	v5 =	vadd.s32 v5, v7  }
0x4c8: {  	[tilespmem:v3+s24+$0x0] =	vst.idx.msk $0xffff, v2;
	v2 =	vand.u32 $0xFFFFFF80, v5;
	v3 =	vshll.u32 v4, $0x7  }
0x4c9: {  	v5 =	vand.u32 $0x7F, v5;
	v4 =	vld.idx.msk [tilespmem:v4+s16+$0x0], $0xffff;
	v2 =	vadd.s32 v2, v3  }
0x4ca: {  	v3 =	vld [tilespmem:s1+$0x0];
	v2 =	vor.u32 v5, v2  }
0x4cb: {  	v2 =	vadd.s32 $0xFFFFB000, v2;
	_ =	sdelay $0x2  }
0x4cc: {  	vm11 =	vgt.s32 v4, $0x0  }
0x4cd: {  	v3 =	vnsel vm11, $0xFFFFFFFF, v3  }
0x4ce: {  	s31 =	rddreg [dreg:$0x1d];
	[tilespmem:v2+s24+$0x0] =	vst.idx.msk $0xffff, v3  }
0x4cf: {  	[hbm4b:s31+s0] =	stream.linear.scatter [tilespmem:s20], [sflag:$0x5], $0x1000, $0x38;
	[tilespmem:$0xFC00] =	vst v63  }
0x4d0: {  	s30 =	rddreg [dreg:$0x1e]  }
0x4d1: {  	[hbm4b:s30+s0] =	stream.linear.scatter [tilespmem:s24], [sflag:$0x5], $0x1000, $0x38;
	[tilespmem:$0xFC00] =	vst v63  }
0x4d2: {  	s28 =	rddreg [dreg:$0x1f];
	s31 =	simm.s32 $0x8C0  }
0x4d3: {  	v2 =	vor.u32 s31, v1;
	[hbm4b:s28+s0] =	stream.linear.scatter [tilespmem:s21], [sflag:$0x5], $0x1000, $0x38;
	[tilespmem:$0xFC00] =	vst v63  }
0x4d4: {  	v3 =	vmulhi.u32 $0xCCCCCCCD, v2;
	_ =	swait.ge [sflag:s25], $0x1000  }
0x4d5: {  	[sflag:s25] =	ssyncset.done $0x0  }
0x4d6: {  	v3 =	vshrl.u32 v3, $0x3;
	[sflag:s25] =	ssyncadd.s32 $0xFFFFF000  }
0x4d7: {  	v4 =	vmul.u32 $0xFFFFFFF6, v3;
	_ =	swait.ge [sflag:s25], $0x1000  }
0x4d8: {  	[sflag:s25] =	ssyncset.done $0x0  }
0x4d9: {  	v2 =	vadd.s32 v2, v4;
	[sflag:s25] =	ssyncadd.s32 $0xFFFFF000  }
0x4da: {  	v5 =	vshll.u32 v3, $0x7;
	v4 =	vand.u32 $0xFFFFFF80, v2;
	_ =	swait.ge [sflag:s25], $0x1000  }
0x4db: {  	v2 =	vand.u32 $0x7F, v2;
	v4 =	vadd.s32 v5, v4;
	[sflag:s25] =	ssyncset.done $0x0  }
0x4dc: {  	v2 =	vor.u32 v2, v4;
	[sflag:s25] =	ssyncadd.s32 $0xFFFFF000  }
0x4dd: {  	_ =	swait.ge [sflag:s12], $0x1000  }
0x4de: {  	[sflag:s12] =	ssyncset.done $0x0  }
0x4df: {  	[sflag:s12] =	ssyncadd.s32 $0xFFFFF000  }
0x4e0: {  	v4 =	vld.idx.msk [tilespmem:v3+s13+$0x0], $0xffff  }
0x4e1: {  	v5 =	vld.idx.msk [tilespmem:v2+s8+$0x0], $0xffff;
	_ =	sdelay $0x3  }
0x4e2: {  	s30 =	simm.s32 $0x8D0  }
0x4e3: {  	v7 =	vor.u32 s30, v1;
	v6 =	vld.idx.msk [tilespmem:v3+s14+$0x0], $0xffff;
	v4 =	vmul.f32 v5, v4  }
0x4e4: {  	v5 =	vmulhi.u32 $0xCCCCCCCD, v7  }
0x4e5: {  	v8 =	vld.idx.msk [tilespmem:v3+s9+$0x0], $0xffff;
	v4 =	vtrunc.f32 v4  }
0x4e6: {  	v5 =	vshrl.u32 v5, $0x3;
	v4 =	vcvt.f32.s32 v4  }
0x4e7: {  	v9 =	vmul.u32 $0xFFFFFFF6, v5  }
0x4e8: {  	vm12 =	vlt.s32 v4, v6  }
0x4e9: {  	v10 =	vld.idx.msk [tilespmem:v3+s15+$0x0], $0xffff;
	v2 =	vadd.s32 $0xFFFF9000, v2;
	v7 =	vadd.s32 v7, v9;
	v4 =	vsel vm12, v4, v6  }
0x4ea: {  	v3 =	vld.idx.msk [tilespmem:v3+s16+$0x0], $0xffff;
	v6 =	vshll.u32 v5, $0x7;
	v9 =	vand.u32 $0xFFFFFF80, v7;
	v4 =	vadd.s32 v8, v4  }
0x4eb: {  	v7 =	vand.u32 $0x7F, v7;
	v6 =	vadd.s32 v6, v9;
	vm13 =	vlt.s32 v4, $0x1869FF  }
0x4ec: {  	s28 =	simm.s32 $0x90D0;
	v6 =	vor.u32 v7, v6;
	v4 =	vnsel vm13, $0x1869FF, v4  }
0x4ed: {  	[tilespmem:s28+$0xFFFFFFF0] =	vst v4  }
0x4ee: {  	[tilespmem:v2+s20+$0x0] =	vst.idx.msk $0xffff, v10  }
0x4ef: {  	[tilespmem:v2+s21+$0x0] =	vst.idx.msk $0xffff, v3  }
0x4f0: {  	v2 =	vld.idx.msk [tilespmem:v5+s13+$0x0], $0xffff  }
0x4f1: {  	v3 =	vld.idx.msk [tilespmem:v6+s8+$0x0], $0xffff;
	_ =	sdelay $0x4  }
0x4f2: {  	s31 =	simm.s32 $0x8E0;
	v4 =	vld.idx.msk [tilespmem:v5+s14+$0x0], $0xffff;
	v2 =	vmul.f32 v3, v2  }
0x4f3: {  	v3 =	vor.u32 s31, v1  }
0x4f4: {  	v7 =	vld.idx.msk [tilespmem:v5+s9+$0x0], $0xffff;
	v8 =	vmulhi.u32 $0xCCCCCCCD, v3;
	v2 =	vtrunc.f32 v2  }
0x4f5: {  	v62 =	vcvt.f32.s32 v2  }
0x4f6: {  	v2 =	vshrl.u32 v8, $0x3  }
0x4f7: {  	v8 =	vmul.u32 $0xFFFFFFF6, v2;
	vm14 =	vlt.s32 v62, v4  }
0x4f8: {  	v4 =	vsel vm14, v62, v4  }
0x4f9: {  	v6 =	vadd.s32 $0xFFFF9000, v6;
	v3 =	vadd.s32 v3, v8;
	v7 =	vadd.s32 v7, v4;
	v4 =	vld.idx.msk [tilespmem:v5+s15+$0x0], $0xffff  }
0x4fa: {  	v63 =	vshll.u32 v2, $0x7;
	v8 =	vand.u32 $0xFFFFFF80, v3;
	v5 =	vld.idx.msk [tilespmem:v5+s16+$0x0], $0xffff  }
0x4fb: {  	v3 =	vand.u32 $0x7F, v3;
	vm15 =	vlt.s32 v7, $0x1869FF;
	v8 =	vadd.s32 v63, v8  }
0x4fc: {  	v7 =	vnsel vm15, $0x1869FF, v7;
	v3 =	vor.u32 v3, v8  }
0x4fd: {  	s29 =	simm.s32 $0x8F0;
	s1 =	simm.s32 $0x2;
	[tilespmem:s28+$0x0] =	vst v7  }
.LBB2_28:
0x4fe: {  	s1 =	sadd.s32 $0x2, s1;
	[tilespmem:v6+s20+$0x0] =	vst.idx.msk $0xffff, v4;
	s28 =	sadd.s32 $0x20, s28  }
0x4ff: {  	p0 =	slt.u32 s1, $0x12;
	[tilespmem:v6+s21+$0x0] =	vst.idx.msk $0xffff, v5  }
0x500: {  	v4 =	vld.idx.msk [tilespmem:v2+s13+$0x0], $0xffff  }
0x501: {  	v5 =	vld.idx.msk [tilespmem:v3+s8+$0x0], $0xffff;
	_ =	sdelay $0x4  }
0x502: {  	v7 =	vor.u32 s29, v1;
	v6 =	vld.idx.msk [tilespmem:v2+s14+$0x0], $0xffff  }
0x503: {  	v4 =	vmul.f32 v5, v4;
	v5 =	vmulhi.u32 $0xCCCCCCCD, v7  }
0x504: {  	v8 =	vld.idx.msk [tilespmem:v2+s9+$0x0], $0xffff  }
0x505: {  	v4 =	vtrunc.f32 v4;
	v5 =	vshrl.u32 v5, $0x3  }
0x506: {  	v4 =	vcvt.f32.s32 v4;
	v9 =	vmul.u32 $0xFFFFFFF6, v5;
	_ =	sdelay $0x1  }
0x507: {  	vm0 =	vlt.s32 v4, v6;
	v7 =	vadd.s32 v7, v9;
	v9 =	vshll.u32 v5, $0x7;
	v10 =	vld.idx.msk [tilespmem:v2+s15+$0x0], $0xffff  }
0x508: {  	v3 =	vadd.s32 $0xFFFF9000, v3;
	v4 =	vsel vm0, v4, v6;
	v6 =	vand.u32 $0xFFFFFF80, v7;
	v2 =	vld.idx.msk [tilespmem:v2+s16+$0x0], $0xffff  }
0x509: {  	v7 =	vand.u32 $0x7F, v7;
	v4 =	vadd.s32 v8, v4;
	v6 =	vadd.s32 v9, v6  }
0x50a: {  	vm0 =	vlt.s32 v4, $0x1869FF;
	v6 =	vor.u32 v7, v6  }
0x50b: {  	v4 =	vnsel vm0, $0x1869FF, v4  }
0x50c: {  	[tilespmem:s28+$0xFFFFFFF0] =	vst v4  }
0x50d: {  	[tilespmem:v3+s20+$0x0] =	vst.idx.msk $0xffff, v10  }
0x50e: {  	[tilespmem:v3+s21+$0x0] =	vst.idx.msk $0xffff, v2  }
0x50f: {  	v2 =	vld.idx.msk [tilespmem:v5+s13+$0x0], $0xffff  }
0x510: {  	v3 =	vld.idx.msk [tilespmem:v6+s8+$0x0], $0xffff;
	_ =	sdelay $0x3  }
0x511: {  	s29 =	sadd.s32 $0x20, s29;
	v7 =	vld.idx.msk [tilespmem:v5+s14+$0x0], $0xffff  }
0x512: {  	s30 =	sadd.s32 $0xFFFFFFF0, s29  }
0x513: {  	v8 =	vor.u32 s30, v1;
	v2 =	vmul.f32 v3, v2;
	v9 =	vld.idx.msk [tilespmem:v5+s9+$0x0], $0xffff  }
0x514: {  	v3 =	vmulhi.u32 $0xCCCCCCCD, v8  }
0x515: {  	v4 =	vtrunc.f32 v2  }
0x516: {  	v2 =	vshrl.u32 v3, $0x3;
	v3 =	vcvt.f32.s32 v4  }
0x517: {  	v10 =	vmul.u32 $0xFFFFFFF6, v2;
	v4 =	vld.idx.msk [tilespmem:v5+s15+$0x0], $0xffff  }
0x518: {  	v6 =	vadd.s32 $0xFFFF9000, v6;
	vm0 =	vlt.s32 v3, v7;
	v5 =	vld.idx.msk [tilespmem:v5+s16+$0x0], $0xffff  }
.Ltmp13:
0x519: {  	v8 =	vadd.s32 v8, v10;
	v3 =	vsel vm0, v3, v7;
	(pc) =	sbr.rel @p0 .LBB2_28-.Ltmp13, $4  }
0x51a: {  	v10 =	vshll.u32 v2, $0x7;
	v7 =	vand.u32 $0xFFFFFF80, v8;
	v9 =	vadd.s32 v9, v3  }
0x51b: {  	v3 =	vand.u32 $0x7F, v8;
	v7 =	vadd.s32 v10, v7;
	vm0 =	vlt.s32 v9, $0x1869FF  }
0x51c: {  	v3 =	vor.u32 v3, v7;
	v7 =	vnsel vm0, $0x1869FF, v9  }
0x51d: {  	[tilespmem:s28+$0x0] =	vst v7  }
0x51e: {  	_ =	sdelay $0x3  }
0x51f: {  	[tilespmem:v6+s20+$0x0] =	vst.idx.msk $0xffff, v4  }
0x520: {  	[tilespmem:v6+s21+$0x0] =	vst.idx.msk $0xffff, v5  }
0x521: {  	v4 =	vld.idx.msk [tilespmem:v2+s13+$0x0], $0xffff  }
0x522: {  	v5 =	vld.idx.msk [tilespmem:v3+s8+$0x0], $0xffff;
	_ =	sdelay $0x4  }
0x523: {  	v7 =	vor.u32 s29, v1;
	v6 =	vld.idx.msk [tilespmem:v2+s14+$0x0], $0xffff;
	v4 =	vmul.f32 v5, v4  }
0x524: {  	v5 =	vmulhi.u32 $0xCCCCCCCD, v7  }
0x525: {  	v8 =	vld.idx.msk [tilespmem:v2+s9+$0x0], $0xffff;
	v4 =	vtrunc.f32 v4  }
0x526: {  	v5 =	vshrl.u32 v5, $0x3;
	v4 =	vcvt.f32.s32 v4  }
0x527: {  	v9 =	vmul.u32 $0xFFFFFFF6, v5  }
0x528: {  	vm0 =	vlt.s32 v4, v6  }
0x529: {  	v10 =	vld.idx.msk [tilespmem:v2+s15+$0x0], $0xffff;
	v3 =	vadd.s32 $0xFFFF9000, v3;
	v7 =	vadd.s32 v7, v9;
	v4 =	vsel vm0, v4, v6  }
0x52a: {  	v2 =	vld.idx.msk [tilespmem:v2+s16+$0x0], $0xffff;
	v6 =	vshll.u32 v5, $0x7;
	v9 =	vand.u32 $0xFFFFFF80, v7;
	v4 =	vadd.s32 v8, v4  }
0x52b: {  	v7 =	vand.u32 $0x7F, v7;
	v6 =	vadd.s32 v6, v9;
	vm11 =	vlt.s32 v4, $0x1869FF  }
0x52c: {  	s1 =	sadd.s32 $0x20, s28;
	v6 =	vor.u32 v7, v6;
	v4 =	vnsel vm11, $0x1869FF, v4  }
0x52d: {  	[tilespmem:s1+$0xFFFFFFF0] =	vst v4  }
0x52e: {  	[tilespmem:v3+s20+$0x0] =	vst.idx.msk $0xffff, v10  }
0x52f: {  	[tilespmem:v3+s21+$0x0] =	vst.idx.msk $0xffff, v2  }
0x530: {  	v2 =	vld.idx.msk [tilespmem:v5+s13+$0x0], $0xffff  }
0x531: {  	v3 =	vld.idx.msk [tilespmem:v6+s8+$0x0], $0xffff;
	_ =	sdelay $0x4  }
0x532: {  	v4 =	vld.idx.msk [tilespmem:v5+s14+$0x0], $0xffff;
	v2 =	vmul.f32 v3, v2;
	_ =	sdelay $0x1  }
0x533: {  	v3 =	vld.idx.msk [tilespmem:v5+s9+$0x0], $0xffff;
	v2 =	vtrunc.f32 v2  }
0x534: {  	v2 =	vcvt.f32.s32 v2;
	_ =	sdelay $0x1  }
0x535: {  	vm12 =	vlt.s32 v2, v4  }
0x536: {  	v2 =	vsel vm12, v2, v4  }
0x537: {  	v7 =	vld.idx.msk [tilespmem:v5+s15+$0x0], $0xffff;
	v6 =	vadd.s32 $0xFFFF9000, v6;
	v2 =	vadd.s32 v3, v2  }
0x538: {  	v4 =	vld.idx.msk [tilespmem:v5+s16+$0x0], $0xffff;
	vm13 =	vlt.s32 v2, $0x1869FF  }
0x539: {  	s28 =	simm.s32 $0x780;
	v2 =	vnsel vm13, $0x1869FF, v2  }
0x53a: {  	[tilespmem:s1+$0x0] =	vst v2;
	v2 =	vor.u32 s28, v1  }
0x53b: {  	v3 =	vmulhi.u32 $0xCCCCCCCD, v2  }
0x53c: {  	[tilespmem:v6+s20+$0x0] =	vst.idx.msk $0xffff, v7  }
0x53d: {  	s30 =	simm.s32 $0x90C0;
	s29 =	simm.s32 $0x9AC0;
	[tilespmem:v6+s21+$0x0] =	vst.idx.msk $0xffff, v4;
	v3 =	vshrl.u32 v3, $0x3  }
0x53e: {  	[tilespmem:s29], [sflag:$0x2] =	stream.indirect.gather [hbm4b:s2+s19], $0x1, s30, s19, $0xb8;
	v4 =	vmul.u32 $0xFFFFFFF6, v3;
	[tilespmem:$0xFC00] =	vst v63  }
0x53f: {  	_ =	swait.ge [sflag:s10], $0x140  }
0x540: {  	s30 =	simm.s32 $0x0;
	[sflag:s10] =	ssyncset.done $0x0;
	v2 =	vadd.s32 v2, v4  }
0x541: {  	s28 =	sand.u32 $0xF80, s28;
	s1 =	sand.u32 $0x60, s30;
	v5 =	vshll.u32 v3, $0x7;
	[sflag:s10] =	ssyncadd.s32 $0xFFFFFEC0;
	v4 =	vand.u32 $0xFFFFFF80, v2  }
0x542: {  	s1 =	sor.u32 s1, s28;
	v2 =	vand.u32 $0x7F, v2;
	v3 =	vld.idx.msk [tilespmem:v3+s16+$0x0], $0xffff;
	v4 =	vadd.s32 v4, v5  }
0x543: {  	s29 =	simm.s32 $0x790;
	v6 =	vld [tilespmem:s1+$0x9200];
	v2 =	vor.u32 v2, v4  }
0x544: {  	v5 =	vor.u32 s29, v1;
	v2 =	vadd.s32 $0xFFFFA000, v2  }
0x545: {  	v4 =	vmulhi.u32 $0xCCCCCCCD, v5;
	_ =	sdelay $0x1  }
0x546: {  	v4 =	vshrl.u32 v4, $0x3;
	vm14 =	vgt.s32 v3, $0x0  }
0x547: {  	v3 =	vnsel vm14, $0xFFFFFFFF, v6  }
0x548: {  	[tilespmem:v2+s22+$0x0] =	vst.idx.msk $0xffff, v3;
	v2 =	vmul.u32 $0xFFFFFFF6, v4;
	_ =	sdelay $0x1  }
0x549: {  	v5 =	vadd.s32 v5, v2  }
0x54a: {  	s30 =	simm.s32 $0x7A0;
	v3 =	vld.idx.msk [tilespmem:v4+s16+$0x0], $0xffff;
	v4 =	vshll.u32 v4, $0x7;
	v63 =	vand.u32 $0xFFFFFF80, v5  }
0x54b: {  	s1 =	simm.s32 $0x9990;
	v6 =	vor.u32 s30, v1;
	v5 =	vand.u32 $0x7F, v5;
	v4 =	vadd.s32 v63, v4  }
0x54c: {  	v7 =	vmulhi.u32 $0xCCCCCCCD, v6;
	v62 =	vld [tilespmem:s1+$0x0];
	v4 =	vor.u32 v5, v4  }
0x54d: {  	v4 =	vadd.s32 $0xFFFFA000, v4  }
0x54e: {  	v2 =	vshrl.u32 v7, $0x3  }
0x54f: {  	v7 =	vmul.u32 $0xFFFFFFF6, v2  }
0x550: {  	vm15 =	vgt.s32 v3, $0x0  }
0x551: {  	s28 =	simm.s32 $0x7B0;
	s31 =	sand.u32 $0xF80, s30;
	s29 =	simm.s32 $0x2;
	v3 =	vadd.s32 v6, v7;
	v5 =	vnsel vm15, $0xFFFFFFFF, v62  }
.LBB2_30:
0x552: {  	s29 =	sadd.s32 $0x2, s29;
	s30 =	sadd.s32 $0xFFFFF870, s28;
	[tilespmem:v4+s22+$0x0] =	vst.idx.msk $0xffff, v5;
	s1 =	sadd.s32 $0x20, s1  }
0x553: {  	v5 =	vand.u32 $0xFFFFFF80, v3;
	p0 =	slt.u32 s29, $0x12;
	v4 =	vld.idx.msk [tilespmem:v2+s16+$0x0], $0xffff;
	s30 =	sand.u32 $0x60, s30;
	v2 =	vshll.u32 v2, $0x7  }
0x554: {  	v3 =	vand.u32 $0x7F, v3;
	s30 =	sor.u32 s30, s31;
	v2 =	vadd.s32 v5, v2;
	v5 =	vor.u32 s28, v1  }
0x555: {  	v6 =	vld [tilespmem:s30+$0x9200];
	v2 =	vor.u32 v3, v2;
	v3 =	vmulhi.u32 $0xCCCCCCCD, v5  }
0x556: {  	v2 =	vadd.s32 $0xFFFFA000, v2  }
0x557: {  	v3 =	vshrl.u32 v3, $0x3  }
0x558: {  	v7 =	vmul.u32 $0xFFFFFFF6, v3  }
0x559: {  	vm0 =	vgt.s32 v4, $0x0  }
0x55a: {  	v4 =	vnsel vm0, $0xFFFFFFFF, v6;
	v5 =	vadd.s32 v5, v7  }
0x55b: {  	s28 =	sadd.s32 $0x20, s28;
	[tilespmem:v2+s22+$0x0] =	vst.idx.msk $0xffff, v4;
	v2 =	vand.u32 $0xFFFFFF80, v5;
	v4 =	vshll.u32 v3, $0x7  }
0x55c: {  	s30 =	sadd.s32 $0xFFFFFFF0, s28;
	v5 =	vand.u32 $0x7F, v5;
	v3 =	vld.idx.msk [tilespmem:v3+s16+$0x0], $0xffff;
	v2 =	vadd.s32 v2, v4  }
0x55d: {  	s31 =	sand.u32 $0xF80, s30;
	v6 =	vor.u32 s30, v1;
	v2 =	vor.u32 v5, v2  }
0x55e: {  	v5 =	vmulhi.u32 $0xCCCCCCCD, v6;
	v7 =	vld [tilespmem:s1+$0x0]  }
.Ltmp14:
0x55f: {  	v4 =	vadd.s32 $0xFFFFA000, v2;
	(pc) =	sbr.rel @p0 .LBB2_30-.Ltmp14, $4  }
0x560: {  	v2 =	vshrl.u32 v5, $0x3  }
0x561: {  	v5 =	vmul.u32 $0xFFFFFFF6, v2  }
0x562: {  	vm0 =	vgt.s32 v3, $0x0  }
0x563: {  	v3 =	vadd.s32 v6, v5;
	v5 =	vnsel vm0, $0xFFFFFFFF, v7  }
0x564: {  	_ =	sdelay $0x2  }
0x565: {  	s29 =	sadd.s32 $0xFFFFF870, s28  }
0x566: {  	[tilespmem:v4+s22+$0x0] =	vst.idx.msk $0xffff, v5;
	v4 =	vand.u32 $0xFFFFFF80, v3;
	v5 =	vshll.u32 v2, $0x7;
	s29 =	sand.u32 $0x60, s29  }
0x567: {  	v3 =	vand.u32 $0x7F, v3;
	v2 =	vld.idx.msk [tilespmem:v2+s16+$0x0], $0xffff;
	v4 =	vadd.s32 v4, v5;
	v5 =	vor.u32 s28, v1;
	s29 =	sor.u32 s29, s31  }
0x568: {  	v3 =	vor.u32 v3, v4;
	v4 =	vmulhi.u32 $0xCCCCCCCD, v5;
	v6 =	vld [tilespmem:s29+$0x9200]  }
0x569: {  	v3 =	vadd.s32 $0xFFFFA000, v3  }
0x56a: {  	v4 =	vshrl.u32 v4, $0x3  }
0x56b: {  	v7 =	vmul.u32 $0xFFFFFFF6, v4  }
0x56c: {  	vm0 =	vgt.s32 v2, $0x0  }
0x56d: {  	v5 =	vadd.s32 v5, v7;
	v2 =	vnsel vm0, $0xFFFFFFFF, v6  }
0x56e: {  	[tilespmem:v3+s22+$0x0] =	vst.idx.msk $0xffff, v2;
	v2 =	vand.u32 $0xFFFFFF80, v5;
	v3 =	vshll.u32 v4, $0x7  }
0x56f: {  	s1 =	sadd.s32 $0x20, s1;
	v5 =	vand.u32 $0x7F, v5;
	v4 =	vld.idx.msk [tilespmem:v4+s16+$0x0], $0xffff;
	v2 =	vadd.s32 v2, v3  }
0x570: {  	v3 =	vld [tilespmem:s1+$0x0];
	v2 =	vor.u32 v5, v2  }
0x571: {  	v2 =	vadd.s32 $0xFFFFA000, v2;
	_ =	sdelay $0x2  }
0x572: {  	s28 =	sld [smem:$0x7FB];
	vm13 =	vgt.s32 v4, $0x0  }
0x573: {  	v3 =	vnsel vm13, $0xFFFFFFFF, v3  }
0x574: {  	s30 =	sld [smem:$0x7FC];
	s31 =	simm.s32 $0x8C0;
	[tilespmem:v2+s22+$0x0] =	vst.idx.msk $0xffff, v3  }
0x575: {  	v2 =	vor.u32 s31, v1;
	[hbm4b:s28+s0] =	stream.linear.scatter [tilespmem:s17], [sflag:$0x4], $0x1000, $0x38;
	[tilespmem:$0xFC00] =	vst v63  }
0x576: {  	s31 =	sld [smem:$0x7FD];
	v3 =	vmulhi.u32 $0xCCCCCCCD, v2  }
0x577: {  	[hbm4b:s30+s0] =	stream.linear.scatter [tilespmem:s22], [sflag:$0x4], $0x1000, $0x38;
	[tilespmem:$0xFC00] =	vst v63  }
0x578: {  	v3 =	vshrl.u32 v3, $0x3  }
0x579: {  	v4 =	vmul.u32 $0xFFFFFFF6, v3;
	[hbm4b:s31+s0] =	stream.linear.scatter [tilespmem:s18], [sflag:$0x4], $0x1000, $0x38;
	[tilespmem:$0xFC00] =	vst v63  }
0x57a: {  	_ =	swait.ge [sflag:s11], $0x140  }
0x57b: {  	v2 =	vadd.s32 v2, v4;
	[sflag:s11] =	ssyncset.done $0x0  }
0x57c: {  	v5 =	vshll.u32 v3, $0x7;
	v4 =	vand.u32 $0xFFFFFF80, v2;
	[sflag:s11] =	ssyncadd.s32 $0xFFFFFEC0  }
0x57d: {  	s1 =	simm.s32 $0x9AD0;
	v2 =	vand.u32 $0x7F, v2;
	v4 =	vadd.s32 v4, v5;
	v3 =	vld.idx.msk [tilespmem:v3+s16+$0x0], $0xffff  }
0x57e: {  	s28 =	simm.s32 $0x8D0;
	v6 =	vld [tilespmem:s1+$0xFFFFFFF0];
	v2 =	vor.u32 v2, v4  }
0x57f: {  	v5 =	vor.u32 s28, v1;
	v2 =	vadd.s32 $0xFFFF9000, v2  }
0x580: {  	v4 =	vmulhi.u32 $0xCCCCCCCD, v5;
	_ =	sdelay $0x1  }
0x581: {  	v4 =	vshrl.u32 v4, $0x3;
	vm14 =	vgt.s32 v3, $0x0  }
0x582: {  	v3 =	vnsel vm14, $0xFFFFFFFF, v6  }
0x583: {  	[tilespmem:v2+s24+$0x0] =	vst.idx.msk $0xffff, v3;
	v2 =	vmul.u32 $0xFFFFFFF6, v4;
	_ =	sdelay $0x1  }
0x584: {  	v5 =	vadd.s32 v5, v2  }
0x585: {  	s28 =	simm.s32 $0x8E0;
	v3 =	vld.idx.msk [tilespmem:v4+s16+$0x0], $0xffff;
	v4 =	vshll.u32 v4, $0x7;
	v9 =	vand.u32 $0xFFFFFF80, v5  }
0x586: {  	v6 =	vor.u32 s28, v1;
	v5 =	vand.u32 $0x7F, v5;
	v4 =	vadd.s32 v9, v4  }
0x587: {  	v7 =	vmulhi.u32 $0xCCCCCCCD, v6;
	v8 =	vld [tilespmem:s1+$0x0];
	v4 =	vor.u32 v5, v4  }
0x588: {  	v4 =	vadd.s32 $0xFFFF9000, v4  }
0x589: {  	v2 =	vshrl.u32 v7, $0x3  }
0x58a: {  	v7 =	vmul.u32 $0xFFFFFFF6, v2  }
0x58b: {  	vm15 =	vgt.s32 v3, $0x0  }
0x58c: {  	s29 =	simm.s32 $0x2;
	s28 =	simm.s32 $0x8F0;
	v3 =	vadd.s32 v6, v7;
	v5 =	vnsel vm15, $0xFFFFFFFF, v8  }
.LBB2_32:
0x58d: {  	s29 =	sadd.s32 $0x2, s29;
	[tilespmem:v4+s24+$0x0] =	vst.idx.msk $0xffff, v5;
	s1 =	sadd.s32 $0x20, s1  }
0x58e: {  	v5 =	vand.u32 $0xFFFFFF80, v3;
	p0 =	slt.u32 s29, $0x12;
	v4 =	vld.idx.msk [tilespmem:v2+s16+$0x0], $0xffff;
	v2 =	vshll.u32 v2, $0x7  }
0x58f: {  	v3 =	vand.u32 $0x7F, v3;
	v2 =	vadd.s32 v5, v2;
	v5 =	vor.u32 s28, v1  }
0x590: {  	v6 =	vld [tilespmem:s1+$0xFFFFFFF0];
	v2 =	vor.u32 v3, v2;
	v3 =	vmulhi.u32 $0xCCCCCCCD, v5  }
0x591: {  	v2 =	vadd.s32 $0xFFFF9000, v2  }
0x592: {  	v3 =	vshrl.u32 v3, $0x3  }
0x593: {  	v7 =	vmul.u32 $0xFFFFFFF6, v3  }
0x594: {  	vm0 =	vgt.s32 v4, $0x0  }
0x595: {  	v4 =	vnsel vm0, $0xFFFFFFFF, v6;
	v5 =	vadd.s32 v5, v7  }
0x596: {  	s28 =	sadd.s32 $0x20, s28;
	[tilespmem:v2+s24+$0x0] =	vst.idx.msk $0xffff, v4;
	v2 =	vand.u32 $0xFFFFFF80, v5;
	v4 =	vshll.u32 v3, $0x7  }
0x597: {  	s30 =	sadd.s32 $0xFFFFFFF0, s28;
	v5 =	vand.u32 $0x7F, v5;
	v3 =	vld.idx.msk [tilespmem:v3+s16+$0x0], $0xffff;
	v2 =	vadd.s32 v2, v4  }
0x598: {  	v6 =	vor.u32 s30, v1;
	v2 =	vor.u32 v5, v2  }
0x599: {  	v5 =	vmulhi.u32 $0xCCCCCCCD, v6;
	v7 =	vld [tilespmem:s1+$0x0]  }
.Ltmp15:
0x59a: {  	v4 =	vadd.s32 $0xFFFF9000, v2;
	(pc) =	sbr.rel @p0 .LBB2_32-.Ltmp15, $4  }
0x59b: {  	v2 =	vshrl.u32 v5, $0x3  }
0x59c: {  	v5 =	vmul.u32 $0xFFFFFFF6, v2  }
0x59d: {  	vm0 =	vgt.s32 v3, $0x0  }
0x59e: {  	v3 =	vadd.s32 v6, v5;
	v5 =	vnsel vm0, $0xFFFFFFFF, v7  }
0x59f: {  	_ =	sdelay $0x3  }
0x5a0: {  	[tilespmem:v4+s24+$0x0] =	vst.idx.msk $0xffff, v5;
	v60 =	vand.u32 $0xFFFFFF80, v3;
	v61 =	vshll.u32 v2, $0x7  }
0x5a1: {  	s1 =	sadd.s32 $0x20, s1;
	v3 =	vand.u32 $0x7F, v3;
	v62 =	vor.u32 s28, v1;
	v2 =	vld.idx.msk [tilespmem:v2+s16+$0x0], $0xffff;
	v4 =	vadd.s32 v60, v61  }
0x5a2: {  	v6 =	vld [tilespmem:s1+$0xFFFFFFF0];
	v63 =	vmulhi.u32 $0xCCCCCCCD, v62;
	v3 =	vor.u32 v3, v4  }
0x5a3: {  	v3 =	vadd.s32 $0xFFFF9000, v3  }
0x5a4: {  	v4 =	vshrl.u32 v63, $0x3  }
0x5a5: {  	v7 =	vmul.u32 $0xFFFFFFF6, v4  }
0x5a6: {  	vm0 =	vgt.s32 v2, $0x0  }
0x5a7: {  	v5 =	vadd.s32 v62, v7;
	v2 =	vnsel vm0, $0xFFFFFFFF, v6  }
0x5a8: {  	[tilespmem:v3+s24+$0x0] =	vst.idx.msk $0xffff, v2;
	v2 =	vand.u32 $0xFFFFFF80, v5;
	v3 =	vshll.u32 v4, $0x7  }
0x5a9: {  	v5 =	vand.u32 $0x7F, v5;
	v4 =	vld.idx.msk [tilespmem:v4+s16+$0x0], $0xffff;
	v2 =	vadd.s32 v2, v3  }
0x5aa: {  	v3 =	vld [tilespmem:s1+$0x0];
	v2 =	vor.u32 v5, v2  }
0x5ab: {  	v2 =	vadd.s32 $0xFFFF9000, v2;
	_ =	sdelay $0x2  }
0x5ac: {  	vm15 =	vgt.s32 v4, $0x0  }
0x5ad: {  	v3 =	vnsel vm15, $0xFFFFFFFF, v3  }
0x5ae: {  	[tilespmem:v2+s24+$0x0] =	vst.idx.msk $0xffff, v3  }
0x5af: {  	[hbm4b:s3+s0] =	stream.linear.scatter [tilespmem:s20], [sflag:$0x5], $0x1000, $0x38;
	[tilespmem:$0xFC00] =	vst v63  }
0x5b0: {  	_ = 	snop  }
0x5b1: {  	[hbm4b:s4+s0] =	stream.linear.scatter [tilespmem:s24], [sflag:$0x5], $0x1000, $0x38;
	[tilespmem:$0xFC00] =	vst v63  }
0x5b2: {  	_ = 	snop  }
0x5b3: {  	[hbm4b:s5+s0] =	stream.linear.scatter [tilespmem:s21], [sflag:$0x5], $0x1000, $0x38;
	[tilespmem:$0xFC00] =	vst v63  }
0x5b4: {  	_ =	swait.ge [sflag:s23], $0x1000  }
0x5b5: {  	[sflag:s23] =	ssyncset.done $0x0  }
0x5b6: {  	[sflag:s23] =	ssyncadd.s32 $0xFFFFF000  }
0x5b7: {  	_ =	swait.ge [sflag:s23], $0x1000  }
0x5b8: {  	[sflag:s23] =	ssyncset.done $0x0  }
0x5b9: {  	[sflag:s23] =	ssyncadd.s32 $0xFFFFF000  }
0x5ba: {  	_ =	swait.ge [sflag:s23], $0x1000  }
0x5bb: {  	[sflag:s23] =	ssyncset.done $0x0  }
0x5bc: {  	[sflag:s23] =	ssyncadd.s32 $0xFFFFF000  }
0x5bd: {  	_ =	swait.ge [sflag:s25], $0x1000  }
0x5be: {  	[sflag:s25] =	ssyncset.done $0x0  }
0x5bf: {  	s26 =	sadd.s32 $0x1, s26;
	[sflag:s25] =	ssyncadd.s32 $0xFFFFF000  }
0x5c0: {  	p0 =	sne.s32 s26, s6;
	_ =	swait.ge [sflag:s25], $0x1000  }
.Ltmp16:
0x5c1: {  	[sflag:s25] =	ssyncset.done $0x0;
	(pc) =	sbr.rel @p0 .LBB2_1-.Ltmp16, $4  }
0x5c2: {  	[sflag:s25] =	ssyncadd.s32 $0xFFFFF000  }
0x5c3: {  	_ =	swait.ge [sflag:s25], $0x1000  }
0x5c4: {  	[sflag:s25] =	ssyncset.done $0x0  }
0x5c5: {  	[sflag:s25] =	ssyncadd.s32 $0xFFFFF000  }
0x5c6: {  	_ =	sfence.sel $0x180000  }
0x5c7: {  	[bflag:$0x0] =	sbarrier.arrive $0xFFFF  }
0x5c8: {  	_ =	strace $0x90000047  }
0x5c9: {  	s0 =	stileid.u32;
	[bflag:$0x2] =	sbarrier.arrive $0xFFFF  }
0x5ca: {  	p0 =	sne.s32 s0, $0x0;
	s0 =	rddreg [dreg:$0x4]  }
0x5cb: {  	s0 =	sadd.s32 @!p0 $0x100000, s0  }
0x5cc: {  	[sflag:s0] =	ssyncadd.tile.s32 @!p0 $0x1;
	_ =	shalt  }
.Lfunc_end2:
_tile_overlayer_lowered:
.L_overlay_start_2:
0x5cd: {  	(tag) =	ssettag $0x2  }
0x5ce: {  	s0 =	rddreg [dreg:$0x0];
	s2 =	stileid.u32  }
0x5cf: {  	s1 =	rddreg [dreg:$0x1];
	p0 =	sne.s32 s2, $0x0  }
0x5d0: {  	s3 =	rddreg [dreg:$0x2];
	[bflag:$0x3] =	sbarrier.arrive $0xFFFF;
	s2 =	simm.s32 @!p0 $0x1C06  }
0x5d1: {  	[timem:s3], [sflag:s2] =	dma.local @!p0 [hbm:s0], s1  }
0x5d2: {  	s0 =	simm.s32 @!p0 $0x6  }
0x5d3: {  	_ =	swait.ge @!p0 [sflag:s0], s1  }
0x5d4: {  	s1 =	ssub.s32 @!p0 $0x0, s1;
	[sflag:s0] =	ssyncset.done @!p0 $0x0  }
0x5d5: {  	[sflag:s0] =	ssyncadd.s32 @!p0 s1  }
0x5d6: {  	[bflag:$0x3] =	sbarrier.arrive $0xFFFF  }
0x5d7: {  	_ =	shalt  }

</sc_bundles>
